<compile_context>
chip_gen: v7x
topology: tpu7x:2x2x1
jax: 0.10.2.dev20260603
libtpu: 0.0.44.dev20260713+nightly
codegen_flags: <defaults>
</compile_context>

<pallas_src>
import functools

import jax
import jax.numpy as jnp
import numpy as np
from jax import lax
from jax.experimental import pallas as pl
from jax.experimental.pallas import tpu as pltpu
from jax.experimental.pallas import tpu_sc as plsc

NUM_SEG_CLASSES = 13


def _pad_cols(x, to):
    c = x.shape[-1]
    if c == to:
        return x
    return jnp.pad(x, [(0, 0)] * (x.ndim - 1) + [(0, to - c)])


def _round_up(x, m):
    return (x + m - 1) // m * m




def _knn(centers, points, k_iter, k_out, want_w):
    B, M, _ = centers.shape
    N = points.shape[1]
    Mb = M
    for cand in (256, 128, 64, 32, 16, 8):
        if M % cand == 0:
            Mb = cand
            break
    pointsT = jnp.transpose(points, (0, 2, 1))

    def kern(c_ref, p_ref, idx_ref, w_ref, d_ref):
        b = pl.program_id(0)
        c = c_ref[0]
        p = p_ref[0]
        n2c = jnp.sum(c * c, axis=1, keepdims=True)
        n2p = jnp.sum(p * p, axis=0, keepdims=True)
        dot = jnp.dot(c, p, preferred_element_type=jnp.float32)
        sq = n2c + n2p - 2.0 * dot
        d_ref[:] = jnp.sqrt(jnp.maximum(sq, 1e-12))
        iota_n = lax.broadcasted_iota(jnp.int32, (1, N), 1)
        iota_k = lax.broadcasted_iota(jnp.int32, (1, k_out), 1)

        def body(j, carry):
            acc, dacc = carry
            s = d_ref[:]
            m = jnp.min(s, axis=1, keepdims=True)
            isel = jnp.min(
                jnp.where(s == m, iota_n, N), axis=1, keepdims=True
            )
            acc = jnp.where(iota_k == j, isel, acc)
            dacc = jnp.where(iota_k == j, m, dacc)
            d_ref[:] = jnp.where(iota_n == isel, jnp.inf, s)
            return acc, dacc

        acc0 = jnp.zeros((Mb, k_out), jnp.int32)
        dacc0 = jnp.full((Mb, k_out), jnp.inf, jnp.float32)
        acc, dacc = lax.fori_loop(0, k_iter, body, (acc0, dacc0))
        idx_ref[0] = acc + b * N
        wraw = 1.0 / jnp.maximum(dacc, 1e-8)
        w_ref[0] = wraw / jnp.sum(wraw, axis=1, keepdims=True)

    out_shape = [
        jax.ShapeDtypeStruct((B, M, k_out), jnp.int32),
        jax.ShapeDtypeStruct((B, M, k_out), jnp.float32),
    ]
    out_specs = [
        pl.BlockSpec((1, Mb, k_out), lambda b, m: (b, m, 0)),
        pl.BlockSpec((1, Mb, k_out), lambda b, m: (b, m, 0)),
    ]
    res = pl.pallas_call(
        kern,
        grid=(B, M // Mb),
        in_specs=[
            pl.BlockSpec((1, Mb, 3), lambda b, m: (b, m, 0)),
            pl.BlockSpec((1, 3, N), lambda b, m: (b, 0, 0)),
        ],
        out_specs=out_specs,
        out_shape=out_shape,
        scratch_shapes=[pltpu.VMEM((Mb, N), jnp.float32)],
    )(centers, pointsT)
    return res if want_w else res[0]




def _gather_rows(table, idx):
    V, D = table.shape
    (R,) = idx.shape
    try:
        info = plsc.get_sparse_core_info()
        nc, ns = info.num_cores, info.num_subcores
    except Exception:
        nc, ns = 2, 16
    nw = nc * ns
    assert R % nw == 0, (R, nw)
    rpw = R // nw
    cap = min(128, (110000 // (2 * D)) // 8 * 8)
    chunk = 8
    for cand in range(cap, 7, -8):
        if rpw % cand == 0:
            chunk = cand
            break
    nch = rpw // chunk
    mesh = plsc.VectorSubcoreMesh(core_axis_name="c", subcore_axis_name="s")

    @functools.partial(
        pl.kernel,
        out_type=jax.ShapeDtypeStruct((R, D), jnp.float32),
        mesh=mesh,
        scratch_types=[
            pltpu.VMEM((chunk,), jnp.int32),
            pltpu.VMEM((chunk, D), jnp.float32),
            pltpu.VMEM((chunk,), jnp.int32),
            pltpu.VMEM((chunk, D), jnp.float32),
            pltpu.SemaphoreType.DMA,
            pltpu.SemaphoreType.DMA,
        ],
    )
    def k(table_hbm, idx_hbm, out_hbm, idx0, rows0, idx1, rows1, sem0, sem1):
        wid = lax.axis_index("s") * nc + lax.axis_index("c")
        base = wid * rpw

        def start(off, idx_v, rows_v, sem):
            pltpu.sync_copy(idx_hbm.at[pl.ds(off, chunk)], idx_v)
            pltpu.make_async_copy(table_hbm.at[idx_v], rows_v, sem).start()

        def finish(off, idx_v, rows_v, sem):
            pltpu.make_async_copy(table_hbm.at[idx_v], rows_v, sem).wait()
            pltpu.sync_copy(rows_v, out_hbm.at[pl.ds(off, chunk)])

        start(base, idx0, rows0, sem0)

        def body(i, _):
            off = base + i * chunk

            @pl.when(i + 1 < nch)
            def _():
                nxt = off + chunk

                @pl.when(i % 2 == 0)
                def _():
                    start(nxt, idx1, rows1, sem1)

                @pl.when(i % 2 == 1)
                def _():
                    start(nxt, idx0, rows0, sem0)

            @pl.when(i % 2 == 0)
            def _():
                finish(off, idx0, rows0, sem0)

            @pl.when(i % 2 == 1)
            def _():
                finish(off, idx1, rows1, sem1)

            return 0

        lax.fori_loop(0, nch, body, 0)

    return k(table, idx)




def _dot_f32(a, b):
    return jnp.dot(a, b, preferred_element_type=jnp.float32)


def _norm(x, s, count):
    mean = s[0:1, :] * (1.0 / count)
    var = s[1:2, :] * (1.0 / count) - mean * mean
    rstd = lax.rsqrt(var + 1e-5)
    extra = x.ndim - 2
    for _ in range(extra):
        mean = mean[None]
        rstd = rstd[None]
    return jnp.maximum((x - mean) * rstd, 0.0)


def _accum_stats(sto_ref, z2d, step):
    ps = jnp.sum(z2d, axis=0, keepdims=True)
    pss = jnp.sum(z2d * z2d, axis=0, keepdims=True)

    @pl.when(step == 0)
    def _():
        sto_ref[:] = jnp.zeros_like(sto_ref)

    sto_ref[0:1, :] = sto_ref[0:1, :] + ps
    sto_ref[1:2, :] = sto_ref[1:2, :] + pss


def _lin3d(x, wt, stats, centers, count):
    G, K, Ci = x.shape
    Co = wt.shape[1]
    budget = 4 * 1024 * 1024 // (K * max(Ci, Co) * 4)
    gb = G
    for cand in (256, 128, 64, 32, 16, 8, 4, 2, 1):
        if cand <= budget and G % cand == 0:
            gb = cand
            break
    nsteps = G // gb
    prenorm = stats is not None
    center = centers is not None

    def kern(*refs):
        refs = list(refs)
        x_ref = refs.pop(0)
        wt_ref = refs.pop(0)
        st_ref = refs.pop(0) if prenorm else None
        cen_ref = refs.pop(0) if center else None
        z_ref, sto_ref = refs
        i = pl.program_id(0)
        x_v = x_ref[:]
        if prenorm:
            x_v = _norm(x_v, st_ref[:], count)
        if center:
            x_v = x_v - cen_ref[:][:, None, :]
        a = x_v.reshape(gb * K, Ci)
        z = _dot_f32(a, wt_ref[:])
        z_ref[:] = z.reshape(gb, K, Co)
        _accum_stats(sto_ref, z, i)

    in_specs = [
        pl.BlockSpec((gb, K, Ci), lambda i: (i, 0, 0)),
        pl.BlockSpec((Ci, Co), lambda i: (0, 0)),
    ]
    ops = [x, wt]
    if prenorm:
        in_specs.append(pl.BlockSpec((8, Ci), lambda i: (0, 0)))
        ops.append(stats)
    if center:
        in_specs.append(pl.BlockSpec((gb, Ci), lambda i: (i, 0)))
        ops.append(centers)
    return pl.pallas_call(
        kern,
        grid=(nsteps,),
        in_specs=in_specs,
        out_specs=[
            pl.BlockSpec((gb, K, Co), lambda i: (i, 0, 0)),
            pl.BlockSpec((8, Co), lambda i: (0, 0)),
        ],
        out_shape=[
            jax.ShapeDtypeStruct((G, K, Co), jnp.float32),
            jax.ShapeDtypeStruct((8, Co), jnp.float32),
        ],
    )(*ops)


def _lin2d(x, wt, stats, count, want_stats=True):
    P, Ci = x.shape
    Co = wt.shape[1]
    budget = 4 * 1024 * 1024 // (max(Ci, Co) * 4)
    pb = P
    for cand in (1024, 512, 256, 128, 64, 32, 16, 8):
        if cand <= budget and P % cand == 0:
            pb = cand
            break
    nsteps = P // pb
    prenorm = stats is not None

    def kern(*refs):
        refs = list(refs)
        x_ref = refs.pop(0)
        wt_ref = refs.pop(0)
        st_ref = refs.pop(0) if prenorm else None
        z_ref = refs.pop(0)
        sto_ref = refs.pop(0) if want_stats else None
        i = pl.program_id(0)
        x_v = x_ref[:]
        if prenorm:
            x_v = _norm(x_v, st_ref[:], count)
        z = _dot_f32(x_v, wt_ref[:])
        z_ref[:] = z
        if want_stats:
            _accum_stats(sto_ref, z, i)

    in_specs = [
        pl.BlockSpec((pb, Ci), lambda i: (i, 0)),
        pl.BlockSpec((Ci, Co), lambda i: (0, 0)),
    ]
    ops = [x, wt]
    if prenorm:
        in_specs.append(pl.BlockSpec((8, Ci), lambda i: (0, 0)))
        ops.append(stats)
    out_specs = [pl.BlockSpec((pb, Co), lambda i: (i, 0))]
    out_shape = [jax.ShapeDtypeStruct((P, Co), jnp.float32)]
    if want_stats:
        out_specs.append(pl.BlockSpec((8, Co), lambda i: (0, 0)))
        out_shape.append(jax.ShapeDtypeStruct((8, Co), jnp.float32))
    res = pl.pallas_call(
        kern,
        grid=(nsteps,),
        in_specs=in_specs,
        out_specs=out_specs,
        out_shape=out_shape,
    )(*ops)
    return res if want_stats else res[0]


def _interp_lin(g, w, f1, wta, wtb):
    G, Kp, C2 = g.shape
    Co = wta.shape[1]
    budget = 4 * 1024 * 1024 // (Kp * C2 * 4)
    gb = G
    for cand in (256, 128, 64, 32, 16, 8, 4, 2, 1):
        if cand <= budget and G % cand == 0:
            gb = cand
            break
    nsteps = G // gb
    has_f1 = f1 is not None

    def kern(*refs):
        refs = list(refs)
        g_ref = refs.pop(0)
        w_ref = refs.pop(0)
        wta_ref = refs.pop(0)
        f1_ref = refs.pop(0) if has_f1 else None
        wtb_ref = refs.pop(0) if has_f1 else None
        z_ref, sto_ref = refs
        i = pl.program_id(0)
        gv = g_ref[:]
        wv = w_ref[:]
        x = jnp.sum(gv * wv[:, :, None], axis=1)
        z = _dot_f32(x, wta_ref[:])
        if has_f1:
            z = z + _dot_f32(f1_ref[:], wtb_ref[:])
        z_ref[:] = z
        _accum_stats(sto_ref, z, i)

    in_specs = [
        pl.BlockSpec((gb, Kp, C2), lambda i: (i, 0, 0)),
        pl.BlockSpec((gb, Kp), lambda i: (i, 0)),
        pl.BlockSpec((C2, Co), lambda i: (0, 0)),
    ]
    ops = [g, w, wta]
    if has_f1:
        C1 = f1.shape[1]
        in_specs.append(pl.BlockSpec((gb, C1), lambda i: (i, 0)))
        in_specs.append(pl.BlockSpec((C1, Co), lambda i: (0, 0)))
        ops += [f1, wtb]
    return pl.pallas_call(
        kern,
        grid=(nsteps,),
        in_specs=in_specs,
        out_specs=[
            pl.BlockSpec((gb, Co), lambda i: (i, 0)),
            pl.BlockSpec((8, Co), lambda i: (0, 0)),
        ],
        out_shape=[
            jax.ShapeDtypeStruct((G, Co), jnp.float32),
            jax.ShapeDtypeStruct((8, Co), jnp.float32),
        ],
    )(*ops)


def _maxpool_norm(z, stats, count):
    G, K, C = z.shape
    budget = 4 * 1024 * 1024 // (K * C * 4)
    gb = G
    for cand in (256, 128, 64, 32, 16, 8, 4, 2, 1):
        if cand <= budget and G % cand == 0:
            gb = cand
            break

    def kern(z_ref, st_ref, o_ref):
        a = _norm(z_ref[:], st_ref[:], count)
        o_ref[:] = jnp.max(a, axis=1)

    return pl.pallas_call(
        kern,
        grid=(G // gb,),
        in_specs=[
            pl.BlockSpec((gb, K, C), lambda i: (i, 0, 0)),
            pl.BlockSpec((8, C), lambda i: (0, 0)),
        ],
        out_specs=pl.BlockSpec((gb, C), lambda i: (i, 0)),
        out_shape=jax.ShapeDtypeStruct((G, C), jnp.float32),
    )(z, stats)


def _norm_relu(z, stats, count):
    P, C = z.shape
    pb = P
    for cand in (2048, 1024, 512, 256, 128, 64, 32, 16, 8):
        if P % cand == 0:
            pb = cand
            break

    def kern(z_ref, st_ref, o_ref):
        o_ref[:] = _norm(z_ref[:], st_ref[:], count)

    return pl.pallas_call(
        kern,
        grid=(P // pb,),
        in_specs=[
            pl.BlockSpec((pb, C), lambda i: (i, 0)),
            pl.BlockSpec((8, C), lambda i: (0, 0)),
        ],
        out_specs=pl.BlockSpec((pb, C), lambda i: (i, 0)),
        out_shape=jax.ShapeDtypeStruct((P, C), jnp.float32),
    )(z, stats)




def _wt(W, ci_pad=None):
    wt = jnp.transpose(W)
    if ci_pad is not None and wt.shape[0] != ci_pad:
        wt = jnp.pad(wt, ((0, ci_pad - wt.shape[0]), (0, 0)))
    return wt


def _centers_of(xyz_l):
    B, P, _ = xyz_l.shape
    M = max(1, P // 4)
    idx_center = jnp.linspace(0.0, P - 1, M).astype(jnp.int32)
    return xyz_l[:, idx_center, :]


def _sa_level(xyz_l, feats, params, nsample):
    B, P, _ = xyz_l.shape
    M = max(1, P // 4)
    centers = _centers_of(xyz_l)
    k = min(nsample, P)
    idx = _knn(centers, xyz_l, k, k, want_w=False)

    C = 0 if feats is None else feats.shape[1]
    D = _round_up(3 + C, 128)
    parts = [xyz_l.reshape(B * P, 3)]
    if feats is not None:
        parts.append(feats)
    table = _pad_cols(jnp.concatenate(parts, axis=1) if len(parts) > 1 else parts[0], D)
    rows = _gather_rows(table, idx.reshape(-1))
    x = rows.reshape(B * M, k, D)
    centers_pad = _pad_cols(centers.reshape(B * M, 3), D)

    count = float(B * M * k)
    z, st = _lin3d(x, _wt(params[0][0], D), None, centers_pad, count)
    z, st = _lin3d(z, _wt(params[1][0]), st, None, count)
    z, st = _lin3d(z, _wt(params[2][0]), st, None, count)
    out = _maxpool_norm(z, st, count)
    return centers, out


def _fp_level(xyz_q, xyz_r, feats_r, feats_skip, params, final_relu_stats):
    B, Mq, _ = xyz_q.shape
    Mr = xyz_r.shape[1]
    k = min(3, Mr)
    idx, w = _knn(xyz_q, xyz_r, k, 8, want_w=True)
    rows = _gather_rows(feats_r, idx.reshape(-1))
    g = rows.reshape(B * Mq, 8, feats_r.shape[1])

    count = float(B * Mq)
    wta = _wt(params[0][0][:, : feats_r.shape[1]])
    wtb = None
    if feats_skip is not None:
        wtb = _wt(params[0][0][:, feats_r.shape[1] :])
    z, st = _interp_lin(g, w.reshape(B * Mq, 8), feats_skip, wta, wtb)
    for lp in params[1:]:
        z, st = _lin2d(z, _wt(lp[0]), st, count)
    if final_relu_stats:
        return _norm_relu(z, st, count)
    return z, st


def kernel(xyz, params):
    B, N, _ = xyz.shape

    l1_xyz, l1 = _sa_level(xyz, None, params["sa1"], 32)
    l2_xyz, l2 = _sa_level(l1_xyz, l1, params["sa2"], 64)
    l3_xyz, l3 = _sa_level(l2_xyz, l2, params["sa3"], 128)

    l2n = _fp_level(l2_xyz, l3_xyz, l3, l2, params["fp3"], True)
    l1n = _fp_level(l1_xyz, l2_xyz, l2n, l1, params["fp2"], True)
    z, st = _fp_level(xyz, l1_xyz, l1n, None, params["fp1"], False)

    P = B * N
    count = float(P)
    zh, sth = _lin2d(z, _wt(params["head"]["W1"]), st, count)
    co_pad = _round_up(NUM_SEG_CLASSES, 16)
    wt2 = jnp.pad(
        jnp.transpose(params["head"]["W2"]), ((0, 0), (0, co_pad - NUM_SEG_CLASSES))
    )
    out = _lin2d(zh, wt2, sth, count, want_stats=False)
    return out[:, :NUM_SEG_CLASSES].reshape(B, N, NUM_SEG_CLASSES)

# --- scband reference (transcript-rebuilt; emitter-appended) ---
"""Pipeline reference for scband-point-net2-seg-8813272891498 (READ-ONLY COPY).

The authoritative reference and input builder live on the scoring server;
editing this copy changes nothing except your own understanding.
"""

import jax, jax.numpy as jnp
import numpy as np

NUM_CLASSES = 13

def cdist(a, b):
    sq = jnp.sum(a*a, -1)[:, :, None] + jnp.sum(b*b, -1)[:, None, :] - 2.0*jnp.einsum('bnc,bmc->bnm', a, b)
    return jnp.sqrt(jnp.maximum(sq, 1e-12))

def knn_indices(query, ref, k):
    d = cdist(query, ref)
    k = min(k, ref.shape[1])
    _, idx = jax.lax.top_k(-d, k)
    return idx

def batched_gather(points, idx):
    # points: (B,N,C), idx: (B,M,K) -> (B,M,K,C)
    return jax.vmap(lambda p, i: p[i])(points, idx)

def bn_relu(x, g, beta):
    # x: (B,C,N); training-mode batch stats over (B,N)
    mean = jnp.mean(x, axis=(0, 2), keepdims=True)
    var = jnp.var(x, axis=(0, 2), keepdims=True)
    xn = (x - mean) / jnp.sqrt(var + 1e-5)
    return jax.nn.relu(xn * g[None, :, None] + beta[None, :, None])

def apply_mlp(params, x):
    for (W, b, g, beta) in params:
        x = jnp.einsum('oc,bcn->bon', W, x) + b[None, :, None]
        x = bn_relu(x, g, beta)
    return x

def three_nn_interp(xyz1, xyz2, feats2, k=3):
    N2 = xyz2.shape[1]
    idx = knn_indices(xyz1, xyz2, min(k, N2))
    d = cdist(xyz1, xyz2)
    knn_d = jnp.take_along_axis(d, idx, axis=2)
    knn_d = jnp.maximum(knn_d, 1e-8)
    w = 1.0 / knn_d
    w = w / jnp.sum(w, axis=-1, keepdims=True)
    feats2_perm = jnp.transpose(feats2, (0, 2, 1))
    neigh = batched_gather(feats2_perm, idx)
    out = jnp.sum(w[..., None] * neigh, axis=2)
    return jnp.transpose(out, (0, 2, 1))

def sa_layer(params, nsample, xyz, feats):
    B, P, _ = xyz.shape
    M = max(1, P // 4)
    idx_center = jnp.linspace(0.0, P - 1, M).astype(jnp.int32)
    centers = xyz[:, idx_center, :]
    idx_knn = knn_indices(centers, xyz, nsample)
    neigh_xyz = batched_gather(xyz, idx_knn)
    local_xyz = neigh_xyz - centers[:, :, None, :]
    local = jnp.transpose(local_xyz, (0, 1, 3, 2))
    if feats is not None:
        feats_perm = jnp.transpose(feats, (0, 2, 1))
        neigh_f = batched_gather(feats_perm, idx_knn)
        neigh_f = jnp.transpose(neigh_f, (0, 1, 3, 2))
        cat = jnp.concatenate([local, neigh_f], axis=2)
    else:
        cat = local
    Bm, Mm, Cm, K = cat.shape
    out = apply_mlp(params, cat.reshape(Bm * Mm, Cm, K))
    out = jnp.max(out, axis=-1)
    out = jnp.transpose(out.reshape(Bm, Mm, -1), (0, 2, 1))
    return centers, out

def fp_layer(params, xyz1, xyz2, feats1, feats2):
    interp = three_nn_interp(xyz1, xyz2, feats2)
    cat = jnp.concatenate([interp, feats1], axis=1) if feats1 is not None else interp
    return apply_mlp(params, cat)

def init_mlp(key, in_ch, channels):
    ps = []
    c = in_ch
    for oc in channels:
        key, k1 = jax.random.split(key)
        W = jax.random.normal(k1, (oc, c), dtype=jnp.float32) / np.sqrt(c)
        ps.append((W, jnp.zeros((oc,), jnp.float32), jnp.ones((oc,), jnp.float32), jnp.zeros((oc,), jnp.float32)))
        c = oc
    return key, ps

def head_apply(hp, x):
    x = jnp.einsum('oc,bcn->bon', hp['W1'], x) + hp['b1'][None, :, None]
    x = bn_relu(x, hp['g1'], hp['be1'])
    # dropout: identity (deterministic / eval-mode)
    x = jnp.einsum('oc,bcn->bon', hp['W2'], x) + hp['b2'][None, :, None]
    return x

def forward(xyz, params):
    l1_xyz, l1 = sa_layer(params['sa1'], 32, xyz, None)
    l2_xyz, l2 = sa_layer(params['sa2'], 64, l1_xyz, l1)
    l3_xyz, l3 = sa_layer(params['sa3'], 128, l2_xyz, l2)
    l2n = fp_layer(params['fp3'], l2_xyz, l3_xyz, l2, l3)
    l1n = fp_layer(params['fp2'], l1_xyz, l2_xyz, l1, l2n)
    l0n = fp_layer(params['fp1'], xyz, l1_xyz, None, l1n)
    out = head_apply(params['head'], l0n)
    return jnp.transpose(out, (0, 2, 1))

def setup_inputs(seed: int = 0):
    key = jax.random.key(seed)
    key, kx = jax.random.split(key)
    xyz = jax.random.normal(kx, (8, 4096, 3), dtype=jnp.float32)
    params = {}
    key, params['sa1'] = init_mlp(key, 3, [64, 64, 128])
    key, params['sa2'] = init_mlp(key, 131, [128, 128, 256])
    key, params['sa3'] = init_mlp(key, 259, [256, 512, 1024])
    key, params['fp3'] = init_mlp(key, 1280, [256, 256])
    key, params['fp2'] = init_mlp(key, 384, [256, 128])
    key, params['fp1'] = init_mlp(key, 128, [128, 128, 128])
    key, k1 = jax.random.split(key)
    key, k2 = jax.random.split(key)
    params['head'] = {
        'W1': jax.random.normal(k1, (128, 128), jnp.float32) / np.sqrt(128),
        'b1': jnp.zeros((128,), jnp.float32),
        'g1': jnp.ones((128,), jnp.float32),
        'be1': jnp.zeros((128,), jnp.float32),
        'W2': jax.random.normal(k2, (NUM_CLASSES, 128), jnp.float32) / np.sqrt(128),
        'b2': jnp.zeros((NUM_CLASSES,), jnp.float32),
    }
    return {'xyz': xyz, 'params': params}

def reference(xyz, params):
    return forward(xyz, params)

if __name__ == "__main__":
    import jax
    _d = setup_inputs()
    print(jax.jit(kernel)(*tuple(_d.values())))

</pallas_src>

<mosaic_0001>
#map = affine_map<(d0, d1) -> (0, 0)>
#map1 = affine_map<(d0, d1) -> (0)>
module attributes {stable_mosaic.version = 14 : i64} {
  func.func @k(%arg0: i32, %arg1: i32, %arg2: memref<2048x384xf32, #tpu.memory_space<hbm>>, %arg3: memref<65536xi32, #tpu.memory_space<hbm>>, %arg4: memref<65536x384xf32, #tpu.memory_space<hbm>>, %arg5: memref<128xi32, #tpu.memory_space<vmem>>, %arg6: memref<128x384xf32, #tpu.memory_space<vmem>>, %arg7: memref<128xi32, #tpu.memory_space<vmem>>, %arg8: memref<128x384xf32, #tpu.memory_space<vmem>>, %arg9: memref<!tpu.dma_semaphore, #tpu.memory_space<semaphore_mem>>, %arg10: memref<!tpu.dma_semaphore, #tpu.memory_space<semaphore_mem>>) attributes {dimension_semantics = [#tpu.dimension_semantics<core_parallel>, #tpu.dimension_semantics<subcore_parallel>], iteration_bounds = array<i64: 2, 16>, scalar_prefetch = 0 : i64, scratch_operands = 6 : i64, tpu.core_type = #tpu.core_type<sc_vector_subcore>, window_params = [{transform_indices = #map}, {transform_indices = #map1}, {transform_indices = #map}]} {
    %mul3A = arith.constant 2 : i32
    %mul3A_0 = arith.muli %arg1, %mul3A : i32
    %add3A = arith.addi %mul3A_0, %arg0 : i32
    %mul3A_1 = arith.constant 2048 : i32
    %mul3A_2 = arith.muli %add3A, %mul3A_1 : i32
    "tpu.region"() ({
      %run_scoped3A = tpu.sem_alloc : memref<!tpu.dma_semaphore, #tpu.memory_space<semaphore_mem>>
      %dma_start3A_11 = tpu.memref_slice %arg3[%mul3A_2] : memref<65536xi32, #tpu.memory_space<hbm>> -> memref<128xi32, #tpu.memory_space<hbm>>
      %dma_start3A_12 = tpu.memref_slice %arg3[%mul3A_2] : memref<65536xi32, #tpu.memory_space<hbm>> -> memref<128xi32, #tpu.memory_space<hbm>>
      tpu.enqueue_dma source(%dma_start3A_12 : memref<128xi32, #tpu.memory_space<hbm>>) target(%arg5 : memref<128xi32, #tpu.memory_space<vmem>>) target_semaphore(%run_scoped3A : memref<!tpu.dma_semaphore, #tpu.memory_space<semaphore_mem>>)
      %dma_wait3A = tpu.memref_slice %arg3[%mul3A_2] : memref<65536xi32, #tpu.memory_space<hbm>> -> memref<128xi32, #tpu.memory_space<hbm>>
      %dma_wait3A_13 = tpu.memref_slice %arg3[%mul3A_2] : memref<65536xi32, #tpu.memory_space<hbm>> -> memref<128xi32, #tpu.memory_space<hbm>>
      tpu.wait_dma2 semaphore(%run_scoped3A : memref<!tpu.dma_semaphore, #tpu.memory_space<semaphore_mem>>) src(%dma_wait3A_13 : memref<128xi32, #tpu.memory_space<hbm>>) dst(%arg5 : memref<128xi32, #tpu.memory_space<vmem>>)
      tpu.yield
    }) : () -> ()
    %dma_start3A = arith.constant 0 : i32
    %dma_start3A_3 = arith.constant 0 : i32
    %dma_start3A_4 = tpu.memref_slice %arg2[%dma_start3A, %dma_start3A_3] : memref<2048x384xf32, #tpu.memory_space<hbm>> -> memref<2048x384xf32, #tpu.memory_space<hbm>>
    tpu.enqueue_indirect_dma source(%dma_start3A_4 : memref<2048x384xf32, #tpu.memory_space<hbm>>) target(%arg6 : memref<128x384xf32, #tpu.memory_space<vmem>>) offsets(%arg5 : memref<128xi32, #tpu.memory_space<vmem>>) semaphore(%arg9 : memref<!tpu.dma_semaphore, #tpu.memory_space<semaphore_mem>>)
    %scan3A = arith.constant 0 : i32
    %scan3A_5 = arith.constant 0 : i32
    %scan3A_6 = arith.constant 16 : i32
    %scan3A_7 = arith.addi %scan3A_5, %scan3A_6 : i32
    %scan3A_8 = arith.constant 1 : i32
    %scan3A_9 = scf.for %scan3A_11 = %scan3A_5 to %scan3A_7 step %scan3A_8 iter_args(%scan3A_12 = %scan3A) -> (i32)  : i32 {
      %mul3A_13 = arith.constant 128 : i32
      %mul3A_14 = arith.muli %scan3A_11, %mul3A_13 : i32
      %add3A_15 = arith.addi %mul3A_2, %mul3A_14 : i32
      %add3A_16 = arith.constant 1 : i32
      %add3A_17 = arith.addi %scan3A_11, %add3A_16 : i32
      %lt3A = arith.constant 16 : i32
      %lt3A_18 = arith.cmpi slt, %add3A_17, %lt3A : i32
      %convert_element_type3A = arith.extui %lt3A_18 : i1 to i32
      %cond3A = arith.constant 0 : i32
      %cond3A_19 = arith.cmpi ne, %convert_element_type3A, %cond3A : i32
      scf.if %cond3A_19 {
        %add3A_57 = arith.constant 128 : i32
        %add3A_58 = arith.addi %add3A_15, %add3A_57 : i32
        %jit3A_59 = arith.constant 2 : i32
        %eq3A_60 = arith.constant 0 : i32
        %eq3A_61 = arith.cmpi eq, %jit3A_59, %eq3A_60 : i32
        %jit3A_62 = arith.constant 1 : i32
        %select_n3A_63 = arith.select %eq3A_61, %jit3A_62, %jit3A_59 : i32
        %rem3A_64 = arith.remsi %scan3A_11, %select_n3A_63 : i32
        %ne3A_65 = arith.constant 0 : i32
        %ne3A_66 = arith.cmpi ne, %rem3A_64, %ne3A_65 : i32
        %lt3A_67 = arith.constant 0 : i32
        %lt3A_68 = arith.cmpi slt, %rem3A_64, %lt3A_67 : i32
        %lt3A_69 = arith.constant 0 : i32
        %lt3A_70 = arith.cmpi slt, %select_n3A_63, %lt3A_69 : i32
        %ne3A_71 = arith.xori %lt3A_68, %lt3A_70 : i1
        %and3A_72 = arith.andi %ne3A_71, %ne3A_66 : i1
        %add3A_73 = arith.addi %rem3A_64, %select_n3A_63 : i32
        %select_n3A_74 = arith.select %and3A_72, %add3A_73, %rem3A_64 : i32
        %eq3A_75 = arith.constant 0 : i32
        %eq3A_76 = arith.cmpi eq, %select_n3A_74, %eq3A_75 : i32
        %convert_element_type3A_77 = arith.extui %eq3A_76 : i1 to i32
        %cond3A_78 = arith.constant 0 : i32
        %cond3A_79 = arith.cmpi ne, %convert_element_type3A_77, %cond3A_78 : i32
        scf.if %cond3A_79 {
          "tpu.region"() ({
            %run_scoped3A = tpu.sem_alloc : memref<!tpu.dma_semaphore, #tpu.memory_space<semaphore_mem>>
            %dma_start3A_104 = tpu.memref_slice %arg3[%add3A_58] : memref<65536xi32, #tpu.memory_space<hbm>> -> memref<128xi32, #tpu.memory_space<hbm>>
            %dma_start3A_105 = tpu.memref_slice %arg3[%add3A_58] : memref<65536xi32, #tpu.memory_space<hbm>> -> memref<128xi32, #tpu.memory_space<hbm>>
            tpu.enqueue_dma source(%dma_start3A_105 : memref<128xi32, #tpu.memory_space<hbm>>) target(%arg7 : memref<128xi32, #tpu.memory_space<vmem>>) target_semaphore(%run_scoped3A : memref<!tpu.dma_semaphore, #tpu.memory_space<semaphore_mem>>)
            %dma_wait3A = tpu.memref_slice %arg3[%add3A_58] : memref<65536xi32, #tpu.memory_space<hbm>> -> memref<128xi32, #tpu.memory_space<hbm>>
            %dma_wait3A_106 = tpu.memref_slice %arg3[%add3A_58] : memref<65536xi32, #tpu.memory_space<hbm>> -> memref<128xi32, #tpu.memory_space<hbm>>
            tpu.wait_dma2 semaphore(%run_scoped3A : memref<!tpu.dma_semaphore, #tpu.memory_space<semaphore_mem>>) src(%dma_wait3A_106 : memref<128xi32, #tpu.memory_space<hbm>>) dst(%arg7 : memref<128xi32, #tpu.memory_space<vmem>>)
            tpu.yield
          }) : () -> ()
          %dma_start3A_101 = arith.constant 0 : i32
          %dma_start3A_102 = arith.constant 0 : i32
          %dma_start3A_103 = tpu.memref_slice %arg2[%dma_start3A_101, %dma_start3A_102] : memref<2048x384xf32, #tpu.memory_space<hbm>> -> memref<2048x384xf32, #tpu.memory_space<hbm>>
          tpu.enqueue_indirect_dma source(%dma_start3A_103 : memref<2048x384xf32, #tpu.memory_space<hbm>>) target(%arg8 : memref<128x384xf32, #tpu.memory_space<vmem>>) offsets(%arg7 : memref<128xi32, #tpu.memory_space<vmem>>) semaphore(%arg10 : memref<!tpu.dma_semaphore, #tpu.memory_space<semaphore_mem>>)
        } else {
        }
        %jit3A_80 = arith.constant 2 : i32
        %eq3A_81 = arith.constant 0 : i32
        %eq3A_82 = arith.cmpi eq, %jit3A_80, %eq3A_81 : i32
        %jit3A_83 = arith.constant 1 : i32
        %select_n3A_84 = arith.select %eq3A_82, %jit3A_83, %jit3A_80 : i32
        %rem3A_85 = arith.remsi %scan3A_11, %select_n3A_84 : i32
        %ne3A_86 = arith.constant 0 : i32
        %ne3A_87 = arith.cmpi ne, %rem3A_85, %ne3A_86 : i32
        %lt3A_88 = arith.constant 0 : i32
        %lt3A_89 = arith.cmpi slt, %rem3A_85, %lt3A_88 : i32
        %lt3A_90 = arith.constant 0 : i32
        %lt3A_91 = arith.cmpi slt, %select_n3A_84, %lt3A_90 : i32
        %ne3A_92 = arith.xori %lt3A_89, %lt3A_91 : i1
        %and3A_93 = arith.andi %ne3A_92, %ne3A_87 : i1
        %add3A_94 = arith.addi %rem3A_85, %select_n3A_84 : i32
        %select_n3A_95 = arith.select %and3A_93, %add3A_94, %rem3A_85 : i32
        %eq3A_96 = arith.constant 1 : i32
        %eq3A_97 = arith.cmpi eq, %select_n3A_95, %eq3A_96 : i32
        %convert_element_type3A_98 = arith.extui %eq3A_97 : i1 to i32
        %cond3A_99 = arith.constant 0 : i32
        %cond3A_100 = arith.cmpi ne, %convert_element_type3A_98, %cond3A_99 : i32
        scf.if %cond3A_100 {
          "tpu.region"() ({
            %run_scoped3A = tpu.sem_alloc : memref<!tpu.dma_semaphore, #tpu.memory_space<semaphore_mem>>
            %dma_start3A_104 = tpu.memref_slice %arg3[%add3A_58] : memref<65536xi32, #tpu.memory_space<hbm>> -> memref<128xi32, #tpu.memory_space<hbm>>
            %dma_start3A_105 = tpu.memref_slice %arg3[%add3A_58] : memref<65536xi32, #tpu.memory_space<hbm>> -> memref<128xi32, #tpu.memory_space<hbm>>
            tpu.enqueue_dma source(%dma_start3A_105 : memref<128xi32, #tpu.memory_space<hbm>>) target(%arg5 : memref<128xi32, #tpu.memory_space<vmem>>) target_semaphore(%run_scoped3A : memref<!tpu.dma_semaphore, #tpu.memory_space<semaphore_mem>>)
            %dma_wait3A = tpu.memref_slice %arg3[%add3A_58] : memref<65536xi32, #tpu.memory_space<hbm>> -> memref<128xi32, #tpu.memory_space<hbm>>
            %dma_wait3A_106 = tpu.memref_slice %arg3[%add3A_58] : memref<65536xi32, #tpu.memory_space<hbm>> -> memref<128xi32, #tpu.memory_space<hbm>>
            tpu.wait_dma2 semaphore(%run_scoped3A : memref<!tpu.dma_semaphore, #tpu.memory_space<semaphore_mem>>) src(%dma_wait3A_106 : memref<128xi32, #tpu.memory_space<hbm>>) dst(%arg5 : memref<128xi32, #tpu.memory_space<vmem>>)
            tpu.yield
          }) : () -> ()
          %dma_start3A_101 = arith.constant 0 : i32
          %dma_start3A_102 = arith.constant 0 : i32
          %dma_start3A_103 = tpu.memref_slice %arg2[%dma_start3A_101, %dma_start3A_102] : memref<2048x384xf32, #tpu.memory_space<hbm>> -> memref<2048x384xf32, #tpu.memory_space<hbm>>
          tpu.enqueue_indirect_dma source(%dma_start3A_103 : memref<2048x384xf32, #tpu.memory_space<hbm>>) target(%arg6 : memref<128x384xf32, #tpu.memory_space<vmem>>) offsets(%arg5 : memref<128xi32, #tpu.memory_space<vmem>>) semaphore(%arg9 : memref<!tpu.dma_semaphore, #tpu.memory_space<semaphore_mem>>)
        } else {
        }
      } else {
      }
      %jit3A = arith.constant 2 : i32
      %eq3A = arith.constant 0 : i32
      %eq3A_20 = arith.cmpi eq, %jit3A, %eq3A : i32
      %jit3A_21 = arith.constant 1 : i32
      %select_n3A = arith.select %eq3A_20, %jit3A_21, %jit3A : i32
      %rem3A = arith.remsi %scan3A_11, %select_n3A : i32
      %ne3A = arith.constant 0 : i32
      %ne3A_22 = arith.cmpi ne, %rem3A, %ne3A : i32
      %lt3A_23 = arith.constant 0 : i32
      %lt3A_24 = arith.cmpi slt, %rem3A, %lt3A_23 : i32
      %lt3A_25 = arith.constant 0 : i32
      %lt3A_26 = arith.cmpi slt, %select_n3A, %lt3A_25 : i32
      %ne3A_27 = arith.xori %lt3A_24, %lt3A_26 : i1
      %and3A = arith.andi %ne3A_27, %ne3A_22 : i1
      %add3A_28 = arith.addi %rem3A, %select_n3A : i32
      %select_n3A_29 = arith.select %and3A, %add3A_28, %rem3A : i32
      %eq3A_30 = arith.constant 0 : i32
      %eq3A_31 = arith.cmpi eq, %select_n3A_29, %eq3A_30 : i32
      %convert_element_type3A_32 = arith.extui %eq3A_31 : i1 to i32
      %cond3A_33 = arith.constant 0 : i32
      %cond3A_34 = arith.cmpi ne, %convert_element_type3A_32, %cond3A_33 : i32
      scf.if %cond3A_34 {
        %dma_wait3A = arith.constant 0 : i32
        %dma_wait3A_57 = arith.constant 0 : i32
        %dma_wait3A_58 = tpu.memref_slice %arg2[%dma_wait3A, %dma_wait3A_57] : memref<2048x384xf32, #tpu.memory_space<hbm>> -> memref<2048x384xf32, #tpu.memory_space<hbm>>
        tpu.wait_indirect_dma semaphore(%arg9 : memref<!tpu.dma_semaphore, #tpu.memory_space<semaphore_mem>>) src(%dma_wait3A_58 : memref<2048x384xf32, #tpu.memory_space<hbm>>) dst(%arg6 : memref<128x384xf32, #tpu.memory_space<vmem>>)
        "tpu.region"() ({
          %run_scoped3A = tpu.sem_alloc : memref<!tpu.dma_semaphore, #tpu.memory_space<semaphore_mem>>
          %dma_start3A_59 = arith.constant 0 : i32
          %dma_start3A_60 = tpu.memref_slice %arg4[%add3A_15, %dma_start3A_59] : memref<65536x384xf32, #tpu.memory_space<hbm>> -> memref<128x384xf32, #tpu.memory_space<hbm>>
          %dma_start3A_61 = arith.constant 0 : i32
          %dma_start3A_62 = tpu.memref_slice %arg4[%add3A_15, %dma_start3A_61] : memref<65536x384xf32, #tpu.memory_space<hbm>> -> memref<128x384xf32, #tpu.memory_space<hbm>>
          tpu.enqueue_dma source(%arg6 : memref<128x384xf32, #tpu.memory_space<vmem>>) target(%dma_start3A_62 : memref<128x384xf32, #tpu.memory_space<hbm>>) target_semaphore(%run_scoped3A : memref<!tpu.dma_semaphore, #tpu.memory_space<semaphore_mem>>)
          %dma_wait3A_63 = arith.constant 0 : i32
          %dma_wait3A_64 = tpu.memref_slice %arg4[%add3A_15, %dma_wait3A_63] : memref<65536x384xf32, #tpu.memory_space<hbm>> -> memref<128x384xf32, #tpu.memory_space<hbm>>
          %dma_wait3A_65 = arith.constant 0 : i32
          %dma_wait3A_66 = tpu.memref_slice %arg4[%add3A_15, %dma_wait3A_65] : memref<65536x384xf32, #tpu.memory_space<hbm>> -> memref<128x384xf32, #tpu.memory_space<hbm>>
          tpu.wait_dma2 semaphore(%run_scoped3A : memref<!tpu.dma_semaphore, #tpu.memory_space<semaphore_mem>>) src(%arg6 : memref<128x384xf32, #tpu.memory_space<vmem>>) dst(%dma_wait3A_66 : memref<128x384xf32, #tpu.memory_space<hbm>>)
          tpu.yield
        }) : () -> ()
      } else {
      }
      %jit3A_35 = arith.constant 2 : i32
      %eq3A_36 = arith.constant 0 : i32
      %eq3A_37 = arith.cmpi eq, %jit3A_35, %eq3A_36 : i32
      %jit3A_38 = arith.constant 1 : i32
      %select_n3A_39 = arith.select %eq3A_37, %jit3A_38, %jit3A_35 : i32
      %rem3A_40 = arith.remsi %scan3A_11, %select_n3A_39 : i32
      %ne3A_41 = arith.constant 0 : i32
      %ne3A_42 = arith.cmpi ne, %rem3A_40, %ne3A_41 : i32
      %lt3A_43 = arith.constant 0 : i32
      %lt3A_44 = arith.cmpi slt, %rem3A_40, %lt3A_43 : i32
      %lt3A_45 = arith.constant 0 : i32
      %lt3A_46 = arith.cmpi slt, %select_n3A_39, %lt3A_45 : i32
      %ne3A_47 = arith.xori %lt3A_44, %lt3A_46 : i1
      %and3A_48 = arith.andi %ne3A_47, %ne3A_42 : i1
      %add3A_49 = arith.addi %rem3A_40, %select_n3A_39 : i32
      %select_n3A_50 = arith.select %and3A_48, %add3A_49, %rem3A_40 : i32
      %eq3A_51 = arith.constant 1 : i32
      %eq3A_52 = arith.cmpi eq, %select_n3A_50, %eq3A_51 : i32
      %convert_element_type3A_53 = arith.extui %eq3A_52 : i1 to i32
      %cond3A_54 = arith.constant 0 : i32
      %cond3A_55 = arith.cmpi ne, %convert_element_type3A_53, %cond3A_54 : i32
      scf.if %cond3A_55 {
        %dma_wait3A = arith.constant 0 : i32
        %dma_wait3A_57 = arith.constant 0 : i32
        %dma_wait3A_58 = tpu.memref_slice %arg2[%dma_wait3A, %dma_wait3A_57] : memref<2048x384xf32, #tpu.memory_space<hbm>> -> memref<2048x384xf32, #tpu.memory_space<hbm>>
        tpu.wait_indirect_dma semaphore(%arg10 : memref<!tpu.dma_semaphore, #tpu.memory_space<semaphore_mem>>) src(%dma_wait3A_58 : memref<2048x384xf32, #tpu.memory_space<hbm>>) dst(%arg8 : memref<128x384xf32, #tpu.memory_space<vmem>>)
        "tpu.region"() ({
          %run_scoped3A = tpu.sem_alloc : memref<!tpu.dma_semaphore, #tpu.memory_space<semaphore_mem>>
          %dma_start3A_59 = arith.constant 0 : i32
          %dma_start3A_60 = tpu.memref_slice %arg4[%add3A_15, %dma_start3A_59] : memref<65536x384xf32, #tpu.memory_space<hbm>> -> memref<128x384xf32, #tpu.memory_space<hbm>>
          %dma_start3A_61 = arith.constant 0 : i32
          %dma_start3A_62 = tpu.memref_slice %arg4[%add3A_15, %dma_start3A_61] : memref<65536x384xf32, #tpu.memory_space<hbm>> -> memref<128x384xf32, #tpu.memory_space<hbm>>
          tpu.enqueue_dma source(%arg8 : memref<128x384xf32, #tpu.memory_space<vmem>>) target(%dma_start3A_62 : memref<128x384xf32, #tpu.memory_space<hbm>>) target_semaphore(%run_scoped3A : memref<!tpu.dma_semaphore, #tpu.memory_space<semaphore_mem>>)
          %dma_wait3A_63 = arith.constant 0 : i32
          %dma_wait3A_64 = tpu.memref_slice %arg4[%add3A_15, %dma_wait3A_63] : memref<65536x384xf32, #tpu.memory_space<hbm>> -> memref<128x384xf32, #tpu.memory_space<hbm>>
          %dma_wait3A_65 = arith.constant 0 : i32
          %dma_wait3A_66 = tpu.memref_slice %arg4[%add3A_15, %dma_wait3A_65] : memref<65536x384xf32, #tpu.memory_space<hbm>> -> memref<128x384xf32, #tpu.memory_space<hbm>>
          tpu.wait_dma2 semaphore(%run_scoped3A : memref<!tpu.dma_semaphore, #tpu.memory_space<semaphore_mem>>) src(%arg8 : memref<128x384xf32, #tpu.memory_space<vmem>>) dst(%dma_wait3A_66 : memref<128x384xf32, #tpu.memory_space<hbm>>)
          tpu.yield
        }) : () -> ()
      } else {
      }
      %scan3A_56 = arith.constant 0 : i32
      scf.yield %scan3A_56 : i32
    }
    %scan3A_10 = arith.constant 16 : i32
    return
  }
}

#map = affine_map<(d0, d1) -> (0, 0)>
#map1 = affine_map<(d0, d1) -> (0)>
module attributes {stable_mosaic.version = 14 : i64} {
  func.func @k(%arg0: i32, %arg1: i32, %arg2: memref<32768x128xf32, #tpu.memory_space<hbm>>, %arg3: memref<262144xi32, #tpu.memory_space<hbm>>, %arg4: memref<262144x128xf32, #tpu.memory_space<hbm>>, %arg5: memref<128xi32, #tpu.memory_space<vmem>>, %arg6: memref<128x128xf32, #tpu.memory_space<vmem>>, %arg7: memref<128xi32, #tpu.memory_space<vmem>>, %arg8: memref<128x128xf32, #tpu.memory_space<vmem>>, %arg9: memref<!tpu.dma_semaphore, #tpu.memory_space<semaphore_mem>>, %arg10: memref<!tpu.dma_semaphore, #tpu.memory_space<semaphore_mem>>) attributes {dimension_semantics = [#tpu.dimension_semantics<core_parallel>, #tpu.dimension_semantics<subcore_parallel>], iteration_bounds = array<i64: 2, 16>, scalar_prefetch = 0 : i64, scratch_operands = 6 : i64, tpu.core_type = #tpu.core_type<sc_vector_subcore>, window_params = [{transform_indices = #map}, {transform_indices = #map1}, {transform_indices = #map}]} {
    %mul3A = arith.constant 2 : i32
    %mul3A_0 = arith.muli %arg1, %mul3A : i32
    %add3A = arith.addi %mul3A_0, %arg0 : i32
    %mul3A_1 = arith.constant 8192 : i32
    %mul3A_2 = arith.muli %add3A, %mul3A_1 : i32
    "tpu.region"() ({
      %run_scoped3A = tpu.sem_alloc : memref<!tpu.dma_semaphore, #tpu.memory_space<semaphore_mem>>
      %dma_start3A_11 = tpu.memref_slice %arg3[%mul3A_2] : memref<262144xi32, #tpu.memory_space<hbm>> -> memref<128xi32, #tpu.memory_space<hbm>>
      %dma_start3A_12 = tpu.memref_slice %arg3[%mul3A_2] : memref<262144xi32, #tpu.memory_space<hbm>> -> memref<128xi32, #tpu.memory_space<hbm>>
      tpu.enqueue_dma source(%dma_start3A_12 : memref<128xi32, #tpu.memory_space<hbm>>) target(%arg5 : memref<128xi32, #tpu.memory_space<vmem>>) target_semaphore(%run_scoped3A : memref<!tpu.dma_semaphore, #tpu.memory_space<semaphore_mem>>)
      %dma_wait3A = tpu.memref_slice %arg3[%mul3A_2] : memref<262144xi32, #tpu.memory_space<hbm>> -> memref<128xi32, #tpu.memory_space<hbm>>
      %dma_wait3A_13 = tpu.memref_slice %arg3[%mul3A_2] : memref<262144xi32, #tpu.memory_space<hbm>> -> memref<128xi32, #tpu.memory_space<hbm>>
      tpu.wait_dma2 semaphore(%run_scoped3A : memref<!tpu.dma_semaphore, #tpu.memory_space<semaphore_mem>>) src(%dma_wait3A_13 : memref<128xi32, #tpu.memory_space<hbm>>) dst(%arg5 : memref<128xi32, #tpu.memory_space<vmem>>)
      tpu.yield
    }) : () -> ()
    %dma_start3A = arith.constant 0 : i32
    %dma_start3A_3 = arith.constant 0 : i32
    %dma_start3A_4 = tpu.memref_slice %arg2[%dma_start3A, %dma_start3A_3] : memref<32768x128xf32, #tpu.memory_space<hbm>> -> memref<32768x128xf32, #tpu.memory_space<hbm>>
    tpu.enqueue_indirect_dma source(%dma_start3A_4 : memref<32768x128xf32, #tpu.memory_space<hbm>>) target(%arg6 : memref<128x128xf32, #tpu.memory_space<vmem>>) offsets(%arg5 : memref<128xi32, #tpu.memory_space<vmem>>) semaphore(%arg9 : memref<!tpu.dma_semaphore, #tpu.memory_space<semaphore_mem>>)
    %scan3A = arith.constant 0 : i32
    %scan3A_5 = arith.constant 0 : i32
    %scan3A_6 = arith.constant 64 : i32
    %scan3A_7 = arith.addi %scan3A_5, %scan3A_6 : i32
    %scan3A_8 = arith.constant 1 : i32
    %scan3A_9 = scf.for %scan3A_11 = %scan3A_5 to %scan3A_7 step %scan3A_8 iter_args(%scan3A_12 = %scan3A) -> (i32)  : i32 {
      %mul3A_13 = arith.constant 128 : i32
      %mul3A_14 = arith.muli %scan3A_11, %mul3A_13 : i32
      %add3A_15 = arith.addi %mul3A_2, %mul3A_14 : i32
      %add3A_16 = arith.constant 1 : i32
      %add3A_17 = arith.addi %scan3A_11, %add3A_16 : i32
      %lt3A = arith.constant 64 : i32
      %lt3A_18 = arith.cmpi slt, %add3A_17, %lt3A : i32
      %convert_element_type3A = arith.extui %lt3A_18 : i1 to i32
      %cond3A = arith.constant 0 : i32
      %cond3A_19 = arith.cmpi ne, %convert_element_type3A, %cond3A : i32
      scf.if %cond3A_19 {
        %add3A_57 = arith.constant 128 : i32
        %add3A_58 = arith.addi %add3A_15, %add3A_57 : i32
        %jit3A_59 = arith.constant 2 : i32
        %eq3A_60 = arith.constant 0 : i32
        %eq3A_61 = arith.cmpi eq, %jit3A_59, %eq3A_60 : i32
        %jit3A_62 = arith.constant 1 : i32
        %select_n3A_63 = arith.select %eq3A_61, %jit3A_62, %jit3A_59 : i32
        %rem3A_64 = arith.remsi %scan3A_11, %select_n3A_63 : i32
        %ne3A_65 = arith.constant 0 : i32
        %ne3A_66 = arith.cmpi ne, %rem3A_64, %ne3A_65 : i32
        %lt3A_67 = arith.constant 0 : i32
        %lt3A_68 = arith.cmpi slt, %rem3A_64, %lt3A_67 : i32
        %lt3A_69 = arith.constant 0 : i32
        %lt3A_70 = arith.cmpi slt, %select_n3A_63, %lt3A_69 : i32
        %ne3A_71 = arith.xori %lt3A_68, %lt3A_70 : i1
        %and3A_72 = arith.andi %ne3A_71, %ne3A_66 : i1
        %add3A_73 = arith.addi %rem3A_64, %select_n3A_63 : i32
        %select_n3A_74 = arith.select %and3A_72, %add3A_73, %rem3A_64 : i32
        %eq3A_75 = arith.constant 0 : i32
        %eq3A_76 = arith.cmpi eq, %select_n3A_74, %eq3A_75 : i32
        %convert_element_type3A_77 = arith.extui %eq3A_76 : i1 to i32
        %cond3A_78 = arith.constant 0 : i32
        %cond3A_79 = arith.cmpi ne, %convert_element_type3A_77, %cond3A_78 : i32
        scf.if %cond3A_79 {
          "tpu.region"() ({
            %run_scoped3A = tpu.sem_alloc : memref<!tpu.dma_semaphore, #tpu.memory_space<semaphore_mem>>
            %dma_start3A_104 = tpu.memref_slice %arg3[%add3A_58] : memref<262144xi32, #tpu.memory_space<hbm>> -> memref<128xi32, #tpu.memory_space<hbm>>
            %dma_start3A_105 = tpu.memref_slice %arg3[%add3A_58] : memref<262144xi32, #tpu.memory_space<hbm>> -> memref<128xi32, #tpu.memory_space<hbm>>
            tpu.enqueue_dma source(%dma_start3A_105 : memref<128xi32, #tpu.memory_space<hbm>>) target(%arg7 : memref<128xi32, #tpu.memory_space<vmem>>) target_semaphore(%run_scoped3A : memref<!tpu.dma_semaphore, #tpu.memory_space<semaphore_mem>>)
            %dma_wait3A = tpu.memref_slice %arg3[%add3A_58] : memref<262144xi32, #tpu.memory_space<hbm>> -> memref<128xi32, #tpu.memory_space<hbm>>
            %dma_wait3A_106 = tpu.memref_slice %arg3[%add3A_58] : memref<262144xi32, #tpu.memory_space<hbm>> -> memref<128xi32, #tpu.memory_space<hbm>>
            tpu.wait_dma2 semaphore(%run_scoped3A : memref<!tpu.dma_semaphore, #tpu.memory_space<semaphore_mem>>) src(%dma_wait3A_106 : memref<128xi32, #tpu.memory_space<hbm>>) dst(%arg7 : memref<128xi32, #tpu.memory_space<vmem>>)
            tpu.yield
          }) : () -> ()
          %dma_start3A_101 = arith.constant 0 : i32
          %dma_start3A_102 = arith.constant 0 : i32
          %dma_start3A_103 = tpu.memref_slice %arg2[%dma_start3A_101, %dma_start3A_102] : memref<32768x128xf32, #tpu.memory_space<hbm>> -> memref<32768x128xf32, #tpu.memory_space<hbm>>
          tpu.enqueue_indirect_dma source(%dma_start3A_103 : memref<32768x128xf32, #tpu.memory_space<hbm>>) target(%arg8 : memref<128x128xf32, #tpu.memory_space<vmem>>) offsets(%arg7 : memref<128xi32, #tpu.memory_space<vmem>>) semaphore(%arg10 : memref<!tpu.dma_semaphore, #tpu.memory_space<semaphore_mem>>)
        } else {
        }
        %jit3A_80 = arith.constant 2 : i32
        %eq3A_81 = arith.constant 0 : i32
        %eq3A_82 = arith.cmpi eq, %jit3A_80, %eq3A_81 : i32
        %jit3A_83 = arith.constant 1 : i32
        %select_n3A_84 = arith.select %eq3A_82, %jit3A_83, %jit3A_80 : i32
        %rem3A_85 = arith.remsi %scan3A_11, %select_n3A_84 : i32
        %ne3A_86 = arith.constant 0 : i32
        %ne3A_87 = arith.cmpi ne, %rem3A_85, %ne3A_86 : i32
        %lt3A_88 = arith.constant 0 : i32
        %lt3A_89 = arith.cmpi slt, %rem3A_85, %lt3A_88 : i32
        %lt3A_90 = arith.constant 0 : i32
        %lt3A_91 = arith.cmpi slt, %select_n3A_84, %lt3A_90 : i32
        %ne3A_92 = arith.xori %lt3A_89, %lt3A_91 : i1
        %and3A_93 = arith.andi %ne3A_92, %ne3A_87 : i1
        %add3A_94 = arith.addi %rem3A_85, %select_n3A_84 : i32
        %select_n3A_95 = arith.select %and3A_93, %add3A_94, %rem3A_85 : i32
        %eq3A_96 = arith.constant 1 : i32
        %eq3A_97 = arith.cmpi eq, %select_n3A_95, %eq3A_96 : i32
        %convert_element_type3A_98 = arith.extui %eq3A_97 : i1 to i32
        %cond3A_99 = arith.constant 0 : i32
        %cond3A_100 = arith.cmpi ne, %convert_element_type3A_98, %cond3A_99 : i32
        scf.if %cond3A_100 {
          "tpu.region"() ({
            %run_scoped3A = tpu.sem_alloc : memref<!tpu.dma_semaphore, #tpu.memory_space<semaphore_mem>>
            %dma_start3A_104 = tpu.memref_slice %arg3[%add3A_58] : memref<262144xi32, #tpu.memory_space<hbm>> -> memref<128xi32, #tpu.memory_space<hbm>>
            %dma_start3A_105 = tpu.memref_slice %arg3[%add3A_58] : memref<262144xi32, #tpu.memory_space<hbm>> -> memref<128xi32, #tpu.memory_space<hbm>>
            tpu.enqueue_dma source(%dma_start3A_105 : memref<128xi32, #tpu.memory_space<hbm>>) target(%arg5 : memref<128xi32, #tpu.memory_space<vmem>>) target_semaphore(%run_scoped3A : memref<!tpu.dma_semaphore, #tpu.memory_space<semaphore_mem>>)
            %dma_wait3A = tpu.memref_slice %arg3[%add3A_58] : memref<262144xi32, #tpu.memory_space<hbm>> -> memref<128xi32, #tpu.memory_space<hbm>>
            %dma_wait3A_106 = tpu.memref_slice %arg3[%add3A_58] : memref<262144xi32, #tpu.memory_space<hbm>> -> memref<128xi32, #tpu.memory_space<hbm>>
            tpu.wait_dma2 semaphore(%run_scoped3A : memref<!tpu.dma_semaphore, #tpu.memory_space<semaphore_mem>>) src(%dma_wait3A_106 : memref<128xi32, #tpu.memory_space<hbm>>) dst(%arg5 : memref<128xi32, #tpu.memory_space<vmem>>)
            tpu.yield
          }) : () -> ()
          %dma_start3A_101 = arith.constant 0 : i32
          %dma_start3A_102 = arith.constant 0 : i32
          %dma_start3A_103 = tpu.memref_slice %arg2[%dma_start3A_101, %dma_start3A_102] : memref<32768x128xf32, #tpu.memory_space<hbm>> -> memref<32768x128xf32, #tpu.memory_space<hbm>>
          tpu.enqueue_indirect_dma source(%dma_start3A_103 : memref<32768x128xf32, #tpu.memory_space<hbm>>) target(%arg6 : memref<128x128xf32, #tpu.memory_space<vmem>>) offsets(%arg5 : memref<128xi32, #tpu.memory_space<vmem>>) semaphore(%arg9 : memref<!tpu.dma_semaphore, #tpu.memory_space<semaphore_mem>>)
        } else {
        }
      } else {
      }
      %jit3A = arith.constant 2 : i32
      %eq3A = arith.constant 0 : i32
      %eq3A_20 = arith.cmpi eq, %jit3A, %eq3A : i32
      %jit3A_21 = arith.constant 1 : i32
      %select_n3A = arith.select %eq3A_20, %jit3A_21, %jit3A : i32
      %rem3A = arith.remsi %scan3A_11, %select_n3A : i32
      %ne3A = arith.constant 0 : i32
      %ne3A_22 = arith.cmpi ne, %rem3A, %ne3A : i32
      %lt3A_23 = arith.constant 0 : i32
      %lt3A_24 = arith.cmpi slt, %rem3A, %lt3A_23 : i32
      %lt3A_25 = arith.constant 0 : i32
      %lt3A_26 = arith.cmpi slt, %select_n3A, %lt3A_25 : i32
      %ne3A_27 = arith.xori %lt3A_24, %lt3A_26 : i1
      %and3A = arith.andi %ne3A_27, %ne3A_22 : i1
      %add3A_28 = arith.addi %rem3A, %select_n3A : i32
      %select_n3A_29 = arith.select %and3A, %add3A_28, %rem3A : i32
      %eq3A_30 = arith.constant 0 : i32
      %eq3A_31 = arith.cmpi eq, %select_n3A_29, %eq3A_30 : i32
      %convert_element_type3A_32 = arith.extui %eq3A_31 : i1 to i32
      %cond3A_33 = arith.constant 0 : i32
      %cond3A_34 = arith.cmpi ne, %convert_element_type3A_32, %cond3A_33 : i32
      scf.if %cond3A_34 {
        %dma_wait3A = arith.constant 0 : i32
        %dma_wait3A_57 = arith.constant 0 : i32
        %dma_wait3A_58 = tpu.memref_slice %arg2[%dma_wait3A, %dma_wait3A_57] : memref<32768x128xf32, #tpu.memory_space<hbm>> -> memref<32768x128xf32, #tpu.memory_space<hbm>>
        tpu.wait_indirect_dma semaphore(%arg9 : memref<!tpu.dma_semaphore, #tpu.memory_space<semaphore_mem>>) src(%dma_wait3A_58 : memref<32768x128xf32, #tpu.memory_space<hbm>>) dst(%arg6 : memref<128x128xf32, #tpu.memory_space<vmem>>)
        "tpu.region"() ({
          %run_scoped3A = tpu.sem_alloc : memref<!tpu.dma_semaphore, #tpu.memory_space<semaphore_mem>>
          %dma_start3A_59 = arith.constant 0 : i32
          %dma_start3A_60 = tpu.memref_slice %arg4[%add3A_15, %dma_start3A_59] : memref<262144x128xf32, #tpu.memory_space<hbm>> -> memref<128x128xf32, #tpu.memory_space<hbm>>
          %dma_start3A_61 = arith.constant 0 : i32
          %dma_start3A_62 = tpu.memref_slice %arg4[%add3A_15, %dma_start3A_61] : memref<262144x128xf32, #tpu.memory_space<hbm>> -> memref<128x128xf32, #tpu.memory_space<hbm>>
          tpu.enqueue_dma source(%arg6 : memref<128x128xf32, #tpu.memory_space<vmem>>) target(%dma_start3A_62 : memref<128x128xf32, #tpu.memory_space<hbm>>) target_semaphore(%run_scoped3A : memref<!tpu.dma_semaphore, #tpu.memory_space<semaphore_mem>>)
          %dma_wait3A_63 = arith.constant 0 : i32
          %dma_wait3A_64 = tpu.memref_slice %arg4[%add3A_15, %dma_wait3A_63] : memref<262144x128xf32, #tpu.memory_space<hbm>> -> memref<128x128xf32, #tpu.memory_space<hbm>>
          %dma_wait3A_65 = arith.constant 0 : i32
          %dma_wait3A_66 = tpu.memref_slice %arg4[%add3A_15, %dma_wait3A_65] : memref<262144x128xf32, #tpu.memory_space<hbm>> -> memref<128x128xf32, #tpu.memory_space<hbm>>
          tpu.wait_dma2 semaphore(%run_scoped3A : memref<!tpu.dma_semaphore, #tpu.memory_space<semaphore_mem>>) src(%arg6 : memref<128x128xf32, #tpu.memory_space<vmem>>) dst(%dma_wait3A_66 : memref<128x128xf32, #tpu.memory_space<hbm>>)
          tpu.yield
        }) : () -> ()
      } else {
      }
      %jit3A_35 = arith.constant 2 : i32
      %eq3A_36 = arith.constant 0 : i32
      %eq3A_37 = arith.cmpi eq, %jit3A_35, %eq3A_36 : i32
      %jit3A_38 = arith.constant 1 : i32
      %select_n3A_39 = arith.select %eq3A_37, %jit3A_38, %jit3A_35 : i32
      %rem3A_40 = arith.remsi %scan3A_11, %select_n3A_39 : i32
      %ne3A_41 = arith.constant 0 : i32
      %ne3A_42 = arith.cmpi ne, %rem3A_40, %ne3A_41 : i32
      %lt3A_43 = arith.constant 0 : i32
      %lt3A_44 = arith.cmpi slt, %rem3A_40, %lt3A_43 : i32
      %lt3A_45 = arith.constant 0 : i32
      %lt3A_46 = arith.cmpi slt, %select_n3A_39, %lt3A_45 : i32
      %ne3A_47 = arith.xori %lt3A_44, %lt3A_46 : i1
      %and3A_48 = arith.andi %ne3A_47, %ne3A_42 : i1
      %add3A_49 = arith.addi %rem3A_40, %select_n3A_39 : i32
      %select_n3A_50 = arith.select %and3A_48, %add3A_49, %rem3A_40 : i32
      %eq3A_51 = arith.constant 1 : i32
      %eq3A_52 = arith.cmpi eq, %select_n3A_50, %eq3A_51 : i32
      %convert_element_type3A_53 = arith.extui %eq3A_52 : i1 to i32
      %cond3A_54 = arith.constant 0 : i32
      %cond3A_55 = arith.cmpi ne, %convert_element_type3A_53, %cond3A_54 : i32
      scf.if %cond3A_55 {
        %dma_wait3A = arith.constant 0 : i32
        %dma_wait3A_57 = arith.constant 0 : i32
        %dma_wait3A_58 = tpu.memref_slice %arg2[%dma_wait3A, %dma_wait3A_57] : memref<32768x128xf32, #tpu.memory_space<hbm>> -> memref<32768x128xf32, #tpu.memory_space<hbm>>
        tpu.wait_indirect_dma semaphore(%arg10 : memref<!tpu.dma_semaphore, #tpu.memory_space<semaphore_mem>>) src(%dma_wait3A_58 : memref<32768x128xf32, #tpu.memory_space<hbm>>) dst(%arg8 : memref<128x128xf32, #tpu.memory_space<vmem>>)
        "tpu.region"() ({
          %run_scoped3A = tpu.sem_alloc : memref<!tpu.dma_semaphore, #tpu.memory_space<semaphore_mem>>
          %dma_start3A_59 = arith.constant 0 : i32
          %dma_start3A_60 = tpu.memref_slice %arg4[%add3A_15, %dma_start3A_59] : memref<262144x128xf32, #tpu.memory_space<hbm>> -> memref<128x128xf32, #tpu.memory_space<hbm>>
          %dma_start3A_61 = arith.constant 0 : i32
          %dma_start3A_62 = tpu.memref_slice %arg4[%add3A_15, %dma_start3A_61] : memref<262144x128xf32, #tpu.memory_space<hbm>> -> memref<128x128xf32, #tpu.memory_space<hbm>>
          tpu.enqueue_dma source(%arg8 : memref<128x128xf32, #tpu.memory_space<vmem>>) target(%dma_start3A_62 : memref<128x128xf32, #tpu.memory_space<hbm>>) target_semaphore(%run_scoped3A : memref<!tpu.dma_semaphore, #tpu.memory_space<semaphore_mem>>)
          %dma_wait3A_63 = arith.constant 0 : i32
          %dma_wait3A_64 = tpu.memref_slice %arg4[%add3A_15, %dma_wait3A_63] : memref<262144x128xf32, #tpu.memory_space<hbm>> -> memref<128x128xf32, #tpu.memory_space<hbm>>
          %dma_wait3A_65 = arith.constant 0 : i32
          %dma_wait3A_66 = tpu.memref_slice %arg4[%add3A_15, %dma_wait3A_65] : memref<262144x128xf32, #tpu.memory_space<hbm>> -> memref<128x128xf32, #tpu.memory_space<hbm>>
          tpu.wait_dma2 semaphore(%run_scoped3A : memref<!tpu.dma_semaphore, #tpu.memory_space<semaphore_mem>>) src(%arg8 : memref<128x128xf32, #tpu.memory_space<vmem>>) dst(%dma_wait3A_66 : memref<128x128xf32, #tpu.memory_space<hbm>>)
          tpu.yield
        }) : () -> ()
      } else {
      }
      %scan3A_56 = arith.constant 0 : i32
      scf.yield %scan3A_56 : i32
    }
    %scan3A_10 = arith.constant 64 : i32
    return
  }
}

#map = affine_map<(d0, d1) -> (0, 0)>
#map1 = affine_map<(d0, d1) -> (0)>
module attributes {stable_mosaic.version = 14 : i64} {
  func.func @k(%arg0: i32, %arg1: i32, %arg2: memref<512x1024xf32, #tpu.memory_space<hbm>>, %arg3: memref<16384xi32, #tpu.memory_space<hbm>>, %arg4: memref<16384x1024xf32, #tpu.memory_space<hbm>>, %arg5: memref<32xi32, #tpu.memory_space<vmem>>, %arg6: memref<32x1024xf32, #tpu.memory_space<vmem>>, %arg7: memref<32xi32, #tpu.memory_space<vmem>>, %arg8: memref<32x1024xf32, #tpu.memory_space<vmem>>, %arg9: memref<!tpu.dma_semaphore, #tpu.memory_space<semaphore_mem>>, %arg10: memref<!tpu.dma_semaphore, #tpu.memory_space<semaphore_mem>>) attributes {dimension_semantics = [#tpu.dimension_semantics<core_parallel>, #tpu.dimension_semantics<subcore_parallel>], iteration_bounds = array<i64: 2, 16>, scalar_prefetch = 0 : i64, scratch_operands = 6 : i64, tpu.core_type = #tpu.core_type<sc_vector_subcore>, window_params = [{transform_indices = #map}, {transform_indices = #map1}, {transform_indices = #map}]} {
    %mul3A = arith.constant 2 : i32
    %mul3A_0 = arith.muli %arg1, %mul3A : i32
    %add3A = arith.addi %mul3A_0, %arg0 : i32
    %mul3A_1 = arith.constant 512 : i32
    %mul3A_2 = arith.muli %add3A, %mul3A_1 : i32
    "tpu.region"() ({
      %run_scoped3A = tpu.sem_alloc : memref<!tpu.dma_semaphore, #tpu.memory_space<semaphore_mem>>
      %dma_start3A_11 = tpu.memref_slice %arg3[%mul3A_2] : memref<16384xi32, #tpu.memory_space<hbm>> -> memref<32xi32, #tpu.memory_space<hbm>>
      %dma_start3A_12 = tpu.memref_slice %arg3[%mul3A_2] : memref<16384xi32, #tpu.memory_space<hbm>> -> memref<32xi32, #tpu.memory_space<hbm>>
      tpu.enqueue_dma source(%dma_start3A_12 : memref<32xi32, #tpu.memory_space<hbm>>) target(%arg5 : memref<32xi32, #tpu.memory_space<vmem>>) target_semaphore(%run_scoped3A : memref<!tpu.dma_semaphore, #tpu.memory_space<semaphore_mem>>)
      %dma_wait3A = tpu.memref_slice %arg3[%mul3A_2] : memref<16384xi32, #tpu.memory_space<hbm>> -> memref<32xi32, #tpu.memory_space<hbm>>
      %dma_wait3A_13 = tpu.memref_slice %arg3[%mul3A_2] : memref<16384xi32, #tpu.memory_space<hbm>> -> memref<32xi32, #tpu.memory_space<hbm>>
      tpu.wait_dma2 semaphore(%run_scoped3A : memref<!tpu.dma_semaphore, #tpu.memory_space<semaphore_mem>>) src(%dma_wait3A_13 : memref<32xi32, #tpu.memory_space<hbm>>) dst(%arg5 : memref<32xi32, #tpu.memory_space<vmem>>)
      tpu.yield
    }) : () -> ()
    %dma_start3A = arith.constant 0 : i32
    %dma_start3A_3 = arith.constant 0 : i32
    %dma_start3A_4 = tpu.memref_slice %arg2[%dma_start3A, %dma_start3A_3] : memref<512x1024xf32, #tpu.memory_space<hbm>> -> memref<512x1024xf32, #tpu.memory_space<hbm>>
    tpu.enqueue_indirect_dma source(%dma_start3A_4 : memref<512x1024xf32, #tpu.memory_space<hbm>>) target(%arg6 : memref<32x1024xf32, #tpu.memory_space<vmem>>) offsets(%arg5 : memref<32xi32, #tpu.memory_space<vmem>>) semaphore(%arg9 : memref<!tpu.dma_semaphore, #tpu.memory_space<semaphore_mem>>)
    %scan3A = arith.constant 0 : i32
    %scan3A_5 = arith.constant 0 : i32
    %scan3A_6 = arith.constant 16 : i32
    %scan3A_7 = arith.addi %scan3A_5, %scan3A_6 : i32
    %scan3A_8 = arith.constant 1 : i32
    %scan3A_9 = scf.for %scan3A_11 = %scan3A_5 to %scan3A_7 step %scan3A_8 iter_args(%scan3A_12 = %scan3A) -> (i32)  : i32 {
      %mul3A_13 = arith.constant 32 : i32
      %mul3A_14 = arith.muli %scan3A_11, %mul3A_13 : i32
      %add3A_15 = arith.addi %mul3A_2, %mul3A_14 : i32
      %add3A_16 = arith.constant 1 : i32
      %add3A_17 = arith.addi %scan3A_11, %add3A_16 : i32
      %lt3A = arith.constant 16 : i32
      %lt3A_18 = arith.cmpi slt, %add3A_17, %lt3A : i32
      %convert_element_type3A = arith.extui %lt3A_18 : i1 to i32
      %cond3A = arith.constant 0 : i32
      %cond3A_19 = arith.cmpi ne, %convert_element_type3A, %cond3A : i32
      scf.if %cond3A_19 {
        %add3A_57 = arith.constant 32 : i32
        %add3A_58 = arith.addi %add3A_15, %add3A_57 : i32
        %jit3A_59 = arith.constant 2 : i32
        %eq3A_60 = arith.constant 0 : i32
        %eq3A_61 = arith.cmpi eq, %jit3A_59, %eq3A_60 : i32
        %jit3A_62 = arith.constant 1 : i32
        %select_n3A_63 = arith.select %eq3A_61, %jit3A_62, %jit3A_59 : i32
        %rem3A_64 = arith.remsi %scan3A_11, %select_n3A_63 : i32
        %ne3A_65 = arith.constant 0 : i32
        %ne3A_66 = arith.cmpi ne, %rem3A_64, %ne3A_65 : i32
        %lt3A_67 = arith.constant 0 : i32
        %lt3A_68 = arith.cmpi slt, %rem3A_64, %lt3A_67 : i32
        %lt3A_69 = arith.constant 0 : i32
        %lt3A_70 = arith.cmpi slt, %select_n3A_63, %lt3A_69 : i32
        %ne3A_71 = arith.xori %lt3A_68, %lt3A_70 : i1
        %and3A_72 = arith.andi %ne3A_71, %ne3A_66 : i1
        %add3A_73 = arith.addi %rem3A_64, %select_n3A_63 : i32
        %select_n3A_74 = arith.select %and3A_72, %add3A_73, %rem3A_64 : i32
        %eq3A_75 = arith.constant 0 : i32
        %eq3A_76 = arith.cmpi eq, %select_n3A_74, %eq3A_75 : i32
        %convert_element_type3A_77 = arith.extui %eq3A_76 : i1 to i32
        %cond3A_78 = arith.constant 0 : i32
        %cond3A_79 = arith.cmpi ne, %convert_element_type3A_77, %cond3A_78 : i32
        scf.if %cond3A_79 {
          "tpu.region"() ({
            %run_scoped3A = tpu.sem_alloc : memref<!tpu.dma_semaphore, #tpu.memory_space<semaphore_mem>>
            %dma_start3A_104 = tpu.memref_slice %arg3[%add3A_58] : memref<16384xi32, #tpu.memory_space<hbm>> -> memref<32xi32, #tpu.memory_space<hbm>>
            %dma_start3A_105 = tpu.memref_slice %arg3[%add3A_58] : memref<16384xi32, #tpu.memory_space<hbm>> -> memref<32xi32, #tpu.memory_space<hbm>>
            tpu.enqueue_dma source(%dma_start3A_105 : memref<32xi32, #tpu.memory_space<hbm>>) target(%arg7 : memref<32xi32, #tpu.memory_space<vmem>>) target_semaphore(%run_scoped3A : memref<!tpu.dma_semaphore, #tpu.memory_space<semaphore_mem>>)
            %dma_wait3A = tpu.memref_slice %arg3[%add3A_58] : memref<16384xi32, #tpu.memory_space<hbm>> -> memref<32xi32, #tpu.memory_space<hbm>>
            %dma_wait3A_106 = tpu.memref_slice %arg3[%add3A_58] : memref<16384xi32, #tpu.memory_space<hbm>> -> memref<32xi32, #tpu.memory_space<hbm>>
            tpu.wait_dma2 semaphore(%run_scoped3A : memref<!tpu.dma_semaphore, #tpu.memory_space<semaphore_mem>>) src(%dma_wait3A_106 : memref<32xi32, #tpu.memory_space<hbm>>) dst(%arg7 : memref<32xi32, #tpu.memory_space<vmem>>)
            tpu.yield
          }) : () -> ()
          %dma_start3A_101 = arith.constant 0 : i32
          %dma_start3A_102 = arith.constant 0 : i32
          %dma_start3A_103 = tpu.memref_slice %arg2[%dma_start3A_101, %dma_start3A_102] : memref<512x1024xf32, #tpu.memory_space<hbm>> -> memref<512x1024xf32, #tpu.memory_space<hbm>>
          tpu.enqueue_indirect_dma source(%dma_start3A_103 : memref<512x1024xf32, #tpu.memory_space<hbm>>) target(%arg8 : memref<32x1024xf32, #tpu.memory_space<vmem>>) offsets(%arg7 : memref<32xi32, #tpu.memory_space<vmem>>) semaphore(%arg10 : memref<!tpu.dma_semaphore, #tpu.memory_space<semaphore_mem>>)
        } else {
        }
        %jit3A_80 = arith.constant 2 : i32
        %eq3A_81 = arith.constant 0 : i32
        %eq3A_82 = arith.cmpi eq, %jit3A_80, %eq3A_81 : i32
        %jit3A_83 = arith.constant 1 : i32
        %select_n3A_84 = arith.select %eq3A_82, %jit3A_83, %jit3A_80 : i32
        %rem3A_85 = arith.remsi %scan3A_11, %select_n3A_84 : i32
        %ne3A_86 = arith.constant 0 : i32
        %ne3A_87 = arith.cmpi ne, %rem3A_85, %ne3A_86 : i32
        %lt3A_88 = arith.constant 0 : i32
        %lt3A_89 = arith.cmpi slt, %rem3A_85, %lt3A_88 : i32
        %lt3A_90 = arith.constant 0 : i32
        %lt3A_91 = arith.cmpi slt, %select_n3A_84, %lt3A_90 : i32
        %ne3A_92 = arith.xori %lt3A_89, %lt3A_91 : i1
        %and3A_93 = arith.andi %ne3A_92, %ne3A_87 : i1
        %add3A_94 = arith.addi %rem3A_85, %select_n3A_84 : i32
        %select_n3A_95 = arith.select %and3A_93, %add3A_94, %rem3A_85 : i32
        %eq3A_96 = arith.constant 1 : i32
        %eq3A_97 = arith.cmpi eq, %select_n3A_95, %eq3A_96 : i32
        %convert_element_type3A_98 = arith.extui %eq3A_97 : i1 to i32
        %cond3A_99 = arith.constant 0 : i32
        %cond3A_100 = arith.cmpi ne, %convert_element_type3A_98, %cond3A_99 : i32
        scf.if %cond3A_100 {
          "tpu.region"() ({
            %run_scoped3A = tpu.sem_alloc : memref<!tpu.dma_semaphore, #tpu.memory_space<semaphore_mem>>
            %dma_start3A_104 = tpu.memref_slice %arg3[%add3A_58] : memref<16384xi32, #tpu.memory_space<hbm>> -> memref<32xi32, #tpu.memory_space<hbm>>
            %dma_start3A_105 = tpu.memref_slice %arg3[%add3A_58] : memref<16384xi32, #tpu.memory_space<hbm>> -> memref<32xi32, #tpu.memory_space<hbm>>
            tpu.enqueue_dma source(%dma_start3A_105 : memref<32xi32, #tpu.memory_space<hbm>>) target(%arg5 : memref<32xi32, #tpu.memory_space<vmem>>) target_semaphore(%run_scoped3A : memref<!tpu.dma_semaphore, #tpu.memory_space<semaphore_mem>>)
            %dma_wait3A = tpu.memref_slice %arg3[%add3A_58] : memref<16384xi32, #tpu.memory_space<hbm>> -> memref<32xi32, #tpu.memory_space<hbm>>
            %dma_wait3A_106 = tpu.memref_slice %arg3[%add3A_58] : memref<16384xi32, #tpu.memory_space<hbm>> -> memref<32xi32, #tpu.memory_space<hbm>>
            tpu.wait_dma2 semaphore(%run_scoped3A : memref<!tpu.dma_semaphore, #tpu.memory_space<semaphore_mem>>) src(%dma_wait3A_106 : memref<32xi32, #tpu.memory_space<hbm>>) dst(%arg5 : memref<32xi32, #tpu.memory_space<vmem>>)
            tpu.yield
          }) : () -> ()
          %dma_start3A_101 = arith.constant 0 : i32
          %dma_start3A_102 = arith.constant 0 : i32
          %dma_start3A_103 = tpu.memref_slice %arg2[%dma_start3A_101, %dma_start3A_102] : memref<512x1024xf32, #tpu.memory_space<hbm>> -> memref<512x1024xf32, #tpu.memory_space<hbm>>
          tpu.enqueue_indirect_dma source(%dma_start3A_103 : memref<512x1024xf32, #tpu.memory_space<hbm>>) target(%arg6 : memref<32x1024xf32, #tpu.memory_space<vmem>>) offsets(%arg5 : memref<32xi32, #tpu.memory_space<vmem>>) semaphore(%arg9 : memref<!tpu.dma_semaphore, #tpu.memory_space<semaphore_mem>>)
        } else {
        }
      } else {
      }
      %jit3A = arith.constant 2 : i32
      %eq3A = arith.constant 0 : i32
      %eq3A_20 = arith.cmpi eq, %jit3A, %eq3A : i32
      %jit3A_21 = arith.constant 1 : i32
      %select_n3A = arith.select %eq3A_20, %jit3A_21, %jit3A : i32
      %rem3A = arith.remsi %scan3A_11, %select_n3A : i32
      %ne3A = arith.constant 0 : i32
      %ne3A_22 = arith.cmpi ne, %rem3A, %ne3A : i32
      %lt3A_23 = arith.constant 0 : i32
      %lt3A_24 = arith.cmpi slt, %rem3A, %lt3A_23 : i32
      %lt3A_25 = arith.constant 0 : i32
      %lt3A_26 = arith.cmpi slt, %select_n3A, %lt3A_25 : i32
      %ne3A_27 = arith.xori %lt3A_24, %lt3A_26 : i1
      %and3A = arith.andi %ne3A_27, %ne3A_22 : i1
      %add3A_28 = arith.addi %rem3A, %select_n3A : i32
      %select_n3A_29 = arith.select %and3A, %add3A_28, %rem3A : i32
      %eq3A_30 = arith.constant 0 : i32
      %eq3A_31 = arith.cmpi eq, %select_n3A_29, %eq3A_30 : i32
      %convert_element_type3A_32 = arith.extui %eq3A_31 : i1 to i32
      %cond3A_33 = arith.constant 0 : i32
      %cond3A_34 = arith.cmpi ne, %convert_element_type3A_32, %cond3A_33 : i32
      scf.if %cond3A_34 {
        %dma_wait3A = arith.constant 0 : i32
        %dma_wait3A_57 = arith.constant 0 : i32
        %dma_wait3A_58 = tpu.memref_slice %arg2[%dma_wait3A, %dma_wait3A_57] : memref<512x1024xf32, #tpu.memory_space<hbm>> -> memref<512x1024xf32, #tpu.memory_space<hbm>>
        tpu.wait_indirect_dma semaphore(%arg9 : memref<!tpu.dma_semaphore, #tpu.memory_space<semaphore_mem>>) src(%dma_wait3A_58 : memref<512x1024xf32, #tpu.memory_space<hbm>>) dst(%arg6 : memref<32x1024xf32, #tpu.memory_space<vmem>>)
        "tpu.region"() ({
          %run_scoped3A = tpu.sem_alloc : memref<!tpu.dma_semaphore, #tpu.memory_space<semaphore_mem>>
          %dma_start3A_59 = arith.constant 0 : i32
          %dma_start3A_60 = tpu.memref_slice %arg4[%add3A_15, %dma_start3A_59] : memref<16384x1024xf32, #tpu.memory_space<hbm>> -> memref<32x1024xf32, #tpu.memory_space<hbm>>
          %dma_start3A_61 = arith.constant 0 : i32
          %dma_start3A_62 = tpu.memref_slice %arg4[%add3A_15, %dma_start3A_61] : memref<16384x1024xf32, #tpu.memory_space<hbm>> -> memref<32x1024xf32, #tpu.memory_space<hbm>>
          tpu.enqueue_dma source(%arg6 : memref<32x1024xf32, #tpu.memory_space<vmem>>) target(%dma_start3A_62 : memref<32x1024xf32, #tpu.memory_space<hbm>>) target_semaphore(%run_scoped3A : memref<!tpu.dma_semaphore, #tpu.memory_space<semaphore_mem>>)
          %dma_wait3A_63 = arith.constant 0 : i32
          %dma_wait3A_64 = tpu.memref_slice %arg4[%add3A_15, %dma_wait3A_63] : memref<16384x1024xf32, #tpu.memory_space<hbm>> -> memref<32x1024xf32, #tpu.memory_space<hbm>>
          %dma_wait3A_65 = arith.constant 0 : i32
          %dma_wait3A_66 = tpu.memref_slice %arg4[%add3A_15, %dma_wait3A_65] : memref<16384x1024xf32, #tpu.memory_space<hbm>> -> memref<32x1024xf32, #tpu.memory_space<hbm>>
          tpu.wait_dma2 semaphore(%run_scoped3A : memref<!tpu.dma_semaphore, #tpu.memory_space<semaphore_mem>>) src(%arg6 : memref<32x1024xf32, #tpu.memory_space<vmem>>) dst(%dma_wait3A_66 : memref<32x1024xf32, #tpu.memory_space<hbm>>)
          tpu.yield
        }) : () -> ()
      } else {
      }
      %jit3A_35 = arith.constant 2 : i32
      %eq3A_36 = arith.constant 0 : i32
      %eq3A_37 = arith.cmpi eq, %jit3A_35, %eq3A_36 : i32
      %jit3A_38 = arith.constant 1 : i32
      %select_n3A_39 = arith.select %eq3A_37, %jit3A_38, %jit3A_35 : i32
      %rem3A_40 = arith.remsi %scan3A_11, %select_n3A_39 : i32
      %ne3A_41 = arith.constant 0 : i32
      %ne3A_42 = arith.cmpi ne, %rem3A_40, %ne3A_41 : i32
      %lt3A_43 = arith.constant 0 : i32
      %lt3A_44 = arith.cmpi slt, %rem3A_40, %lt3A_43 : i32
      %lt3A_45 = arith.constant 0 : i32
      %lt3A_46 = arith.cmpi slt, %select_n3A_39, %lt3A_45 : i32
      %ne3A_47 = arith.xori %lt3A_44, %lt3A_46 : i1
      %and3A_48 = arith.andi %ne3A_47, %ne3A_42 : i1
      %add3A_49 = arith.addi %rem3A_40, %select_n3A_39 : i32
      %select_n3A_50 = arith.select %and3A_48, %add3A_49, %rem3A_40 : i32
      %eq3A_51 = arith.constant 1 : i32
      %eq3A_52 = arith.cmpi eq, %select_n3A_50, %eq3A_51 : i32
      %convert_element_type3A_53 = arith.extui %eq3A_52 : i1 to i32
      %cond3A_54 = arith.constant 0 : i32
      %cond3A_55 = arith.cmpi ne, %convert_element_type3A_53, %cond3A_54 : i32
      scf.if %cond3A_55 {
        %dma_wait3A = arith.constant 0 : i32
        %dma_wait3A_57 = arith.constant 0 : i32
        %dma_wait3A_58 = tpu.memref_slice %arg2[%dma_wait3A, %dma_wait3A_57] : memref<512x1024xf32, #tpu.memory_space<hbm>> -> memref<512x1024xf32, #tpu.memory_space<hbm>>
        tpu.wait_indirect_dma semaphore(%arg10 : memref<!tpu.dma_semaphore, #tpu.memory_space<semaphore_mem>>) src(%dma_wait3A_58 : memref<512x1024xf32, #tpu.memory_space<hbm>>) dst(%arg8 : memref<32x1024xf32, #tpu.memory_space<vmem>>)
        "tpu.region"() ({
          %run_scoped3A = tpu.sem_alloc : memref<!tpu.dma_semaphore, #tpu.memory_space<semaphore_mem>>
          %dma_start3A_59 = arith.constant 0 : i32
          %dma_start3A_60 = tpu.memref_slice %arg4[%add3A_15, %dma_start3A_59] : memref<16384x1024xf32, #tpu.memory_space<hbm>> -> memref<32x1024xf32, #tpu.memory_space<hbm>>
          %dma_start3A_61 = arith.constant 0 : i32
          %dma_start3A_62 = tpu.memref_slice %arg4[%add3A_15, %dma_start3A_61] : memref<16384x1024xf32, #tpu.memory_space<hbm>> -> memref<32x1024xf32, #tpu.memory_space<hbm>>
          tpu.enqueue_dma source(%arg8 : memref<32x1024xf32, #tpu.memory_space<vmem>>) target(%dma_start3A_62 : memref<32x1024xf32, #tpu.memory_space<hbm>>) target_semaphore(%run_scoped3A : memref<!tpu.dma_semaphore, #tpu.memory_space<semaphore_mem>>)
          %dma_wait3A_63 = arith.constant 0 : i32
          %dma_wait3A_64 = tpu.memref_slice %arg4[%add3A_15, %dma_wait3A_63] : memref<16384x1024xf32, #tpu.memory_space<hbm>> -> memref<32x1024xf32, #tpu.memory_space<hbm>>
          %dma_wait3A_65 = arith.constant 0 : i32
          %dma_wait3A_66 = tpu.memref_slice %arg4[%add3A_15, %dma_wait3A_65] : memref<16384x1024xf32, #tpu.memory_space<hbm>> -> memref<32x1024xf32, #tpu.memory_space<hbm>>
          tpu.wait_dma2 semaphore(%run_scoped3A : memref<!tpu.dma_semaphore, #tpu.memory_space<semaphore_mem>>) src(%arg8 : memref<32x1024xf32, #tpu.memory_space<vmem>>) dst(%dma_wait3A_66 : memref<32x1024xf32, #tpu.memory_space<hbm>>)
          tpu.yield
        }) : () -> ()
      } else {
      }
      %scan3A_56 = arith.constant 0 : i32
      scf.yield %scan3A_56 : i32
    }
    %scan3A_10 = arith.constant 16 : i32
    return
  }
}

#map = affine_map<(d0, d1) -> (0, 0)>
#map1 = affine_map<(d0, d1) -> (0)>
module attributes {stable_mosaic.version = 14 : i64} {
  func.func @k(%arg0: i32, %arg1: i32, %arg2: memref<8192x256xf32, #tpu.memory_space<hbm>>, %arg3: memref<131072xi32, #tpu.memory_space<hbm>>, %arg4: memref<131072x256xf32, #tpu.memory_space<hbm>>, %arg5: memref<128xi32, #tpu.memory_space<vmem>>, %arg6: memref<128x256xf32, #tpu.memory_space<vmem>>, %arg7: memref<128xi32, #tpu.memory_space<vmem>>, %arg8: memref<128x256xf32, #tpu.memory_space<vmem>>, %arg9: memref<!tpu.dma_semaphore, #tpu.memory_space<semaphore_mem>>, %arg10: memref<!tpu.dma_semaphore, #tpu.memory_space<semaphore_mem>>) attributes {dimension_semantics = [#tpu.dimension_semantics<core_parallel>, #tpu.dimension_semantics<subcore_parallel>], iteration_bounds = array<i64: 2, 16>, scalar_prefetch = 0 : i64, scratch_operands = 6 : i64, tpu.core_type = #tpu.core_type<sc_vector_subcore>, window_params = [{transform_indices = #map}, {transform_indices = #map1}, {transform_indices = #map}]} {
    %mul3A = arith.constant 2 : i32
    %mul3A_0 = arith.muli %arg1, %mul3A : i32
    %add3A = arith.addi %mul3A_0, %arg0 : i32
    %mul3A_1 = arith.constant 4096 : i32
    %mul3A_2 = arith.muli %add3A, %mul3A_1 : i32
    "tpu.region"() ({
      %run_scoped3A = tpu.sem_alloc : memref<!tpu.dma_semaphore, #tpu.memory_space<semaphore_mem>>
      %dma_start3A_11 = tpu.memref_slice %arg3[%mul3A_2] : memref<131072xi32, #tpu.memory_space<hbm>> -> memref<128xi32, #tpu.memory_space<hbm>>
      %dma_start3A_12 = tpu.memref_slice %arg3[%mul3A_2] : memref<131072xi32, #tpu.memory_space<hbm>> -> memref<128xi32, #tpu.memory_space<hbm>>
      tpu.enqueue_dma source(%dma_start3A_12 : memref<128xi32, #tpu.memory_space<hbm>>) target(%arg5 : memref<128xi32, #tpu.memory_space<vmem>>) target_semaphore(%run_scoped3A : memref<!tpu.dma_semaphore, #tpu.memory_space<semaphore_mem>>)
      %dma_wait3A = tpu.memref_slice %arg3[%mul3A_2] : memref<131072xi32, #tpu.memory_space<hbm>> -> memref<128xi32, #tpu.memory_space<hbm>>
      %dma_wait3A_13 = tpu.memref_slice %arg3[%mul3A_2] : memref<131072xi32, #tpu.memory_space<hbm>> -> memref<128xi32, #tpu.memory_space<hbm>>
      tpu.wait_dma2 semaphore(%run_scoped3A : memref<!tpu.dma_semaphore, #tpu.memory_space<semaphore_mem>>) src(%dma_wait3A_13 : memref<128xi32, #tpu.memory_space<hbm>>) dst(%arg5 : memref<128xi32, #tpu.memory_space<vmem>>)
      tpu.yield
    }) : () -> ()
    %dma_start3A = arith.constant 0 : i32
    %dma_start3A_3 = arith.constant 0 : i32
    %dma_start3A_4 = tpu.memref_slice %arg2[%dma_start3A, %dma_start3A_3] : memref<8192x256xf32, #tpu.memory_space<hbm>> -> memref<8192x256xf32, #tpu.memory_space<hbm>>
    tpu.enqueue_indirect_dma source(%dma_start3A_4 : memref<8192x256xf32, #tpu.memory_space<hbm>>) target(%arg6 : memref<128x256xf32, #tpu.memory_space<vmem>>) offsets(%arg5 : memref<128xi32, #tpu.memory_space<vmem>>) semaphore(%arg9 : memref<!tpu.dma_semaphore, #tpu.memory_space<semaphore_mem>>)
    %scan3A = arith.constant 0 : i32
    %scan3A_5 = arith.constant 0 : i32
    %scan3A_6 = arith.constant 32 : i32
    %scan3A_7 = arith.addi %scan3A_5, %scan3A_6 : i32
    %scan3A_8 = arith.constant 1 : i32
    %scan3A_9 = scf.for %scan3A_11 = %scan3A_5 to %scan3A_7 step %scan3A_8 iter_args(%scan3A_12 = %scan3A) -> (i32)  : i32 {
      %mul3A_13 = arith.constant 128 : i32
      %mul3A_14 = arith.muli %scan3A_11, %mul3A_13 : i32
      %add3A_15 = arith.addi %mul3A_2, %mul3A_14 : i32
      %add3A_16 = arith.constant 1 : i32
      %add3A_17 = arith.addi %scan3A_11, %add3A_16 : i32
      %lt3A = arith.constant 32 : i32
      %lt3A_18 = arith.cmpi slt, %add3A_17, %lt3A : i32
      %convert_element_type3A = arith.extui %lt3A_18 : i1 to i32
      %cond3A = arith.constant 0 : i32
      %cond3A_19 = arith.cmpi ne, %convert_element_type3A, %cond3A : i32
      scf.if %cond3A_19 {
        %add3A_57 = arith.constant 128 : i32
        %add3A_58 = arith.addi %add3A_15, %add3A_57 : i32
        %jit3A_59 = arith.constant 2 : i32
        %eq3A_60 = arith.constant 0 : i32
        %eq3A_61 = arith.cmpi eq, %jit3A_59, %eq3A_60 : i32
        %jit3A_62 = arith.constant 1 : i32
        %select_n3A_63 = arith.select %eq3A_61, %jit3A_62, %jit3A_59 : i32
        %rem3A_64 = arith.remsi %scan3A_11, %select_n3A_63 : i32
        %ne3A_65 = arith.constant 0 : i32
        %ne3A_66 = arith.cmpi ne, %rem3A_64, %ne3A_65 : i32
        %lt3A_67 = arith.constant 0 : i32
        %lt3A_68 = arith.cmpi slt, %rem3A_64, %lt3A_67 : i32
        %lt3A_69 = arith.constant 0 : i32
        %lt3A_70 = arith.cmpi slt, %select_n3A_63, %lt3A_69 : i32
        %ne3A_71 = arith.xori %lt3A_68, %lt3A_70 : i1
        %and3A_72 = arith.andi %ne3A_71, %ne3A_66 : i1
        %add3A_73 = arith.addi %rem3A_64, %select_n3A_63 : i32
        %select_n3A_74 = arith.select %and3A_72, %add3A_73, %rem3A_64 : i32
        %eq3A_75 = arith.constant 0 : i32
        %eq3A_76 = arith.cmpi eq, %select_n3A_74, %eq3A_75 : i32
        %convert_element_type3A_77 = arith.extui %eq3A_76 : i1 to i32
        %cond3A_78 = arith.constant 0 : i32
        %cond3A_79 = arith.cmpi ne, %convert_element_type3A_77, %cond3A_78 : i32
        scf.if %cond3A_79 {
          "tpu.region"() ({
            %run_scoped3A = tpu.sem_alloc : memref<!tpu.dma_semaphore, #tpu.memory_space<semaphore_mem>>
            %dma_start3A_104 = tpu.memref_slice %arg3[%add3A_58] : memref<131072xi32, #tpu.memory_space<hbm>> -> memref<128xi32, #tpu.memory_space<hbm>>
            %dma_start3A_105 = tpu.memref_slice %arg3[%add3A_58] : memref<131072xi32, #tpu.memory_space<hbm>> -> memref<128xi32, #tpu.memory_space<hbm>>
            tpu.enqueue_dma source(%dma_start3A_105 : memref<128xi32, #tpu.memory_space<hbm>>) target(%arg7 : memref<128xi32, #tpu.memory_space<vmem>>) target_semaphore(%run_scoped3A : memref<!tpu.dma_semaphore, #tpu.memory_space<semaphore_mem>>)
            %dma_wait3A = tpu.memref_slice %arg3[%add3A_58] : memref<131072xi32, #tpu.memory_space<hbm>> -> memref<128xi32, #tpu.memory_space<hbm>>
            %dma_wait3A_106 = tpu.memref_slice %arg3[%add3A_58] : memref<131072xi32, #tpu.memory_space<hbm>> -> memref<128xi32, #tpu.memory_space<hbm>>
            tpu.wait_dma2 semaphore(%run_scoped3A : memref<!tpu.dma_semaphore, #tpu.memory_space<semaphore_mem>>) src(%dma_wait3A_106 : memref<128xi32, #tpu.memory_space<hbm>>) dst(%arg7 : memref<128xi32, #tpu.memory_space<vmem>>)
            tpu.yield
          }) : () -> ()
          %dma_start3A_101 = arith.constant 0 : i32
          %dma_start3A_102 = arith.constant 0 : i32
          %dma_start3A_103 = tpu.memref_slice %arg2[%dma_start3A_101, %dma_start3A_102] : memref<8192x256xf32, #tpu.memory_space<hbm>> -> memref<8192x256xf32, #tpu.memory_space<hbm>>
          tpu.enqueue_indirect_dma source(%dma_start3A_103 : memref<8192x256xf32, #tpu.memory_space<hbm>>) target(%arg8 : memref<128x256xf32, #tpu.memory_space<vmem>>) offsets(%arg7 : memref<128xi32, #tpu.memory_space<vmem>>) semaphore(%arg10 : memref<!tpu.dma_semaphore, #tpu.memory_space<semaphore_mem>>)
        } else {
        }
        %jit3A_80 = arith.constant 2 : i32
        %eq3A_81 = arith.constant 0 : i32
        %eq3A_82 = arith.cmpi eq, %jit3A_80, %eq3A_81 : i32
        %jit3A_83 = arith.constant 1 : i32
        %select_n3A_84 = arith.select %eq3A_82, %jit3A_83, %jit3A_80 : i32
        %rem3A_85 = arith.remsi %scan3A_11, %select_n3A_84 : i32
        %ne3A_86 = arith.constant 0 : i32
        %ne3A_87 = arith.cmpi ne, %rem3A_85, %ne3A_86 : i32
        %lt3A_88 = arith.constant 0 : i32
        %lt3A_89 = arith.cmpi slt, %rem3A_85, %lt3A_88 : i32
        %lt3A_90 = arith.constant 0 : i32
        %lt3A_91 = arith.cmpi slt, %select_n3A_84, %lt3A_90 : i32
        %ne3A_92 = arith.xori %lt3A_89, %lt3A_91 : i1
        %and3A_93 = arith.andi %ne3A_92, %ne3A_87 : i1
        %add3A_94 = arith.addi %rem3A_85, %select_n3A_84 : i32
        %select_n3A_95 = arith.select %and3A_93, %add3A_94, %rem3A_85 : i32
        %eq3A_96 = arith.constant 1 : i32
        %eq3A_97 = arith.cmpi eq, %select_n3A_95, %eq3A_96 : i32
        %convert_element_type3A_98 = arith.extui %eq3A_97 : i1 to i32
        %cond3A_99 = arith.constant 0 : i32
        %cond3A_100 = arith.cmpi ne, %convert_element_type3A_98, %cond3A_99 : i32
        scf.if %cond3A_100 {
          "tpu.region"() ({
            %run_scoped3A = tpu.sem_alloc : memref<!tpu.dma_semaphore, #tpu.memory_space<semaphore_mem>>
            %dma_start3A_104 = tpu.memref_slice %arg3[%add3A_58] : memref<131072xi32, #tpu.memory_space<hbm>> -> memref<128xi32, #tpu.memory_space<hbm>>
            %dma_start3A_105 = tpu.memref_slice %arg3[%add3A_58] : memref<131072xi32, #tpu.memory_space<hbm>> -> memref<128xi32, #tpu.memory_space<hbm>>
            tpu.enqueue_dma source(%dma_start3A_105 : memref<128xi32, #tpu.memory_space<hbm>>) target(%arg5 : memref<128xi32, #tpu.memory_space<vmem>>) target_semaphore(%run_scoped3A : memref<!tpu.dma_semaphore, #tpu.memory_space<semaphore_mem>>)
            %dma_wait3A = tpu.memref_slice %arg3[%add3A_58] : memref<131072xi32, #tpu.memory_space<hbm>> -> memref<128xi32, #tpu.memory_space<hbm>>
            %dma_wait3A_106 = tpu.memref_slice %arg3[%add3A_58] : memref<131072xi32, #tpu.memory_space<hbm>> -> memref<128xi32, #tpu.memory_space<hbm>>
            tpu.wait_dma2 semaphore(%run_scoped3A : memref<!tpu.dma_semaphore, #tpu.memory_space<semaphore_mem>>) src(%dma_wait3A_106 : memref<128xi32, #tpu.memory_space<hbm>>) dst(%arg5 : memref<128xi32, #tpu.memory_space<vmem>>)
            tpu.yield
          }) : () -> ()
          %dma_start3A_101 = arith.constant 0 : i32
          %dma_start3A_102 = arith.constant 0 : i32
          %dma_start3A_103 = tpu.memref_slice %arg2[%dma_start3A_101, %dma_start3A_102] : memref<8192x256xf32, #tpu.memory_space<hbm>> -> memref<8192x256xf32, #tpu.memory_space<hbm>>
          tpu.enqueue_indirect_dma source(%dma_start3A_103 : memref<8192x256xf32, #tpu.memory_space<hbm>>) target(%arg6 : memref<128x256xf32, #tpu.memory_space<vmem>>) offsets(%arg5 : memref<128xi32, #tpu.memory_space<vmem>>) semaphore(%arg9 : memref<!tpu.dma_semaphore, #tpu.memory_space<semaphore_mem>>)
        } else {
        }
      } else {
      }
      %jit3A = arith.constant 2 : i32
      %eq3A = arith.constant 0 : i32
      %eq3A_20 = arith.cmpi eq, %jit3A, %eq3A : i32
      %jit3A_21 = arith.constant 1 : i32
      %select_n3A = arith.select %eq3A_20, %jit3A_21, %jit3A : i32
      %rem3A = arith.remsi %scan3A_11, %select_n3A : i32
      %ne3A = arith.constant 0 : i32
      %ne3A_22 = arith.cmpi ne, %rem3A, %ne3A : i32
      %lt3A_23 = arith.constant 0 : i32
      %lt3A_24 = arith.cmpi slt, %rem3A, %lt3A_23 : i32
      %lt3A_25 = arith.constant 0 : i32
      %lt3A_26 = arith.cmpi slt, %select_n3A, %lt3A_25 : i32
      %ne3A_27 = arith.xori %lt3A_24, %lt3A_26 : i1
      %and3A = arith.andi %ne3A_27, %ne3A_22 : i1
      %add3A_28 = arith.addi %rem3A, %select_n3A : i32
      %select_n3A_29 = arith.select %and3A, %add3A_28, %rem3A : i32
      %eq3A_30 = arith.constant 0 : i32
      %eq3A_31 = arith.cmpi eq, %select_n3A_29, %eq3A_30 : i32
      %convert_element_type3A_32 = arith.extui %eq3A_31 : i1 to i32
      %cond3A_33 = arith.constant 0 : i32
      %cond3A_34 = arith.cmpi ne, %convert_element_type3A_32, %cond3A_33 : i32
      scf.if %cond3A_34 {
        %dma_wait3A = arith.constant 0 : i32
        %dma_wait3A_57 = arith.constant 0 : i32
        %dma_wait3A_58 = tpu.memref_slice %arg2[%dma_wait3A, %dma_wait3A_57] : memref<8192x256xf32, #tpu.memory_space<hbm>> -> memref<8192x256xf32, #tpu.memory_space<hbm>>
        tpu.wait_indirect_dma semaphore(%arg9 : memref<!tpu.dma_semaphore, #tpu.memory_space<semaphore_mem>>) src(%dma_wait3A_58 : memref<8192x256xf32, #tpu.memory_space<hbm>>) dst(%arg6 : memref<128x256xf32, #tpu.memory_space<vmem>>)
        "tpu.region"() ({
          %run_scoped3A = tpu.sem_alloc : memref<!tpu.dma_semaphore, #tpu.memory_space<semaphore_mem>>
          %dma_start3A_59 = arith.constant 0 : i32
          %dma_start3A_60 = tpu.memref_slice %arg4[%add3A_15, %dma_start3A_59] : memref<131072x256xf32, #tpu.memory_space<hbm>> -> memref<128x256xf32, #tpu.memory_space<hbm>>
          %dma_start3A_61 = arith.constant 0 : i32
          %dma_start3A_62 = tpu.memref_slice %arg4[%add3A_15, %dma_start3A_61] : memref<131072x256xf32, #tpu.memory_space<hbm>> -> memref<128x256xf32, #tpu.memory_space<hbm>>
          tpu.enqueue_dma source(%arg6 : memref<128x256xf32, #tpu.memory_space<vmem>>) target(%dma_start3A_62 : memref<128x256xf32, #tpu.memory_space<hbm>>) target_semaphore(%run_scoped3A : memref<!tpu.dma_semaphore, #tpu.memory_space<semaphore_mem>>)
          %dma_wait3A_63 = arith.constant 0 : i32
          %dma_wait3A_64 = tpu.memref_slice %arg4[%add3A_15, %dma_wait3A_63] : memref<131072x256xf32, #tpu.memory_space<hbm>> -> memref<128x256xf32, #tpu.memory_space<hbm>>
          %dma_wait3A_65 = arith.constant 0 : i32
          %dma_wait3A_66 = tpu.memref_slice %arg4[%add3A_15, %dma_wait3A_65] : memref<131072x256xf32, #tpu.memory_space<hbm>> -> memref<128x256xf32, #tpu.memory_space<hbm>>
          tpu.wait_dma2 semaphore(%run_scoped3A : memref<!tpu.dma_semaphore, #tpu.memory_space<semaphore_mem>>) src(%arg6 : memref<128x256xf32, #tpu.memory_space<vmem>>) dst(%dma_wait3A_66 : memref<128x256xf32, #tpu.memory_space<hbm>>)
          tpu.yield
        }) : () -> ()
      } else {
      }
      %jit3A_35 = arith.constant 2 : i32
      %eq3A_36 = arith.constant 0 : i32
      %eq3A_37 = arith.cmpi eq, %jit3A_35, %eq3A_36 : i32
      %jit3A_38 = arith.constant 1 : i32
      %select_n3A_39 = arith.select %eq3A_37, %jit3A_38, %jit3A_35 : i32
      %rem3A_40 = arith.remsi %scan3A_11, %select_n3A_39 : i32
      %ne3A_41 = arith.constant 0 : i32
      %ne3A_42 = arith.cmpi ne, %rem3A_40, %ne3A_41 : i32
      %lt3A_43 = arith.constant 0 : i32
      %lt3A_44 = arith.cmpi slt, %rem3A_40, %lt3A_43 : i32
      %lt3A_45 = arith.constant 0 : i32
      %lt3A_46 = arith.cmpi slt, %select_n3A_39, %lt3A_45 : i32
      %ne3A_47 = arith.xori %lt3A_44, %lt3A_46 : i1
      %and3A_48 = arith.andi %ne3A_47, %ne3A_42 : i1
      %add3A_49 = arith.addi %rem3A_40, %select_n3A_39 : i32
      %select_n3A_50 = arith.select %and3A_48, %add3A_49, %rem3A_40 : i32
      %eq3A_51 = arith.constant 1 : i32
      %eq3A_52 = arith.cmpi eq, %select_n3A_50, %eq3A_51 : i32
      %convert_element_type3A_53 = arith.extui %eq3A_52 : i1 to i32
      %cond3A_54 = arith.constant 0 : i32
      %cond3A_55 = arith.cmpi ne, %convert_element_type3A_53, %cond3A_54 : i32
      scf.if %cond3A_55 {
        %dma_wait3A = arith.constant 0 : i32
        %dma_wait3A_57 = arith.constant 0 : i32
        %dma_wait3A_58 = tpu.memref_slice %arg2[%dma_wait3A, %dma_wait3A_57] : memref<8192x256xf32, #tpu.memory_space<hbm>> -> memref<8192x256xf32, #tpu.memory_space<hbm>>
        tpu.wait_indirect_dma semaphore(%arg10 : memref<!tpu.dma_semaphore, #tpu.memory_space<semaphore_mem>>) src(%dma_wait3A_58 : memref<8192x256xf32, #tpu.memory_space<hbm>>) dst(%arg8 : memref<128x256xf32, #tpu.memory_space<vmem>>)
        "tpu.region"() ({
          %run_scoped3A = tpu.sem_alloc : memref<!tpu.dma_semaphore, #tpu.memory_space<semaphore_mem>>
          %dma_start3A_59 = arith.constant 0 : i32
          %dma_start3A_60 = tpu.memref_slice %arg4[%add3A_15, %dma_start3A_59] : memref<131072x256xf32, #tpu.memory_space<hbm>> -> memref<128x256xf32, #tpu.memory_space<hbm>>
          %dma_start3A_61 = arith.constant 0 : i32
          %dma_start3A_62 = tpu.memref_slice %arg4[%add3A_15, %dma_start3A_61] : memref<131072x256xf32, #tpu.memory_space<hbm>> -> memref<128x256xf32, #tpu.memory_space<hbm>>
          tpu.enqueue_dma source(%arg8 : memref<128x256xf32, #tpu.memory_space<vmem>>) target(%dma_start3A_62 : memref<128x256xf32, #tpu.memory_space<hbm>>) target_semaphore(%run_scoped3A : memref<!tpu.dma_semaphore, #tpu.memory_space<semaphore_mem>>)
          %dma_wait3A_63 = arith.constant 0 : i32
          %dma_wait3A_64 = tpu.memref_slice %arg4[%add3A_15, %dma_wait3A_63] : memref<131072x256xf32, #tpu.memory_space<hbm>> -> memref<128x256xf32, #tpu.memory_space<hbm>>
          %dma_wait3A_65 = arith.constant 0 : i32
          %dma_wait3A_66 = tpu.memref_slice %arg4[%add3A_15, %dma_wait3A_65] : memref<131072x256xf32, #tpu.memory_space<hbm>> -> memref<128x256xf32, #tpu.memory_space<hbm>>
          tpu.wait_dma2 semaphore(%run_scoped3A : memref<!tpu.dma_semaphore, #tpu.memory_space<semaphore_mem>>) src(%arg8 : memref<128x256xf32, #tpu.memory_space<vmem>>) dst(%dma_wait3A_66 : memref<128x256xf32, #tpu.memory_space<hbm>>)
          tpu.yield
        }) : () -> ()
      } else {
      }
      %scan3A_56 = arith.constant 0 : i32
      scf.yield %scan3A_56 : i32
    }
    %scan3A_10 = arith.constant 32 : i32
    return
  }
}

#map = affine_map<(d0, d1) -> (0, 0)>
#map1 = affine_map<(d0, d1) -> (0)>
module attributes {stable_mosaic.version = 14 : i64} {
  func.func @k(%arg0: i32, %arg1: i32, %arg2: memref<2048x256xf32, #tpu.memory_space<hbm>>, %arg3: memref<65536xi32, #tpu.memory_space<hbm>>, %arg4: memref<65536x256xf32, #tpu.memory_space<hbm>>, %arg5: memref<128xi32, #tpu.memory_space<vmem>>, %arg6: memref<128x256xf32, #tpu.memory_space<vmem>>, %arg7: memref<128xi32, #tpu.memory_space<vmem>>, %arg8: memref<128x256xf32, #tpu.memory_space<vmem>>, %arg9: memref<!tpu.dma_semaphore, #tpu.memory_space<semaphore_mem>>, %arg10: memref<!tpu.dma_semaphore, #tpu.memory_space<semaphore_mem>>) attributes {dimension_semantics = [#tpu.dimension_semantics<core_parallel>, #tpu.dimension_semantics<subcore_parallel>], iteration_bounds = array<i64: 2, 16>, scalar_prefetch = 0 : i64, scratch_operands = 6 : i64, tpu.core_type = #tpu.core_type<sc_vector_subcore>, window_params = [{transform_indices = #map}, {transform_indices = #map1}, {transform_indices = #map}]} {
    %mul3A = arith.constant 2 : i32
    %mul3A_0 = arith.muli %arg1, %mul3A : i32
    %add3A = arith.addi %mul3A_0, %arg0 : i32
    %mul3A_1 = arith.constant 2048 : i32
    %mul3A_2 = arith.muli %add3A, %mul3A_1 : i32
    "tpu.region"() ({
      %run_scoped3A = tpu.sem_alloc : memref<!tpu.dma_semaphore, #tpu.memory_space<semaphore_mem>>
      %dma_start3A_11 = tpu.memref_slice %arg3[%mul3A_2] : memref<65536xi32, #tpu.memory_space<hbm>> -> memref<128xi32, #tpu.memory_space<hbm>>
      %dma_start3A_12 = tpu.memref_slice %arg3[%mul3A_2] : memref<65536xi32, #tpu.memory_space<hbm>> -> memref<128xi32, #tpu.memory_space<hbm>>
      tpu.enqueue_dma source(%dma_start3A_12 : memref<128xi32, #tpu.memory_space<hbm>>) target(%arg5 : memref<128xi32, #tpu.memory_space<vmem>>) target_semaphore(%run_scoped3A : memref<!tpu.dma_semaphore, #tpu.memory_space<semaphore_mem>>)
      %dma_wait3A = tpu.memref_slice %arg3[%mul3A_2] : memref<65536xi32, #tpu.memory_space<hbm>> -> memref<128xi32, #tpu.memory_space<hbm>>
      %dma_wait3A_13 = tpu.memref_slice %arg3[%mul3A_2] : memref<65536xi32, #tpu.memory_space<hbm>> -> memref<128xi32, #tpu.memory_space<hbm>>
      tpu.wait_dma2 semaphore(%run_scoped3A : memref<!tpu.dma_semaphore, #tpu.memory_space<semaphore_mem>>) src(%dma_wait3A_13 : memref<128xi32, #tpu.memory_space<hbm>>) dst(%arg5 : memref<128xi32, #tpu.memory_space<vmem>>)
      tpu.yield
    }) : () -> ()
    %dma_start3A = arith.constant 0 : i32
    %dma_start3A_3 = arith.constant 0 : i32
    %dma_start3A_4 = tpu.memref_slice %arg2[%dma_start3A, %dma_start3A_3] : memref<2048x256xf32, #tpu.memory_space<hbm>> -> memref<2048x256xf32, #tpu.memory_space<hbm>>
    tpu.enqueue_indirect_dma source(%dma_start3A_4 : memref<2048x256xf32, #tpu.memory_space<hbm>>) target(%arg6 : memref<128x256xf32, #tpu.memory_space<vmem>>) offsets(%arg5 : memref<128xi32, #tpu.memory_space<vmem>>) semaphore(%arg9 : memref<!tpu.dma_semaphore, #tpu.memory_space<semaphore_mem>>)
    %scan3A = arith.constant 0 : i32
    %scan3A_5 = arith.constant 0 : i32
    %scan3A_6 = arith.constant 16 : i32
    %scan3A_7 = arith.addi %scan3A_5, %scan3A_6 : i32
    %scan3A_8 = arith.constant 1 : i32
    %scan3A_9 = scf.for %scan3A_11 = %scan3A_5 to %scan3A_7 step %scan3A_8 iter_args(%scan3A_12 = %scan3A) -> (i32)  : i32 {
      %mul3A_13 = arith.constant 128 : i32
      %mul3A_14 = arith.muli %scan3A_11, %mul3A_13 : i32
      %add3A_15 = arith.addi %mul3A_2, %mul3A_14 : i32
      %add3A_16 = arith.constant 1 : i32
      %add3A_17 = arith.addi %scan3A_11, %add3A_16 : i32
      %lt3A = arith.constant 16 : i32
      %lt3A_18 = arith.cmpi slt, %add3A_17, %lt3A : i32
      %convert_element_type3A = arith.extui %lt3A_18 : i1 to i32
      %cond3A = arith.constant 0 : i32
      %cond3A_19 = arith.cmpi ne, %convert_element_type3A, %cond3A : i32
      scf.if %cond3A_19 {
        %add3A_57 = arith.constant 128 : i32
        %add3A_58 = arith.addi %add3A_15, %add3A_57 : i32
        %jit3A_59 = arith.constant 2 : i32
        %eq3A_60 = arith.constant 0 : i32
        %eq3A_61 = arith.cmpi eq, %jit3A_59, %eq3A_60 : i32
        %jit3A_62 = arith.constant 1 : i32
        %select_n3A_63 = arith.select %eq3A_61, %jit3A_62, %jit3A_59 : i32
        %rem3A_64 = arith.remsi %scan3A_11, %select_n3A_63 : i32
        %ne3A_65 = arith.constant 0 : i32
        %ne3A_66 = arith.cmpi ne, %rem3A_64, %ne3A_65 : i32
        %lt3A_67 = arith.constant 0 : i32
        %lt3A_68 = arith.cmpi slt, %rem3A_64, %lt3A_67 : i32
        %lt3A_69 = arith.constant 0 : i32
        %lt3A_70 = arith.cmpi slt, %select_n3A_63, %lt3A_69 : i32
        %ne3A_71 = arith.xori %lt3A_68, %lt3A_70 : i1
        %and3A_72 = arith.andi %ne3A_71, %ne3A_66 : i1
        %add3A_73 = arith.addi %rem3A_64, %select_n3A_63 : i32
        %select_n3A_74 = arith.select %and3A_72, %add3A_73, %rem3A_64 : i32
        %eq3A_75 = arith.constant 0 : i32
        %eq3A_76 = arith.cmpi eq, %select_n3A_74, %eq3A_75 : i32
        %convert_element_type3A_77 = arith.extui %eq3A_76 : i1 to i32
        %cond3A_78 = arith.constant 0 : i32
        %cond3A_79 = arith.cmpi ne, %convert_element_type3A_77, %cond3A_78 : i32
        scf.if %cond3A_79 {
          "tpu.region"() ({
            %run_scoped3A = tpu.sem_alloc : memref<!tpu.dma_semaphore, #tpu.memory_space<semaphore_mem>>
            %dma_start3A_104 = tpu.memref_slice %arg3[%add3A_58] : memref<65536xi32, #tpu.memory_space<hbm>> -> memref<128xi32, #tpu.memory_space<hbm>>
            %dma_start3A_105 = tpu.memref_slice %arg3[%add3A_58] : memref<65536xi32, #tpu.memory_space<hbm>> -> memref<128xi32, #tpu.memory_space<hbm>>
            tpu.enqueue_dma source(%dma_start3A_105 : memref<128xi32, #tpu.memory_space<hbm>>) target(%arg7 : memref<128xi32, #tpu.memory_space<vmem>>) target_semaphore(%run_scoped3A : memref<!tpu.dma_semaphore, #tpu.memory_space<semaphore_mem>>)
            %dma_wait3A = tpu.memref_slice %arg3[%add3A_58] : memref<65536xi32, #tpu.memory_space<hbm>> -> memref<128xi32, #tpu.memory_space<hbm>>
            %dma_wait3A_106 = tpu.memref_slice %arg3[%add3A_58] : memref<65536xi32, #tpu.memory_space<hbm>> -> memref<128xi32, #tpu.memory_space<hbm>>
            tpu.wait_dma2 semaphore(%run_scoped3A : memref<!tpu.dma_semaphore, #tpu.memory_space<semaphore_mem>>) src(%dma_wait3A_106 : memref<128xi32, #tpu.memory_space<hbm>>) dst(%arg7 : memref<128xi32, #tpu.memory_space<vmem>>)
            tpu.yield
          }) : () -> ()
          %dma_start3A_101 = arith.constant 0 : i32
          %dma_start3A_102 = arith.constant 0 : i32
          %dma_start3A_103 = tpu.memref_slice %arg2[%dma_start3A_101, %dma_start3A_102] : memref<2048x256xf32, #tpu.memory_space<hbm>> -> memref<2048x256xf32, #tpu.memory_space<hbm>>
          tpu.enqueue_indirect_dma source(%dma_start3A_103 : memref<2048x256xf32, #tpu.memory_space<hbm>>) target(%arg8 : memref<128x256xf32, #tpu.memory_space<vmem>>) offsets(%arg7 : memref<128xi32, #tpu.memory_space<vmem>>) semaphore(%arg10 : memref<!tpu.dma_semaphore, #tpu.memory_space<semaphore_mem>>)
        } else {
        }
        %jit3A_80 = arith.constant 2 : i32
        %eq3A_81 = arith.constant 0 : i32
        %eq3A_82 = arith.cmpi eq, %jit3A_80, %eq3A_81 : i32
        %jit3A_83 = arith.constant 1 : i32
        %select_n3A_84 = arith.select %eq3A_82, %jit3A_83, %jit3A_80 : i32
        %rem3A_85 = arith.remsi %scan3A_11, %select_n3A_84 : i32
        %ne3A_86 = arith.constant 0 : i32
        %ne3A_87 = arith.cmpi ne, %rem3A_85, %ne3A_86 : i32
        %lt3A_88 = arith.constant 0 : i32
        %lt3A_89 = arith.cmpi slt, %rem3A_85, %lt3A_88 : i32
        %lt3A_90 = arith.constant 0 : i32
        %lt3A_91 = arith.cmpi slt, %select_n3A_84, %lt3A_90 : i32
        %ne3A_92 = arith.xori %lt3A_89, %lt3A_91 : i1
        %and3A_93 = arith.andi %ne3A_92, %ne3A_87 : i1
        %add3A_94 = arith.addi %rem3A_85, %select_n3A_84 : i32
        %select_n3A_95 = arith.select %and3A_93, %add3A_94, %rem3A_85 : i32
        %eq3A_96 = arith.constant 1 : i32
        %eq3A_97 = arith.cmpi eq, %select_n3A_95, %eq3A_96 : i32
        %convert_element_type3A_98 = arith.extui %eq3A_97 : i1 to i32
        %cond3A_99 = arith.constant 0 : i32
        %cond3A_100 = arith.cmpi ne, %convert_element_type3A_98, %cond3A_99 : i32
        scf.if %cond3A_100 {
          "tpu.region"() ({
            %run_scoped3A = tpu.sem_alloc : memref<!tpu.dma_semaphore, #tpu.memory_space<semaphore_mem>>
            %dma_start3A_104 = tpu.memref_slice %arg3[%add3A_58] : memref<65536xi32, #tpu.memory_space<hbm>> -> memref<128xi32, #tpu.memory_space<hbm>>
            %dma_start3A_105 = tpu.memref_slice %arg3[%add3A_58] : memref<65536xi32, #tpu.memory_space<hbm>> -> memref<128xi32, #tpu.memory_space<hbm>>
            tpu.enqueue_dma source(%dma_start3A_105 : memref<128xi32, #tpu.memory_space<hbm>>) target(%arg5 : memref<128xi32, #tpu.memory_space<vmem>>) target_semaphore(%run_scoped3A : memref<!tpu.dma_semaphore, #tpu.memory_space<semaphore_mem>>)
            %dma_wait3A = tpu.memref_slice %arg3[%add3A_58] : memref<65536xi32, #tpu.memory_space<hbm>> -> memref<128xi32, #tpu.memory_space<hbm>>
            %dma_wait3A_106 = tpu.memref_slice %arg3[%add3A_58] : memref<65536xi32, #tpu.memory_space<hbm>> -> memref<128xi32, #tpu.memory_space<hbm>>
            tpu.wait_dma2 semaphore(%run_scoped3A : memref<!tpu.dma_semaphore, #tpu.memory_space<semaphore_mem>>) src(%dma_wait3A_106 : memref<128xi32, #tpu.memory_space<hbm>>) dst(%arg5 : memref<128xi32, #tpu.memory_space<vmem>>)
            tpu.yield
          }) : () -> ()
          %dma_start3A_101 = arith.constant 0 : i32
          %dma_start3A_102 = arith.constant 0 : i32
          %dma_start3A_103 = tpu.memref_slice %arg2[%dma_start3A_101, %dma_start3A_102] : memref<2048x256xf32, #tpu.memory_space<hbm>> -> memref<2048x256xf32, #tpu.memory_space<hbm>>
          tpu.enqueue_indirect_dma source(%dma_start3A_103 : memref<2048x256xf32, #tpu.memory_space<hbm>>) target(%arg6 : memref<128x256xf32, #tpu.memory_space<vmem>>) offsets(%arg5 : memref<128xi32, #tpu.memory_space<vmem>>) semaphore(%arg9 : memref<!tpu.dma_semaphore, #tpu.memory_space<semaphore_mem>>)
        } else {
        }
      } else {
      }
      %jit3A = arith.constant 2 : i32
      %eq3A = arith.constant 0 : i32
      %eq3A_20 = arith.cmpi eq, %jit3A, %eq3A : i32
      %jit3A_21 = arith.constant 1 : i32
      %select_n3A = arith.select %eq3A_20, %jit3A_21, %jit3A : i32
      %rem3A = arith.remsi %scan3A_11, %select_n3A : i32
      %ne3A = arith.constant 0 : i32
      %ne3A_22 = arith.cmpi ne, %rem3A, %ne3A : i32
      %lt3A_23 = arith.constant 0 : i32
      %lt3A_24 = arith.cmpi slt, %rem3A, %lt3A_23 : i32
      %lt3A_25 = arith.constant 0 : i32
      %lt3A_26 = arith.cmpi slt, %select_n3A, %lt3A_25 : i32
      %ne3A_27 = arith.xori %lt3A_24, %lt3A_26 : i1
      %and3A = arith.andi %ne3A_27, %ne3A_22 : i1
      %add3A_28 = arith.addi %rem3A, %select_n3A : i32
      %select_n3A_29 = arith.select %and3A, %add3A_28, %rem3A : i32
      %eq3A_30 = arith.constant 0 : i32
      %eq3A_31 = arith.cmpi eq, %select_n3A_29, %eq3A_30 : i32
      %convert_element_type3A_32 = arith.extui %eq3A_31 : i1 to i32
      %cond3A_33 = arith.constant 0 : i32
      %cond3A_34 = arith.cmpi ne, %convert_element_type3A_32, %cond3A_33 : i32
      scf.if %cond3A_34 {
        %dma_wait3A = arith.constant 0 : i32
        %dma_wait3A_57 = arith.constant 0 : i32
        %dma_wait3A_58 = tpu.memref_slice %arg2[%dma_wait3A, %dma_wait3A_57] : memref<2048x256xf32, #tpu.memory_space<hbm>> -> memref<2048x256xf32, #tpu.memory_space<hbm>>
        tpu.wait_indirect_dma semaphore(%arg9 : memref<!tpu.dma_semaphore, #tpu.memory_space<semaphore_mem>>) src(%dma_wait3A_58 : memref<2048x256xf32, #tpu.memory_space<hbm>>) dst(%arg6 : memref<128x256xf32, #tpu.memory_space<vmem>>)
        "tpu.region"() ({
          %run_scoped3A = tpu.sem_alloc : memref<!tpu.dma_semaphore, #tpu.memory_space<semaphore_mem>>
          %dma_start3A_59 = arith.constant 0 : i32
          %dma_start3A_60 = tpu.memref_slice %arg4[%add3A_15, %dma_start3A_59] : memref<65536x256xf32, #tpu.memory_space<hbm>> -> memref<128x256xf32, #tpu.memory_space<hbm>>
          %dma_start3A_61 = arith.constant 0 : i32
          %dma_start3A_62 = tpu.memref_slice %arg4[%add3A_15, %dma_start3A_61] : memref<65536x256xf32, #tpu.memory_space<hbm>> -> memref<128x256xf32, #tpu.memory_space<hbm>>
          tpu.enqueue_dma source(%arg6 : memref<128x256xf32, #tpu.memory_space<vmem>>) target(%dma_start3A_62 : memref<128x256xf32, #tpu.memory_space<hbm>>) target_semaphore(%run_scoped3A : memref<!tpu.dma_semaphore, #tpu.memory_space<semaphore_mem>>)
          %dma_wait3A_63 = arith.constant 0 : i32
          %dma_wait3A_64 = tpu.memref_slice %arg4[%add3A_15, %dma_wait3A_63] : memref<65536x256xf32, #tpu.memory_space<hbm>> -> memref<128x256xf32, #tpu.memory_space<hbm>>
          %dma_wait3A_65 = arith.constant 0 : i32
          %dma_wait3A_66 = tpu.memref_slice %arg4[%add3A_15, %dma_wait3A_65] : memref<65536x256xf32, #tpu.memory_space<hbm>> -> memref<128x256xf32, #tpu.memory_space<hbm>>
          tpu.wait_dma2 semaphore(%run_scoped3A : memref<!tpu.dma_semaphore, #tpu.memory_space<semaphore_mem>>) src(%arg6 : memref<128x256xf32, #tpu.memory_space<vmem>>) dst(%dma_wait3A_66 : memref<128x256xf32, #tpu.memory_space<hbm>>)
          tpu.yield
        }) : () -> ()
      } else {
      }
      %jit3A_35 = arith.constant 2 : i32
      %eq3A_36 = arith.constant 0 : i32
      %eq3A_37 = arith.cmpi eq, %jit3A_35, %eq3A_36 : i32
      %jit3A_38 = arith.constant 1 : i32
      %select_n3A_39 = arith.select %eq3A_37, %jit3A_38, %jit3A_35 : i32
      %rem3A_40 = arith.remsi %scan3A_11, %select_n3A_39 : i32
      %ne3A_41 = arith.constant 0 : i32
      %ne3A_42 = arith.cmpi ne, %rem3A_40, %ne3A_41 : i32
      %lt3A_43 = arith.constant 0 : i32
      %lt3A_44 = arith.cmpi slt, %rem3A_40, %lt3A_43 : i32
      %lt3A_45 = arith.constant 0 : i32
      %lt3A_46 = arith.cmpi slt, %select_n3A_39, %lt3A_45 : i32
      %ne3A_47 = arith.xori %lt3A_44, %lt3A_46 : i1
      %and3A_48 = arith.andi %ne3A_47, %ne3A_42 : i1
      %add3A_49 = arith.addi %rem3A_40, %select_n3A_39 : i32
      %select_n3A_50 = arith.select %and3A_48, %add3A_49, %rem3A_40 : i32
      %eq3A_51 = arith.constant 1 : i32
      %eq3A_52 = arith.cmpi eq, %select_n3A_50, %eq3A_51 : i32
      %convert_element_type3A_53 = arith.extui %eq3A_52 : i1 to i32
      %cond3A_54 = arith.constant 0 : i32
      %cond3A_55 = arith.cmpi ne, %convert_element_type3A_53, %cond3A_54 : i32
      scf.if %cond3A_55 {
        %dma_wait3A = arith.constant 0 : i32
        %dma_wait3A_57 = arith.constant 0 : i32
        %dma_wait3A_58 = tpu.memref_slice %arg2[%dma_wait3A, %dma_wait3A_57] : memref<2048x256xf32, #tpu.memory_space<hbm>> -> memref<2048x256xf32, #tpu.memory_space<hbm>>
        tpu.wait_indirect_dma semaphore(%arg10 : memref<!tpu.dma_semaphore, #tpu.memory_space<semaphore_mem>>) src(%dma_wait3A_58 : memref<2048x256xf32, #tpu.memory_space<hbm>>) dst(%arg8 : memref<128x256xf32, #tpu.memory_space<vmem>>)
        "tpu.region"() ({
          %run_scoped3A = tpu.sem_alloc : memref<!tpu.dma_semaphore, #tpu.memory_space<semaphore_mem>>
          %dma_start3A_59 = arith.constant 0 : i32
          %dma_start3A_60 = tpu.memref_slice %arg4[%add3A_15, %dma_start3A_59] : memref<65536x256xf32, #tpu.memory_space<hbm>> -> memref<128x256xf32, #tpu.memory_space<hbm>>
          %dma_start3A_61 = arith.constant 0 : i32
          %dma_start3A_62 = tpu.memref_slice %arg4[%add3A_15, %dma_start3A_61] : memref<65536x256xf32, #tpu.memory_space<hbm>> -> memref<128x256xf32, #tpu.memory_space<hbm>>
          tpu.enqueue_dma source(%arg8 : memref<128x256xf32, #tpu.memory_space<vmem>>) target(%dma_start3A_62 : memref<128x256xf32, #tpu.memory_space<hbm>>) target_semaphore(%run_scoped3A : memref<!tpu.dma_semaphore, #tpu.memory_space<semaphore_mem>>)
          %dma_wait3A_63 = arith.constant 0 : i32
          %dma_wait3A_64 = tpu.memref_slice %arg4[%add3A_15, %dma_wait3A_63] : memref<65536x256xf32, #tpu.memory_space<hbm>> -> memref<128x256xf32, #tpu.memory_space<hbm>>
          %dma_wait3A_65 = arith.constant 0 : i32
          %dma_wait3A_66 = tpu.memref_slice %arg4[%add3A_15, %dma_wait3A_65] : memref<65536x256xf32, #tpu.memory_space<hbm>> -> memref<128x256xf32, #tpu.memory_space<hbm>>
          tpu.wait_dma2 semaphore(%run_scoped3A : memref<!tpu.dma_semaphore, #tpu.memory_space<semaphore_mem>>) src(%arg8 : memref<128x256xf32, #tpu.memory_space<vmem>>) dst(%dma_wait3A_66 : memref<128x256xf32, #tpu.memory_space<hbm>>)
          tpu.yield
        }) : () -> ()
      } else {
      }
      %scan3A_56 = arith.constant 0 : i32
      scf.yield %scan3A_56 : i32
    }
    %scan3A_10 = arith.constant 16 : i32
    return
  }
}

#map = affine_map<(d0, d1) -> (0, 0)>
#map1 = affine_map<(d0, d1) -> (0)>
module attributes {stable_mosaic.version = 14 : i64} {
  func.func @k(%arg0: i32, %arg1: i32, %arg2: memref<8192x128xf32, #tpu.memory_space<hbm>>, %arg3: memref<262144xi32, #tpu.memory_space<hbm>>, %arg4: memref<262144x128xf32, #tpu.memory_space<hbm>>, %arg5: memref<128xi32, #tpu.memory_space<vmem>>, %arg6: memref<128x128xf32, #tpu.memory_space<vmem>>, %arg7: memref<128xi32, #tpu.memory_space<vmem>>, %arg8: memref<128x128xf32, #tpu.memory_space<vmem>>, %arg9: memref<!tpu.dma_semaphore, #tpu.memory_space<semaphore_mem>>, %arg10: memref<!tpu.dma_semaphore, #tpu.memory_space<semaphore_mem>>) attributes {dimension_semantics = [#tpu.dimension_semantics<core_parallel>, #tpu.dimension_semantics<subcore_parallel>], iteration_bounds = array<i64: 2, 16>, scalar_prefetch = 0 : i64, scratch_operands = 6 : i64, tpu.core_type = #tpu.core_type<sc_vector_subcore>, window_params = [{transform_indices = #map}, {transform_indices = #map1}, {transform_indices = #map}]} {
    %mul3A = arith.constant 2 : i32
    %mul3A_0 = arith.muli %arg1, %mul3A : i32
    %add3A = arith.addi %mul3A_0, %arg0 : i32
    %mul3A_1 = arith.constant 8192 : i32
    %mul3A_2 = arith.muli %add3A, %mul3A_1 : i32
    "tpu.region"() ({
      %run_scoped3A = tpu.sem_alloc : memref<!tpu.dma_semaphore, #tpu.memory_space<semaphore_mem>>
      %dma_start3A_11 = tpu.memref_slice %arg3[%mul3A_2] : memref<262144xi32, #tpu.memory_space<hbm>> -> memref<128xi32, #tpu.memory_space<hbm>>
      %dma_start3A_12 = tpu.memref_slice %arg3[%mul3A_2] : memref<262144xi32, #tpu.memory_space<hbm>> -> memref<128xi32, #tpu.memory_space<hbm>>
      tpu.enqueue_dma source(%dma_start3A_12 : memref<128xi32, #tpu.memory_space<hbm>>) target(%arg5 : memref<128xi32, #tpu.memory_space<vmem>>) target_semaphore(%run_scoped3A : memref<!tpu.dma_semaphore, #tpu.memory_space<semaphore_mem>>)
      %dma_wait3A = tpu.memref_slice %arg3[%mul3A_2] : memref<262144xi32, #tpu.memory_space<hbm>> -> memref<128xi32, #tpu.memory_space<hbm>>
      %dma_wait3A_13 = tpu.memref_slice %arg3[%mul3A_2] : memref<262144xi32, #tpu.memory_space<hbm>> -> memref<128xi32, #tpu.memory_space<hbm>>
      tpu.wait_dma2 semaphore(%run_scoped3A : memref<!tpu.dma_semaphore, #tpu.memory_space<semaphore_mem>>) src(%dma_wait3A_13 : memref<128xi32, #tpu.memory_space<hbm>>) dst(%arg5 : memref<128xi32, #tpu.memory_space<vmem>>)
      tpu.yield
    }) : () -> ()
    %dma_start3A = arith.constant 0 : i32
    %dma_start3A_3 = arith.constant 0 : i32
    %dma_start3A_4 = tpu.memref_slice %arg2[%dma_start3A, %dma_start3A_3] : memref<8192x128xf32, #tpu.memory_space<hbm>> -> memref<8192x128xf32, #tpu.memory_space<hbm>>
    tpu.enqueue_indirect_dma source(%dma_start3A_4 : memref<8192x128xf32, #tpu.memory_space<hbm>>) target(%arg6 : memref<128x128xf32, #tpu.memory_space<vmem>>) offsets(%arg5 : memref<128xi32, #tpu.memory_space<vmem>>) semaphore(%arg9 : memref<!tpu.dma_semaphore, #tpu.memory_space<semaphore_mem>>)
    %scan3A = arith.constant 0 : i32
    %scan3A_5 = arith.constant 0 : i32
    %scan3A_6 = arith.constant 64 : i32
    %scan3A_7 = arith.addi %scan3A_5, %scan3A_6 : i32
    %scan3A_8 = arith.constant 1 : i32
    %scan3A_9 = scf.for %scan3A_11 = %scan3A_5 to %scan3A_7 step %scan3A_8 iter_args(%scan3A_12 = %scan3A) -> (i32)  : i32 {
      %mul3A_13 = arith.constant 128 : i32
      %mul3A_14 = arith.muli %scan3A_11, %mul3A_13 : i32
      %add3A_15 = arith.addi %mul3A_2, %mul3A_14 : i32
      %add3A_16 = arith.constant 1 : i32
      %add3A_17 = arith.addi %scan3A_11, %add3A_16 : i32
      %lt3A = arith.constant 64 : i32
      %lt3A_18 = arith.cmpi slt, %add3A_17, %lt3A : i32
      %convert_element_type3A = arith.extui %lt3A_18 : i1 to i32
      %cond3A = arith.constant 0 : i32
      %cond3A_19 = arith.cmpi ne, %convert_element_type3A, %cond3A : i32
      scf.if %cond3A_19 {
        %add3A_57 = arith.constant 128 : i32
        %add3A_58 = arith.addi %add3A_15, %add3A_57 : i32
        %jit3A_59 = arith.constant 2 : i32
        %eq3A_60 = arith.constant 0 : i32
        %eq3A_61 = arith.cmpi eq, %jit3A_59, %eq3A_60 : i32
        %jit3A_62 = arith.constant 1 : i32
        %select_n3A_63 = arith.select %eq3A_61, %jit3A_62, %jit3A_59 : i32
        %rem3A_64 = arith.remsi %scan3A_11, %select_n3A_63 : i32
        %ne3A_65 = arith.constant 0 : i32
        %ne3A_66 = arith.cmpi ne, %rem3A_64, %ne3A_65 : i32
        %lt3A_67 = arith.constant 0 : i32
        %lt3A_68 = arith.cmpi slt, %rem3A_64, %lt3A_67 : i32
        %lt3A_69 = arith.constant 0 : i32
        %lt3A_70 = arith.cmpi slt, %select_n3A_63, %lt3A_69 : i32
        %ne3A_71 = arith.xori %lt3A_68, %lt3A_70 : i1
        %and3A_72 = arith.andi %ne3A_71, %ne3A_66 : i1
        %add3A_73 = arith.addi %rem3A_64, %select_n3A_63 : i32
        %select_n3A_74 = arith.select %and3A_72, %add3A_73, %rem3A_64 : i32
        %eq3A_75 = arith.constant 0 : i32
        %eq3A_76 = arith.cmpi eq, %select_n3A_74, %eq3A_75 : i32
        %convert_element_type3A_77 = arith.extui %eq3A_76 : i1 to i32
        %cond3A_78 = arith.constant 0 : i32
        %cond3A_79 = arith.cmpi ne, %convert_element_type3A_77, %cond3A_78 : i32
        scf.if %cond3A_79 {
          "tpu.region"() ({
            %run_scoped3A = tpu.sem_alloc : memref<!tpu.dma_semaphore, #tpu.memory_space<semaphore_mem>>
            %dma_start3A_104 = tpu.memref_slice %arg3[%add3A_58] : memref<262144xi32, #tpu.memory_space<hbm>> -> memref<128xi32, #tpu.memory_space<hbm>>
            %dma_start3A_105 = tpu.memref_slice %arg3[%add3A_58] : memref<262144xi32, #tpu.memory_space<hbm>> -> memref<128xi32, #tpu.memory_space<hbm>>
            tpu.enqueue_dma source(%dma_start3A_105 : memref<128xi32, #tpu.memory_space<hbm>>) target(%arg7 : memref<128xi32, #tpu.memory_space<vmem>>) target_semaphore(%run_scoped3A : memref<!tpu.dma_semaphore, #tpu.memory_space<semaphore_mem>>)
            %dma_wait3A = tpu.memref_slice %arg3[%add3A_58] : memref<262144xi32, #tpu.memory_space<hbm>> -> memref<128xi32, #tpu.memory_space<hbm>>
            %dma_wait3A_106 = tpu.memref_slice %arg3[%add3A_58] : memref<262144xi32, #tpu.memory_space<hbm>> -> memref<128xi32, #tpu.memory_space<hbm>>
            tpu.wait_dma2 semaphore(%run_scoped3A : memref<!tpu.dma_semaphore, #tpu.memory_space<semaphore_mem>>) src(%dma_wait3A_106 : memref<128xi32, #tpu.memory_space<hbm>>) dst(%arg7 : memref<128xi32, #tpu.memory_space<vmem>>)
            tpu.yield
          }) : () -> ()
          %dma_start3A_101 = arith.constant 0 : i32
          %dma_start3A_102 = arith.constant 0 : i32
          %dma_start3A_103 = tpu.memref_slice %arg2[%dma_start3A_101, %dma_start3A_102] : memref<8192x128xf32, #tpu.memory_space<hbm>> -> memref<8192x128xf32, #tpu.memory_space<hbm>>
          tpu.enqueue_indirect_dma source(%dma_start3A_103 : memref<8192x128xf32, #tpu.memory_space<hbm>>) target(%arg8 : memref<128x128xf32, #tpu.memory_space<vmem>>) offsets(%arg7 : memref<128xi32, #tpu.memory_space<vmem>>) semaphore(%arg10 : memref<!tpu.dma_semaphore, #tpu.memory_space<semaphore_mem>>)
        } else {
        }
        %jit3A_80 = arith.constant 2 : i32
        %eq3A_81 = arith.constant 0 : i32
        %eq3A_82 = arith.cmpi eq, %jit3A_80, %eq3A_81 : i32
        %jit3A_83 = arith.constant 1 : i32
        %select_n3A_84 = arith.select %eq3A_82, %jit3A_83, %jit3A_80 : i32
        %rem3A_85 = arith.remsi %scan3A_11, %select_n3A_84 : i32
        %ne3A_86 = arith.constant 0 : i32
        %ne3A_87 = arith.cmpi ne, %rem3A_85, %ne3A_86 : i32
        %lt3A_88 = arith.constant 0 : i32
        %lt3A_89 = arith.cmpi slt, %rem3A_85, %lt3A_88 : i32
        %lt3A_90 = arith.constant 0 : i32
        %lt3A_91 = arith.cmpi slt, %select_n3A_84, %lt3A_90 : i32
        %ne3A_92 = arith.xori %lt3A_89, %lt3A_91 : i1
        %and3A_93 = arith.andi %ne3A_92, %ne3A_87 : i1
        %add3A_94 = arith.addi %rem3A_85, %select_n3A_84 : i32
        %select_n3A_95 = arith.select %and3A_93, %add3A_94, %rem3A_85 : i32
        %eq3A_96 = arith.constant 1 : i32
        %eq3A_97 = arith.cmpi eq, %select_n3A_95, %eq3A_96 : i32
        %convert_element_type3A_98 = arith.extui %eq3A_97 : i1 to i32
        %cond3A_99 = arith.constant 0 : i32
        %cond3A_100 = arith.cmpi ne, %convert_element_type3A_98, %cond3A_99 : i32
        scf.if %cond3A_100 {
          "tpu.region"() ({
            %run_scoped3A = tpu.sem_alloc : memref<!tpu.dma_semaphore, #tpu.memory_space<semaphore_mem>>
            %dma_start3A_104 = tpu.memref_slice %arg3[%add3A_58] : memref<262144xi32, #tpu.memory_space<hbm>> -> memref<128xi32, #tpu.memory_space<hbm>>
            %dma_start3A_105 = tpu.memref_slice %arg3[%add3A_58] : memref<262144xi32, #tpu.memory_space<hbm>> -> memref<128xi32, #tpu.memory_space<hbm>>
            tpu.enqueue_dma source(%dma_start3A_105 : memref<128xi32, #tpu.memory_space<hbm>>) target(%arg5 : memref<128xi32, #tpu.memory_space<vmem>>) target_semaphore(%run_scoped3A : memref<!tpu.dma_semaphore, #tpu.memory_space<semaphore_mem>>)
            %dma_wait3A = tpu.memref_slice %arg3[%add3A_58] : memref<262144xi32, #tpu.memory_space<hbm>> -> memref<128xi32, #tpu.memory_space<hbm>>
            %dma_wait3A_106 = tpu.memref_slice %arg3[%add3A_58] : memref<262144xi32, #tpu.memory_space<hbm>> -> memref<128xi32, #tpu.memory_space<hbm>>
            tpu.wait_dma2 semaphore(%run_scoped3A : memref<!tpu.dma_semaphore, #tpu.memory_space<semaphore_mem>>) src(%dma_wait3A_106 : memref<128xi32, #tpu.memory_space<hbm>>) dst(%arg5 : memref<128xi32, #tpu.memory_space<vmem>>)
            tpu.yield
          }) : () -> ()
          %dma_start3A_101 = arith.constant 0 : i32
          %dma_start3A_102 = arith.constant 0 : i32
          %dma_start3A_103 = tpu.memref_slice %arg2[%dma_start3A_101, %dma_start3A_102] : memref<8192x128xf32, #tpu.memory_space<hbm>> -> memref<8192x128xf32, #tpu.memory_space<hbm>>
          tpu.enqueue_indirect_dma source(%dma_start3A_103 : memref<8192x128xf32, #tpu.memory_space<hbm>>) target(%arg6 : memref<128x128xf32, #tpu.memory_space<vmem>>) offsets(%arg5 : memref<128xi32, #tpu.memory_space<vmem>>) semaphore(%arg9 : memref<!tpu.dma_semaphore, #tpu.memory_space<semaphore_mem>>)
        } else {
        }
      } else {
      }
      %jit3A = arith.constant 2 : i32
      %eq3A = arith.constant 0 : i32
      %eq3A_20 = arith.cmpi eq, %jit3A, %eq3A : i32
      %jit3A_21 = arith.constant 1 : i32
      %select_n3A = arith.select %eq3A_20, %jit3A_21, %jit3A : i32
      %rem3A = arith.remsi %scan3A_11, %select_n3A : i32
      %ne3A = arith.constant 0 : i32
      %ne3A_22 = arith.cmpi ne, %rem3A, %ne3A : i32
      %lt3A_23 = arith.constant 0 : i32
      %lt3A_24 = arith.cmpi slt, %rem3A, %lt3A_23 : i32
      %lt3A_25 = arith.constant 0 : i32
      %lt3A_26 = arith.cmpi slt, %select_n3A, %lt3A_25 : i32
      %ne3A_27 = arith.xori %lt3A_24, %lt3A_26 : i1
      %and3A = arith.andi %ne3A_27, %ne3A_22 : i1
      %add3A_28 = arith.addi %rem3A, %select_n3A : i32
      %select_n3A_29 = arith.select %and3A, %add3A_28, %rem3A : i32
      %eq3A_30 = arith.constant 0 : i32
      %eq3A_31 = arith.cmpi eq, %select_n3A_29, %eq3A_30 : i32
      %convert_element_type3A_32 = arith.extui %eq3A_31 : i1 to i32
      %cond3A_33 = arith.constant 0 : i32
      %cond3A_34 = arith.cmpi ne, %convert_element_type3A_32, %cond3A_33 : i32
      scf.if %cond3A_34 {
        %dma_wait3A = arith.constant 0 : i32
        %dma_wait3A_57 = arith.constant 0 : i32
        %dma_wait3A_58 = tpu.memref_slice %arg2[%dma_wait3A, %dma_wait3A_57] : memref<8192x128xf32, #tpu.memory_space<hbm>> -> memref<8192x128xf32, #tpu.memory_space<hbm>>
        tpu.wait_indirect_dma semaphore(%arg9 : memref<!tpu.dma_semaphore, #tpu.memory_space<semaphore_mem>>) src(%dma_wait3A_58 : memref<8192x128xf32, #tpu.memory_space<hbm>>) dst(%arg6 : memref<128x128xf32, #tpu.memory_space<vmem>>)
        "tpu.region"() ({
          %run_scoped3A = tpu.sem_alloc : memref<!tpu.dma_semaphore, #tpu.memory_space<semaphore_mem>>
          %dma_start3A_59 = arith.constant 0 : i32
          %dma_start3A_60 = tpu.memref_slice %arg4[%add3A_15, %dma_start3A_59] : memref<262144x128xf32, #tpu.memory_space<hbm>> -> memref<128x128xf32, #tpu.memory_space<hbm>>
          %dma_start3A_61 = arith.constant 0 : i32
          %dma_start3A_62 = tpu.memref_slice %arg4[%add3A_15, %dma_start3A_61] : memref<262144x128xf32, #tpu.memory_space<hbm>> -> memref<128x128xf32, #tpu.memory_space<hbm>>
          tpu.enqueue_dma source(%arg6 : memref<128x128xf32, #tpu.memory_space<vmem>>) target(%dma_start3A_62 : memref<128x128xf32, #tpu.memory_space<hbm>>) target_semaphore(%run_scoped3A : memref<!tpu.dma_semaphore, #tpu.memory_space<semaphore_mem>>)
          %dma_wait3A_63 = arith.constant 0 : i32
          %dma_wait3A_64 = tpu.memref_slice %arg4[%add3A_15, %dma_wait3A_63] : memref<262144x128xf32, #tpu.memory_space<hbm>> -> memref<128x128xf32, #tpu.memory_space<hbm>>
          %dma_wait3A_65 = arith.constant 0 : i32
          %dma_wait3A_66 = tpu.memref_slice %arg4[%add3A_15, %dma_wait3A_65] : memref<262144x128xf32, #tpu.memory_space<hbm>> -> memref<128x128xf32, #tpu.memory_space<hbm>>
          tpu.wait_dma2 semaphore(%run_scoped3A : memref<!tpu.dma_semaphore, #tpu.memory_space<semaphore_mem>>) src(%arg6 : memref<128x128xf32, #tpu.memory_space<vmem>>) dst(%dma_wait3A_66 : memref<128x128xf32, #tpu.memory_space<hbm>>)
          tpu.yield
        }) : () -> ()
      } else {
      }
      %jit3A_35 = arith.constant 2 : i32
      %eq3A_36 = arith.constant 0 : i32
      %eq3A_37 = arith.cmpi eq, %jit3A_35, %eq3A_36 : i32
      %jit3A_38 = arith.constant 1 : i32
      %select_n3A_39 = arith.select %eq3A_37, %jit3A_38, %jit3A_35 : i32
      %rem3A_40 = arith.remsi %scan3A_11, %select_n3A_39 : i32
      %ne3A_41 = arith.constant 0 : i32
      %ne3A_42 = arith.cmpi ne, %rem3A_40, %ne3A_41 : i32
      %lt3A_43 = arith.constant 0 : i32
      %lt3A_44 = arith.cmpi slt, %rem3A_40, %lt3A_43 : i32
      %lt3A_45 = arith.constant 0 : i32
      %lt3A_46 = arith.cmpi slt, %select_n3A_39, %lt3A_45 : i32
      %ne3A_47 = arith.xori %lt3A_44, %lt3A_46 : i1
      %and3A_48 = arith.andi %ne3A_47, %ne3A_42 : i1
      %add3A_49 = arith.addi %rem3A_40, %select_n3A_39 : i32
      %select_n3A_50 = arith.select %and3A_48, %add3A_49, %rem3A_40 : i32
      %eq3A_51 = arith.constant 1 : i32
      %eq3A_52 = arith.cmpi eq, %select_n3A_50, %eq3A_51 : i32
      %convert_element_type3A_53 = arith.extui %eq3A_52 : i1 to i32
      %cond3A_54 = arith.constant 0 : i32
      %cond3A_55 = arith.cmpi ne, %convert_element_type3A_53, %cond3A_54 : i32
      scf.if %cond3A_55 {
        %dma_wait3A = arith.constant 0 : i32
        %dma_wait3A_57 = arith.constant 0 : i32
        %dma_wait3A_58 = tpu.memref_slice %arg2[%dma_wait3A, %dma_wait3A_57] : memref<8192x128xf32, #tpu.memory_space<hbm>> -> memref<8192x128xf32, #tpu.memory_space<hbm>>
        tpu.wait_indirect_dma semaphore(%arg10 : memref<!tpu.dma_semaphore, #tpu.memory_space<semaphore_mem>>) src(%dma_wait3A_58 : memref<8192x128xf32, #tpu.memory_space<hbm>>) dst(%arg8 : memref<128x128xf32, #tpu.memory_space<vmem>>)
        "tpu.region"() ({
          %run_scoped3A = tpu.sem_alloc : memref<!tpu.dma_semaphore, #tpu.memory_space<semaphore_mem>>
          %dma_start3A_59 = arith.constant 0 : i32
          %dma_start3A_60 = tpu.memref_slice %arg4[%add3A_15, %dma_start3A_59] : memref<262144x128xf32, #tpu.memory_space<hbm>> -> memref<128x128xf32, #tpu.memory_space<hbm>>
          %dma_start3A_61 = arith.constant 0 : i32
          %dma_start3A_62 = tpu.memref_slice %arg4[%add3A_15, %dma_start3A_61] : memref<262144x128xf32, #tpu.memory_space<hbm>> -> memref<128x128xf32, #tpu.memory_space<hbm>>
          tpu.enqueue_dma source(%arg8 : memref<128x128xf32, #tpu.memory_space<vmem>>) target(%dma_start3A_62 : memref<128x128xf32, #tpu.memory_space<hbm>>) target_semaphore(%run_scoped3A : memref<!tpu.dma_semaphore, #tpu.memory_space<semaphore_mem>>)
          %dma_wait3A_63 = arith.constant 0 : i32
          %dma_wait3A_64 = tpu.memref_slice %arg4[%add3A_15, %dma_wait3A_63] : memref<262144x128xf32, #tpu.memory_space<hbm>> -> memref<128x128xf32, #tpu.memory_space<hbm>>
          %dma_wait3A_65 = arith.constant 0 : i32
          %dma_wait3A_66 = tpu.memref_slice %arg4[%add3A_15, %dma_wait3A_65] : memref<262144x128xf32, #tpu.memory_space<hbm>> -> memref<128x128xf32, #tpu.memory_space<hbm>>
          tpu.wait_dma2 semaphore(%run_scoped3A : memref<!tpu.dma_semaphore, #tpu.memory_space<semaphore_mem>>) src(%arg8 : memref<128x128xf32, #tpu.memory_space<vmem>>) dst(%dma_wait3A_66 : memref<128x128xf32, #tpu.memory_space<hbm>>)
          tpu.yield
        }) : () -> ()
      } else {
      }
      %scan3A_56 = arith.constant 0 : i32
      scf.yield %scan3A_56 : i32
    }
    %scan3A_10 = arith.constant 64 : i32
    return
  }
}

module attributes {stable_mosaic.version = 14 : i64} {
  func.func @kern(%arg0: i32, %arg1: i32, %arg2: memref<1x256x3xf32, #tpu.memory_space<vmem>>, %arg3: memref<1x3x4096xf32, #tpu.memory_space<vmem>>, %arg4: memref<1x256x32xi32, #tpu.memory_space<vmem>>, %arg5: memref<1x256x32xf32, #tpu.memory_space<vmem>>, %arg6: memref<256x4096xf32, #tpu.memory_space<vmem>>) attributes {dimension_semantics = [#tpu.dimension_semantics<arbitrary>, #tpu.dimension_semantics<arbitrary>], iteration_bounds = array<i64: 8, 4>, scalar_prefetch = 0 : i64, scratch_operands = 1 : i64, tpu.core_type = #tpu.core_type<tc>, window_params = [{transform_indices = @transform_0, window_bounds = array<i64: 1, 256, 3>}, {transform_indices = @transform_1, window_bounds = array<i64: 1, 3, 4096>}, {transform_indices = @transform_2, window_bounds = array<i64: 1, 256, 32>}, {transform_indices = @transform_3, window_bounds = array<i64: 1, 256, 32>}]} {
    %get3A = arith.constant 0 : index
    %get3A_0 = arith.constant 0 : index
    %get3A_1 = arith.constant 0 : index
    %get3A_2 = vector.load %arg2[%get3A, %get3A_0, %get3A_1] : memref<1x256x3xf32, #tpu.memory_space<vmem>>, vector<1x256x3xf32>
    %get3A_3 = vector.shape_cast %get3A_2 : vector<1x256x3xf32> to vector<256x3xf32>
    %get3A_4 = arith.constant 0 : index
    %get3A_5 = arith.constant 0 : index
    %get3A_6 = arith.constant 0 : index
    %get3A_7 = vector.load %arg3[%get3A_4, %get3A_5, %get3A_6] : memref<1x3x4096xf32, #tpu.memory_space<vmem>>, vector<1x3x4096xf32>
    %get3A_8 = vector.shape_cast %get3A_7 : vector<1x3x4096xf32> to vector<3x4096xf32>
    %mul3A = arith.mulf %get3A_3, %get3A_3 : vector<256x3xf32>
    %reduce_sum3A = arith.constant dense<0.000000e+00> : vector<256xf32>
    %reduce_sum3A_9 = vector.multi_reduction <add>, %mul3A, %reduce_sum3A [1] : vector<256x3xf32> to vector<256xf32>
    %broadcast_in_dim3A = vector.shape_cast %reduce_sum3A_9 : vector<256xf32> to vector<256x1xf32>
    %mul3A_10 = arith.mulf %get3A_8, %get3A_8 : vector<3x4096xf32>
    %reduce_sum3A_11 = arith.constant dense<0.000000e+00> : vector<4096xf32>
    %reduce_sum3A_12 = vector.multi_reduction <add>, %mul3A_10, %reduce_sum3A_11 [0] : vector<3x4096xf32> to vector<4096xf32>
    %broadcast_in_dim3A_13 = vector.shape_cast %reduce_sum3A_12 : vector<4096xf32> to vector<1x4096xf32>
    %dot_general3A = arith.constant dense<0.000000e+00> : vector<256x4096xf32>
    %dot_general3A_14 = tpu.matmul %get3A_3, %get3A_8, %dot_general3A {dimension_numbers = #tpu.dot_dimension_numbers<[1], [0], [0], [1], [0, 0, 1, 1], [], []>, transpose_lhs_hint = false} : vector<256x3xf32>, vector<3x4096xf32>, vector<256x4096xf32> -> vector<256x4096xf32>
    %add3A = vector.broadcast %broadcast_in_dim3A : vector<256x1xf32> to vector<256x4096xf32>
    %add3A_15 = vector.broadcast %broadcast_in_dim3A_13 : vector<1x4096xf32> to vector<256x4096xf32>
    %add3A_16 = arith.addf %add3A, %add3A_15 : vector<256x4096xf32>
    %mul3A_17 = arith.constant 2.000000e+00 : f32
    %mul3A_18 = vector.broadcast %mul3A_17 : f32 to vector<256x4096xf32>
    %mul3A_19 = arith.mulf %mul3A_18, %dot_general3A_14 : vector<256x4096xf32>
    %sub3A = arith.subf %add3A_16, %mul3A_19 : vector<256x4096xf32>
    %max3A = arith.constant 9.99999996E-13 : f32
    %max3A_20 = vector.broadcast %max3A : f32 to vector<256x4096xf32>
    %max3A_21 = arith.maximumf %sub3A, %max3A_20 : vector<256x4096xf32>
    %sqrt3A = math.sqrt %max3A_21 : vector<256x4096xf32>
    %swap3A = arith.constant 0 : index
    %swap3A_22 = arith.constant 0 : index
    %swap3A_23 = vector.load %arg6[%swap3A, %swap3A_22] : memref<256x4096xf32, #tpu.memory_space<vmem>>, vector<256x4096xf32>
    tpu.vector_store %arg6[%swap3A, %swap3A_22], %sqrt3A {strides = array<i32>} : memref<256x4096xf32, #tpu.memory_space<vmem>>, vector<256x4096xf32>,
    %iota3A = tpu.iota {dimensions = array<i32: 1>} : vector<1x4096xi32>
    %iota3A_24 = tpu.iota {dimensions = array<i32: 1>} : vector<1x32xi32>
    %broadcast_in_dim3A_25 = arith.constant 0 : i32
    %broadcast_in_dim3A_26 = vector.broadcast %broadcast_in_dim3A_25 : i32 to vector<256x32xi32>
    %broadcast_in_dim3A_27 = arith.constant 0x7F800000 : f32
    %broadcast_in_dim3A_28 = vector.broadcast %broadcast_in_dim3A_27 : f32 to vector<256x32xf32>
    %scan3A = arith.constant 0 : i32
    %scan3A_29 = arith.constant 32 : i32
    %scan3A_30 = arith.addi %scan3A, %scan3A_29 : i32
    %scan3A_31 = arith.constant 1 : i32
    %scan3A_32:2 = scf.for %scan3A_60 = %scan3A to %scan3A_30 step %scan3A_31 iter_args(%scan3A_61 = %broadcast_in_dim3A_26, %scan3A_62 = %broadcast_in_dim3A_28) -> (vector<256x32xi32>, vector<256x32xf32>)  : i32 {
      %get3A_63 = arith.constant 0 : index
      %get3A_64 = arith.constant 0 : index
      %get3A_65 = vector.load %arg6[%get3A_63, %get3A_64] : memref<256x4096xf32, #tpu.memory_space<vmem>>, vector<256x4096xf32>
      %reduce_min3A = arith.constant dense<0x7F800000> : vector<256xf32>
      %reduce_min3A_66 = vector.multi_reduction <minimumf>, %get3A_65, %reduce_min3A [1] : vector<256x4096xf32> to vector<256xf32>
      %broadcast_in_dim3A_67 = vector.shape_cast %reduce_min3A_66 : vector<256xf32> to vector<256x1xf32>
      %eq3A = vector.broadcast %broadcast_in_dim3A_67 : vector<256x1xf32> to vector<256x4096xf32>
      %eq3A_68 = arith.cmpf oeq, %get3A_65, %eq3A : vector<256x4096xf32>
      %jit3A = arith.constant 4096 : i32
      %broadcast_in_dim3A_69 = vector.shape_cast %iota3A : vector<1x4096xi32> to vector<1x4096xi32>
      %broadcast_in_dim3A_70 = vector.broadcast %broadcast_in_dim3A_69 : vector<1x4096xi32> to vector<256x4096xi32>
      %broadcast_in_dim3A_71 = vector.broadcast %jit3A : i32 to vector<256x4096xi32>
      %select_n3A = arith.select %eq3A_68, %broadcast_in_dim3A_70, %broadcast_in_dim3A_71 : vector<256x4096xi1>, vector<256x4096xi32>
      %reduce_min3A_72 = arith.constant dense<2147483647> : vector<256xi32>
      %reduce_min3A_73 = vector.multi_reduction <minsi>, %select_n3A, %reduce_min3A_72 [1] : vector<256x4096xi32> to vector<256xi32>
      %broadcast_in_dim3A_74 = vector.shape_cast %reduce_min3A_73 : vector<256xi32> to vector<256x1xi32>
      %eq3A_75 = vector.broadcast %scan3A_60 : i32 to vector<1x32xi32>
      %eq3A_76 = arith.cmpi eq, %iota3A_24, %eq3A_75 : vector<1x32xi32>
      %broadcast_in_dim3A_77 = vector.shape_cast %eq3A_76 : vector<1x32xi1> to vector<1x32xi1>
      %broadcast_in_dim3A_78 = vector.broadcast %broadcast_in_dim3A_77 : vector<1x32xi1> to vector<256x32xi1>
      %broadcast_in_dim3A_79 = vector.shape_cast %broadcast_in_dim3A_74 : vector<256x1xi32> to vector<256x1xi32>
      %broadcast_in_dim3A_80 = vector.broadcast %broadcast_in_dim3A_79 : vector<256x1xi32> to vector<256x32xi32>
      %select_n3A_81 = arith.select %broadcast_in_dim3A_78, %broadcast_in_dim3A_80, %scan3A_61 : vector<256x32xi1>, vector<256x32xi32>
      %eq3A_82 = vector.broadcast %scan3A_60 : i32 to vector<1x32xi32>
      %eq3A_83 = arith.cmpi eq, %iota3A_24, %eq3A_82 : vector<1x32xi32>
      %broadcast_in_dim3A_84 = vector.shape_cast %eq3A_83 : vector<1x32xi1> to vector<1x32xi1>
      %broadcast_in_dim3A_85 = vector.broadcast %broadcast_in_dim3A_84 : vector<1x32xi1> to vector<256x32xi1>
      %broadcast_in_dim3A_86 = vector.shape_cast %broadcast_in_dim3A_67 : vector<256x1xf32> to vector<256x1xf32>
      %broadcast_in_dim3A_87 = vector.broadcast %broadcast_in_dim3A_86 : vector<256x1xf32> to vector<256x32xf32>
      %select_n3A_88 = arith.select %broadcast_in_dim3A_85, %broadcast_in_dim3A_87, %scan3A_62 : vector<256x32xi1>, vector<256x32xf32>
      %eq3A_89 = vector.broadcast %iota3A : vector<1x4096xi32> to vector<256x4096xi32>
      %eq3A_90 = vector.broadcast %broadcast_in_dim3A_74 : vector<256x1xi32> to vector<256x4096xi32>
      %eq3A_91 = arith.cmpi eq, %eq3A_89, %eq3A_90 : vector<256x4096xi32>
      %jit3A_92 = arith.constant 0x7F800000 : f32
      %broadcast_in_dim3A_93 = vector.broadcast %jit3A_92 : f32 to vector<256x4096xf32>
      %select_n3A_94 = arith.select %eq3A_91, %broadcast_in_dim3A_93, %get3A_65 : vector<256x4096xi1>, vector<256x4096xf32>
      %swap3A_95 = arith.constant 0 : index
      %swap3A_96 = arith.constant 0 : index
      %swap3A_97 = vector.load %arg6[%swap3A_95, %swap3A_96] : memref<256x4096xf32, #tpu.memory_space<vmem>>, vector<256x4096xf32>
      tpu.vector_store %arg6[%swap3A_95, %swap3A_96], %select_n3A_94 {strides = array<i32>} : memref<256x4096xf32, #tpu.memory_space<vmem>>, vector<256x4096xf32>,
      scf.yield %select_n3A_81, %select_n3A_88 : vector<256x32xi32>, vector<256x32xf32>
    }
    %scan3A_33 = arith.constant 32 : i32
    %mul3A_34 = arith.constant 4096 : i32
    %mul3A_35 = arith.muli %arg0, %mul3A_34 : i32
    %add3A_36 = vector.broadcast %mul3A_35 : i32 to vector<256x32xi32>
    %add3A_37 = arith.addi %scan3A_32#0, %add3A_36 : vector<256x32xi32>
    %swap3A_38 = arith.constant 0 : index
    %swap3A_39 = arith.constant 0 : index
    %swap3A_40 = arith.constant 0 : index
    %swap3A_41 = vector.load %arg4[%swap3A_38, %swap3A_39, %swap3A_40] : memref<1x256x32xi32, #tpu.memory_space<vmem>>, vector<1x256x32xi32>
    %swap3A_42 = vector.shape_cast %swap3A_41 : vector<1x256x32xi32> to vector<256x32xi32>
    %swap3A_43 = vector.shape_cast %add3A_37 : vector<256x32xi32> to vector<1x256x32xi32>
    tpu.vector_store %arg4[%swap3A_38, %swap3A_39, %swap3A_40], %swap3A_43 {strides = array<i32>} : memref<1x256x32xi32, #tpu.memory_space<vmem>>, vector<1x256x32xi32>,
    %max3A_44 = arith.constant 9.99999993E-9 : f32
    %max3A_45 = vector.broadcast %max3A_44 : f32 to vector<256x32xf32>
    %max3A_46 = arith.maximumf %scan3A_32#1, %max3A_45 : vector<256x32xf32>
    %div3A = arith.constant 1.000000e+00 : f32
    %div3A_47 = vector.broadcast %div3A : f32 to vector<256x32xf32>
    %div3A_48 = arith.divf %div3A_47, %max3A_46 : vector<256x32xf32>
    %reduce_sum3A_49 = arith.constant dense<0.000000e+00> : vector<256xf32>
    %reduce_sum3A_50 = vector.multi_reduction <add>, %div3A_48, %reduce_sum3A_49 [1] : vector<256x32xf32> to vector<256xf32>
    %broadcast_in_dim3A_51 = vector.shape_cast %reduce_sum3A_50 : vector<256xf32> to vector<256x1xf32>
    %div3A_52 = vector.broadcast %broadcast_in_dim3A_51 : vector<256x1xf32> to vector<256x32xf32>
    %div3A_53 = arith.divf %div3A_48, %div3A_52 : vector<256x32xf32>
    %swap3A_54 = arith.constant 0 : index
    %swap3A_55 = arith.constant 0 : index
    %swap3A_56 = arith.constant 0 : index
    %swap3A_57 = vector.load %arg5[%swap3A_54, %swap3A_55, %swap3A_56] : memref<1x256x32xf32, #tpu.memory_space<vmem>>, vector<1x256x32xf32>
    %swap3A_58 = vector.shape_cast %swap3A_57 : vector<1x256x32xf32> to vector<256x32xf32>
    %swap3A_59 = vector.shape_cast %div3A_53 : vector<256x32xf32> to vector<1x256x32xf32>
    tpu.vector_store %arg5[%swap3A_54, %swap3A_55, %swap3A_56], %swap3A_59 {strides = array<i32>} : memref<1x256x32xf32, #tpu.memory_space<vmem>>, vector<1x256x32xf32>,
    return
  }
  func.func @transform_0(%arg0: i32, %arg1: i32) -> (i32, i32, i32) {
    %c0_i32 = arith.constant 0 : i32
    %c0_i32_0 = arith.constant 0 : i32
    return %arg0, %arg1, %c0_i32 : i32, i32, i32
  }
  func.func @transform_1(%arg0: i32, %arg1: i32) -> (i32, i32, i32) {
    %c0_i32 = arith.constant 0 : i32
    %c0_i32_0 = arith.constant 0 : i32
    %c0_i32_1 = arith.constant 0 : i32
    return %arg0, %c0_i32, %c0_i32_0 : i32, i32, i32
  }
  func.func @transform_2(%arg0: i32, %arg1: i32) -> (i32, i32, i32) {
    %c0_i32 = arith.constant 0 : i32
    %c0_i32_0 = arith.constant 0 : i32
    return %arg0, %arg1, %c0_i32 : i32, i32, i32
  }
  func.func @transform_3(%arg0: i32, %arg1: i32) -> (i32, i32, i32) {
    %c0_i32 = arith.constant 0 : i32
    %c0_i32_0 = arith.constant 0 : i32
    return %arg0, %arg1, %c0_i32 : i32, i32, i32
  }
}

module attributes {stable_mosaic.version = 14 : i64} {
  func.func @kern(%arg0: i32, %arg1: i32, %arg2: memref<1x256x3xf32, #tpu.memory_space<vmem>>, %arg3: memref<1x3x1024xf32, #tpu.memory_space<vmem>>, %arg4: memref<1x256x64xi32, #tpu.memory_space<vmem>>, %arg5: memref<1x256x64xf32, #tpu.memory_space<vmem>>, %arg6: memref<256x1024xf32, #tpu.memory_space<vmem>>) attributes {dimension_semantics = [#tpu.dimension_semantics<arbitrary>, #tpu.dimension_semantics<arbitrary>], iteration_bounds = array<i64: 8, 1>, scalar_prefetch = 0 : i64, scratch_operands = 1 : i64, tpu.core_type = #tpu.core_type<tc>, window_params = [{transform_indices = @transform_0, window_bounds = array<i64: 1, 256, 3>}, {transform_indices = @transform_1, window_bounds = array<i64: 1, 3, 1024>}, {transform_indices = @transform_2, window_bounds = array<i64: 1, 256, 64>}, {transform_indices = @transform_3, window_bounds = array<i64: 1, 256, 64>}]} {
    %get3A = arith.constant 0 : index
    %get3A_0 = arith.constant 0 : index
    %get3A_1 = arith.constant 0 : index
    %get3A_2 = vector.load %arg2[%get3A, %get3A_0, %get3A_1] : memref<1x256x3xf32, #tpu.memory_space<vmem>>, vector<1x256x3xf32>
    %get3A_3 = vector.shape_cast %get3A_2 : vector<1x256x3xf32> to vector<256x3xf32>
    %get3A_4 = arith.constant 0 : index
    %get3A_5 = arith.constant 0 : index
    %get3A_6 = arith.constant 0 : index
    %get3A_7 = vector.load %arg3[%get3A_4, %get3A_5, %get3A_6] : memref<1x3x1024xf32, #tpu.memory_space<vmem>>, vector<1x3x1024xf32>
    %get3A_8 = vector.shape_cast %get3A_7 : vector<1x3x1024xf32> to vector<3x1024xf32>
    %mul3A = arith.mulf %get3A_3, %get3A_3 : vector<256x3xf32>
    %reduce_sum3A = arith.constant dense<0.000000e+00> : vector<256xf32>
    %reduce_sum3A_9 = vector.multi_reduction <add>, %mul3A, %reduce_sum3A [1] : vector<256x3xf32> to vector<256xf32>
    %broadcast_in_dim3A = vector.shape_cast %reduce_sum3A_9 : vector<256xf32> to vector<256x1xf32>
    %mul3A_10 = arith.mulf %get3A_8, %get3A_8 : vector<3x1024xf32>
    %reduce_sum3A_11 = arith.constant dense<0.000000e+00> : vector<1024xf32>
    %reduce_sum3A_12 = vector.multi_reduction <add>, %mul3A_10, %reduce_sum3A_11 [0] : vector<3x1024xf32> to vector<1024xf32>
    %broadcast_in_dim3A_13 = vector.shape_cast %reduce_sum3A_12 : vector<1024xf32> to vector<1x1024xf32>
    %dot_general3A = arith.constant dense<0.000000e+00> : vector<256x1024xf32>
    %dot_general3A_14 = tpu.matmul %get3A_3, %get3A_8, %dot_general3A {dimension_numbers = #tpu.dot_dimension_numbers<[1], [0], [0], [1], [0, 0, 1, 1], [], []>, transpose_lhs_hint = false} : vector<256x3xf32>, vector<3x1024xf32>, vector<256x1024xf32> -> vector<256x1024xf32>
    %add3A = vector.broadcast %broadcast_in_dim3A : vector<256x1xf32> to vector<256x1024xf32>
    %add3A_15 = vector.broadcast %broadcast_in_dim3A_13 : vector<1x1024xf32> to vector<256x1024xf32>
    %add3A_16 = arith.addf %add3A, %add3A_15 : vector<256x1024xf32>
    %mul3A_17 = arith.constant 2.000000e+00 : f32
    %mul3A_18 = vector.broadcast %mul3A_17 : f32 to vector<256x1024xf32>
    %mul3A_19 = arith.mulf %mul3A_18, %dot_general3A_14 : vector<256x1024xf32>
    %sub3A = arith.subf %add3A_16, %mul3A_19 : vector<256x1024xf32>
    %max3A = arith.constant 9.99999996E-13 : f32
    %max3A_20 = vector.broadcast %max3A : f32 to vector<256x1024xf32>
    %max3A_21 = arith.maximumf %sub3A, %max3A_20 : vector<256x1024xf32>
    %sqrt3A = math.sqrt %max3A_21 : vector<256x1024xf32>
    %swap3A = arith.constant 0 : index
    %swap3A_22 = arith.constant 0 : index
    %swap3A_23 = vector.load %arg6[%swap3A, %swap3A_22] : memref<256x1024xf32, #tpu.memory_space<vmem>>, vector<256x1024xf32>
    tpu.vector_store %arg6[%swap3A, %swap3A_22], %sqrt3A {strides = array<i32>} : memref<256x1024xf32, #tpu.memory_space<vmem>>, vector<256x1024xf32>,
    %iota3A = tpu.iota {dimensions = array<i32: 1>} : vector<1x1024xi32>
    %iota3A_24 = tpu.iota {dimensions = array<i32: 1>} : vector<1x64xi32>
    %broadcast_in_dim3A_25 = arith.constant 0 : i32
    %broadcast_in_dim3A_26 = vector.broadcast %broadcast_in_dim3A_25 : i32 to vector<256x64xi32>
    %broadcast_in_dim3A_27 = arith.constant 0x7F800000 : f32
    %broadcast_in_dim3A_28 = vector.broadcast %broadcast_in_dim3A_27 : f32 to vector<256x64xf32>
    %scan3A = arith.constant 0 : i32
    %scan3A_29 = arith.constant 64 : i32
    %scan3A_30 = arith.addi %scan3A, %scan3A_29 : i32
    %scan3A_31 = arith.constant 1 : i32
    %scan3A_32:2 = scf.for %scan3A_60 = %scan3A to %scan3A_30 step %scan3A_31 iter_args(%scan3A_61 = %broadcast_in_dim3A_26, %scan3A_62 = %broadcast_in_dim3A_28) -> (vector<256x64xi32>, vector<256x64xf32>)  : i32 {
      %get3A_63 = arith.constant 0 : index
      %get3A_64 = arith.constant 0 : index
      %get3A_65 = vector.load %arg6[%get3A_63, %get3A_64] : memref<256x1024xf32, #tpu.memory_space<vmem>>, vector<256x1024xf32>
      %reduce_min3A = arith.constant dense<0x7F800000> : vector<256xf32>
      %reduce_min3A_66 = vector.multi_reduction <minimumf>, %get3A_65, %reduce_min3A [1] : vector<256x1024xf32> to vector<256xf32>
      %broadcast_in_dim3A_67 = vector.shape_cast %reduce_min3A_66 : vector<256xf32> to vector<256x1xf32>
      %eq3A = vector.broadcast %broadcast_in_dim3A_67 : vector<256x1xf32> to vector<256x1024xf32>
      %eq3A_68 = arith.cmpf oeq, %get3A_65, %eq3A : vector<256x1024xf32>
      %jit3A = arith.constant 1024 : i32
      %broadcast_in_dim3A_69 = vector.shape_cast %iota3A : vector<1x1024xi32> to vector<1x1024xi32>
      %broadcast_in_dim3A_70 = vector.broadcast %broadcast_in_dim3A_69 : vector<1x1024xi32> to vector<256x1024xi32>
      %broadcast_in_dim3A_71 = vector.broadcast %jit3A : i32 to vector<256x1024xi32>
      %select_n3A = arith.select %eq3A_68, %broadcast_in_dim3A_70, %broadcast_in_dim3A_71 : vector<256x1024xi1>, vector<256x1024xi32>
      %reduce_min3A_72 = arith.constant dense<2147483647> : vector<256xi32>
      %reduce_min3A_73 = vector.multi_reduction <minsi>, %select_n3A, %reduce_min3A_72 [1] : vector<256x1024xi32> to vector<256xi32>
      %broadcast_in_dim3A_74 = vector.shape_cast %reduce_min3A_73 : vector<256xi32> to vector<256x1xi32>
      %eq3A_75 = vector.broadcast %scan3A_60 : i32 to vector<1x64xi32>
      %eq3A_76 = arith.cmpi eq, %iota3A_24, %eq3A_75 : vector<1x64xi32>
      %broadcast_in_dim3A_77 = vector.shape_cast %eq3A_76 : vector<1x64xi1> to vector<1x64xi1>
      %broadcast_in_dim3A_78 = vector.broadcast %broadcast_in_dim3A_77 : vector<1x64xi1> to vector<256x64xi1>
      %broadcast_in_dim3A_79 = vector.shape_cast %broadcast_in_dim3A_74 : vector<256x1xi32> to vector<256x1xi32>
      %broadcast_in_dim3A_80 = vector.broadcast %broadcast_in_dim3A_79 : vector<256x1xi32> to vector<256x64xi32>
      %select_n3A_81 = arith.select %broadcast_in_dim3A_78, %broadcast_in_dim3A_80, %scan3A_61 : vector<256x64xi1>, vector<256x64xi32>
      %eq3A_82 = vector.broadcast %scan3A_60 : i32 to vector<1x64xi32>
      %eq3A_83 = arith.cmpi eq, %iota3A_24, %eq3A_82 : vector<1x64xi32>
      %broadcast_in_dim3A_84 = vector.shape_cast %eq3A_83 : vector<1x64xi1> to vector<1x64xi1>
      %broadcast_in_dim3A_85 = vector.broadcast %broadcast_in_dim3A_84 : vector<1x64xi1> to vector<256x64xi1>
      %broadcast_in_dim3A_86 = vector.shape_cast %broadcast_in_dim3A_67 : vector<256x1xf32> to vector<256x1xf32>
      %broadcast_in_dim3A_87 = vector.broadcast %broadcast_in_dim3A_86 : vector<256x1xf32> to vector<256x64xf32>
      %select_n3A_88 = arith.select %broadcast_in_dim3A_85, %broadcast_in_dim3A_87, %scan3A_62 : vector<256x64xi1>, vector<256x64xf32>
      %eq3A_89 = vector.broadcast %iota3A : vector<1x1024xi32> to vector<256x1024xi32>
      %eq3A_90 = vector.broadcast %broadcast_in_dim3A_74 : vector<256x1xi32> to vector<256x1024xi32>
      %eq3A_91 = arith.cmpi eq, %eq3A_89, %eq3A_90 : vector<256x1024xi32>
      %jit3A_92 = arith.constant 0x7F800000 : f32
      %broadcast_in_dim3A_93 = vector.broadcast %jit3A_92 : f32 to vector<256x1024xf32>
      %select_n3A_94 = arith.select %eq3A_91, %broadcast_in_dim3A_93, %get3A_65 : vector<256x1024xi1>, vector<256x1024xf32>
      %swap3A_95 = arith.constant 0 : index
      %swap3A_96 = arith.constant 0 : index
      %swap3A_97 = vector.load %arg6[%swap3A_95, %swap3A_96] : memref<256x1024xf32, #tpu.memory_space<vmem>>, vector<256x1024xf32>
      tpu.vector_store %arg6[%swap3A_95, %swap3A_96], %select_n3A_94 {strides = array<i32>} : memref<256x1024xf32, #tpu.memory_space<vmem>>, vector<256x1024xf32>,
      scf.yield %select_n3A_81, %select_n3A_88 : vector<256x64xi32>, vector<256x64xf32>
    }
    %scan3A_33 = arith.constant 64 : i32
    %mul3A_34 = arith.constant 1024 : i32
    %mul3A_35 = arith.muli %arg0, %mul3A_34 : i32
    %add3A_36 = vector.broadcast %mul3A_35 : i32 to vector<256x64xi32>
    %add3A_37 = arith.addi %scan3A_32#0, %add3A_36 : vector<256x64xi32>
    %swap3A_38 = arith.constant 0 : index
    %swap3A_39 = arith.constant 0 : index
    %swap3A_40 = arith.constant 0 : index
    %swap3A_41 = vector.load %arg4[%swap3A_38, %swap3A_39, %swap3A_40] : memref<1x256x64xi32, #tpu.memory_space<vmem>>, vector<1x256x64xi32>
    %swap3A_42 = vector.shape_cast %swap3A_41 : vector<1x256x64xi32> to vector<256x64xi32>
    %swap3A_43 = vector.shape_cast %add3A_37 : vector<256x64xi32> to vector<1x256x64xi32>
    tpu.vector_store %arg4[%swap3A_38, %swap3A_39, %swap3A_40], %swap3A_43 {strides = array<i32>} : memref<1x256x64xi32, #tpu.memory_space<vmem>>, vector<1x256x64xi32>,
    %max3A_44 = arith.constant 9.99999993E-9 : f32
    %max3A_45 = vector.broadcast %max3A_44 : f32 to vector<256x64xf32>
    %max3A_46 = arith.maximumf %scan3A_32#1, %max3A_45 : vector<256x64xf32>
    %div3A = arith.constant 1.000000e+00 : f32
    %div3A_47 = vector.broadcast %div3A : f32 to vector<256x64xf32>
    %div3A_48 = arith.divf %div3A_47, %max3A_46 : vector<256x64xf32>
    %reduce_sum3A_49 = arith.constant dense<0.000000e+00> : vector<256xf32>
    %reduce_sum3A_50 = vector.multi_reduction <add>, %div3A_48, %reduce_sum3A_49 [1] : vector<256x64xf32> to vector<256xf32>
    %broadcast_in_dim3A_51 = vector.shape_cast %reduce_sum3A_50 : vector<256xf32> to vector<256x1xf32>
    %div3A_52 = vector.broadcast %broadcast_in_dim3A_51 : vector<256x1xf32> to vector<256x64xf32>
    %div3A_53 = arith.divf %div3A_48, %div3A_52 : vector<256x64xf32>
    %swap3A_54 = arith.constant 0 : index
    %swap3A_55 = arith.constant 0 : index
    %swap3A_56 = arith.constant 0 : index
    %swap3A_57 = vector.load %arg5[%swap3A_54, %swap3A_55, %swap3A_56] : memref<1x256x64xf32, #tpu.memory_space<vmem>>, vector<1x256x64xf32>
    %swap3A_58 = vector.shape_cast %swap3A_57 : vector<1x256x64xf32> to vector<256x64xf32>
    %swap3A_59 = vector.shape_cast %div3A_53 : vector<256x64xf32> to vector<1x256x64xf32>
    tpu.vector_store %arg5[%swap3A_54, %swap3A_55, %swap3A_56], %swap3A_59 {strides = array<i32>} : memref<1x256x64xf32, #tpu.memory_space<vmem>>, vector<1x256x64xf32>,
    return
  }
  func.func @transform_0(%arg0: i32, %arg1: i32) -> (i32, i32, i32) {
    %c0_i32 = arith.constant 0 : i32
    %c0_i32_0 = arith.constant 0 : i32
    return %arg0, %arg1, %c0_i32 : i32, i32, i32
  }
  func.func @transform_1(%arg0: i32, %arg1: i32) -> (i32, i32, i32) {
    %c0_i32 = arith.constant 0 : i32
    %c0_i32_0 = arith.constant 0 : i32
    %c0_i32_1 = arith.constant 0 : i32
    return %arg0, %c0_i32, %c0_i32_0 : i32, i32, i32
  }
  func.func @transform_2(%arg0: i32, %arg1: i32) -> (i32, i32, i32) {
    %c0_i32 = arith.constant 0 : i32
    %c0_i32_0 = arith.constant 0 : i32
    return %arg0, %arg1, %c0_i32 : i32, i32, i32
  }
  func.func @transform_3(%arg0: i32, %arg1: i32) -> (i32, i32, i32) {
    %c0_i32 = arith.constant 0 : i32
    %c0_i32_0 = arith.constant 0 : i32
    return %arg0, %arg1, %c0_i32 : i32, i32, i32
  }
}

module attributes {stable_mosaic.version = 14 : i64} {
  func.func @kern(%arg0: i32, %arg1: memref<256x32x128xf32, #tpu.memory_space<vmem>>, %arg2: memref<128x64xf32, #tpu.memory_space<vmem>>, %arg3: memref<256x128xf32, #tpu.memory_space<vmem>>, %arg4: memref<256x32x64xf32, #tpu.memory_space<vmem>>, %arg5: memref<8x64xf32, #tpu.memory_space<vmem>>) attributes {dimension_semantics = [#tpu.dimension_semantics<arbitrary>], iteration_bounds = array<i64: 32>, scalar_prefetch = 0 : i64, scratch_operands = 0 : i64, tpu.core_type = #tpu.core_type<tc>, window_params = [{transform_indices = @transform_0, window_bounds = array<i64: 256, 32, 128>}, {pipeline_mode = #tpu.pipeline_mode<synchronous>, transform_indices = @transform_1, window_bounds = array<i64: 128, 64>}, {transform_indices = @transform_2, window_bounds = array<i64: 256, 128>}, {transform_indices = @transform_3, window_bounds = array<i64: 256, 32, 64>}, {pipeline_mode = #tpu.pipeline_mode<synchronous>, transform_indices = @transform_4, window_bounds = array<i64: 8, 64>}]} {
    %get3A = arith.constant 0 : index
    %get3A_0 = arith.constant 0 : index
    %get3A_1 = arith.constant 0 : index
    %get3A_2 = vector.load %arg1[%get3A, %get3A_0, %get3A_1] : memref<256x32x128xf32, #tpu.memory_space<vmem>>, vector<256x32x128xf32>
    %get3A_3 = arith.constant 0 : index
    %get3A_4 = arith.constant 0 : index
    %get3A_5 = vector.load %arg3[%get3A_3, %get3A_4] : memref<256x128xf32, #tpu.memory_space<vmem>>, vector<256x128xf32>
    %broadcast_in_dim3A = vector.shape_cast %get3A_5 : vector<256x128xf32> to vector<256x1x128xf32>
    %sub3A = vector.broadcast %broadcast_in_dim3A : vector<256x1x128xf32> to vector<256x32x128xf32>
    %sub3A_6 = arith.subf %get3A_2, %sub3A : vector<256x32x128xf32>
    %reshape3A = vector.shape_cast %sub3A_6 : vector<256x32x128xf32> to vector<8192x128xf32>
    %get3A_7 = arith.constant 0 : index
    %get3A_8 = arith.constant 0 : index
    %get3A_9 = vector.load %arg2[%get3A_7, %get3A_8] : memref<128x64xf32, #tpu.memory_space<vmem>>, vector<128x64xf32>
    %dot_general3A = arith.constant dense<0.000000e+00> : vector<8192x64xf32>
    %dot_general3A_10 = tpu.matmul %reshape3A, %get3A_9, %dot_general3A {dimension_numbers = #tpu.dot_dimension_numbers<[1], [0], [0], [1], [0, 0, 1, 1], [], []>, transpose_lhs_hint = false} : vector<8192x128xf32>, vector<128x64xf32>, vector<8192x64xf32> -> vector<8192x64xf32>
    %reshape3A_11 = vector.shape_cast %dot_general3A_10 : vector<8192x64xf32> to vector<256x32x64xf32>
    %swap3A = arith.constant 0 : index
    %swap3A_12 = arith.constant 0 : index
    %swap3A_13 = arith.constant 0 : index
    %swap3A_14 = vector.load %arg4[%swap3A, %swap3A_12, %swap3A_13] : memref<256x32x64xf32, #tpu.memory_space<vmem>>, vector<256x32x64xf32>
    tpu.vector_store %arg4[%swap3A, %swap3A_12, %swap3A_13], %reshape3A_11 {strides = array<i32>} : memref<256x32x64xf32, #tpu.memory_space<vmem>>, vector<256x32x64xf32>,
    %reduce_sum3A = arith.constant dense<0.000000e+00> : vector<64xf32>
    %reduce_sum3A_15 = vector.multi_reduction <add>, %dot_general3A_10, %reduce_sum3A [0] : vector<8192x64xf32> to vector<64xf32>
    %broadcast_in_dim3A_16 = vector.shape_cast %reduce_sum3A_15 : vector<64xf32> to vector<1x64xf32>
    %mul3A = arith.mulf %dot_general3A_10, %dot_general3A_10 : vector<8192x64xf32>
    %reduce_sum3A_17 = arith.constant dense<0.000000e+00> : vector<64xf32>
    %reduce_sum3A_18 = vector.multi_reduction <add>, %mul3A, %reduce_sum3A_17 [0] : vector<8192x64xf32> to vector<64xf32>
    %broadcast_in_dim3A_19 = vector.shape_cast %reduce_sum3A_18 : vector<64xf32> to vector<1x64xf32>
    %eq3A = arith.constant 0 : i32
    %eq3A_20 = arith.cmpi eq, %arg0, %eq3A : i32
    %convert_element_type3A = arith.extui %eq3A_20 : i1 to i32
    %cond3A = arith.constant 0 : i32
    %cond3A_21 = arith.cmpi ne, %convert_element_type3A, %cond3A : i32
    scf.if %cond3A_21 {
      %broadcast_in_dim3A_35 = arith.constant 0.000000e+00 : f32
      %broadcast_in_dim3A_36 = vector.broadcast %broadcast_in_dim3A_35 : f32 to vector<8x64xf32>
      %swap3A_37 = arith.constant 0 : index
      %swap3A_38 = arith.constant 0 : index
      %swap3A_39 = vector.load %arg5[%swap3A_37, %swap3A_38] : memref<8x64xf32, #tpu.memory_space<vmem>>, vector<8x64xf32>
      tpu.vector_store %arg5[%swap3A_37, %swap3A_38], %broadcast_in_dim3A_36 {strides = array<i32>} : memref<8x64xf32, #tpu.memory_space<vmem>>, vector<8x64xf32>,
    } else {
    }
    %get3A_22 = arith.constant 0 : index
    %get3A_23 = arith.constant 0 : index
    %get3A_24 = vector.load %arg5[%get3A_22, %get3A_23] : memref<8x64xf32, #tpu.memory_space<vmem>>, vector<1x64xf32>
    %add3A = arith.addf %get3A_24, %broadcast_in_dim3A_16 : vector<1x64xf32>
    %swap3A_25 = arith.constant 0 : index
    %swap3A_26 = arith.constant 0 : index
    %swap3A_27 = vector.load %arg5[%swap3A_25, %swap3A_26] : memref<8x64xf32, #tpu.memory_space<vmem>>, vector<1x64xf32>
    tpu.vector_store %arg5[%swap3A_25, %swap3A_26], %add3A {strides = array<i32>} : memref<8x64xf32, #tpu.memory_space<vmem>>, vector<1x64xf32>,
    %get3A_28 = arith.constant 1 : index
    %get3A_29 = arith.constant 0 : index
    %get3A_30 = vector.load %arg5[%get3A_28, %get3A_29] : memref<8x64xf32, #tpu.memory_space<vmem>>, vector<1x64xf32>
    %add3A_31 = arith.addf %get3A_30, %broadcast_in_dim3A_19 : vector<1x64xf32>
    %swap3A_32 = arith.constant 1 : index
    %swap3A_33 = arith.constant 0 : index
    %swap3A_34 = vector.load %arg5[%swap3A_32, %swap3A_33] : memref<8x64xf32, #tpu.memory_space<vmem>>, vector<1x64xf32>
    tpu.vector_store %arg5[%swap3A_32, %swap3A_33], %add3A_31 {strides = array<i32>} : memref<8x64xf32, #tpu.memory_space<vmem>>, vector<1x64xf32>,
    return
  }
  func.func @transform_0(%arg0: i32) -> (i32, i32, i32) {
    %c0_i32 = arith.constant 0 : i32
    %c0_i32_0 = arith.constant 0 : i32
    %c0_i32_1 = arith.constant 0 : i32
    return %arg0, %c0_i32, %c0_i32_0 : i32, i32, i32
  }
  func.func @transform_1(%arg0: i32) -> (i32, i32) {
    %c0_i32 = arith.constant 0 : i32
    %c0_i32_0 = arith.constant 0 : i32
    %c0_i32_1 = arith.constant 0 : i32
    return %c0_i32, %c0_i32_0 : i32, i32
  }
  func.func @transform_2(%arg0: i32) -> (i32, i32) {
    %c0_i32 = arith.constant 0 : i32
    %c0_i32_0 = arith.constant 0 : i32
    return %arg0, %c0_i32 : i32, i32
  }
  func.func @transform_3(%arg0: i32) -> (i32, i32, i32) {
    %c0_i32 = arith.constant 0 : i32
    %c0_i32_0 = arith.constant 0 : i32
    %c0_i32_1 = arith.constant 0 : i32
    return %arg0, %c0_i32, %c0_i32_0 : i32, i32, i32
  }
  func.func @transform_4(%arg0: i32) -> (i32, i32) {
    %c0_i32 = arith.constant 0 : i32
    %c0_i32_0 = arith.constant 0 : i32
    %c0_i32_1 = arith.constant 0 : i32
    return %c0_i32, %c0_i32_0 : i32, i32
  }
}

module attributes {stable_mosaic.version = 14 : i64} {
  func.func @kern(%arg0: i32, %arg1: memref<256x32x64xf32, #tpu.memory_space<vmem>>, %arg2: memref<64x64xf32, #tpu.memory_space<vmem>>, %arg3: memref<8x64xf32, #tpu.memory_space<vmem>>, %arg4: memref<256x32x64xf32, #tpu.memory_space<vmem>>, %arg5: memref<8x64xf32, #tpu.memory_space<vmem>>) attributes {dimension_semantics = [#tpu.dimension_semantics<arbitrary>], iteration_bounds = array<i64: 32>, scalar_prefetch = 0 : i64, scratch_operands = 0 : i64, tpu.core_type = #tpu.core_type<tc>, window_params = [{transform_indices = @transform_0, window_bounds = array<i64: 256, 32, 64>}, {pipeline_mode = #tpu.pipeline_mode<synchronous>, transform_indices = @transform_1, window_bounds = array<i64: 64, 64>}, {pipeline_mode = #tpu.pipeline_mode<synchronous>, transform_indices = @transform_2, window_bounds = array<i64: 8, 64>}, {transform_indices = @transform_3, window_bounds = array<i64: 256, 32, 64>}, {pipeline_mode = #tpu.pipeline_mode<synchronous>, transform_indices = @transform_4, window_bounds = array<i64: 8, 64>}]} {
    %get3A = arith.constant 0 : index
    %get3A_0 = arith.constant 0 : index
    %get3A_1 = arith.constant 0 : index
    %get3A_2 = vector.load %arg1[%get3A, %get3A_0, %get3A_1] : memref<256x32x64xf32, #tpu.memory_space<vmem>>, vector<256x32x64xf32>
    %get3A_3 = arith.constant 0 : index
    %get3A_4 = arith.constant 0 : index
    %get3A_5 = vector.load %arg3[%get3A_3, %get3A_4] : memref<8x64xf32, #tpu.memory_space<vmem>>, vector<8x64xf32>
    %slice3A = vector.extract_strided_slice %get3A_5 {offsets = [0, 0], sizes = [1, 64], strides = [1, 1]} : vector<8x64xf32> to vector<1x64xf32>
    %mul3A = arith.constant 3.81469727E-6 : f32
    %mul3A_6 = vector.broadcast %mul3A : f32 to vector<1x64xf32>
    %mul3A_7 = arith.mulf %slice3A, %mul3A_6 : vector<1x64xf32>
    %slice3A_8 = vector.extract_strided_slice %get3A_5 {offsets = [1, 0], sizes = [1, 64], strides = [1, 1]} : vector<8x64xf32> to vector<1x64xf32>
    %mul3A_9 = arith.constant 3.81469727E-6 : f32
    %mul3A_10 = vector.broadcast %mul3A_9 : f32 to vector<1x64xf32>
    %mul3A_11 = arith.mulf %slice3A_8, %mul3A_10 : vector<1x64xf32>
    %mul3A_12 = arith.mulf %mul3A_7, %mul3A_7 : vector<1x64xf32>
    %sub3A = arith.subf %mul3A_11, %mul3A_12 : vector<1x64xf32>
    %add3A = arith.constant 9.99999974E-6 : f32
    %add3A_13 = vector.broadcast %add3A : f32 to vector<1x64xf32>
    %add3A_14 = arith.addf %sub3A, %add3A_13 : vector<1x64xf32>
    %rsqrt3A = math.rsqrt %add3A_14 : vector<1x64xf32>
    %broadcast_in_dim3A = vector.shape_cast %mul3A_7 : vector<1x64xf32> to vector<1x1x64xf32>
    %broadcast_in_dim3A_15 = vector.shape_cast %rsqrt3A : vector<1x64xf32> to vector<1x1x64xf32>
    %sub3A_16 = vector.broadcast %broadcast_in_dim3A : vector<1x1x64xf32> to vector<256x32x64xf32>
    %sub3A_17 = arith.subf %get3A_2, %sub3A_16 : vector<256x32x64xf32>
    %mul3A_18 = vector.broadcast %broadcast_in_dim3A_15 : vector<1x1x64xf32> to vector<256x32x64xf32>
    %mul3A_19 = arith.mulf %sub3A_17, %mul3A_18 : vector<256x32x64xf32>
    %max3A = arith.constant 0.000000e+00 : f32
    %max3A_20 = vector.broadcast %max3A : f32 to vector<256x32x64xf32>
    %max3A_21 = arith.maximumf %mul3A_19, %max3A_20 : vector<256x32x64xf32>
    %reshape3A = vector.shape_cast %max3A_21 : vector<256x32x64xf32> to vector<8192x64xf32>
    %get3A_22 = arith.constant 0 : index
    %get3A_23 = arith.constant 0 : index
    %get3A_24 = vector.load %arg2[%get3A_22, %get3A_23] : memref<64x64xf32, #tpu.memory_space<vmem>>, vector<64x64xf32>
    %dot_general3A = arith.constant dense<0.000000e+00> : vector<8192x64xf32>
    %dot_general3A_25 = tpu.matmul %reshape3A, %get3A_24, %dot_general3A {dimension_numbers = #tpu.dot_dimension_numbers<[1], [0], [0], [1], [0, 0, 1, 1], [], []>, transpose_lhs_hint = false} : vector<8192x64xf32>, vector<64x64xf32>, vector<8192x64xf32> -> vector<8192x64xf32>
    %reshape3A_26 = vector.shape_cast %dot_general3A_25 : vector<8192x64xf32> to vector<256x32x64xf32>
    %swap3A = arith.constant 0 : index
    %swap3A_27 = arith.constant 0 : index
    %swap3A_28 = arith.constant 0 : index
    %swap3A_29 = vector.load %arg4[%swap3A, %swap3A_27, %swap3A_28] : memref<256x32x64xf32, #tpu.memory_space<vmem>>, vector<256x32x64xf32>
    tpu.vector_store %arg4[%swap3A, %swap3A_27, %swap3A_28], %reshape3A_26 {strides = array<i32>} : memref<256x32x64xf32, #tpu.memory_space<vmem>>, vector<256x32x64xf32>,
    %reduce_sum3A = arith.constant dense<0.000000e+00> : vector<64xf32>
    %reduce_sum3A_30 = vector.multi_reduction <add>, %dot_general3A_25, %reduce_sum3A [0] : vector<8192x64xf32> to vector<64xf32>
    %broadcast_in_dim3A_31 = vector.shape_cast %reduce_sum3A_30 : vector<64xf32> to vector<1x64xf32>
    %mul3A_32 = arith.mulf %dot_general3A_25, %dot_general3A_25 : vector<8192x64xf32>
    %reduce_sum3A_33 = arith.constant dense<0.000000e+00> : vector<64xf32>
    %reduce_sum3A_34 = vector.multi_reduction <add>, %mul3A_32, %reduce_sum3A_33 [0] : vector<8192x64xf32> to vector<64xf32>
    %broadcast_in_dim3A_35 = vector.shape_cast %reduce_sum3A_34 : vector<64xf32> to vector<1x64xf32>
    %eq3A = arith.constant 0 : i32
    %eq3A_36 = arith.cmpi eq, %arg0, %eq3A : i32
    %convert_element_type3A = arith.extui %eq3A_36 : i1 to i32
    %cond3A = arith.constant 0 : i32
    %cond3A_37 = arith.cmpi ne, %convert_element_type3A, %cond3A : i32
    scf.if %cond3A_37 {
      %broadcast_in_dim3A_52 = arith.constant 0.000000e+00 : f32
      %broadcast_in_dim3A_53 = vector.broadcast %broadcast_in_dim3A_52 : f32 to vector<8x64xf32>
      %swap3A_54 = arith.constant 0 : index
      %swap3A_55 = arith.constant 0 : index
      %swap3A_56 = vector.load %arg5[%swap3A_54, %swap3A_55] : memref<8x64xf32, #tpu.memory_space<vmem>>, vector<8x64xf32>
      tpu.vector_store %arg5[%swap3A_54, %swap3A_55], %broadcast_in_dim3A_53 {strides = array<i32>} : memref<8x64xf32, #tpu.memory_space<vmem>>, vector<8x64xf32>,
    } else {
    }
    %get3A_38 = arith.constant 0 : index
    %get3A_39 = arith.constant 0 : index
    %get3A_40 = vector.load %arg5[%get3A_38, %get3A_39] : memref<8x64xf32, #tpu.memory_space<vmem>>, vector<1x64xf32>
    %add3A_41 = arith.addf %get3A_40, %broadcast_in_dim3A_31 : vector<1x64xf32>
    %swap3A_42 = arith.constant 0 : index
    %swap3A_43 = arith.constant 0 : index
    %swap3A_44 = vector.load %arg5[%swap3A_42, %swap3A_43] : memref<8x64xf32, #tpu.memory_space<vmem>>, vector<1x64xf32>
    tpu.vector_store %arg5[%swap3A_42, %swap3A_43], %add3A_41 {strides = array<i32>} : memref<8x64xf32, #tpu.memory_space<vmem>>, vector<1x64xf32>,
    %get3A_45 = arith.constant 1 : index
    %get3A_46 = arith.constant 0 : index
    %get3A_47 = vector.load %arg5[%get3A_45, %get3A_46] : memref<8x64xf32, #tpu.memory_space<vmem>>, vector<1x64xf32>
    %add3A_48 = arith.addf %get3A_47, %broadcast_in_dim3A_35 : vector<1x64xf32>
    %swap3A_49 = arith.constant 1 : index
    %swap3A_50 = arith.constant 0 : index
    %swap3A_51 = vector.load %arg5[%swap3A_49, %swap3A_50] : memref<8x64xf32, #tpu.memory_space<vmem>>, vector<1x64xf32>
    tpu.vector_store %arg5[%swap3A_49, %swap3A_50], %add3A_48 {strides = array<i32>} : memref<8x64xf32, #tpu.memory_space<vmem>>, vector<1x64xf32>,
    return
  }
  func.func @transform_0(%arg0: i32) -> (i32, i32, i32) {
    %c0_i32 = arith.constant 0 : i32
    %c0_i32_0 = arith.constant 0 : i32
    %c0_i32_1 = arith.constant 0 : i32
    return %arg0, %c0_i32, %c0_i32_0 : i32, i32, i32
  }
  func.func @transform_1(%arg0: i32) -> (i32, i32) {
    %c0_i32 = arith.constant 0 : i32
    %c0_i32_0 = arith.constant 0 : i32
    %c0_i32_1 = arith.constant 0 : i32
    return %c0_i32, %c0_i32_0 : i32, i32
  }
  func.func @transform_2(%arg0: i32) -> (i32, i32) {
    %c0_i32 = arith.constant 0 : i32
    %c0_i32_0 = arith.constant 0 : i32
    %c0_i32_1 = arith.constant 0 : i32
    return %c0_i32, %c0_i32_0 : i32, i32
  }
  func.func @transform_3(%arg0: i32) -> (i32, i32, i32) {
    %c0_i32 = arith.constant 0 : i32
    %c0_i32_0 = arith.constant 0 : i32
    %c0_i32_1 = arith.constant 0 : i32
    return %arg0, %c0_i32, %c0_i32_0 : i32, i32, i32
  }
  func.func @transform_4(%arg0: i32) -> (i32, i32) {
    %c0_i32 = arith.constant 0 : i32
    %c0_i32_0 = arith.constant 0 : i32
    %c0_i32_1 = arith.constant 0 : i32
    return %c0_i32, %c0_i32_0 : i32, i32
  }
}

module attributes {stable_mosaic.version = 14 : i64} {
  func.func @kern(%arg0: i32, %arg1: memref<256x32x64xf32, #tpu.memory_space<vmem>>, %arg2: memref<64x128xf32, #tpu.memory_space<vmem>>, %arg3: memref<8x64xf32, #tpu.memory_space<vmem>>, %arg4: memref<256x32x128xf32, #tpu.memory_space<vmem>>, %arg5: memref<8x128xf32, #tpu.memory_space<vmem>>) attributes {dimension_semantics = [#tpu.dimension_semantics<arbitrary>], iteration_bounds = array<i64: 32>, scalar_prefetch = 0 : i64, scratch_operands = 0 : i64, tpu.core_type = #tpu.core_type<tc>, window_params = [{transform_indices = @transform_0, window_bounds = array<i64: 256, 32, 64>}, {pipeline_mode = #tpu.pipeline_mode<synchronous>, transform_indices = @transform_1, window_bounds = array<i64: 64, 128>}, {pipeline_mode = #tpu.pipeline_mode<synchronous>, transform_indices = @transform_2, window_bounds = array<i64: 8, 64>}, {transform_indices = @transform_3, window_bounds = array<i64: 256, 32, 128>}, {pipeline_mode = #tpu.pipeline_mode<synchronous>, transform_indices = @transform_4, window_bounds = array<i64: 8, 128>}]} {
    %get3A = arith.constant 0 : index
    %get3A_0 = arith.constant 0 : index
    %get3A_1 = arith.constant 0 : index
    %get3A_2 = vector.load %arg1[%get3A, %get3A_0, %get3A_1] : memref<256x32x64xf32, #tpu.memory_space<vmem>>, vector<256x32x64xf32>
    %get3A_3 = arith.constant 0 : index
    %get3A_4 = arith.constant 0 : index
    %get3A_5 = vector.load %arg3[%get3A_3, %get3A_4] : memref<8x64xf32, #tpu.memory_space<vmem>>, vector<8x64xf32>
    %slice3A = vector.extract_strided_slice %get3A_5 {offsets = [0, 0], sizes = [1, 64], strides = [1, 1]} : vector<8x64xf32> to vector<1x64xf32>
    %mul3A = arith.constant 3.81469727E-6 : f32
    %mul3A_6 = vector.broadcast %mul3A : f32 to vector<1x64xf32>
    %mul3A_7 = arith.mulf %slice3A, %mul3A_6 : vector<1x64xf32>
    %slice3A_8 = vector.extract_strided_slice %get3A_5 {offsets = [1, 0], sizes = [1, 64], strides = [1, 1]} : vector<8x64xf32> to vector<1x64xf32>
    %mul3A_9 = arith.constant 3.81469727E-6 : f32
    %mul3A_10 = vector.broadcast %mul3A_9 : f32 to vector<1x64xf32>
    %mul3A_11 = arith.mulf %slice3A_8, %mul3A_10 : vector<1x64xf32>
    %mul3A_12 = arith.mulf %mul3A_7, %mul3A_7 : vector<1x64xf32>
    %sub3A = arith.subf %mul3A_11, %mul3A_12 : vector<1x64xf32>
    %add3A = arith.constant 9.99999974E-6 : f32
    %add3A_13 = vector.broadcast %add3A : f32 to vector<1x64xf32>
    %add3A_14 = arith.addf %sub3A, %add3A_13 : vector<1x64xf32>
    %rsqrt3A = math.rsqrt %add3A_14 : vector<1x64xf32>
    %broadcast_in_dim3A = vector.shape_cast %mul3A_7 : vector<1x64xf32> to vector<1x1x64xf32>
    %broadcast_in_dim3A_15 = vector.shape_cast %rsqrt3A : vector<1x64xf32> to vector<1x1x64xf32>
    %sub3A_16 = vector.broadcast %broadcast_in_dim3A : vector<1x1x64xf32> to vector<256x32x64xf32>
    %sub3A_17 = arith.subf %get3A_2, %sub3A_16 : vector<256x32x64xf32>
    %mul3A_18 = vector.broadcast %broadcast_in_dim3A_15 : vector<1x1x64xf32> to vector<256x32x64xf32>
    %mul3A_19 = arith.mulf %sub3A_17, %mul3A_18 : vector<256x32x64xf32>
    %max3A = arith.constant 0.000000e+00 : f32
    %max3A_20 = vector.broadcast %max3A : f32 to vector<256x32x64xf32>
    %max3A_21 = arith.maximumf %mul3A_19, %max3A_20 : vector<256x32x64xf32>
    %reshape3A = vector.shape_cast %max3A_21 : vector<256x32x64xf32> to vector<8192x64xf32>
    %get3A_22 = arith.constant 0 : index
    %get3A_23 = arith.constant 0 : index
    %get3A_24 = vector.load %arg2[%get3A_22, %get3A_23] : memref<64x128xf32, #tpu.memory_space<vmem>>, vector<64x128xf32>
    %dot_general3A = arith.constant dense<0.000000e+00> : vector<8192x128xf32>
    %dot_general3A_25 = tpu.matmul %reshape3A, %get3A_24, %dot_general3A {dimension_numbers = #tpu.dot_dimension_numbers<[1], [0], [0], [1], [0, 0, 1, 1], [], []>, transpose_lhs_hint = false} : vector<8192x64xf32>, vector<64x128xf32>, vector<8192x128xf32> -> vector<8192x128xf32>
    %reshape3A_26 = vector.shape_cast %dot_general3A_25 : vector<8192x128xf32> to vector<256x32x128xf32>
    %swap3A = arith.constant 0 : index
    %swap3A_27 = arith.constant 0 : index
    %swap3A_28 = arith.constant 0 : index
    %swap3A_29 = vector.load %arg4[%swap3A, %swap3A_27, %swap3A_28] : memref<256x32x128xf32, #tpu.memory_space<vmem>>, vector<256x32x128xf32>
    tpu.vector_store %arg4[%swap3A, %swap3A_27, %swap3A_28], %reshape3A_26 {strides = array<i32>} : memref<256x32x128xf32, #tpu.memory_space<vmem>>, vector<256x32x128xf32>,
    %reduce_sum3A = arith.constant dense<0.000000e+00> : vector<128xf32>
    %reduce_sum3A_30 = vector.multi_reduction <add>, %dot_general3A_25, %reduce_sum3A [0] : vector<8192x128xf32> to vector<128xf32>
    %broadcast_in_dim3A_31 = vector.shape_cast %reduce_sum3A_30 : vector<128xf32> to vector<1x128xf32>
    %mul3A_32 = arith.mulf %dot_general3A_25, %dot_general3A_25 : vector<8192x128xf32>
    %reduce_sum3A_33 = arith.constant dense<0.000000e+00> : vector<128xf32>
    %reduce_sum3A_34 = vector.multi_reduction <add>, %mul3A_32, %reduce_sum3A_33 [0] : vector<8192x128xf32> to vector<128xf32>
    %broadcast_in_dim3A_35 = vector.shape_cast %reduce_sum3A_34 : vector<128xf32> to vector<1x128xf32>
    %eq3A = arith.constant 0 : i32
    %eq3A_36 = arith.cmpi eq, %arg0, %eq3A : i32
    %convert_element_type3A = arith.extui %eq3A_36 : i1 to i32
    %cond3A = arith.constant 0 : i32
    %cond3A_37 = arith.cmpi ne, %convert_element_type3A, %cond3A : i32
    scf.if %cond3A_37 {
      %broadcast_in_dim3A_52 = arith.constant 0.000000e+00 : f32
      %broadcast_in_dim3A_53 = vector.broadcast %broadcast_in_dim3A_52 : f32 to vector<8x128xf32>
      %swap3A_54 = arith.constant 0 : index
      %swap3A_55 = arith.constant 0 : index
      %swap3A_56 = vector.load %arg5[%swap3A_54, %swap3A_55] : memref<8x128xf32, #tpu.memory_space<vmem>>, vector<8x128xf32>
      tpu.vector_store %arg5[%swap3A_54, %swap3A_55], %broadcast_in_dim3A_53 {strides = array<i32>} : memref<8x128xf32, #tpu.memory_space<vmem>>, vector<8x128xf32>,
    } else {
    }
    %get3A_38 = arith.constant 0 : index
    %get3A_39 = arith.constant 0 : index
    %get3A_40 = vector.load %arg5[%get3A_38, %get3A_39] : memref<8x128xf32, #tpu.memory_space<vmem>>, vector<1x128xf32>
    %add3A_41 = arith.addf %get3A_40, %broadcast_in_dim3A_31 : vector<1x128xf32>
    %swap3A_42 = arith.constant 0 : index
    %swap3A_43 = arith.constant 0 : index
    %swap3A_44 = vector.load %arg5[%swap3A_42, %swap3A_43] : memref<8x128xf32, #tpu.memory_space<vmem>>, vector<1x128xf32>
    tpu.vector_store %arg5[%swap3A_42, %swap3A_43], %add3A_41 {strides = array<i32>} : memref<8x128xf32, #tpu.memory_space<vmem>>, vector<1x128xf32>,
    %get3A_45 = arith.constant 1 : index
    %get3A_46 = arith.constant 0 : index
    %get3A_47 = vector.load %arg5[%get3A_45, %get3A_46] : memref<8x128xf32, #tpu.memory_space<vmem>>, vector<1x128xf32>
    %add3A_48 = arith.addf %get3A_47, %broadcast_in_dim3A_35 : vector<1x128xf32>
    %swap3A_49 = arith.constant 1 : index
    %swap3A_50 = arith.constant 0 : index
    %swap3A_51 = vector.load %arg5[%swap3A_49, %swap3A_50] : memref<8x128xf32, #tpu.memory_space<vmem>>, vector<1x128xf32>
    tpu.vector_store %arg5[%swap3A_49, %swap3A_50], %add3A_48 {strides = array<i32>} : memref<8x128xf32, #tpu.memory_space<vmem>>, vector<1x128xf32>,
    return
  }
  func.func @transform_0(%arg0: i32) -> (i32, i32, i32) {
    %c0_i32 = arith.constant 0 : i32
    %c0_i32_0 = arith.constant 0 : i32
    %c0_i32_1 = arith.constant 0 : i32
    return %arg0, %c0_i32, %c0_i32_0 : i32, i32, i32
  }
  func.func @transform_1(%arg0: i32) -> (i32, i32) {
    %c0_i32 = arith.constant 0 : i32
    %c0_i32_0 = arith.constant 0 : i32
    %c0_i32_1 = arith.constant 0 : i32
    return %c0_i32, %c0_i32_0 : i32, i32
  }
  func.func @transform_2(%arg0: i32) -> (i32, i32) {
    %c0_i32 = arith.constant 0 : i32
    %c0_i32_0 = arith.constant 0 : i32
    %c0_i32_1 = arith.constant 0 : i32
    return %c0_i32, %c0_i32_0 : i32, i32
  }
  func.func @transform_3(%arg0: i32) -> (i32, i32, i32) {
    %c0_i32 = arith.constant 0 : i32
    %c0_i32_0 = arith.constant 0 : i32
    %c0_i32_1 = arith.constant 0 : i32
    return %arg0, %c0_i32, %c0_i32_0 : i32, i32, i32
  }
  func.func @transform_4(%arg0: i32) -> (i32, i32) {
    %c0_i32 = arith.constant 0 : i32
    %c0_i32_0 = arith.constant 0 : i32
    %c0_i32_1 = arith.constant 0 : i32
    return %c0_i32, %c0_i32_0 : i32, i32
  }
}

module attributes {stable_mosaic.version = 14 : i64} {
  func.func @kern(%arg0: i32, %arg1: memref<256x32x128xf32, #tpu.memory_space<vmem>>, %arg2: memref<8x128xf32, #tpu.memory_space<vmem>>, %arg3: memref<256x128xf32, #tpu.memory_space<vmem>>) attributes {dimension_semantics = [#tpu.dimension_semantics<arbitrary>], iteration_bounds = array<i64: 32>, scalar_prefetch = 0 : i64, scratch_operands = 0 : i64, tpu.core_type = #tpu.core_type<tc>, window_params = [{transform_indices = @transform_0, window_bounds = array<i64: 256, 32, 128>}, {pipeline_mode = #tpu.pipeline_mode<synchronous>, transform_indices = @transform_1, window_bounds = array<i64: 8, 128>}, {transform_indices = @transform_2, window_bounds = array<i64: 256, 128>}]} {
    %get3A = arith.constant 0 : index
    %get3A_0 = arith.constant 0 : index
    %get3A_1 = arith.constant 0 : index
    %get3A_2 = vector.load %arg1[%get3A, %get3A_0, %get3A_1] : memref<256x32x128xf32, #tpu.memory_space<vmem>>, vector<256x32x128xf32>
    %get3A_3 = arith.constant 0 : index
    %get3A_4 = arith.constant 0 : index
    %get3A_5 = vector.load %arg2[%get3A_3, %get3A_4] : memref<8x128xf32, #tpu.memory_space<vmem>>, vector<8x128xf32>
    %slice3A = vector.extract_strided_slice %get3A_5 {offsets = [0, 0], sizes = [1, 128], strides = [1, 1]} : vector<8x128xf32> to vector<1x128xf32>
    %mul3A = arith.constant 3.81469727E-6 : f32
    %mul3A_6 = vector.broadcast %mul3A : f32 to vector<1x128xf32>
    %mul3A_7 = arith.mulf %slice3A, %mul3A_6 : vector<1x128xf32>
    %slice3A_8 = vector.extract_strided_slice %get3A_5 {offsets = [1, 0], sizes = [1, 128], strides = [1, 1]} : vector<8x128xf32> to vector<1x128xf32>
    %mul3A_9 = arith.constant 3.81469727E-6 : f32
    %mul3A_10 = vector.broadcast %mul3A_9 : f32 to vector<1x128xf32>
    %mul3A_11 = arith.mulf %slice3A_8, %mul3A_10 : vector<1x128xf32>
    %mul3A_12 = arith.mulf %mul3A_7, %mul3A_7 : vector<1x128xf32>
    %sub3A = arith.subf %mul3A_11, %mul3A_12 : vector<1x128xf32>
    %add3A = arith.constant 9.99999974E-6 : f32
    %add3A_13 = vector.broadcast %add3A : f32 to vector<1x128xf32>
    %add3A_14 = arith.addf %sub3A, %add3A_13 : vector<1x128xf32>
    %rsqrt3A = math.rsqrt %add3A_14 : vector<1x128xf32>
    %broadcast_in_dim3A = vector.shape_cast %mul3A_7 : vector<1x128xf32> to vector<1x1x128xf32>
    %broadcast_in_dim3A_15 = vector.shape_cast %rsqrt3A : vector<1x128xf32> to vector<1x1x128xf32>
    %sub3A_16 = vector.broadcast %broadcast_in_dim3A : vector<1x1x128xf32> to vector<256x32x128xf32>
    %sub3A_17 = arith.subf %get3A_2, %sub3A_16 : vector<256x32x128xf32>
    %mul3A_18 = vector.broadcast %broadcast_in_dim3A_15 : vector<1x1x128xf32> to vector<256x32x128xf32>
    %mul3A_19 = arith.mulf %sub3A_17, %mul3A_18 : vector<256x32x128xf32>
    %max3A = arith.constant 0.000000e+00 : f32
    %max3A_20 = vector.broadcast %max3A : f32 to vector<256x32x128xf32>
    %max3A_21 = arith.maximumf %mul3A_19, %max3A_20 : vector<256x32x128xf32>
    %reduce_max3A = arith.constant dense<0xFF800000> : vector<256x128xf32>
    %reduce_max3A_22 = vector.multi_reduction <maximumf>, %max3A_21, %reduce_max3A [1] : vector<256x32x128xf32> to vector<256x128xf32>
    %swap3A = arith.constant 0 : index
    %swap3A_23 = arith.constant 0 : index
    %swap3A_24 = vector.load %arg3[%swap3A, %swap3A_23] : memref<256x128xf32, #tpu.memory_space<vmem>>, vector<256x128xf32>
    tpu.vector_store %arg3[%swap3A, %swap3A_23], %reduce_max3A_22 {strides = array<i32>} : memref<256x128xf32, #tpu.memory_space<vmem>>, vector<256x128xf32>,
    return
  }
  func.func @transform_0(%arg0: i32) -> (i32, i32, i32) {
    %c0_i32 = arith.constant 0 : i32
    %c0_i32_0 = arith.constant 0 : i32
    %c0_i32_1 = arith.constant 0 : i32
    return %arg0, %c0_i32, %c0_i32_0 : i32, i32, i32
  }
  func.func @transform_1(%arg0: i32) -> (i32, i32) {
    %c0_i32 = arith.constant 0 : i32
    %c0_i32_0 = arith.constant 0 : i32
    %c0_i32_1 = arith.constant 0 : i32
    return %c0_i32, %c0_i32_0 : i32, i32
  }
  func.func @transform_2(%arg0: i32) -> (i32, i32) {
    %c0_i32 = arith.constant 0 : i32
    %c0_i32_0 = arith.constant 0 : i32
    return %arg0, %c0_i32 : i32, i32
  }
}

module attributes {stable_mosaic.version = 14 : i64} {
  func.func @kern(%arg0: i32, %arg1: i32, %arg2: memref<1x64x3xf32, #tpu.memory_space<vmem>>, %arg3: memref<1x3x256xf32, #tpu.memory_space<vmem>>, %arg4: memref<1x64x128xi32, #tpu.memory_space<vmem>>, %arg5: memref<1x64x128xf32, #tpu.memory_space<vmem>>, %arg6: memref<64x256xf32, #tpu.memory_space<vmem>>) attributes {dimension_semantics = [#tpu.dimension_semantics<arbitrary>, #tpu.dimension_semantics<arbitrary>], iteration_bounds = array<i64: 8, 1>, scalar_prefetch = 0 : i64, scratch_operands = 1 : i64, tpu.core_type = #tpu.core_type<tc>, window_params = [{transform_indices = @transform_0, window_bounds = array<i64: 1, 64, 3>}, {transform_indices = @transform_1, window_bounds = array<i64: 1, 3, 256>}, {transform_indices = @transform_2, window_bounds = array<i64: 1, 64, 128>}, {transform_indices = @transform_3, window_bounds = array<i64: 1, 64, 128>}]} {
    %get3A = arith.constant 0 : index
    %get3A_0 = arith.constant 0 : index
    %get3A_1 = arith.constant 0 : index
    %get3A_2 = vector.load %arg2[%get3A, %get3A_0, %get3A_1] : memref<1x64x3xf32, #tpu.memory_space<vmem>>, vector<1x64x3xf32>
    %get3A_3 = vector.shape_cast %get3A_2 : vector<1x64x3xf32> to vector<64x3xf32>
    %get3A_4 = arith.constant 0 : index
    %get3A_5 = arith.constant 0 : index
    %get3A_6 = arith.constant 0 : index
    %get3A_7 = vector.load %arg3[%get3A_4, %get3A_5, %get3A_6] : memref<1x3x256xf32, #tpu.memory_space<vmem>>, vector<1x3x256xf32>
    %get3A_8 = vector.shape_cast %get3A_7 : vector<1x3x256xf32> to vector<3x256xf32>
    %mul3A = arith.mulf %get3A_3, %get3A_3 : vector<64x3xf32>
    %reduce_sum3A = arith.constant dense<0.000000e+00> : vector<64xf32>
    %reduce_sum3A_9 = vector.multi_reduction <add>, %mul3A, %reduce_sum3A [1] : vector<64x3xf32> to vector<64xf32>
    %broadcast_in_dim3A = vector.shape_cast %reduce_sum3A_9 : vector<64xf32> to vector<64x1xf32>
    %mul3A_10 = arith.mulf %get3A_8, %get3A_8 : vector<3x256xf32>
    %reduce_sum3A_11 = arith.constant dense<0.000000e+00> : vector<256xf32>
    %reduce_sum3A_12 = vector.multi_reduction <add>, %mul3A_10, %reduce_sum3A_11 [0] : vector<3x256xf32> to vector<256xf32>
    %broadcast_in_dim3A_13 = vector.shape_cast %reduce_sum3A_12 : vector<256xf32> to vector<1x256xf32>
    %dot_general3A = arith.constant dense<0.000000e+00> : vector<64x256xf32>
    %dot_general3A_14 = tpu.matmul %get3A_3, %get3A_8, %dot_general3A {dimension_numbers = #tpu.dot_dimension_numbers<[1], [0], [0], [1], [0, 0, 1, 1], [], []>, transpose_lhs_hint = false} : vector<64x3xf32>, vector<3x256xf32>, vector<64x256xf32> -> vector<64x256xf32>
    %add3A = vector.broadcast %broadcast_in_dim3A : vector<64x1xf32> to vector<64x256xf32>
    %add3A_15 = vector.broadcast %broadcast_in_dim3A_13 : vector<1x256xf32> to vector<64x256xf32>
    %add3A_16 = arith.addf %add3A, %add3A_15 : vector<64x256xf32>
    %mul3A_17 = arith.constant 2.000000e+00 : f32
    %mul3A_18 = vector.broadcast %mul3A_17 : f32 to vector<64x256xf32>
    %mul3A_19 = arith.mulf %mul3A_18, %dot_general3A_14 : vector<64x256xf32>
    %sub3A = arith.subf %add3A_16, %mul3A_19 : vector<64x256xf32>
    %max3A = arith.constant 9.99999996E-13 : f32
    %max3A_20 = vector.broadcast %max3A : f32 to vector<64x256xf32>
    %max3A_21 = arith.maximumf %sub3A, %max3A_20 : vector<64x256xf32>
    %sqrt3A = math.sqrt %max3A_21 : vector<64x256xf32>
    %swap3A = arith.constant 0 : index
    %swap3A_22 = arith.constant 0 : index
    %swap3A_23 = vector.load %arg6[%swap3A, %swap3A_22] : memref<64x256xf32, #tpu.memory_space<vmem>>, vector<64x256xf32>
    tpu.vector_store %arg6[%swap3A, %swap3A_22], %sqrt3A {strides = array<i32>} : memref<64x256xf32, #tpu.memory_space<vmem>>, vector<64x256xf32>,
    %iota3A = tpu.iota {dimensions = array<i32: 1>} : vector<1x256xi32>
    %iota3A_24 = tpu.iota {dimensions = array<i32: 1>} : vector<1x128xi32>
    %broadcast_in_dim3A_25 = arith.constant 0 : i32
    %broadcast_in_dim3A_26 = vector.broadcast %broadcast_in_dim3A_25 : i32 to vector<64x128xi32>
    %broadcast_in_dim3A_27 = arith.constant 0x7F800000 : f32
    %broadcast_in_dim3A_28 = vector.broadcast %broadcast_in_dim3A_27 : f32 to vector<64x128xf32>
    %scan3A = arith.constant 0 : i32
    %scan3A_29 = arith.constant 128 : i32
    %scan3A_30 = arith.addi %scan3A, %scan3A_29 : i32
    %scan3A_31 = arith.constant 1 : i32
    %scan3A_32:2 = scf.for %scan3A_60 = %scan3A to %scan3A_30 step %scan3A_31 iter_args(%scan3A_61 = %broadcast_in_dim3A_26, %scan3A_62 = %broadcast_in_dim3A_28) -> (vector<64x128xi32>, vector<64x128xf32>)  : i32 {
      %get3A_63 = arith.constant 0 : index
      %get3A_64 = arith.constant 0 : index
      %get3A_65 = vector.load %arg6[%get3A_63, %get3A_64] : memref<64x256xf32, #tpu.memory_space<vmem>>, vector<64x256xf32>
      %reduce_min3A = arith.constant dense<0x7F800000> : vector<64xf32>
      %reduce_min3A_66 = vector.multi_reduction <minimumf>, %get3A_65, %reduce_min3A [1] : vector<64x256xf32> to vector<64xf32>
      %broadcast_in_dim3A_67 = vector.shape_cast %reduce_min3A_66 : vector<64xf32> to vector<64x1xf32>
      %eq3A = vector.broadcast %broadcast_in_dim3A_67 : vector<64x1xf32> to vector<64x256xf32>
      %eq3A_68 = arith.cmpf oeq, %get3A_65, %eq3A : vector<64x256xf32>
      %jit3A = arith.constant 256 : i32
      %broadcast_in_dim3A_69 = vector.shape_cast %iota3A : vector<1x256xi32> to vector<1x256xi32>
      %broadcast_in_dim3A_70 = vector.broadcast %broadcast_in_dim3A_69 : vector<1x256xi32> to vector<64x256xi32>
      %broadcast_in_dim3A_71 = vector.broadcast %jit3A : i32 to vector<64x256xi32>
      %select_n3A = arith.select %eq3A_68, %broadcast_in_dim3A_70, %broadcast_in_dim3A_71 : vector<64x256xi1>, vector<64x256xi32>
      %reduce_min3A_72 = arith.constant dense<2147483647> : vector<64xi32>
      %reduce_min3A_73 = vector.multi_reduction <minsi>, %select_n3A, %reduce_min3A_72 [1] : vector<64x256xi32> to vector<64xi32>
      %broadcast_in_dim3A_74 = vector.shape_cast %reduce_min3A_73 : vector<64xi32> to vector<64x1xi32>
      %eq3A_75 = vector.broadcast %scan3A_60 : i32 to vector<1x128xi32>
      %eq3A_76 = arith.cmpi eq, %iota3A_24, %eq3A_75 : vector<1x128xi32>
      %broadcast_in_dim3A_77 = vector.shape_cast %eq3A_76 : vector<1x128xi1> to vector<1x128xi1>
      %broadcast_in_dim3A_78 = vector.broadcast %broadcast_in_dim3A_77 : vector<1x128xi1> to vector<64x128xi1>
      %broadcast_in_dim3A_79 = vector.shape_cast %broadcast_in_dim3A_74 : vector<64x1xi32> to vector<64x1xi32>
      %broadcast_in_dim3A_80 = vector.broadcast %broadcast_in_dim3A_79 : vector<64x1xi32> to vector<64x128xi32>
      %select_n3A_81 = arith.select %broadcast_in_dim3A_78, %broadcast_in_dim3A_80, %scan3A_61 : vector<64x128xi1>, vector<64x128xi32>
      %eq3A_82 = vector.broadcast %scan3A_60 : i32 to vector<1x128xi32>
      %eq3A_83 = arith.cmpi eq, %iota3A_24, %eq3A_82 : vector<1x128xi32>
      %broadcast_in_dim3A_84 = vector.shape_cast %eq3A_83 : vector<1x128xi1> to vector<1x128xi1>
      %broadcast_in_dim3A_85 = vector.broadcast %broadcast_in_dim3A_84 : vector<1x128xi1> to vector<64x128xi1>
      %broadcast_in_dim3A_86 = vector.shape_cast %broadcast_in_dim3A_67 : vector<64x1xf32> to vector<64x1xf32>
      %broadcast_in_dim3A_87 = vector.broadcast %broadcast_in_dim3A_86 : vector<64x1xf32> to vector<64x128xf32>
      %select_n3A_88 = arith.select %broadcast_in_dim3A_85, %broadcast_in_dim3A_87, %scan3A_62 : vector<64x128xi1>, vector<64x128xf32>
      %eq3A_89 = vector.broadcast %iota3A : vector<1x256xi32> to vector<64x256xi32>
      %eq3A_90 = vector.broadcast %broadcast_in_dim3A_74 : vector<64x1xi32> to vector<64x256xi32>
      %eq3A_91 = arith.cmpi eq, %eq3A_89, %eq3A_90 : vector<64x256xi32>
      %jit3A_92 = arith.constant 0x7F800000 : f32
      %broadcast_in_dim3A_93 = vector.broadcast %jit3A_92 : f32 to vector<64x256xf32>
      %select_n3A_94 = arith.select %eq3A_91, %broadcast_in_dim3A_93, %get3A_65 : vector<64x256xi1>, vector<64x256xf32>
      %swap3A_95 = arith.constant 0 : index
      %swap3A_96 = arith.constant 0 : index
      %swap3A_97 = vector.load %arg6[%swap3A_95, %swap3A_96] : memref<64x256xf32, #tpu.memory_space<vmem>>, vector<64x256xf32>
      tpu.vector_store %arg6[%swap3A_95, %swap3A_96], %select_n3A_94 {strides = array<i32>} : memref<64x256xf32, #tpu.memory_space<vmem>>, vector<64x256xf32>,
      scf.yield %select_n3A_81, %select_n3A_88 : vector<64x128xi32>, vector<64x128xf32>
    }
    %scan3A_33 = arith.constant 128 : i32
    %mul3A_34 = arith.constant 256 : i32
    %mul3A_35 = arith.muli %arg0, %mul3A_34 : i32
    %add3A_36 = vector.broadcast %mul3A_35 : i32 to vector<64x128xi32>
    %add3A_37 = arith.addi %scan3A_32#0, %add3A_36 : vector<64x128xi32>
    %swap3A_38 = arith.constant 0 : index
    %swap3A_39 = arith.constant 0 : index
    %swap3A_40 = arith.constant 0 : index
    %swap3A_41 = vector.load %arg4[%swap3A_38, %swap3A_39, %swap3A_40] : memref<1x64x128xi32, #tpu.memory_space<vmem>>, vector<1x64x128xi32>
    %swap3A_42 = vector.shape_cast %swap3A_41 : vector<1x64x128xi32> to vector<64x128xi32>
    %swap3A_43 = vector.shape_cast %add3A_37 : vector<64x128xi32> to vector<1x64x128xi32>
    tpu.vector_store %arg4[%swap3A_38, %swap3A_39, %swap3A_40], %swap3A_43 {strides = array<i32>} : memref<1x64x128xi32, #tpu.memory_space<vmem>>, vector<1x64x128xi32>,
    %max3A_44 = arith.constant 9.99999993E-9 : f32
    %max3A_45 = vector.broadcast %max3A_44 : f32 to vector<64x128xf32>
    %max3A_46 = arith.maximumf %scan3A_32#1, %max3A_45 : vector<64x128xf32>
    %div3A = arith.constant 1.000000e+00 : f32
    %div3A_47 = vector.broadcast %div3A : f32 to vector<64x128xf32>
    %div3A_48 = arith.divf %div3A_47, %max3A_46 : vector<64x128xf32>
    %reduce_sum3A_49 = arith.constant dense<0.000000e+00> : vector<64xf32>
    %reduce_sum3A_50 = vector.multi_reduction <add>, %div3A_48, %reduce_sum3A_49 [1] : vector<64x128xf32> to vector<64xf32>
    %broadcast_in_dim3A_51 = vector.shape_cast %reduce_sum3A_50 : vector<64xf32> to vector<64x1xf32>
    %div3A_52 = vector.broadcast %broadcast_in_dim3A_51 : vector<64x1xf32> to vector<64x128xf32>
    %div3A_53 = arith.divf %div3A_48, %div3A_52 : vector<64x128xf32>
    %swap3A_54 = arith.constant 0 : index
    %swap3A_55 = arith.constant 0 : index
    %swap3A_56 = arith.constant 0 : index
    %swap3A_57 = vector.load %arg5[%swap3A_54, %swap3A_55, %swap3A_56] : memref<1x64x128xf32, #tpu.memory_space<vmem>>, vector<1x64x128xf32>
    %swap3A_58 = vector.shape_cast %swap3A_57 : vector<1x64x128xf32> to vector<64x128xf32>
    %swap3A_59 = vector.shape_cast %div3A_53 : vector<64x128xf32> to vector<1x64x128xf32>
    tpu.vector_store %arg5[%swap3A_54, %swap3A_55, %swap3A_56], %swap3A_59 {strides = array<i32>} : memref<1x64x128xf32, #tpu.memory_space<vmem>>, vector<1x64x128xf32>,
    return
  }
  func.func @transform_0(%arg0: i32, %arg1: i32) -> (i32, i32, i32) {
    %c0_i32 = arith.constant 0 : i32
    %c0_i32_0 = arith.constant 0 : i32
    return %arg0, %arg1, %c0_i32 : i32, i32, i32
  }
  func.func @transform_1(%arg0: i32, %arg1: i32) -> (i32, i32, i32) {
    %c0_i32 = arith.constant 0 : i32
    %c0_i32_0 = arith.constant 0 : i32
    %c0_i32_1 = arith.constant 0 : i32
    return %arg0, %c0_i32, %c0_i32_0 : i32, i32, i32
  }
  func.func @transform_2(%arg0: i32, %arg1: i32) -> (i32, i32, i32) {
    %c0_i32 = arith.constant 0 : i32
    %c0_i32_0 = arith.constant 0 : i32
    return %arg0, %arg1, %c0_i32 : i32, i32, i32
  }
  func.func @transform_3(%arg0: i32, %arg1: i32) -> (i32, i32, i32) {
    %c0_i32 = arith.constant 0 : i32
    %c0_i32_0 = arith.constant 0 : i32
    return %arg0, %arg1, %c0_i32 : i32, i32, i32
  }
}

module attributes {stable_mosaic.version = 14 : i64} {
  func.func @kern(%arg0: i32, %arg1: memref<64x64x256xf32, #tpu.memory_space<vmem>>, %arg2: memref<256x128xf32, #tpu.memory_space<vmem>>, %arg3: memref<64x256xf32, #tpu.memory_space<vmem>>, %arg4: memref<64x64x128xf32, #tpu.memory_space<vmem>>, %arg5: memref<8x128xf32, #tpu.memory_space<vmem>>) attributes {dimension_semantics = [#tpu.dimension_semantics<arbitrary>], iteration_bounds = array<i64: 32>, scalar_prefetch = 0 : i64, scratch_operands = 0 : i64, tpu.core_type = #tpu.core_type<tc>, window_params = [{transform_indices = @transform_0, window_bounds = array<i64: 64, 64, 256>}, {pipeline_mode = #tpu.pipeline_mode<synchronous>, transform_indices = @transform_1, window_bounds = array<i64: 256, 128>}, {transform_indices = @transform_2, window_bounds = array<i64: 64, 256>}, {transform_indices = @transform_3, window_bounds = array<i64: 64, 64, 128>}, {pipeline_mode = #tpu.pipeline_mode<synchronous>, transform_indices = @transform_4, window_bounds = array<i64: 8, 128>}]} {
    %get3A = arith.constant 0 : index
    %get3A_0 = arith.constant 0 : index
    %get3A_1 = arith.constant 0 : index
    %get3A_2 = vector.load %arg1[%get3A, %get3A_0, %get3A_1] : memref<64x64x256xf32, #tpu.memory_space<vmem>>, vector<64x64x256xf32>
    %get3A_3 = arith.constant 0 : index
    %get3A_4 = arith.constant 0 : index
    %get3A_5 = vector.load %arg3[%get3A_3, %get3A_4] : memref<64x256xf32, #tpu.memory_space<vmem>>, vector<64x256xf32>
    %broadcast_in_dim3A = vector.shape_cast %get3A_5 : vector<64x256xf32> to vector<64x1x256xf32>
    %sub3A = vector.broadcast %broadcast_in_dim3A : vector<64x1x256xf32> to vector<64x64x256xf32>
    %sub3A_6 = arith.subf %get3A_2, %sub3A : vector<64x64x256xf32>
    %reshape3A = vector.shape_cast %sub3A_6 : vector<64x64x256xf32> to vector<4096x256xf32>
    %get3A_7 = arith.constant 0 : index
    %get3A_8 = arith.constant 0 : index
    %get3A_9 = vector.load %arg2[%get3A_7, %get3A_8] : memref<256x128xf32, #tpu.memory_space<vmem>>, vector<256x128xf32>
    %dot_general3A = arith.constant dense<0.000000e+00> : vector<4096x128xf32>
    %dot_general3A_10 = tpu.matmul %reshape3A, %get3A_9, %dot_general3A {dimension_numbers = #tpu.dot_dimension_numbers<[1], [0], [0], [1], [0, 0, 1, 1], [], []>, transpose_lhs_hint = false} : vector<4096x256xf32>, vector<256x128xf32>, vector<4096x128xf32> -> vector<4096x128xf32>
    %reshape3A_11 = vector.shape_cast %dot_general3A_10 : vector<4096x128xf32> to vector<64x64x128xf32>
    %swap3A = arith.constant 0 : index
    %swap3A_12 = arith.constant 0 : index
    %swap3A_13 = arith.constant 0 : index
    %swap3A_14 = vector.load %arg4[%swap3A, %swap3A_12, %swap3A_13] : memref<64x64x128xf32, #tpu.memory_space<vmem>>, vector<64x64x128xf32>
    tpu.vector_store %arg4[%swap3A, %swap3A_12, %swap3A_13], %reshape3A_11 {strides = array<i32>} : memref<64x64x128xf32, #tpu.memory_space<vmem>>, vector<64x64x128xf32>,
    %reduce_sum3A = arith.constant dense<0.000000e+00> : vector<128xf32>
    %reduce_sum3A_15 = vector.multi_reduction <add>, %dot_general3A_10, %reduce_sum3A [0] : vector<4096x128xf32> to vector<128xf32>
    %broadcast_in_dim3A_16 = vector.shape_cast %reduce_sum3A_15 : vector<128xf32> to vector<1x128xf32>
    %mul3A = arith.mulf %dot_general3A_10, %dot_general3A_10 : vector<4096x128xf32>
    %reduce_sum3A_17 = arith.constant dense<0.000000e+00> : vector<128xf32>
    %reduce_sum3A_18 = vector.multi_reduction <add>, %mul3A, %reduce_sum3A_17 [0] : vector<4096x128xf32> to vector<128xf32>
    %broadcast_in_dim3A_19 = vector.shape_cast %reduce_sum3A_18 : vector<128xf32> to vector<1x128xf32>
    %eq3A = arith.constant 0 : i32
    %eq3A_20 = arith.cmpi eq, %arg0, %eq3A : i32
    %convert_element_type3A = arith.extui %eq3A_20 : i1 to i32
    %cond3A = arith.constant 0 : i32
    %cond3A_21 = arith.cmpi ne, %convert_element_type3A, %cond3A : i32
    scf.if %cond3A_21 {
      %broadcast_in_dim3A_35 = arith.constant 0.000000e+00 : f32
      %broadcast_in_dim3A_36 = vector.broadcast %broadcast_in_dim3A_35 : f32 to vector<8x128xf32>
      %swap3A_37 = arith.constant 0 : index
      %swap3A_38 = arith.constant 0 : index
      %swap3A_39 = vector.load %arg5[%swap3A_37, %swap3A_38] : memref<8x128xf32, #tpu.memory_space<vmem>>, vector<8x128xf32>
      tpu.vector_store %arg5[%swap3A_37, %swap3A_38], %broadcast_in_dim3A_36 {strides = array<i32>} : memref<8x128xf32, #tpu.memory_space<vmem>>, vector<8x128xf32>,
    } else {
    }
    %get3A_22 = arith.constant 0 : index
    %get3A_23 = arith.constant 0 : index
    %get3A_24 = vector.load %arg5[%get3A_22, %get3A_23] : memref<8x128xf32, #tpu.memory_space<vmem>>, vector<1x128xf32>
    %add3A = arith.addf %get3A_24, %broadcast_in_dim3A_16 : vector<1x128xf32>
    %swap3A_25 = arith.constant 0 : index
    %swap3A_26 = arith.constant 0 : index
    %swap3A_27 = vector.load %arg5[%swap3A_25, %swap3A_26] : memref<8x128xf32, #tpu.memory_space<vmem>>, vector<1x128xf32>
    tpu.vector_store %arg5[%swap3A_25, %swap3A_26], %add3A {strides = array<i32>} : memref<8x128xf32, #tpu.memory_space<vmem>>, vector<1x128xf32>,
    %get3A_28 = arith.constant 1 : index
    %get3A_29 = arith.constant 0 : index
    %get3A_30 = vector.load %arg5[%get3A_28, %get3A_29] : memref<8x128xf32, #tpu.memory_space<vmem>>, vector<1x128xf32>
    %add3A_31 = arith.addf %get3A_30, %broadcast_in_dim3A_19 : vector<1x128xf32>
    %swap3A_32 = arith.constant 1 : index
    %swap3A_33 = arith.constant 0 : index
    %swap3A_34 = vector.load %arg5[%swap3A_32, %swap3A_33] : memref<8x128xf32, #tpu.memory_space<vmem>>, vector<1x128xf32>
    tpu.vector_store %arg5[%swap3A_32, %swap3A_33], %add3A_31 {strides = array<i32>} : memref<8x128xf32, #tpu.memory_space<vmem>>, vector<1x128xf32>,
    return
  }
  func.func @transform_0(%arg0: i32) -> (i32, i32, i32) {
    %c0_i32 = arith.constant 0 : i32
    %c0_i32_0 = arith.constant 0 : i32
    %c0_i32_1 = arith.constant 0 : i32
    return %arg0, %c0_i32, %c0_i32_0 : i32, i32, i32
  }
  func.func @transform_1(%arg0: i32) -> (i32, i32) {
    %c0_i32 = arith.constant 0 : i32
    %c0_i32_0 = arith.constant 0 : i32
    %c0_i32_1 = arith.constant 0 : i32
    return %c0_i32, %c0_i32_0 : i32, i32
  }
  func.func @transform_2(%arg0: i32) -> (i32, i32) {
    %c0_i32 = arith.constant 0 : i32
    %c0_i32_0 = arith.constant 0 : i32
    return %arg0, %c0_i32 : i32, i32
  }
  func.func @transform_3(%arg0: i32) -> (i32, i32, i32) {
    %c0_i32 = arith.constant 0 : i32
    %c0_i32_0 = arith.constant 0 : i32
    %c0_i32_1 = arith.constant 0 : i32
    return %arg0, %c0_i32, %c0_i32_0 : i32, i32, i32
  }
  func.func @transform_4(%arg0: i32) -> (i32, i32) {
    %c0_i32 = arith.constant 0 : i32
    %c0_i32_0 = arith.constant 0 : i32
    %c0_i32_1 = arith.constant 0 : i32
    return %c0_i32, %c0_i32_0 : i32, i32
  }
}

module attributes {stable_mosaic.version = 14 : i64} {
  func.func @kern(%arg0: i32, %arg1: memref<128x64x128xf32, #tpu.memory_space<vmem>>, %arg2: memref<128x128xf32, #tpu.memory_space<vmem>>, %arg3: memref<8x128xf32, #tpu.memory_space<vmem>>, %arg4: memref<128x64x128xf32, #tpu.memory_space<vmem>>, %arg5: memref<8x128xf32, #tpu.memory_space<vmem>>) attributes {dimension_semantics = [#tpu.dimension_semantics<arbitrary>], iteration_bounds = array<i64: 16>, scalar_prefetch = 0 : i64, scratch_operands = 0 : i64, tpu.core_type = #tpu.core_type<tc>, window_params = [{transform_indices = @transform_0, window_bounds = array<i64: 128, 64, 128>}, {pipeline_mode = #tpu.pipeline_mode<synchronous>, transform_indices = @transform_1, window_bounds = array<i64: 128, 128>}, {pipeline_mode = #tpu.pipeline_mode<synchronous>, transform_indices = @transform_2, window_bounds = array<i64: 8, 128>}, {transform_indices = @transform_3, window_bounds = array<i64: 128, 64, 128>}, {pipeline_mode = #tpu.pipeline_mode<synchronous>, transform_indices = @transform_4, window_bounds = array<i64: 8, 128>}]} {
    %get3A = arith.constant 0 : index
    %get3A_0 = arith.constant 0 : index
    %get3A_1 = arith.constant 0 : index
    %get3A_2 = vector.load %arg1[%get3A, %get3A_0, %get3A_1] : memref<128x64x128xf32, #tpu.memory_space<vmem>>, vector<128x64x128xf32>
    %get3A_3 = arith.constant 0 : index
    %get3A_4 = arith.constant 0 : index
    %get3A_5 = vector.load %arg3[%get3A_3, %get3A_4] : memref<8x128xf32, #tpu.memory_space<vmem>>, vector<8x128xf32>
    %slice3A = vector.extract_strided_slice %get3A_5 {offsets = [0, 0], sizes = [1, 128], strides = [1, 1]} : vector<8x128xf32> to vector<1x128xf32>
    %mul3A = arith.constant 7.62939453E-6 : f32
    %mul3A_6 = vector.broadcast %mul3A : f32 to vector<1x128xf32>
    %mul3A_7 = arith.mulf %slice3A, %mul3A_6 : vector<1x128xf32>
    %slice3A_8 = vector.extract_strided_slice %get3A_5 {offsets = [1, 0], sizes = [1, 128], strides = [1, 1]} : vector<8x128xf32> to vector<1x128xf32>
    %mul3A_9 = arith.constant 7.62939453E-6 : f32
    %mul3A_10 = vector.broadcast %mul3A_9 : f32 to vector<1x128xf32>
    %mul3A_11 = arith.mulf %slice3A_8, %mul3A_10 : vector<1x128xf32>
    %mul3A_12 = arith.mulf %mul3A_7, %mul3A_7 : vector<1x128xf32>
    %sub3A = arith.subf %mul3A_11, %mul3A_12 : vector<1x128xf32>
    %add3A = arith.constant 9.99999974E-6 : f32
    %add3A_13 = vector.broadcast %add3A : f32 to vector<1x128xf32>
    %add3A_14 = arith.addf %sub3A, %add3A_13 : vector<1x128xf32>
    %rsqrt3A = math.rsqrt %add3A_14 : vector<1x128xf32>
    %broadcast_in_dim3A = vector.shape_cast %mul3A_7 : vector<1x128xf32> to vector<1x1x128xf32>
    %broadcast_in_dim3A_15 = vector.shape_cast %rsqrt3A : vector<1x128xf32> to vector<1x1x128xf32>
    %sub3A_16 = vector.broadcast %broadcast_in_dim3A : vector<1x1x128xf32> to vector<128x64x128xf32>
    %sub3A_17 = arith.subf %get3A_2, %sub3A_16 : vector<128x64x128xf32>
    %mul3A_18 = vector.broadcast %broadcast_in_dim3A_15 : vector<1x1x128xf32> to vector<128x64x128xf32>
    %mul3A_19 = arith.mulf %sub3A_17, %mul3A_18 : vector<128x64x128xf32>
    %max3A = arith.constant 0.000000e+00 : f32
    %max3A_20 = vector.broadcast %max3A : f32 to vector<128x64x128xf32>
    %max3A_21 = arith.maximumf %mul3A_19, %max3A_20 : vector<128x64x128xf32>
    %reshape3A = vector.shape_cast %max3A_21 : vector<128x64x128xf32> to vector<8192x128xf32>
    %get3A_22 = arith.constant 0 : index
    %get3A_23 = arith.constant 0 : index
    %get3A_24 = vector.load %arg2[%get3A_22, %get3A_23] : memref<128x128xf32, #tpu.memory_space<vmem>>, vector<128x128xf32>
    %dot_general3A = arith.constant dense<0.000000e+00> : vector<8192x128xf32>
    %dot_general3A_25 = tpu.matmul %reshape3A, %get3A_24, %dot_general3A {dimension_numbers = #tpu.dot_dimension_numbers<[1], [0], [0], [1], [0, 0, 1, 1], [], []>, transpose_lhs_hint = false} : vector<8192x128xf32>, vector<128x128xf32>, vector<8192x128xf32> -> vector<8192x128xf32>
    %reshape3A_26 = vector.shape_cast %dot_general3A_25 : vector<8192x128xf32> to vector<128x64x128xf32>
    %swap3A = arith.constant 0 : index
    %swap3A_27 = arith.constant 0 : index
    %swap3A_28 = arith.constant 0 : index
    %swap3A_29 = vector.load %arg4[%swap3A, %swap3A_27, %swap3A_28] : memref<128x64x128xf32, #tpu.memory_space<vmem>>, vector<128x64x128xf32>
    tpu.vector_store %arg4[%swap3A, %swap3A_27, %swap3A_28], %reshape3A_26 {strides = array<i32>} : memref<128x64x128xf32, #tpu.memory_space<vmem>>, vector<128x64x128xf32>,
    %reduce_sum3A = arith.constant dense<0.000000e+00> : vector<128xf32>
    %reduce_sum3A_30 = vector.multi_reduction <add>, %dot_general3A_25, %reduce_sum3A [0] : vector<8192x128xf32> to vector<128xf32>
    %broadcast_in_dim3A_31 = vector.shape_cast %reduce_sum3A_30 : vector<128xf32> to vector<1x128xf32>
    %mul3A_32 = arith.mulf %dot_general3A_25, %dot_general3A_25 : vector<8192x128xf32>
    %reduce_sum3A_33 = arith.constant dense<0.000000e+00> : vector<128xf32>
    %reduce_sum3A_34 = vector.multi_reduction <add>, %mul3A_32, %reduce_sum3A_33 [0] : vector<8192x128xf32> to vector<128xf32>
    %broadcast_in_dim3A_35 = vector.shape_cast %reduce_sum3A_34 : vector<128xf32> to vector<1x128xf32>
    %eq3A = arith.constant 0 : i32
    %eq3A_36 = arith.cmpi eq, %arg0, %eq3A : i32
    %convert_element_type3A = arith.extui %eq3A_36 : i1 to i32
    %cond3A = arith.constant 0 : i32
    %cond3A_37 = arith.cmpi ne, %convert_element_type3A, %cond3A : i32
    scf.if %cond3A_37 {
      %broadcast_in_dim3A_52 = arith.constant 0.000000e+00 : f32
      %broadcast_in_dim3A_53 = vector.broadcast %broadcast_in_dim3A_52 : f32 to vector<8x128xf32>
      %swap3A_54 = arith.constant 0 : index
      %swap3A_55 = arith.constant 0 : index
      %swap3A_56 = vector.load %arg5[%swap3A_54, %swap3A_55] : memref<8x128xf32, #tpu.memory_space<vmem>>, vector<8x128xf32>
      tpu.vector_store %arg5[%swap3A_54, %swap3A_55], %broadcast_in_dim3A_53 {strides = array<i32>} : memref<8x128xf32, #tpu.memory_space<vmem>>, vector<8x128xf32>,
    } else {
    }
    %get3A_38 = arith.constant 0 : index
    %get3A_39 = arith.constant 0 : index
    %get3A_40 = vector.load %arg5[%get3A_38, %get3A_39] : memref<8x128xf32, #tpu.memory_space<vmem>>, vector<1x128xf32>
    %add3A_41 = arith.addf %get3A_40, %broadcast_in_dim3A_31 : vector<1x128xf32>
    %swap3A_42 = arith.constant 0 : index
    %swap3A_43 = arith.constant 0 : index
    %swap3A_44 = vector.load %arg5[%swap3A_42, %swap3A_43] : memref<8x128xf32, #tpu.memory_space<vmem>>, vector<1x128xf32>
    tpu.vector_store %arg5[%swap3A_42, %swap3A_43], %add3A_41 {strides = array<i32>} : memref<8x128xf32, #tpu.memory_space<vmem>>, vector<1x128xf32>,
    %get3A_45 = arith.constant 1 : index
    %get3A_46 = arith.constant 0 : index
    %get3A_47 = vector.load %arg5[%get3A_45, %get3A_46] : memref<8x128xf32, #tpu.memory_space<vmem>>, vector<1x128xf32>
    %add3A_48 = arith.addf %get3A_47, %broadcast_in_dim3A_35 : vector<1x128xf32>
    %swap3A_49 = arith.constant 1 : index
    %swap3A_50 = arith.constant 0 : index
    %swap3A_51 = vector.load %arg5[%swap3A_49, %swap3A_50] : memref<8x128xf32, #tpu.memory_space<vmem>>, vector<1x128xf32>
    tpu.vector_store %arg5[%swap3A_49, %swap3A_50], %add3A_48 {strides = array<i32>} : memref<8x128xf32, #tpu.memory_space<vmem>>, vector<1x128xf32>,
    return
  }
  func.func @transform_0(%arg0: i32) -> (i32, i32, i32) {
    %c0_i32 = arith.constant 0 : i32
    %c0_i32_0 = arith.constant 0 : i32
    %c0_i32_1 = arith.constant 0 : i32
    return %arg0, %c0_i32, %c0_i32_0 : i32, i32, i32
  }
  func.func @transform_1(%arg0: i32) -> (i32, i32) {
    %c0_i32 = arith.constant 0 : i32
    %c0_i32_0 = arith.constant 0 : i32
    %c0_i32_1 = arith.constant 0 : i32
    return %c0_i32, %c0_i32_0 : i32, i32
  }
  func.func @transform_2(%arg0: i32) -> (i32, i32) {
    %c0_i32 = arith.constant 0 : i32
    %c0_i32_0 = arith.constant 0 : i32
    %c0_i32_1 = arith.constant 0 : i32
    return %c0_i32, %c0_i32_0 : i32, i32
  }
  func.func @transform_3(%arg0: i32) -> (i32, i32, i32) {
    %c0_i32 = arith.constant 0 : i32
    %c0_i32_0 = arith.constant 0 : i32
    %c0_i32_1 = arith.constant 0 : i32
    return %arg0, %c0_i32, %c0_i32_0 : i32, i32, i32
  }
  func.func @transform_4(%arg0: i32) -> (i32, i32) {
    %c0_i32 = arith.constant 0 : i32
    %c0_i32_0 = arith.constant 0 : i32
    %c0_i32_1 = arith.constant 0 : i32
    return %c0_i32, %c0_i32_0 : i32, i32
  }
}

module attributes {stable_mosaic.version = 14 : i64} {
  func.func @kern(%arg0: i32, %arg1: memref<64x64x128xf32, #tpu.memory_space<vmem>>, %arg2: memref<128x256xf32, #tpu.memory_space<vmem>>, %arg3: memref<8x128xf32, #tpu.memory_space<vmem>>, %arg4: memref<64x64x256xf32, #tpu.memory_space<vmem>>, %arg5: memref<8x256xf32, #tpu.memory_space<vmem>>) attributes {dimension_semantics = [#tpu.dimension_semantics<arbitrary>], iteration_bounds = array<i64: 32>, scalar_prefetch = 0 : i64, scratch_operands = 0 : i64, tpu.core_type = #tpu.core_type<tc>, window_params = [{transform_indices = @transform_0, window_bounds = array<i64: 64, 64, 128>}, {pipeline_mode = #tpu.pipeline_mode<synchronous>, transform_indices = @transform_1, window_bounds = array<i64: 128, 256>}, {pipeline_mode = #tpu.pipeline_mode<synchronous>, transform_indices = @transform_2, window_bounds = array<i64: 8, 128>}, {transform_indices = @transform_3, window_bounds = array<i64: 64, 64, 256>}, {pipeline_mode = #tpu.pipeline_mode<synchronous>, transform_indices = @transform_4, window_bounds = array<i64: 8, 256>}]} {
    %get3A = arith.constant 0 : index
    %get3A_0 = arith.constant 0 : index
    %get3A_1 = arith.constant 0 : index
    %get3A_2 = vector.load %arg1[%get3A, %get3A_0, %get3A_1] : memref<64x64x128xf32, #tpu.memory_space<vmem>>, vector<64x64x128xf32>
    %get3A_3 = arith.constant 0 : index
    %get3A_4 = arith.constant 0 : index
    %get3A_5 = vector.load %arg3[%get3A_3, %get3A_4] : memref<8x128xf32, #tpu.memory_space<vmem>>, vector<8x128xf32>
    %slice3A = vector.extract_strided_slice %get3A_5 {offsets = [0, 0], sizes = [1, 128], strides = [1, 1]} : vector<8x128xf32> to vector<1x128xf32>
    %mul3A = arith.constant 7.62939453E-6 : f32
    %mul3A_6 = vector.broadcast %mul3A : f32 to vector<1x128xf32>
    %mul3A_7 = arith.mulf %slice3A, %mul3A_6 : vector<1x128xf32>
    %slice3A_8 = vector.extract_strided_slice %get3A_5 {offsets = [1, 0], sizes = [1, 128], strides = [1, 1]} : vector<8x128xf32> to vector<1x128xf32>
    %mul3A_9 = arith.constant 7.62939453E-6 : f32
    %mul3A_10 = vector.broadcast %mul3A_9 : f32 to vector<1x128xf32>
    %mul3A_11 = arith.mulf %slice3A_8, %mul3A_10 : vector<1x128xf32>
    %mul3A_12 = arith.mulf %mul3A_7, %mul3A_7 : vector<1x128xf32>
    %sub3A = arith.subf %mul3A_11, %mul3A_12 : vector<1x128xf32>
    %add3A = arith.constant 9.99999974E-6 : f32
    %add3A_13 = vector.broadcast %add3A : f32 to vector<1x128xf32>
    %add3A_14 = arith.addf %sub3A, %add3A_13 : vector<1x128xf32>
    %rsqrt3A = math.rsqrt %add3A_14 : vector<1x128xf32>
    %broadcast_in_dim3A = vector.shape_cast %mul3A_7 : vector<1x128xf32> to vector<1x1x128xf32>
    %broadcast_in_dim3A_15 = vector.shape_cast %rsqrt3A : vector<1x128xf32> to vector<1x1x128xf32>
    %sub3A_16 = vector.broadcast %broadcast_in_dim3A : vector<1x1x128xf32> to vector<64x64x128xf32>
    %sub3A_17 = arith.subf %get3A_2, %sub3A_16 : vector<64x64x128xf32>
    %mul3A_18 = vector.broadcast %broadcast_in_dim3A_15 : vector<1x1x128xf32> to vector<64x64x128xf32>
    %mul3A_19 = arith.mulf %sub3A_17, %mul3A_18 : vector<64x64x128xf32>
    %max3A = arith.constant 0.000000e+00 : f32
    %max3A_20 = vector.broadcast %max3A : f32 to vector<64x64x128xf32>
    %max3A_21 = arith.maximumf %mul3A_19, %max3A_20 : vector<64x64x128xf32>
    %reshape3A = vector.shape_cast %max3A_21 : vector<64x64x128xf32> to vector<4096x128xf32>
    %get3A_22 = arith.constant 0 : index
    %get3A_23 = arith.constant 0 : index
    %get3A_24 = vector.load %arg2[%get3A_22, %get3A_23] : memref<128x256xf32, #tpu.memory_space<vmem>>, vector<128x256xf32>
    %dot_general3A = arith.constant dense<0.000000e+00> : vector<4096x256xf32>
    %dot_general3A_25 = tpu.matmul %reshape3A, %get3A_24, %dot_general3A {dimension_numbers = #tpu.dot_dimension_numbers<[1], [0], [0], [1], [0, 0, 1, 1], [], []>, transpose_lhs_hint = false} : vector<4096x128xf32>, vector<128x256xf32>, vector<4096x256xf32> -> vector<4096x256xf32>
    %reshape3A_26 = vector.shape_cast %dot_general3A_25 : vector<4096x256xf32> to vector<64x64x256xf32>
    %swap3A = arith.constant 0 : index
    %swap3A_27 = arith.constant 0 : index
    %swap3A_28 = arith.constant 0 : index
    %swap3A_29 = vector.load %arg4[%swap3A, %swap3A_27, %swap3A_28] : memref<64x64x256xf32, #tpu.memory_space<vmem>>, vector<64x64x256xf32>
    tpu.vector_store %arg4[%swap3A, %swap3A_27, %swap3A_28], %reshape3A_26 {strides = array<i32>} : memref<64x64x256xf32, #tpu.memory_space<vmem>>, vector<64x64x256xf32>,
    %reduce_sum3A = arith.constant dense<0.000000e+00> : vector<256xf32>
    %reduce_sum3A_30 = vector.multi_reduction <add>, %dot_general3A_25, %reduce_sum3A [0] : vector<4096x256xf32> to vector<256xf32>
    %broadcast_in_dim3A_31 = vector.shape_cast %reduce_sum3A_30 : vector<256xf32> to vector<1x256xf32>
    %mul3A_32 = arith.mulf %dot_general3A_25, %dot_general3A_25 : vector<4096x256xf32>
    %reduce_sum3A_33 = arith.constant dense<0.000000e+00> : vector<256xf32>
    %reduce_sum3A_34 = vector.multi_reduction <add>, %mul3A_32, %reduce_sum3A_33 [0] : vector<4096x256xf32> to vector<256xf32>
    %broadcast_in_dim3A_35 = vector.shape_cast %reduce_sum3A_34 : vector<256xf32> to vector<1x256xf32>
    %eq3A = arith.constant 0 : i32
    %eq3A_36 = arith.cmpi eq, %arg0, %eq3A : i32
    %convert_element_type3A = arith.extui %eq3A_36 : i1 to i32
    %cond3A = arith.constant 0 : i32
    %cond3A_37 = arith.cmpi ne, %convert_element_type3A, %cond3A : i32
    scf.if %cond3A_37 {
      %broadcast_in_dim3A_52 = arith.constant 0.000000e+00 : f32
      %broadcast_in_dim3A_53 = vector.broadcast %broadcast_in_dim3A_52 : f32 to vector<8x256xf32>
      %swap3A_54 = arith.constant 0 : index
      %swap3A_55 = arith.constant 0 : index
      %swap3A_56 = vector.load %arg5[%swap3A_54, %swap3A_55] : memref<8x256xf32, #tpu.memory_space<vmem>>, vector<8x256xf32>
      tpu.vector_store %arg5[%swap3A_54, %swap3A_55], %broadcast_in_dim3A_53 {strides = array<i32>} : memref<8x256xf32, #tpu.memory_space<vmem>>, vector<8x256xf32>,
    } else {
    }
    %get3A_38 = arith.constant 0 : index
    %get3A_39 = arith.constant 0 : index
    %get3A_40 = vector.load %arg5[%get3A_38, %get3A_39] : memref<8x256xf32, #tpu.memory_space<vmem>>, vector<1x256xf32>
    %add3A_41 = arith.addf %get3A_40, %broadcast_in_dim3A_31 : vector<1x256xf32>
    %swap3A_42 = arith.constant 0 : index
    %swap3A_43 = arith.constant 0 : index
    %swap3A_44 = vector.load %arg5[%swap3A_42, %swap3A_43] : memref<8x256xf32, #tpu.memory_space<vmem>>, vector<1x256xf32>
    tpu.vector_store %arg5[%swap3A_42, %swap3A_43], %add3A_41 {strides = array<i32>} : memref<8x256xf32, #tpu.memory_space<vmem>>, vector<1x256xf32>,
    %get3A_45 = arith.constant 1 : index
    %get3A_46 = arith.constant 0 : index
    %get3A_47 = vector.load %arg5[%get3A_45, %get3A_46] : memref<8x256xf32, #tpu.memory_space<vmem>>, vector<1x256xf32>
    %add3A_48 = arith.addf %get3A_47, %broadcast_in_dim3A_35 : vector<1x256xf32>
    %swap3A_49 = arith.constant 1 : index
    %swap3A_50 = arith.constant 0 : index
    %swap3A_51 = vector.load %arg5[%swap3A_49, %swap3A_50] : memref<8x256xf32, #tpu.memory_space<vmem>>, vector<1x256xf32>
    tpu.vector_store %arg5[%swap3A_49, %swap3A_50], %add3A_48 {strides = array<i32>} : memref<8x256xf32, #tpu.memory_space<vmem>>, vector<1x256xf32>,
    return
  }
  func.func @transform_0(%arg0: i32) -> (i32, i32, i32) {
    %c0_i32 = arith.constant 0 : i32
    %c0_i32_0 = arith.constant 0 : i32
    %c0_i32_1 = arith.constant 0 : i32
    return %arg0, %c0_i32, %c0_i32_0 : i32, i32, i32
  }
  func.func @transform_1(%arg0: i32) -> (i32, i32) {
    %c0_i32 = arith.constant 0 : i32
    %c0_i32_0 = arith.constant 0 : i32
    %c0_i32_1 = arith.constant 0 : i32
    return %c0_i32, %c0_i32_0 : i32, i32
  }
  func.func @transform_2(%arg0: i32) -> (i32, i32) {
    %c0_i32 = arith.constant 0 : i32
    %c0_i32_0 = arith.constant 0 : i32
    %c0_i32_1 = arith.constant 0 : i32
    return %c0_i32, %c0_i32_0 : i32, i32
  }
  func.func @transform_3(%arg0: i32) -> (i32, i32, i32) {
    %c0_i32 = arith.constant 0 : i32
    %c0_i32_0 = arith.constant 0 : i32
    %c0_i32_1 = arith.constant 0 : i32
    return %arg0, %c0_i32, %c0_i32_0 : i32, i32, i32
  }
  func.func @transform_4(%arg0: i32) -> (i32, i32) {
    %c0_i32 = arith.constant 0 : i32
    %c0_i32_0 = arith.constant 0 : i32
    %c0_i32_1 = arith.constant 0 : i32
    return %c0_i32, %c0_i32_0 : i32, i32
  }
}

module attributes {stable_mosaic.version = 14 : i64} {
  func.func @kern(%arg0: i32, %arg1: memref<64x64x256xf32, #tpu.memory_space<vmem>>, %arg2: memref<8x256xf32, #tpu.memory_space<vmem>>, %arg3: memref<64x256xf32, #tpu.memory_space<vmem>>) attributes {dimension_semantics = [#tpu.dimension_semantics<arbitrary>], iteration_bounds = array<i64: 32>, scalar_prefetch = 0 : i64, scratch_operands = 0 : i64, tpu.core_type = #tpu.core_type<tc>, window_params = [{transform_indices = @transform_0, window_bounds = array<i64: 64, 64, 256>}, {pipeline_mode = #tpu.pipeline_mode<synchronous>, transform_indices = @transform_1, window_bounds = array<i64: 8, 256>}, {transform_indices = @transform_2, window_bounds = array<i64: 64, 256>}]} {
    %get3A = arith.constant 0 : index
    %get3A_0 = arith.constant 0 : index
    %get3A_1 = arith.constant 0 : index
    %get3A_2 = vector.load %arg1[%get3A, %get3A_0, %get3A_1] : memref<64x64x256xf32, #tpu.memory_space<vmem>>, vector<64x64x256xf32>
    %get3A_3 = arith.constant 0 : index
    %get3A_4 = arith.constant 0 : index
    %get3A_5 = vector.load %arg2[%get3A_3, %get3A_4] : memref<8x256xf32, #tpu.memory_space<vmem>>, vector<8x256xf32>
    %slice3A = vector.extract_strided_slice %get3A_5 {offsets = [0, 0], sizes = [1, 256], strides = [1, 1]} : vector<8x256xf32> to vector<1x256xf32>
    %mul3A = arith.constant 7.62939453E-6 : f32
    %mul3A_6 = vector.broadcast %mul3A : f32 to vector<1x256xf32>
    %mul3A_7 = arith.mulf %slice3A, %mul3A_6 : vector<1x256xf32>
    %slice3A_8 = vector.extract_strided_slice %get3A_5 {offsets = [1, 0], sizes = [1, 256], strides = [1, 1]} : vector<8x256xf32> to vector<1x256xf32>
    %mul3A_9 = arith.constant 7.62939453E-6 : f32
    %mul3A_10 = vector.broadcast %mul3A_9 : f32 to vector<1x256xf32>
    %mul3A_11 = arith.mulf %slice3A_8, %mul3A_10 : vector<1x256xf32>
    %mul3A_12 = arith.mulf %mul3A_7, %mul3A_7 : vector<1x256xf32>
    %sub3A = arith.subf %mul3A_11, %mul3A_12 : vector<1x256xf32>
    %add3A = arith.constant 9.99999974E-6 : f32
    %add3A_13 = vector.broadcast %add3A : f32 to vector<1x256xf32>
    %add3A_14 = arith.addf %sub3A, %add3A_13 : vector<1x256xf32>
    %rsqrt3A = math.rsqrt %add3A_14 : vector<1x256xf32>
    %broadcast_in_dim3A = vector.shape_cast %mul3A_7 : vector<1x256xf32> to vector<1x1x256xf32>
    %broadcast_in_dim3A_15 = vector.shape_cast %rsqrt3A : vector<1x256xf32> to vector<1x1x256xf32>
    %sub3A_16 = vector.broadcast %broadcast_in_dim3A : vector<1x1x256xf32> to vector<64x64x256xf32>
    %sub3A_17 = arith.subf %get3A_2, %sub3A_16 : vector<64x64x256xf32>
    %mul3A_18 = vector.broadcast %broadcast_in_dim3A_15 : vector<1x1x256xf32> to vector<64x64x256xf32>
    %mul3A_19 = arith.mulf %sub3A_17, %mul3A_18 : vector<64x64x256xf32>
    %max3A = arith.constant 0.000000e+00 : f32
    %max3A_20 = vector.broadcast %max3A : f32 to vector<64x64x256xf32>
    %max3A_21 = arith.maximumf %mul3A_19, %max3A_20 : vector<64x64x256xf32>
    %reduce_max3A = arith.constant dense<0xFF800000> : vector<64x256xf32>
    %reduce_max3A_22 = vector.multi_reduction <maximumf>, %max3A_21, %reduce_max3A [1] : vector<64x64x256xf32> to vector<64x256xf32>
    %swap3A = arith.constant 0 : index
    %swap3A_23 = arith.constant 0 : index
    %swap3A_24 = vector.load %arg3[%swap3A, %swap3A_23] : memref<64x256xf32, #tpu.memory_space<vmem>>, vector<64x256xf32>
    tpu.vector_store %arg3[%swap3A, %swap3A_23], %reduce_max3A_22 {strides = array<i32>} : memref<64x256xf32, #tpu.memory_space<vmem>>, vector<64x256xf32>,
    return
  }
  func.func @transform_0(%arg0: i32) -> (i32, i32, i32) {
    %c0_i32 = arith.constant 0 : i32
    %c0_i32_0 = arith.constant 0 : i32
    %c0_i32_1 = arith.constant 0 : i32
    return %arg0, %c0_i32, %c0_i32_0 : i32, i32, i32
  }
  func.func @transform_1(%arg0: i32) -> (i32, i32) {
    %c0_i32 = arith.constant 0 : i32
    %c0_i32_0 = arith.constant 0 : i32
    %c0_i32_1 = arith.constant 0 : i32
    return %c0_i32, %c0_i32_0 : i32, i32
  }
  func.func @transform_2(%arg0: i32) -> (i32, i32) {
    %c0_i32 = arith.constant 0 : i32
    %c0_i32_0 = arith.constant 0 : i32
    return %arg0, %c0_i32 : i32, i32
  }
}

module attributes {stable_mosaic.version = 14 : i64} {
  func.func @kern(%arg0: i32, %arg1: i32, %arg2: memref<1x256x3xf32, #tpu.memory_space<vmem>>, %arg3: memref<1x3x64xf32, #tpu.memory_space<vmem>>, %arg4: memref<1x256x8xi32, #tpu.memory_space<vmem>>, %arg5: memref<1x256x8xf32, #tpu.memory_space<vmem>>, %arg6: memref<256x64xf32, #tpu.memory_space<vmem>>) attributes {dimension_semantics = [#tpu.dimension_semantics<arbitrary>, #tpu.dimension_semantics<arbitrary>], iteration_bounds = array<i64: 8, 1>, scalar_prefetch = 0 : i64, scratch_operands = 1 : i64, tpu.core_type = #tpu.core_type<tc>, window_params = [{transform_indices = @transform_0, window_bounds = array<i64: 1, 256, 3>}, {transform_indices = @transform_1, window_bounds = array<i64: 1, 3, 64>}, {transform_indices = @transform_2, window_bounds = array<i64: 1, 256, 8>}, {transform_indices = @transform_3, window_bounds = array<i64: 1, 256, 8>}]} {
    %get3A = arith.constant 0 : index
    %get3A_0 = arith.constant 0 : index
    %get3A_1 = arith.constant 0 : index
    %get3A_2 = vector.load %arg2[%get3A, %get3A_0, %get3A_1] : memref<1x256x3xf32, #tpu.memory_space<vmem>>, vector<1x256x3xf32>
    %get3A_3 = vector.shape_cast %get3A_2 : vector<1x256x3xf32> to vector<256x3xf32>
    %get3A_4 = arith.constant 0 : index
    %get3A_5 = arith.constant 0 : index
    %get3A_6 = arith.constant 0 : index
    %get3A_7 = vector.load %arg3[%get3A_4, %get3A_5, %get3A_6] : memref<1x3x64xf32, #tpu.memory_space<vmem>>, vector<1x3x64xf32>
    %get3A_8 = vector.shape_cast %get3A_7 : vector<1x3x64xf32> to vector<3x64xf32>
    %mul3A = arith.mulf %get3A_3, %get3A_3 : vector<256x3xf32>
    %reduce_sum3A = arith.constant dense<0.000000e+00> : vector<256xf32>
    %reduce_sum3A_9 = vector.multi_reduction <add>, %mul3A, %reduce_sum3A [1] : vector<256x3xf32> to vector<256xf32>
    %broadcast_in_dim3A = vector.shape_cast %reduce_sum3A_9 : vector<256xf32> to vector<256x1xf32>
    %mul3A_10 = arith.mulf %get3A_8, %get3A_8 : vector<3x64xf32>
    %reduce_sum3A_11 = arith.constant dense<0.000000e+00> : vector<64xf32>
    %reduce_sum3A_12 = vector.multi_reduction <add>, %mul3A_10, %reduce_sum3A_11 [0] : vector<3x64xf32> to vector<64xf32>
    %broadcast_in_dim3A_13 = vector.shape_cast %reduce_sum3A_12 : vector<64xf32> to vector<1x64xf32>
    %dot_general3A = arith.constant dense<0.000000e+00> : vector<256x64xf32>
    %dot_general3A_14 = tpu.matmul %get3A_3, %get3A_8, %dot_general3A {dimension_numbers = #tpu.dot_dimension_numbers<[1], [0], [0], [1], [0, 0, 1, 1], [], []>, transpose_lhs_hint = false} : vector<256x3xf32>, vector<3x64xf32>, vector<256x64xf32> -> vector<256x64xf32>
    %add3A = vector.broadcast %broadcast_in_dim3A : vector<256x1xf32> to vector<256x64xf32>
    %add3A_15 = vector.broadcast %broadcast_in_dim3A_13 : vector<1x64xf32> to vector<256x64xf32>
    %add3A_16 = arith.addf %add3A, %add3A_15 : vector<256x64xf32>
    %mul3A_17 = arith.constant 2.000000e+00 : f32
    %mul3A_18 = vector.broadcast %mul3A_17 : f32 to vector<256x64xf32>
    %mul3A_19 = arith.mulf %mul3A_18, %dot_general3A_14 : vector<256x64xf32>
    %sub3A = arith.subf %add3A_16, %mul3A_19 : vector<256x64xf32>
    %max3A = arith.constant 9.99999996E-13 : f32
    %max3A_20 = vector.broadcast %max3A : f32 to vector<256x64xf32>
    %max3A_21 = arith.maximumf %sub3A, %max3A_20 : vector<256x64xf32>
    %sqrt3A = math.sqrt %max3A_21 : vector<256x64xf32>
    %swap3A = arith.constant 0 : index
    %swap3A_22 = arith.constant 0 : index
    %swap3A_23 = vector.load %arg6[%swap3A, %swap3A_22] : memref<256x64xf32, #tpu.memory_space<vmem>>, vector<256x64xf32>
    tpu.vector_store %arg6[%swap3A, %swap3A_22], %sqrt3A {strides = array<i32>} : memref<256x64xf32, #tpu.memory_space<vmem>>, vector<256x64xf32>,
    %iota3A = tpu.iota {dimensions = array<i32: 1>} : vector<1x64xi32>
    %iota3A_24 = tpu.iota {dimensions = array<i32: 1>} : vector<1x8xi32>
    %broadcast_in_dim3A_25 = arith.constant 0 : i32
    %broadcast_in_dim3A_26 = vector.broadcast %broadcast_in_dim3A_25 : i32 to vector<256x8xi32>
    %broadcast_in_dim3A_27 = arith.constant 0x7F800000 : f32
    %broadcast_in_dim3A_28 = vector.broadcast %broadcast_in_dim3A_27 : f32 to vector<256x8xf32>
    %scan3A = arith.constant 0 : i32
    %scan3A_29 = arith.constant 3 : i32
    %scan3A_30 = arith.addi %scan3A, %scan3A_29 : i32
    %scan3A_31 = arith.constant 1 : i32
    %scan3A_32:2 = scf.for %scan3A_60 = %scan3A to %scan3A_30 step %scan3A_31 iter_args(%scan3A_61 = %broadcast_in_dim3A_26, %scan3A_62 = %broadcast_in_dim3A_28) -> (vector<256x8xi32>, vector<256x8xf32>)  : i32 {
      %get3A_63 = arith.constant 0 : index
      %get3A_64 = arith.constant 0 : index
      %get3A_65 = vector.load %arg6[%get3A_63, %get3A_64] : memref<256x64xf32, #tpu.memory_space<vmem>>, vector<256x64xf32>
      %reduce_min3A = arith.constant dense<0x7F800000> : vector<256xf32>
      %reduce_min3A_66 = vector.multi_reduction <minimumf>, %get3A_65, %reduce_min3A [1] : vector<256x64xf32> to vector<256xf32>
      %broadcast_in_dim3A_67 = vector.shape_cast %reduce_min3A_66 : vector<256xf32> to vector<256x1xf32>
      %eq3A = vector.broadcast %broadcast_in_dim3A_67 : vector<256x1xf32> to vector<256x64xf32>
      %eq3A_68 = arith.cmpf oeq, %get3A_65, %eq3A : vector<256x64xf32>
      %jit3A = arith.constant 64 : i32
      %broadcast_in_dim3A_69 = vector.shape_cast %iota3A : vector<1x64xi32> to vector<1x64xi32>
      %broadcast_in_dim3A_70 = vector.broadcast %broadcast_in_dim3A_69 : vector<1x64xi32> to vector<256x64xi32>
      %broadcast_in_dim3A_71 = vector.broadcast %jit3A : i32 to vector<256x64xi32>
      %select_n3A = arith.select %eq3A_68, %broadcast_in_dim3A_70, %broadcast_in_dim3A_71 : vector<256x64xi1>, vector<256x64xi32>
      %reduce_min3A_72 = arith.constant dense<2147483647> : vector<256xi32>
      %reduce_min3A_73 = vector.multi_reduction <minsi>, %select_n3A, %reduce_min3A_72 [1] : vector<256x64xi32> to vector<256xi32>
      %broadcast_in_dim3A_74 = vector.shape_cast %reduce_min3A_73 : vector<256xi32> to vector<256x1xi32>
      %eq3A_75 = vector.broadcast %scan3A_60 : i32 to vector<1x8xi32>
      %eq3A_76 = arith.cmpi eq, %iota3A_24, %eq3A_75 : vector<1x8xi32>
      %broadcast_in_dim3A_77 = vector.shape_cast %eq3A_76 : vector<1x8xi1> to vector<1x8xi1>
      %broadcast_in_dim3A_78 = vector.broadcast %broadcast_in_dim3A_77 : vector<1x8xi1> to vector<256x8xi1>
      %broadcast_in_dim3A_79 = vector.shape_cast %broadcast_in_dim3A_74 : vector<256x1xi32> to vector<256x1xi32>
      %broadcast_in_dim3A_80 = vector.broadcast %broadcast_in_dim3A_79 : vector<256x1xi32> to vector<256x8xi32>
      %select_n3A_81 = arith.select %broadcast_in_dim3A_78, %broadcast_in_dim3A_80, %scan3A_61 : vector<256x8xi1>, vector<256x8xi32>
      %eq3A_82 = vector.broadcast %scan3A_60 : i32 to vector<1x8xi32>
      %eq3A_83 = arith.cmpi eq, %iota3A_24, %eq3A_82 : vector<1x8xi32>
      %broadcast_in_dim3A_84 = vector.shape_cast %eq3A_83 : vector<1x8xi1> to vector<1x8xi1>
      %broadcast_in_dim3A_85 = vector.broadcast %broadcast_in_dim3A_84 : vector<1x8xi1> to vector<256x8xi1>
      %broadcast_in_dim3A_86 = vector.shape_cast %broadcast_in_dim3A_67 : vector<256x1xf32> to vector<256x1xf32>
      %broadcast_in_dim3A_87 = vector.broadcast %broadcast_in_dim3A_86 : vector<256x1xf32> to vector<256x8xf32>
      %select_n3A_88 = arith.select %broadcast_in_dim3A_85, %broadcast_in_dim3A_87, %scan3A_62 : vector<256x8xi1>, vector<256x8xf32>
      %eq3A_89 = vector.broadcast %iota3A : vector<1x64xi32> to vector<256x64xi32>
      %eq3A_90 = vector.broadcast %broadcast_in_dim3A_74 : vector<256x1xi32> to vector<256x64xi32>
      %eq3A_91 = arith.cmpi eq, %eq3A_89, %eq3A_90 : vector<256x64xi32>
      %jit3A_92 = arith.constant 0x7F800000 : f32
      %broadcast_in_dim3A_93 = vector.broadcast %jit3A_92 : f32 to vector<256x64xf32>
      %select_n3A_94 = arith.select %eq3A_91, %broadcast_in_dim3A_93, %get3A_65 : vector<256x64xi1>, vector<256x64xf32>
      %swap3A_95 = arith.constant 0 : index
      %swap3A_96 = arith.constant 0 : index
      %swap3A_97 = vector.load %arg6[%swap3A_95, %swap3A_96] : memref<256x64xf32, #tpu.memory_space<vmem>>, vector<256x64xf32>
      tpu.vector_store %arg6[%swap3A_95, %swap3A_96], %select_n3A_94 {strides = array<i32>} : memref<256x64xf32, #tpu.memory_space<vmem>>, vector<256x64xf32>,
      scf.yield %select_n3A_81, %select_n3A_88 : vector<256x8xi32>, vector<256x8xf32>
    }
    %scan3A_33 = arith.constant 3 : i32
    %mul3A_34 = arith.constant 64 : i32
    %mul3A_35 = arith.muli %arg0, %mul3A_34 : i32
    %add3A_36 = vector.broadcast %mul3A_35 : i32 to vector<256x8xi32>
    %add3A_37 = arith.addi %scan3A_32#0, %add3A_36 : vector<256x8xi32>
    %swap3A_38 = arith.constant 0 : index
    %swap3A_39 = arith.constant 0 : index
    %swap3A_40 = arith.constant 0 : index
    %swap3A_41 = vector.load %arg4[%swap3A_38, %swap3A_39, %swap3A_40] : memref<1x256x8xi32, #tpu.memory_space<vmem>>, vector<1x256x8xi32>
    %swap3A_42 = vector.shape_cast %swap3A_41 : vector<1x256x8xi32> to vector<256x8xi32>
    %swap3A_43 = vector.shape_cast %add3A_37 : vector<256x8xi32> to vector<1x256x8xi32>
    tpu.vector_store %arg4[%swap3A_38, %swap3A_39, %swap3A_40], %swap3A_43 {strides = array<i32>} : memref<1x256x8xi32, #tpu.memory_space<vmem>>, vector<1x256x8xi32>,
    %max3A_44 = arith.constant 9.99999993E-9 : f32
    %max3A_45 = vector.broadcast %max3A_44 : f32 to vector<256x8xf32>
    %max3A_46 = arith.maximumf %scan3A_32#1, %max3A_45 : vector<256x8xf32>
    %div3A = arith.constant 1.000000e+00 : f32
    %div3A_47 = vector.broadcast %div3A : f32 to vector<256x8xf32>
    %div3A_48 = arith.divf %div3A_47, %max3A_46 : vector<256x8xf32>
    %reduce_sum3A_49 = arith.constant dense<0.000000e+00> : vector<256xf32>
    %reduce_sum3A_50 = vector.multi_reduction <add>, %div3A_48, %reduce_sum3A_49 [1] : vector<256x8xf32> to vector<256xf32>
    %broadcast_in_dim3A_51 = vector.shape_cast %reduce_sum3A_50 : vector<256xf32> to vector<256x1xf32>
    %div3A_52 = vector.broadcast %broadcast_in_dim3A_51 : vector<256x1xf32> to vector<256x8xf32>
    %div3A_53 = arith.divf %div3A_48, %div3A_52 : vector<256x8xf32>
    %swap3A_54 = arith.constant 0 : index
    %swap3A_55 = arith.constant 0 : index
    %swap3A_56 = arith.constant 0 : index
    %swap3A_57 = vector.load %arg5[%swap3A_54, %swap3A_55, %swap3A_56] : memref<1x256x8xf32, #tpu.memory_space<vmem>>, vector<1x256x8xf32>
    %swap3A_58 = vector.shape_cast %swap3A_57 : vector<1x256x8xf32> to vector<256x8xf32>
    %swap3A_59 = vector.shape_cast %div3A_53 : vector<256x8xf32> to vector<1x256x8xf32>
    tpu.vector_store %arg5[%swap3A_54, %swap3A_55, %swap3A_56], %swap3A_59 {strides = array<i32>} : memref<1x256x8xf32, #tpu.memory_space<vmem>>, vector<1x256x8xf32>,
    return
  }
  func.func @transform_0(%arg0: i32, %arg1: i32) -> (i32, i32, i32) {
    %c0_i32 = arith.constant 0 : i32
    %c0_i32_0 = arith.constant 0 : i32
    return %arg0, %arg1, %c0_i32 : i32, i32, i32
  }
  func.func @transform_1(%arg0: i32, %arg1: i32) -> (i32, i32, i32) {
    %c0_i32 = arith.constant 0 : i32
    %c0_i32_0 = arith.constant 0 : i32
    %c0_i32_1 = arith.constant 0 : i32
    return %arg0, %c0_i32, %c0_i32_0 : i32, i32, i32
  }
  func.func @transform_2(%arg0: i32, %arg1: i32) -> (i32, i32, i32) {
    %c0_i32 = arith.constant 0 : i32
    %c0_i32_0 = arith.constant 0 : i32
    return %arg0, %arg1, %c0_i32 : i32, i32, i32
  }
  func.func @transform_3(%arg0: i32, %arg1: i32) -> (i32, i32, i32) {
    %c0_i32 = arith.constant 0 : i32
    %c0_i32_0 = arith.constant 0 : i32
    return %arg0, %arg1, %c0_i32 : i32, i32, i32
  }
}

module attributes {stable_mosaic.version = 14 : i64} {
  func.func @kern(%arg0: i32, %arg1: memref<16x128x384xf32, #tpu.memory_space<vmem>>, %arg2: memref<384x256xf32, #tpu.memory_space<vmem>>, %arg3: memref<16x384xf32, #tpu.memory_space<vmem>>, %arg4: memref<16x128x256xf32, #tpu.memory_space<vmem>>, %arg5: memref<8x256xf32, #tpu.memory_space<vmem>>) attributes {dimension_semantics = [#tpu.dimension_semantics<arbitrary>], iteration_bounds = array<i64: 32>, scalar_prefetch = 0 : i64, scratch_operands = 0 : i64, tpu.core_type = #tpu.core_type<tc>, window_params = [{transform_indices = @transform_0, window_bounds = array<i64: 16, 128, 384>}, {pipeline_mode = #tpu.pipeline_mode<synchronous>, transform_indices = @transform_1, window_bounds = array<i64: 384, 256>}, {transform_indices = @transform_2, window_bounds = array<i64: 16, 384>}, {transform_indices = @transform_3, window_bounds = array<i64: 16, 128, 256>}, {pipeline_mode = #tpu.pipeline_mode<synchronous>, transform_indices = @transform_4, window_bounds = array<i64: 8, 256>}]} {
    %get3A = arith.constant 0 : index
    %get3A_0 = arith.constant 0 : index
    %get3A_1 = arith.constant 0 : index
    %get3A_2 = vector.load %arg1[%get3A, %get3A_0, %get3A_1] : memref<16x128x384xf32, #tpu.memory_space<vmem>>, vector<16x128x384xf32>
    %get3A_3 = arith.constant 0 : index
    %get3A_4 = arith.constant 0 : index
    %get3A_5 = vector.load %arg3[%get3A_3, %get3A_4] : memref<16x384xf32, #tpu.memory_space<vmem>>, vector<16x384xf32>
    %broadcast_in_dim3A = vector.shape_cast %get3A_5 : vector<16x384xf32> to vector<16x1x384xf32>
    %sub3A = vector.broadcast %broadcast_in_dim3A : vector<16x1x384xf32> to vector<16x128x384xf32>
    %sub3A_6 = arith.subf %get3A_2, %sub3A : vector<16x128x384xf32>
    %reshape3A = vector.shape_cast %sub3A_6 : vector<16x128x384xf32> to vector<2048x384xf32>
    %get3A_7 = arith.constant 0 : index
    %get3A_8 = arith.constant 0 : index
    %get3A_9 = vector.load %arg2[%get3A_7, %get3A_8] : memref<384x256xf32, #tpu.memory_space<vmem>>, vector<384x256xf32>
    %dot_general3A = arith.constant dense<0.000000e+00> : vector<2048x256xf32>
    %dot_general3A_10 = tpu.matmul %reshape3A, %get3A_9, %dot_general3A {dimension_numbers = #tpu.dot_dimension_numbers<[1], [0], [0], [1], [0, 0, 1, 1], [], []>, transpose_lhs_hint = false} : vector<2048x384xf32>, vector<384x256xf32>, vector<2048x256xf32> -> vector<2048x256xf32>
    %reshape3A_11 = vector.shape_cast %dot_general3A_10 : vector<2048x256xf32> to vector<16x128x256xf32>
    %swap3A = arith.constant 0 : index
    %swap3A_12 = arith.constant 0 : index
    %swap3A_13 = arith.constant 0 : index
    %swap3A_14 = vector.load %arg4[%swap3A, %swap3A_12, %swap3A_13] : memref<16x128x256xf32, #tpu.memory_space<vmem>>, vector<16x128x256xf32>
    tpu.vector_store %arg4[%swap3A, %swap3A_12, %swap3A_13], %reshape3A_11 {strides = array<i32>} : memref<16x128x256xf32, #tpu.memory_space<vmem>>, vector<16x128x256xf32>,
    %reduce_sum3A = arith.constant dense<0.000000e+00> : vector<256xf32>
    %reduce_sum3A_15 = vector.multi_reduction <add>, %dot_general3A_10, %reduce_sum3A [0] : vector<2048x256xf32> to vector<256xf32>
    %broadcast_in_dim3A_16 = vector.shape_cast %reduce_sum3A_15 : vector<256xf32> to vector<1x256xf32>
    %mul3A = arith.mulf %dot_general3A_10, %dot_general3A_10 : vector<2048x256xf32>
    %reduce_sum3A_17 = arith.constant dense<0.000000e+00> : vector<256xf32>
    %reduce_sum3A_18 = vector.multi_reduction <add>, %mul3A, %reduce_sum3A_17 [0] : vector<2048x256xf32> to vector<256xf32>
    %broadcast_in_dim3A_19 = vector.shape_cast %reduce_sum3A_18 : vector<256xf32> to vector<1x256xf32>
    %eq3A = arith.constant 0 : i32
    %eq3A_20 = arith.cmpi eq, %arg0, %eq3A : i32
    %convert_element_type3A = arith.extui %eq3A_20 : i1 to i32
    %cond3A = arith.constant 0 : i32
    %cond3A_21 = arith.cmpi ne, %convert_element_type3A, %cond3A : i32
    scf.if %cond3A_21 {
      %broadcast_in_dim3A_35 = arith.constant 0.000000e+00 : f32
      %broadcast_in_dim3A_36 = vector.broadcast %broadcast_in_dim3A_35 : f32 to vector<8x256xf32>
      %swap3A_37 = arith.constant 0 : index
      %swap3A_38 = arith.constant 0 : index
      %swap3A_39 = vector.load %arg5[%swap3A_37, %swap3A_38] : memref<8x256xf32, #tpu.memory_space<vmem>>, vector<8x256xf32>
      tpu.vector_store %arg5[%swap3A_37, %swap3A_38], %broadcast_in_dim3A_36 {strides = array<i32>} : memref<8x256xf32, #tpu.memory_space<vmem>>, vector<8x256xf32>,
    } else {
    }
    %get3A_22 = arith.constant 0 : index
    %get3A_23 = arith.constant 0 : index
    %get3A_24 = vector.load %arg5[%get3A_22, %get3A_23] : memref<8x256xf32, #tpu.memory_space<vmem>>, vector<1x256xf32>
    %add3A = arith.addf %get3A_24, %broadcast_in_dim3A_16 : vector<1x256xf32>
    %swap3A_25 = arith.constant 0 : index
    %swap3A_26 = arith.constant 0 : index
    %swap3A_27 = vector.load %arg5[%swap3A_25, %swap3A_26] : memref<8x256xf32, #tpu.memory_space<vmem>>, vector<1x256xf32>
    tpu.vector_store %arg5[%swap3A_25, %swap3A_26], %add3A {strides = array<i32>} : memref<8x256xf32, #tpu.memory_space<vmem>>, vector<1x256xf32>,
    %get3A_28 = arith.constant 1 : index
    %get3A_29 = arith.constant 0 : index
    %get3A_30 = vector.load %arg5[%get3A_28, %get3A_29] : memref<8x256xf32, #tpu.memory_space<vmem>>, vector<1x256xf32>
    %add3A_31 = arith.addf %get3A_30, %broadcast_in_dim3A_19 : vector<1x256xf32>
    %swap3A_32 = arith.constant 1 : index
    %swap3A_33 = arith.constant 0 : index
    %swap3A_34 = vector.load %arg5[%swap3A_32, %swap3A_33] : memref<8x256xf32, #tpu.memory_space<vmem>>, vector<1x256xf32>
    tpu.vector_store %arg5[%swap3A_32, %swap3A_33], %add3A_31 {strides = array<i32>} : memref<8x256xf32, #tpu.memory_space<vmem>>, vector<1x256xf32>,
    return
  }
  func.func @transform_0(%arg0: i32) -> (i32, i32, i32) {
    %c0_i32 = arith.constant 0 : i32
    %c0_i32_0 = arith.constant 0 : i32
    %c0_i32_1 = arith.constant 0 : i32
    return %arg0, %c0_i32, %c0_i32_0 : i32, i32, i32
  }
  func.func @transform_1(%arg0: i32) -> (i32, i32) {
    %c0_i32 = arith.constant 0 : i32
    %c0_i32_0 = arith.constant 0 : i32
    %c0_i32_1 = arith.constant 0 : i32
    return %c0_i32, %c0_i32_0 : i32, i32
  }
  func.func @transform_2(%arg0: i32) -> (i32, i32) {
    %c0_i32 = arith.constant 0 : i32
    %c0_i32_0 = arith.constant 0 : i32
    return %arg0, %c0_i32 : i32, i32
  }
  func.func @transform_3(%arg0: i32) -> (i32, i32, i32) {
    %c0_i32 = arith.constant 0 : i32
    %c0_i32_0 = arith.constant 0 : i32
    %c0_i32_1 = arith.constant 0 : i32
    return %arg0, %c0_i32, %c0_i32_0 : i32, i32, i32
  }
  func.func @transform_4(%arg0: i32) -> (i32, i32) {
    %c0_i32 = arith.constant 0 : i32
    %c0_i32_0 = arith.constant 0 : i32
    %c0_i32_1 = arith.constant 0 : i32
    return %c0_i32, %c0_i32_0 : i32, i32
  }
}

module attributes {stable_mosaic.version = 14 : i64} {
  func.func @kern(%arg0: i32, %arg1: memref<16x128x256xf32, #tpu.memory_space<vmem>>, %arg2: memref<256x512xf32, #tpu.memory_space<vmem>>, %arg3: memref<8x256xf32, #tpu.memory_space<vmem>>, %arg4: memref<16x128x512xf32, #tpu.memory_space<vmem>>, %arg5: memref<8x512xf32, #tpu.memory_space<vmem>>) attributes {dimension_semantics = [#tpu.dimension_semantics<arbitrary>], iteration_bounds = array<i64: 32>, scalar_prefetch = 0 : i64, scratch_operands = 0 : i64, tpu.core_type = #tpu.core_type<tc>, window_params = [{transform_indices = @transform_0, window_bounds = array<i64: 16, 128, 256>}, {pipeline_mode = #tpu.pipeline_mode<synchronous>, transform_indices = @transform_1, window_bounds = array<i64: 256, 512>}, {pipeline_mode = #tpu.pipeline_mode<synchronous>, transform_indices = @transform_2, window_bounds = array<i64: 8, 256>}, {transform_indices = @transform_3, window_bounds = array<i64: 16, 128, 512>}, {pipeline_mode = #tpu.pipeline_mode<synchronous>, transform_indices = @transform_4, window_bounds = array<i64: 8, 512>}]} {
    %get3A = arith.constant 0 : index
    %get3A_0 = arith.constant 0 : index
    %get3A_1 = arith.constant 0 : index
    %get3A_2 = vector.load %arg1[%get3A, %get3A_0, %get3A_1] : memref<16x128x256xf32, #tpu.memory_space<vmem>>, vector<16x128x256xf32>
    %get3A_3 = arith.constant 0 : index
    %get3A_4 = arith.constant 0 : index
    %get3A_5 = vector.load %arg3[%get3A_3, %get3A_4] : memref<8x256xf32, #tpu.memory_space<vmem>>, vector<8x256xf32>
    %slice3A = vector.extract_strided_slice %get3A_5 {offsets = [0, 0], sizes = [1, 256], strides = [1, 1]} : vector<8x256xf32> to vector<1x256xf32>
    %mul3A = arith.constant 1.52587891E-5 : f32
    %mul3A_6 = vector.broadcast %mul3A : f32 to vector<1x256xf32>
    %mul3A_7 = arith.mulf %slice3A, %mul3A_6 : vector<1x256xf32>
    %slice3A_8 = vector.extract_strided_slice %get3A_5 {offsets = [1, 0], sizes = [1, 256], strides = [1, 1]} : vector<8x256xf32> to vector<1x256xf32>
    %mul3A_9 = arith.constant 1.52587891E-5 : f32
    %mul3A_10 = vector.broadcast %mul3A_9 : f32 to vector<1x256xf32>
    %mul3A_11 = arith.mulf %slice3A_8, %mul3A_10 : vector<1x256xf32>
    %mul3A_12 = arith.mulf %mul3A_7, %mul3A_7 : vector<1x256xf32>
    %sub3A = arith.subf %mul3A_11, %mul3A_12 : vector<1x256xf32>
    %add3A = arith.constant 9.99999974E-6 : f32
    %add3A_13 = vector.broadcast %add3A : f32 to vector<1x256xf32>
    %add3A_14 = arith.addf %sub3A, %add3A_13 : vector<1x256xf32>
    %rsqrt3A = math.rsqrt %add3A_14 : vector<1x256xf32>
    %broadcast_in_dim3A = vector.shape_cast %mul3A_7 : vector<1x256xf32> to vector<1x1x256xf32>
    %broadcast_in_dim3A_15 = vector.shape_cast %rsqrt3A : vector<1x256xf32> to vector<1x1x256xf32>
    %sub3A_16 = vector.broadcast %broadcast_in_dim3A : vector<1x1x256xf32> to vector<16x128x256xf32>
    %sub3A_17 = arith.subf %get3A_2, %sub3A_16 : vector<16x128x256xf32>
    %mul3A_18 = vector.broadcast %broadcast_in_dim3A_15 : vector<1x1x256xf32> to vector<16x128x256xf32>
    %mul3A_19 = arith.mulf %sub3A_17, %mul3A_18 : vector<16x128x256xf32>
    %max3A = arith.constant 0.000000e+00 : f32
    %max3A_20 = vector.broadcast %max3A : f32 to vector<16x128x256xf32>
    %max3A_21 = arith.maximumf %mul3A_19, %max3A_20 : vector<16x128x256xf32>
    %reshape3A = vector.shape_cast %max3A_21 : vector<16x128x256xf32> to vector<2048x256xf32>
    %get3A_22 = arith.constant 0 : index
    %get3A_23 = arith.constant 0 : index
    %get3A_24 = vector.load %arg2[%get3A_22, %get3A_23] : memref<256x512xf32, #tpu.memory_space<vmem>>, vector<256x512xf32>
    %dot_general3A = arith.constant dense<0.000000e+00> : vector<2048x512xf32>
    %dot_general3A_25 = tpu.matmul %reshape3A, %get3A_24, %dot_general3A {dimension_numbers = #tpu.dot_dimension_numbers<[1], [0], [0], [1], [0, 0, 1, 1], [], []>, transpose_lhs_hint = false} : vector<2048x256xf32>, vector<256x512xf32>, vector<2048x512xf32> -> vector<2048x512xf32>
    %reshape3A_26 = vector.shape_cast %dot_general3A_25 : vector<2048x512xf32> to vector<16x128x512xf32>
    %swap3A = arith.constant 0 : index
    %swap3A_27 = arith.constant 0 : index
    %swap3A_28 = arith.constant 0 : index
    %swap3A_29 = vector.load %arg4[%swap3A, %swap3A_27, %swap3A_28] : memref<16x128x512xf32, #tpu.memory_space<vmem>>, vector<16x128x512xf32>
    tpu.vector_store %arg4[%swap3A, %swap3A_27, %swap3A_28], %reshape3A_26 {strides = array<i32>} : memref<16x128x512xf32, #tpu.memory_space<vmem>>, vector<16x128x512xf32>,
    %reduce_sum3A = arith.constant dense<0.000000e+00> : vector<512xf32>
    %reduce_sum3A_30 = vector.multi_reduction <add>, %dot_general3A_25, %reduce_sum3A [0] : vector<2048x512xf32> to vector<512xf32>
    %broadcast_in_dim3A_31 = vector.shape_cast %reduce_sum3A_30 : vector<512xf32> to vector<1x512xf32>
    %mul3A_32 = arith.mulf %dot_general3A_25, %dot_general3A_25 : vector<2048x512xf32>
    %reduce_sum3A_33 = arith.constant dense<0.000000e+00> : vector<512xf32>
    %reduce_sum3A_34 = vector.multi_reduction <add>, %mul3A_32, %reduce_sum3A_33 [0] : vector<2048x512xf32> to vector<512xf32>
    %broadcast_in_dim3A_35 = vector.shape_cast %reduce_sum3A_34 : vector<512xf32> to vector<1x512xf32>
    %eq3A = arith.constant 0 : i32
    %eq3A_36 = arith.cmpi eq, %arg0, %eq3A : i32
    %convert_element_type3A = arith.extui %eq3A_36 : i1 to i32
    %cond3A = arith.constant 0 : i32
    %cond3A_37 = arith.cmpi ne, %convert_element_type3A, %cond3A : i32
    scf.if %cond3A_37 {
      %broadcast_in_dim3A_52 = arith.constant 0.000000e+00 : f32
      %broadcast_in_dim3A_53 = vector.broadcast %broadcast_in_dim3A_52 : f32 to vector<8x512xf32>
      %swap3A_54 = arith.constant 0 : index
      %swap3A_55 = arith.constant 0 : index
      %swap3A_56 = vector.load %arg5[%swap3A_54, %swap3A_55] : memref<8x512xf32, #tpu.memory_space<vmem>>, vector<8x512xf32>
      tpu.vector_store %arg5[%swap3A_54, %swap3A_55], %broadcast_in_dim3A_53 {strides = array<i32>} : memref<8x512xf32, #tpu.memory_space<vmem>>, vector<8x512xf32>,
    } else {
    }
    %get3A_38 = arith.constant 0 : index
    %get3A_39 = arith.constant 0 : index
    %get3A_40 = vector.load %arg5[%get3A_38, %get3A_39] : memref<8x512xf32, #tpu.memory_space<vmem>>, vector<1x512xf32>
    %add3A_41 = arith.addf %get3A_40, %broadcast_in_dim3A_31 : vector<1x512xf32>
    %swap3A_42 = arith.constant 0 : index
    %swap3A_43 = arith.constant 0 : index
    %swap3A_44 = vector.load %arg5[%swap3A_42, %swap3A_43] : memref<8x512xf32, #tpu.memory_space<vmem>>, vector<1x512xf32>
    tpu.vector_store %arg5[%swap3A_42, %swap3A_43], %add3A_41 {strides = array<i32>} : memref<8x512xf32, #tpu.memory_space<vmem>>, vector<1x512xf32>,
    %get3A_45 = arith.constant 1 : index
    %get3A_46 = arith.constant 0 : index
    %get3A_47 = vector.load %arg5[%get3A_45, %get3A_46] : memref<8x512xf32, #tpu.memory_space<vmem>>, vector<1x512xf32>
    %add3A_48 = arith.addf %get3A_47, %broadcast_in_dim3A_35 : vector<1x512xf32>
    %swap3A_49 = arith.constant 1 : index
    %swap3A_50 = arith.constant 0 : index
    %swap3A_51 = vector.load %arg5[%swap3A_49, %swap3A_50] : memref<8x512xf32, #tpu.memory_space<vmem>>, vector<1x512xf32>
    tpu.vector_store %arg5[%swap3A_49, %swap3A_50], %add3A_48 {strides = array<i32>} : memref<8x512xf32, #tpu.memory_space<vmem>>, vector<1x512xf32>,
    return
  }
  func.func @transform_0(%arg0: i32) -> (i32, i32, i32) {
    %c0_i32 = arith.constant 0 : i32
    %c0_i32_0 = arith.constant 0 : i32
    %c0_i32_1 = arith.constant 0 : i32
    return %arg0, %c0_i32, %c0_i32_0 : i32, i32, i32
  }
  func.func @transform_1(%arg0: i32) -> (i32, i32) {
    %c0_i32 = arith.constant 0 : i32
    %c0_i32_0 = arith.constant 0 : i32
    %c0_i32_1 = arith.constant 0 : i32
    return %c0_i32, %c0_i32_0 : i32, i32
  }
  func.func @transform_2(%arg0: i32) -> (i32, i32) {
    %c0_i32 = arith.constant 0 : i32
    %c0_i32_0 = arith.constant 0 : i32
    %c0_i32_1 = arith.constant 0 : i32
    return %c0_i32, %c0_i32_0 : i32, i32
  }
  func.func @transform_3(%arg0: i32) -> (i32, i32, i32) {
    %c0_i32 = arith.constant 0 : i32
    %c0_i32_0 = arith.constant 0 : i32
    %c0_i32_1 = arith.constant 0 : i32
    return %arg0, %c0_i32, %c0_i32_0 : i32, i32, i32
  }
  func.func @transform_4(%arg0: i32) -> (i32, i32) {
    %c0_i32 = arith.constant 0 : i32
    %c0_i32_0 = arith.constant 0 : i32
    %c0_i32_1 = arith.constant 0 : i32
    return %c0_i32, %c0_i32_0 : i32, i32
  }
}

module attributes {stable_mosaic.version = 14 : i64} {
  func.func @kern(%arg0: i32, %arg1: memref<8x128x512xf32, #tpu.memory_space<vmem>>, %arg2: memref<512x1024xf32, #tpu.memory_space<vmem>>, %arg3: memref<8x512xf32, #tpu.memory_space<vmem>>, %arg4: memref<8x128x1024xf32, #tpu.memory_space<vmem>>, %arg5: memref<8x1024xf32, #tpu.memory_space<vmem>>) attributes {dimension_semantics = [#tpu.dimension_semantics<arbitrary>], iteration_bounds = array<i64: 64>, scalar_prefetch = 0 : i64, scratch_operands = 0 : i64, tpu.core_type = #tpu.core_type<tc>, window_params = [{transform_indices = @transform_0, window_bounds = array<i64: 8, 128, 512>}, {pipeline_mode = #tpu.pipeline_mode<synchronous>, transform_indices = @transform_1, window_bounds = array<i64: 512, 1024>}, {pipeline_mode = #tpu.pipeline_mode<synchronous>, transform_indices = @transform_2, window_bounds = array<i64: 8, 512>}, {transform_indices = @transform_3, window_bounds = array<i64: 8, 128, 1024>}, {pipeline_mode = #tpu.pipeline_mode<synchronous>, transform_indices = @transform_4, window_bounds = array<i64: 8, 1024>}]} {
    %get3A = arith.constant 0 : index
    %get3A_0 = arith.constant 0 : index
    %get3A_1 = arith.constant 0 : index
    %get3A_2 = vector.load %arg1[%get3A, %get3A_0, %get3A_1] : memref<8x128x512xf32, #tpu.memory_space<vmem>>, vector<8x128x512xf32>
    %get3A_3 = arith.constant 0 : index
    %get3A_4 = arith.constant 0 : index
    %get3A_5 = vector.load %arg3[%get3A_3, %get3A_4] : memref<8x512xf32, #tpu.memory_space<vmem>>, vector<8x512xf32>
    %slice3A = vector.extract_strided_slice %get3A_5 {offsets = [0, 0], sizes = [1, 512], strides = [1, 1]} : vector<8x512xf32> to vector<1x512xf32>
    %mul3A = arith.constant 1.52587891E-5 : f32
    %mul3A_6 = vector.broadcast %mul3A : f32 to vector<1x512xf32>
    %mul3A_7 = arith.mulf %slice3A, %mul3A_6 : vector<1x512xf32>
    %slice3A_8 = vector.extract_strided_slice %get3A_5 {offsets = [1, 0], sizes = [1, 512], strides = [1, 1]} : vector<8x512xf32> to vector<1x512xf32>
    %mul3A_9 = arith.constant 1.52587891E-5 : f32
    %mul3A_10 = vector.broadcast %mul3A_9 : f32 to vector<1x512xf32>
    %mul3A_11 = arith.mulf %slice3A_8, %mul3A_10 : vector<1x512xf32>
    %mul3A_12 = arith.mulf %mul3A_7, %mul3A_7 : vector<1x512xf32>
    %sub3A = arith.subf %mul3A_11, %mul3A_12 : vector<1x512xf32>
    %add3A = arith.constant 9.99999974E-6 : f32
    %add3A_13 = vector.broadcast %add3A : f32 to vector<1x512xf32>
    %add3A_14 = arith.addf %sub3A, %add3A_13 : vector<1x512xf32>
    %rsqrt3A = math.rsqrt %add3A_14 : vector<1x512xf32>
    %broadcast_in_dim3A = vector.shape_cast %mul3A_7 : vector<1x512xf32> to vector<1x1x512xf32>
    %broadcast_in_dim3A_15 = vector.shape_cast %rsqrt3A : vector<1x512xf32> to vector<1x1x512xf32>
    %sub3A_16 = vector.broadcast %broadcast_in_dim3A : vector<1x1x512xf32> to vector<8x128x512xf32>
    %sub3A_17 = arith.subf %get3A_2, %sub3A_16 : vector<8x128x512xf32>
    %mul3A_18 = vector.broadcast %broadcast_in_dim3A_15 : vector<1x1x512xf32> to vector<8x128x512xf32>
    %mul3A_19 = arith.mulf %sub3A_17, %mul3A_18 : vector<8x128x512xf32>
    %max3A = arith.constant 0.000000e+00 : f32
    %max3A_20 = vector.broadcast %max3A : f32 to vector<8x128x512xf32>
    %max3A_21 = arith.maximumf %mul3A_19, %max3A_20 : vector<8x128x512xf32>
    %reshape3A = vector.shape_cast %max3A_21 : vector<8x128x512xf32> to vector<1024x512xf32>
    %get3A_22 = arith.constant 0 : index
    %get3A_23 = arith.constant 0 : index
    %get3A_24 = vector.load %arg2[%get3A_22, %get3A_23] : memref<512x1024xf32, #tpu.memory_space<vmem>>, vector<512x1024xf32>
    %dot_general3A = arith.constant dense<0.000000e+00> : vector<1024x1024xf32>
    %dot_general3A_25 = tpu.matmul %reshape3A, %get3A_24, %dot_general3A {dimension_numbers = #tpu.dot_dimension_numbers<[1], [0], [0], [1], [0, 0, 1, 1], [], []>, transpose_lhs_hint = false} : vector<1024x512xf32>, vector<512x1024xf32>, vector<1024x1024xf32> -> vector<1024x1024xf32>
    %reshape3A_26 = vector.shape_cast %dot_general3A_25 : vector<1024x1024xf32> to vector<8x128x1024xf32>
    %swap3A = arith.constant 0 : index
    %swap3A_27 = arith.constant 0 : index
    %swap3A_28 = arith.constant 0 : index
    %swap3A_29 = vector.load %arg4[%swap3A, %swap3A_27, %swap3A_28] : memref<8x128x1024xf32, #tpu.memory_space<vmem>>, vector<8x128x1024xf32>
    tpu.vector_store %arg4[%swap3A, %swap3A_27, %swap3A_28], %reshape3A_26 {strides = array<i32>} : memref<8x128x1024xf32, #tpu.memory_space<vmem>>, vector<8x128x1024xf32>,
    %reduce_sum3A = arith.constant dense<0.000000e+00> : vector<1024xf32>
    %reduce_sum3A_30 = vector.multi_reduction <add>, %dot_general3A_25, %reduce_sum3A [0] : vector<1024x1024xf32> to vector<1024xf32>
    %broadcast_in_dim3A_31 = vector.shape_cast %reduce_sum3A_30 : vector<1024xf32> to vector<1x1024xf32>
    %mul3A_32 = arith.mulf %dot_general3A_25, %dot_general3A_25 : vector<1024x1024xf32>
    %reduce_sum3A_33 = arith.constant dense<0.000000e+00> : vector<1024xf32>
    %reduce_sum3A_34 = vector.multi_reduction <add>, %mul3A_32, %reduce_sum3A_33 [0] : vector<1024x1024xf32> to vector<1024xf32>
    %broadcast_in_dim3A_35 = vector.shape_cast %reduce_sum3A_34 : vector<1024xf32> to vector<1x1024xf32>
    %eq3A = arith.constant 0 : i32
    %eq3A_36 = arith.cmpi eq, %arg0, %eq3A : i32
    %convert_element_type3A = arith.extui %eq3A_36 : i1 to i32
    %cond3A = arith.constant 0 : i32
    %cond3A_37 = arith.cmpi ne, %convert_element_type3A, %cond3A : i32
    scf.if %cond3A_37 {
      %broadcast_in_dim3A_52 = arith.constant 0.000000e+00 : f32
      %broadcast_in_dim3A_53 = vector.broadcast %broadcast_in_dim3A_52 : f32 to vector<8x1024xf32>
      %swap3A_54 = arith.constant 0 : index
      %swap3A_55 = arith.constant 0 : index
      %swap3A_56 = vector.load %arg5[%swap3A_54, %swap3A_55] : memref<8x1024xf32, #tpu.memory_space<vmem>>, vector<8x1024xf32>
      tpu.vector_store %arg5[%swap3A_54, %swap3A_55], %broadcast_in_dim3A_53 {strides = array<i32>} : memref<8x1024xf32, #tpu.memory_space<vmem>>, vector<8x1024xf32>,
    } else {
    }
    %get3A_38 = arith.constant 0 : index
    %get3A_39 = arith.constant 0 : index
    %get3A_40 = vector.load %arg5[%get3A_38, %get3A_39] : memref<8x1024xf32, #tpu.memory_space<vmem>>, vector<1x1024xf32>
    %add3A_41 = arith.addf %get3A_40, %broadcast_in_dim3A_31 : vector<1x1024xf32>
    %swap3A_42 = arith.constant 0 : index
    %swap3A_43 = arith.constant 0 : index
    %swap3A_44 = vector.load %arg5[%swap3A_42, %swap3A_43] : memref<8x1024xf32, #tpu.memory_space<vmem>>, vector<1x1024xf32>
    tpu.vector_store %arg5[%swap3A_42, %swap3A_43], %add3A_41 {strides = array<i32>} : memref<8x1024xf32, #tpu.memory_space<vmem>>, vector<1x1024xf32>,
    %get3A_45 = arith.constant 1 : index
    %get3A_46 = arith.constant 0 : index
    %get3A_47 = vector.load %arg5[%get3A_45, %get3A_46] : memref<8x1024xf32, #tpu.memory_space<vmem>>, vector<1x1024xf32>
    %add3A_48 = arith.addf %get3A_47, %broadcast_in_dim3A_35 : vector<1x1024xf32>
    %swap3A_49 = arith.constant 1 : index
    %swap3A_50 = arith.constant 0 : index
    %swap3A_51 = vector.load %arg5[%swap3A_49, %swap3A_50] : memref<8x1024xf32, #tpu.memory_space<vmem>>, vector<1x1024xf32>
    tpu.vector_store %arg5[%swap3A_49, %swap3A_50], %add3A_48 {strides = array<i32>} : memref<8x1024xf32, #tpu.memory_space<vmem>>, vector<1x1024xf32>,
    return
  }
  func.func @transform_0(%arg0: i32) -> (i32, i32, i32) {
    %c0_i32 = arith.constant 0 : i32
    %c0_i32_0 = arith.constant 0 : i32
    %c0_i32_1 = arith.constant 0 : i32
    return %arg0, %c0_i32, %c0_i32_0 : i32, i32, i32
  }
  func.func @transform_1(%arg0: i32) -> (i32, i32) {
    %c0_i32 = arith.constant 0 : i32
    %c0_i32_0 = arith.constant 0 : i32
    %c0_i32_1 = arith.constant 0 : i32
    return %c0_i32, %c0_i32_0 : i32, i32
  }
  func.func @transform_2(%arg0: i32) -> (i32, i32) {
    %c0_i32 = arith.constant 0 : i32
    %c0_i32_0 = arith.constant 0 : i32
    %c0_i32_1 = arith.constant 0 : i32
    return %c0_i32, %c0_i32_0 : i32, i32
  }
  func.func @transform_3(%arg0: i32) -> (i32, i32, i32) {
    %c0_i32 = arith.constant 0 : i32
    %c0_i32_0 = arith.constant 0 : i32
    %c0_i32_1 = arith.constant 0 : i32
    return %arg0, %c0_i32, %c0_i32_0 : i32, i32, i32
  }
  func.func @transform_4(%arg0: i32) -> (i32, i32) {
    %c0_i32 = arith.constant 0 : i32
    %c0_i32_0 = arith.constant 0 : i32
    %c0_i32_1 = arith.constant 0 : i32
    return %c0_i32, %c0_i32_0 : i32, i32
  }
}

module attributes {stable_mosaic.version = 14 : i64} {
  func.func @kern(%arg0: i32, %arg1: memref<8x128x1024xf32, #tpu.memory_space<vmem>>, %arg2: memref<8x1024xf32, #tpu.memory_space<vmem>>, %arg3: memref<8x1024xf32, #tpu.memory_space<vmem>>) attributes {dimension_semantics = [#tpu.dimension_semantics<arbitrary>], iteration_bounds = array<i64: 64>, scalar_prefetch = 0 : i64, scratch_operands = 0 : i64, tpu.core_type = #tpu.core_type<tc>, window_params = [{transform_indices = @transform_0, window_bounds = array<i64: 8, 128, 1024>}, {pipeline_mode = #tpu.pipeline_mode<synchronous>, transform_indices = @transform_1, window_bounds = array<i64: 8, 1024>}, {transform_indices = @transform_2, window_bounds = array<i64: 8, 1024>}]} {
    %get3A = arith.constant 0 : index
    %get3A_0 = arith.constant 0 : index
    %get3A_1 = arith.constant 0 : index
    %get3A_2 = vector.load %arg1[%get3A, %get3A_0, %get3A_1] : memref<8x128x1024xf32, #tpu.memory_space<vmem>>, vector<8x128x1024xf32>
    %get3A_3 = arith.constant 0 : index
    %get3A_4 = arith.constant 0 : index
    %get3A_5 = vector.load %arg2[%get3A_3, %get3A_4] : memref<8x1024xf32, #tpu.memory_space<vmem>>, vector<8x1024xf32>
    %slice3A = vector.extract_strided_slice %get3A_5 {offsets = [0, 0], sizes = [1, 1024], strides = [1, 1]} : vector<8x1024xf32> to vector<1x1024xf32>
    %mul3A = arith.constant 1.52587891E-5 : f32
    %mul3A_6 = vector.broadcast %mul3A : f32 to vector<1x1024xf32>
    %mul3A_7 = arith.mulf %slice3A, %mul3A_6 : vector<1x1024xf32>
    %slice3A_8 = vector.extract_strided_slice %get3A_5 {offsets = [1, 0], sizes = [1, 1024], strides = [1, 1]} : vector<8x1024xf32> to vector<1x1024xf32>
    %mul3A_9 = arith.constant 1.52587891E-5 : f32
    %mul3A_10 = vector.broadcast %mul3A_9 : f32 to vector<1x1024xf32>
    %mul3A_11 = arith.mulf %slice3A_8, %mul3A_10 : vector<1x1024xf32>
    %mul3A_12 = arith.mulf %mul3A_7, %mul3A_7 : vector<1x1024xf32>
    %sub3A = arith.subf %mul3A_11, %mul3A_12 : vector<1x1024xf32>
    %add3A = arith.constant 9.99999974E-6 : f32
    %add3A_13 = vector.broadcast %add3A : f32 to vector<1x1024xf32>
    %add3A_14 = arith.addf %sub3A, %add3A_13 : vector<1x1024xf32>
    %rsqrt3A = math.rsqrt %add3A_14 : vector<1x1024xf32>
    %broadcast_in_dim3A = vector.shape_cast %mul3A_7 : vector<1x1024xf32> to vector<1x1x1024xf32>
    %broadcast_in_dim3A_15 = vector.shape_cast %rsqrt3A : vector<1x1024xf32> to vector<1x1x1024xf32>
    %sub3A_16 = vector.broadcast %broadcast_in_dim3A : vector<1x1x1024xf32> to vector<8x128x1024xf32>
    %sub3A_17 = arith.subf %get3A_2, %sub3A_16 : vector<8x128x1024xf32>
    %mul3A_18 = vector.broadcast %broadcast_in_dim3A_15 : vector<1x1x1024xf32> to vector<8x128x1024xf32>
    %mul3A_19 = arith.mulf %sub3A_17, %mul3A_18 : vector<8x128x1024xf32>
    %max3A = arith.constant 0.000000e+00 : f32
    %max3A_20 = vector.broadcast %max3A : f32 to vector<8x128x1024xf32>
    %max3A_21 = arith.maximumf %mul3A_19, %max3A_20 : vector<8x128x1024xf32>
    %reduce_max3A = arith.constant dense<0xFF800000> : vector<8x1024xf32>
    %reduce_max3A_22 = vector.multi_reduction <maximumf>, %max3A_21, %reduce_max3A [1] : vector<8x128x1024xf32> to vector<8x1024xf32>
    %swap3A = arith.constant 0 : index
    %swap3A_23 = arith.constant 0 : index
    %swap3A_24 = vector.load %arg3[%swap3A, %swap3A_23] : memref<8x1024xf32, #tpu.memory_space<vmem>>, vector<8x1024xf32>
    tpu.vector_store %arg3[%swap3A, %swap3A_23], %reduce_max3A_22 {strides = array<i32>} : memref<8x1024xf32, #tpu.memory_space<vmem>>, vector<8x1024xf32>,
    return
  }
  func.func @transform_0(%arg0: i32) -> (i32, i32, i32) {
    %c0_i32 = arith.constant 0 : i32
    %c0_i32_0 = arith.constant 0 : i32
    %c0_i32_1 = arith.constant 0 : i32
    return %arg0, %c0_i32, %c0_i32_0 : i32, i32, i32
  }
  func.func @transform_1(%arg0: i32) -> (i32, i32) {
    %c0_i32 = arith.constant 0 : i32
    %c0_i32_0 = arith.constant 0 : i32
    %c0_i32_1 = arith.constant 0 : i32
    return %c0_i32, %c0_i32_0 : i32, i32
  }
  func.func @transform_2(%arg0: i32) -> (i32, i32) {
    %c0_i32 = arith.constant 0 : i32
    %c0_i32_0 = arith.constant 0 : i32
    return %arg0, %c0_i32 : i32, i32
  }
}

module attributes {stable_mosaic.version = 14 : i64} {
  func.func @kern(%arg0: i32, %arg1: i32, %arg2: memref<1x256x3xf32, #tpu.memory_space<vmem>>, %arg3: memref<1x3x256xf32, #tpu.memory_space<vmem>>, %arg4: memref<1x256x8xi32, #tpu.memory_space<vmem>>, %arg5: memref<1x256x8xf32, #tpu.memory_space<vmem>>, %arg6: memref<256x256xf32, #tpu.memory_space<vmem>>) attributes {dimension_semantics = [#tpu.dimension_semantics<arbitrary>, #tpu.dimension_semantics<arbitrary>], iteration_bounds = array<i64: 8, 4>, scalar_prefetch = 0 : i64, scratch_operands = 1 : i64, tpu.core_type = #tpu.core_type<tc>, window_params = [{transform_indices = @transform_0, window_bounds = array<i64: 1, 256, 3>}, {transform_indices = @transform_1, window_bounds = array<i64: 1, 3, 256>}, {transform_indices = @transform_2, window_bounds = array<i64: 1, 256, 8>}, {transform_indices = @transform_3, window_bounds = array<i64: 1, 256, 8>}]} {
    %get3A = arith.constant 0 : index
    %get3A_0 = arith.constant 0 : index
    %get3A_1 = arith.constant 0 : index
    %get3A_2 = vector.load %arg2[%get3A, %get3A_0, %get3A_1] : memref<1x256x3xf32, #tpu.memory_space<vmem>>, vector<1x256x3xf32>
    %get3A_3 = vector.shape_cast %get3A_2 : vector<1x256x3xf32> to vector<256x3xf32>
    %get3A_4 = arith.constant 0 : index
    %get3A_5 = arith.constant 0 : index
    %get3A_6 = arith.constant 0 : index
    %get3A_7 = vector.load %arg3[%get3A_4, %get3A_5, %get3A_6] : memref<1x3x256xf32, #tpu.memory_space<vmem>>, vector<1x3x256xf32>
    %get3A_8 = vector.shape_cast %get3A_7 : vector<1x3x256xf32> to vector<3x256xf32>
    %mul3A = arith.mulf %get3A_3, %get3A_3 : vector<256x3xf32>
    %reduce_sum3A = arith.constant dense<0.000000e+00> : vector<256xf32>
    %reduce_sum3A_9 = vector.multi_reduction <add>, %mul3A, %reduce_sum3A [1] : vector<256x3xf32> to vector<256xf32>
    %broadcast_in_dim3A = vector.shape_cast %reduce_sum3A_9 : vector<256xf32> to vector<256x1xf32>
    %mul3A_10 = arith.mulf %get3A_8, %get3A_8 : vector<3x256xf32>
    %reduce_sum3A_11 = arith.constant dense<0.000000e+00> : vector<256xf32>
    %reduce_sum3A_12 = vector.multi_reduction <add>, %mul3A_10, %reduce_sum3A_11 [0] : vector<3x256xf32> to vector<256xf32>
    %broadcast_in_dim3A_13 = vector.shape_cast %reduce_sum3A_12 : vector<256xf32> to vector<1x256xf32>
    %dot_general3A = arith.constant dense<0.000000e+00> : vector<256x256xf32>
    %dot_general3A_14 = tpu.matmul %get3A_3, %get3A_8, %dot_general3A {dimension_numbers = #tpu.dot_dimension_numbers<[1], [0], [0], [1], [0, 0, 1, 1], [], []>, transpose_lhs_hint = false} : vector<256x3xf32>, vector<3x256xf32>, vector<256x256xf32> -> vector<256x256xf32>
    %add3A = vector.broadcast %broadcast_in_dim3A : vector<256x1xf32> to vector<256x256xf32>
    %add3A_15 = vector.broadcast %broadcast_in_dim3A_13 : vector<1x256xf32> to vector<256x256xf32>
    %add3A_16 = arith.addf %add3A, %add3A_15 : vector<256x256xf32>
    %mul3A_17 = arith.constant 2.000000e+00 : f32
    %mul3A_18 = vector.broadcast %mul3A_17 : f32 to vector<256x256xf32>
    %mul3A_19 = arith.mulf %mul3A_18, %dot_general3A_14 : vector<256x256xf32>
    %sub3A = arith.subf %add3A_16, %mul3A_19 : vector<256x256xf32>
    %max3A = arith.constant 9.99999996E-13 : f32
    %max3A_20 = vector.broadcast %max3A : f32 to vector<256x256xf32>
    %max3A_21 = arith.maximumf %sub3A, %max3A_20 : vector<256x256xf32>
    %sqrt3A = math.sqrt %max3A_21 : vector<256x256xf32>
    %swap3A = arith.constant 0 : index
    %swap3A_22 = arith.constant 0 : index
    %swap3A_23 = vector.load %arg6[%swap3A, %swap3A_22] : memref<256x256xf32, #tpu.memory_space<vmem>>, vector<256x256xf32>
    tpu.vector_store %arg6[%swap3A, %swap3A_22], %sqrt3A {strides = array<i32>} : memref<256x256xf32, #tpu.memory_space<vmem>>, vector<256x256xf32>,
    %iota3A = tpu.iota {dimensions = array<i32: 1>} : vector<1x256xi32>
    %iota3A_24 = tpu.iota {dimensions = array<i32: 1>} : vector<1x8xi32>
    %broadcast_in_dim3A_25 = arith.constant 0 : i32
    %broadcast_in_dim3A_26 = vector.broadcast %broadcast_in_dim3A_25 : i32 to vector<256x8xi32>
    %broadcast_in_dim3A_27 = arith.constant 0x7F800000 : f32
    %broadcast_in_dim3A_28 = vector.broadcast %broadcast_in_dim3A_27 : f32 to vector<256x8xf32>
    %scan3A = arith.constant 0 : i32
    %scan3A_29 = arith.constant 3 : i32
    %scan3A_30 = arith.addi %scan3A, %scan3A_29 : i32
    %scan3A_31 = arith.constant 1 : i32
    %scan3A_32:2 = scf.for %scan3A_60 = %scan3A to %scan3A_30 step %scan3A_31 iter_args(%scan3A_61 = %broadcast_in_dim3A_26, %scan3A_62 = %broadcast_in_dim3A_28) -> (vector<256x8xi32>, vector<256x8xf32>)  : i32 {
      %get3A_63 = arith.constant 0 : index
      %get3A_64 = arith.constant 0 : index
      %get3A_65 = vector.load %arg6[%get3A_63, %get3A_64] : memref<256x256xf32, #tpu.memory_space<vmem>>, vector<256x256xf32>
      %reduce_min3A = arith.constant dense<0x7F800000> : vector<256xf32>
      %reduce_min3A_66 = vector.multi_reduction <minimumf>, %get3A_65, %reduce_min3A [1] : vector<256x256xf32> to vector<256xf32>
      %broadcast_in_dim3A_67 = vector.shape_cast %reduce_min3A_66 : vector<256xf32> to vector<256x1xf32>
      %eq3A = vector.broadcast %broadcast_in_dim3A_67 : vector<256x1xf32> to vector<256x256xf32>
      %eq3A_68 = arith.cmpf oeq, %get3A_65, %eq3A : vector<256x256xf32>
      %jit3A = arith.constant 256 : i32
      %broadcast_in_dim3A_69 = vector.shape_cast %iota3A : vector<1x256xi32> to vector<1x256xi32>
      %broadcast_in_dim3A_70 = vector.broadcast %broadcast_in_dim3A_69 : vector<1x256xi32> to vector<256x256xi32>
      %broadcast_in_dim3A_71 = vector.broadcast %jit3A : i32 to vector<256x256xi32>
      %select_n3A = arith.select %eq3A_68, %broadcast_in_dim3A_70, %broadcast_in_dim3A_71 : vector<256x256xi1>, vector<256x256xi32>
      %reduce_min3A_72 = arith.constant dense<2147483647> : vector<256xi32>
      %reduce_min3A_73 = vector.multi_reduction <minsi>, %select_n3A, %reduce_min3A_72 [1] : vector<256x256xi32> to vector<256xi32>
      %broadcast_in_dim3A_74 = vector.shape_cast %reduce_min3A_73 : vector<256xi32> to vector<256x1xi32>
      %eq3A_75 = vector.broadcast %scan3A_60 : i32 to vector<1x8xi32>
      %eq3A_76 = arith.cmpi eq, %iota3A_24, %eq3A_75 : vector<1x8xi32>
      %broadcast_in_dim3A_77 = vector.shape_cast %eq3A_76 : vector<1x8xi1> to vector<1x8xi1>
      %broadcast_in_dim3A_78 = vector.broadcast %broadcast_in_dim3A_77 : vector<1x8xi1> to vector<256x8xi1>
      %broadcast_in_dim3A_79 = vector.shape_cast %broadcast_in_dim3A_74 : vector<256x1xi32> to vector<256x1xi32>
      %broadcast_in_dim3A_80 = vector.broadcast %broadcast_in_dim3A_79 : vector<256x1xi32> to vector<256x8xi32>
      %select_n3A_81 = arith.select %broadcast_in_dim3A_78, %broadcast_in_dim3A_80, %scan3A_61 : vector<256x8xi1>, vector<256x8xi32>
      %eq3A_82 = vector.broadcast %scan3A_60 : i32 to vector<1x8xi32>
      %eq3A_83 = arith.cmpi eq, %iota3A_24, %eq3A_82 : vector<1x8xi32>
      %broadcast_in_dim3A_84 = vector.shape_cast %eq3A_83 : vector<1x8xi1> to vector<1x8xi1>
      %broadcast_in_dim3A_85 = vector.broadcast %broadcast_in_dim3A_84 : vector<1x8xi1> to vector<256x8xi1>
      %broadcast_in_dim3A_86 = vector.shape_cast %broadcast_in_dim3A_67 : vector<256x1xf32> to vector<256x1xf32>
      %broadcast_in_dim3A_87 = vector.broadcast %broadcast_in_dim3A_86 : vector<256x1xf32> to vector<256x8xf32>
      %select_n3A_88 = arith.select %broadcast_in_dim3A_85, %broadcast_in_dim3A_87, %scan3A_62 : vector<256x8xi1>, vector<256x8xf32>
      %eq3A_89 = vector.broadcast %iota3A : vector<1x256xi32> to vector<256x256xi32>
      %eq3A_90 = vector.broadcast %broadcast_in_dim3A_74 : vector<256x1xi32> to vector<256x256xi32>
      %eq3A_91 = arith.cmpi eq, %eq3A_89, %eq3A_90 : vector<256x256xi32>
      %jit3A_92 = arith.constant 0x7F800000 : f32
      %broadcast_in_dim3A_93 = vector.broadcast %jit3A_92 : f32 to vector<256x256xf32>
      %select_n3A_94 = arith.select %eq3A_91, %broadcast_in_dim3A_93, %get3A_65 : vector<256x256xi1>, vector<256x256xf32>
      %swap3A_95 = arith.constant 0 : index
      %swap3A_96 = arith.constant 0 : index
      %swap3A_97 = vector.load %arg6[%swap3A_95, %swap3A_96] : memref<256x256xf32, #tpu.memory_space<vmem>>, vector<256x256xf32>
      tpu.vector_store %arg6[%swap3A_95, %swap3A_96], %select_n3A_94 {strides = array<i32>} : memref<256x256xf32, #tpu.memory_space<vmem>>, vector<256x256xf32>,
      scf.yield %select_n3A_81, %select_n3A_88 : vector<256x8xi32>, vector<256x8xf32>
    }
    %scan3A_33 = arith.constant 3 : i32
    %mul3A_34 = arith.constant 256 : i32
    %mul3A_35 = arith.muli %arg0, %mul3A_34 : i32
    %add3A_36 = vector.broadcast %mul3A_35 : i32 to vector<256x8xi32>
    %add3A_37 = arith.addi %scan3A_32#0, %add3A_36 : vector<256x8xi32>
    %swap3A_38 = arith.constant 0 : index
    %swap3A_39 = arith.constant 0 : index
    %swap3A_40 = arith.constant 0 : index
    %swap3A_41 = vector.load %arg4[%swap3A_38, %swap3A_39, %swap3A_40] : memref<1x256x8xi32, #tpu.memory_space<vmem>>, vector<1x256x8xi32>
    %swap3A_42 = vector.shape_cast %swap3A_41 : vector<1x256x8xi32> to vector<256x8xi32>
    %swap3A_43 = vector.shape_cast %add3A_37 : vector<256x8xi32> to vector<1x256x8xi32>
    tpu.vector_store %arg4[%swap3A_38, %swap3A_39, %swap3A_40], %swap3A_43 {strides = array<i32>} : memref<1x256x8xi32, #tpu.memory_space<vmem>>, vector<1x256x8xi32>,
    %max3A_44 = arith.constant 9.99999993E-9 : f32
    %max3A_45 = vector.broadcast %max3A_44 : f32 to vector<256x8xf32>
    %max3A_46 = arith.maximumf %scan3A_32#1, %max3A_45 : vector<256x8xf32>
    %div3A = arith.constant 1.000000e+00 : f32
    %div3A_47 = vector.broadcast %div3A : f32 to vector<256x8xf32>
    %div3A_48 = arith.divf %div3A_47, %max3A_46 : vector<256x8xf32>
    %reduce_sum3A_49 = arith.constant dense<0.000000e+00> : vector<256xf32>
    %reduce_sum3A_50 = vector.multi_reduction <add>, %div3A_48, %reduce_sum3A_49 [1] : vector<256x8xf32> to vector<256xf32>
    %broadcast_in_dim3A_51 = vector.shape_cast %reduce_sum3A_50 : vector<256xf32> to vector<256x1xf32>
    %div3A_52 = vector.broadcast %broadcast_in_dim3A_51 : vector<256x1xf32> to vector<256x8xf32>
    %div3A_53 = arith.divf %div3A_48, %div3A_52 : vector<256x8xf32>
    %swap3A_54 = arith.constant 0 : index
    %swap3A_55 = arith.constant 0 : index
    %swap3A_56 = arith.constant 0 : index
    %swap3A_57 = vector.load %arg5[%swap3A_54, %swap3A_55, %swap3A_56] : memref<1x256x8xf32, #tpu.memory_space<vmem>>, vector<1x256x8xf32>
    %swap3A_58 = vector.shape_cast %swap3A_57 : vector<1x256x8xf32> to vector<256x8xf32>
    %swap3A_59 = vector.shape_cast %div3A_53 : vector<256x8xf32> to vector<1x256x8xf32>
    tpu.vector_store %arg5[%swap3A_54, %swap3A_55, %swap3A_56], %swap3A_59 {strides = array<i32>} : memref<1x256x8xf32, #tpu.memory_space<vmem>>, vector<1x256x8xf32>,
    return
  }
  func.func @transform_0(%arg0: i32, %arg1: i32) -> (i32, i32, i32) {
    %c0_i32 = arith.constant 0 : i32
    %c0_i32_0 = arith.constant 0 : i32
    return %arg0, %arg1, %c0_i32 : i32, i32, i32
  }
  func.func @transform_1(%arg0: i32, %arg1: i32) -> (i32, i32, i32) {
    %c0_i32 = arith.constant 0 : i32
    %c0_i32_0 = arith.constant 0 : i32
    %c0_i32_1 = arith.constant 0 : i32
    return %arg0, %c0_i32, %c0_i32_0 : i32, i32, i32
  }
  func.func @transform_2(%arg0: i32, %arg1: i32) -> (i32, i32, i32) {
    %c0_i32 = arith.constant 0 : i32
    %c0_i32_0 = arith.constant 0 : i32
    return %arg0, %arg1, %c0_i32 : i32, i32, i32
  }
  func.func @transform_3(%arg0: i32, %arg1: i32) -> (i32, i32, i32) {
    %c0_i32 = arith.constant 0 : i32
    %c0_i32_0 = arith.constant 0 : i32
    return %arg0, %arg1, %c0_i32 : i32, i32, i32
  }
}

module attributes {stable_mosaic.version = 14 : i64} {
  func.func @kern(%arg0: i32, %arg1: memref<128x8x1024xf32, #tpu.memory_space<vmem>>, %arg2: memref<128x8xf32, #tpu.memory_space<vmem>>, %arg3: memref<1024x256xf32, #tpu.memory_space<vmem>>, %arg4: memref<128x256xf32, #tpu.memory_space<vmem>>, %arg5: memref<256x256xf32, #tpu.memory_space<vmem>>, %arg6: memref<128x256xf32, #tpu.memory_space<vmem>>, %arg7: memref<8x256xf32, #tpu.memory_space<vmem>>) attributes {dimension_semantics = [#tpu.dimension_semantics<arbitrary>], iteration_bounds = array<i64: 16>, scalar_prefetch = 0 : i64, scratch_operands = 0 : i64, tpu.core_type = #tpu.core_type<tc>, window_params = [{transform_indices = @transform_0, window_bounds = array<i64: 128, 8, 1024>}, {transform_indices = @transform_1, window_bounds = array<i64: 128, 8>}, {pipeline_mode = #tpu.pipeline_mode<synchronous>, transform_indices = @transform_2, window_bounds = array<i64: 1024, 256>}, {transform_indices = @transform_3, window_bounds = array<i64: 128, 256>}, {pipeline_mode = #tpu.pipeline_mode<synchronous>, transform_indices = @transform_4, window_bounds = array<i64: 256, 256>}, {transform_indices = @transform_5, window_bounds = array<i64: 128, 256>}, {pipeline_mode = #tpu.pipeline_mode<synchronous>, transform_indices = @transform_6, window_bounds = array<i64: 8, 256>}]} {
    %get3A = arith.constant 0 : index
    %get3A_0 = arith.constant 0 : index
    %get3A_1 = arith.constant 0 : index
    %get3A_2 = vector.load %arg1[%get3A, %get3A_0, %get3A_1] : memref<128x8x1024xf32, #tpu.memory_space<vmem>>, vector<128x8x1024xf32>
    %get3A_3 = arith.constant 0 : index
    %get3A_4 = arith.constant 0 : index
    %get3A_5 = vector.load %arg2[%get3A_3, %get3A_4] : memref<128x8xf32, #tpu.memory_space<vmem>>, vector<128x8xf32>
    %broadcast_in_dim3A = vector.shape_cast %get3A_5 : vector<128x8xf32> to vector<128x8x1xf32>
    %mul3A = vector.broadcast %broadcast_in_dim3A : vector<128x8x1xf32> to vector<128x8x1024xf32>
    %mul3A_6 = arith.mulf %get3A_2, %mul3A : vector<128x8x1024xf32>
    %reduce_sum3A = arith.constant dense<0.000000e+00> : vector<128x1024xf32>
    %reduce_sum3A_7 = vector.multi_reduction <add>, %mul3A_6, %reduce_sum3A [1] : vector<128x8x1024xf32> to vector<128x1024xf32>
    %get3A_8 = arith.constant 0 : index
    %get3A_9 = arith.constant 0 : index
    %get3A_10 = vector.load %arg3[%get3A_8, %get3A_9] : memref<1024x256xf32, #tpu.memory_space<vmem>>, vector<1024x256xf32>
    %dot_general3A = arith.constant dense<0.000000e+00> : vector<128x256xf32>
    %dot_general3A_11 = tpu.matmul %reduce_sum3A_7, %get3A_10, %dot_general3A {dimension_numbers = #tpu.dot_dimension_numbers<[1], [0], [0], [1], [0, 0, 1, 1], [], []>, transpose_lhs_hint = false} : vector<128x1024xf32>, vector<1024x256xf32>, vector<128x256xf32> -> vector<128x256xf32>
    %get3A_12 = arith.constant 0 : index
    %get3A_13 = arith.constant 0 : index
    %get3A_14 = vector.load %arg4[%get3A_12, %get3A_13] : memref<128x256xf32, #tpu.memory_space<vmem>>, vector<128x256xf32>
    %get3A_15 = arith.constant 0 : index
    %get3A_16 = arith.constant 0 : index
    %get3A_17 = vector.load %arg5[%get3A_15, %get3A_16] : memref<256x256xf32, #tpu.memory_space<vmem>>, vector<256x256xf32>
    %dot_general3A_18 = arith.constant dense<0.000000e+00> : vector<128x256xf32>
    %dot_general3A_19 = tpu.matmul %get3A_14, %get3A_17, %dot_general3A_18 {dimension_numbers = #tpu.dot_dimension_numbers<[1], [0], [0], [1], [0, 0, 1, 1], [], []>, transpose_lhs_hint = false} : vector<128x256xf32>, vector<256x256xf32>, vector<128x256xf32> -> vector<128x256xf32>
    %add3A = arith.addf %dot_general3A_11, %dot_general3A_19 : vector<128x256xf32>
    %swap3A = arith.constant 0 : index
    %swap3A_20 = arith.constant 0 : index
    %swap3A_21 = vector.load %arg6[%swap3A, %swap3A_20] : memref<128x256xf32, #tpu.memory_space<vmem>>, vector<128x256xf32>
    tpu.vector_store %arg6[%swap3A, %swap3A_20], %add3A {strides = array<i32>} : memref<128x256xf32, #tpu.memory_space<vmem>>, vector<128x256xf32>,
    %reduce_sum3A_22 = arith.constant dense<0.000000e+00> : vector<256xf32>
    %reduce_sum3A_23 = vector.multi_reduction <add>, %add3A, %reduce_sum3A_22 [0] : vector<128x256xf32> to vector<256xf32>
    %broadcast_in_dim3A_24 = vector.shape_cast %reduce_sum3A_23 : vector<256xf32> to vector<1x256xf32>
    %mul3A_25 = arith.mulf %add3A, %add3A : vector<128x256xf32>
    %reduce_sum3A_26 = arith.constant dense<0.000000e+00> : vector<256xf32>
    %reduce_sum3A_27 = vector.multi_reduction <add>, %mul3A_25, %reduce_sum3A_26 [0] : vector<128x256xf32> to vector<256xf32>
    %broadcast_in_dim3A_28 = vector.shape_cast %reduce_sum3A_27 : vector<256xf32> to vector<1x256xf32>
    %eq3A = arith.constant 0 : i32
    %eq3A_29 = arith.cmpi eq, %arg0, %eq3A : i32
    %convert_element_type3A = arith.extui %eq3A_29 : i1 to i32
    %cond3A = arith.constant 0 : i32
    %cond3A_30 = arith.cmpi ne, %convert_element_type3A, %cond3A : i32
    scf.if %cond3A_30 {
      %broadcast_in_dim3A_45 = arith.constant 0.000000e+00 : f32
      %broadcast_in_dim3A_46 = vector.broadcast %broadcast_in_dim3A_45 : f32 to vector<8x256xf32>
      %swap3A_47 = arith.constant 0 : index
      %swap3A_48 = arith.constant 0 : index
      %swap3A_49 = vector.load %arg7[%swap3A_47, %swap3A_48] : memref<8x256xf32, #tpu.memory_space<vmem>>, vector<8x256xf32>
      tpu.vector_store %arg7[%swap3A_47, %swap3A_48], %broadcast_in_dim3A_46 {strides = array<i32>} : memref<8x256xf32, #tpu.memory_space<vmem>>, vector<8x256xf32>,
    } else {
    }
    %get3A_31 = arith.constant 0 : index
    %get3A_32 = arith.constant 0 : index
    %get3A_33 = vector.load %arg7[%get3A_31, %get3A_32] : memref<8x256xf32, #tpu.memory_space<vmem>>, vector<1x256xf32>
    %add3A_34 = arith.addf %get3A_33, %broadcast_in_dim3A_24 : vector<1x256xf32>
    %swap3A_35 = arith.constant 0 : index
    %swap3A_36 = arith.constant 0 : index
    %swap3A_37 = vector.load %arg7[%swap3A_35, %swap3A_36] : memref<8x256xf32, #tpu.memory_space<vmem>>, vector<1x256xf32>
    tpu.vector_store %arg7[%swap3A_35, %swap3A_36], %add3A_34 {strides = array<i32>} : memref<8x256xf32, #tpu.memory_space<vmem>>, vector<1x256xf32>,
    %get3A_38 = arith.constant 1 : index
    %get3A_39 = arith.constant 0 : index
    %get3A_40 = vector.load %arg7[%get3A_38, %get3A_39] : memref<8x256xf32, #tpu.memory_space<vmem>>, vector<1x256xf32>
    %add3A_41 = arith.addf %get3A_40, %broadcast_in_dim3A_28 : vector<1x256xf32>
    %swap3A_42 = arith.constant 1 : index
    %swap3A_43 = arith.constant 0 : index
    %swap3A_44 = vector.load %arg7[%swap3A_42, %swap3A_43] : memref<8x256xf32, #tpu.memory_space<vmem>>, vector<1x256xf32>
    tpu.vector_store %arg7[%swap3A_42, %swap3A_43], %add3A_41 {strides = array<i32>} : memref<8x256xf32, #tpu.memory_space<vmem>>, vector<1x256xf32>,
    return
  }
  func.func @transform_0(%arg0: i32) -> (i32, i32, i32) {
    %c0_i32 = arith.constant 0 : i32
    %c0_i32_0 = arith.constant 0 : i32
    %c0_i32_1 = arith.constant 0 : i32
    return %arg0, %c0_i32, %c0_i32_0 : i32, i32, i32
  }
  func.func @transform_1(%arg0: i32) -> (i32, i32) {
    %c0_i32 = arith.constant 0 : i32
    %c0_i32_0 = arith.constant 0 : i32
    return %arg0, %c0_i32 : i32, i32
  }
  func.func @transform_2(%arg0: i32) -> (i32, i32) {
    %c0_i32 = arith.constant 0 : i32
    %c0_i32_0 = arith.constant 0 : i32
    %c0_i32_1 = arith.constant 0 : i32
    return %c0_i32, %c0_i32_0 : i32, i32
  }
  func.func @transform_3(%arg0: i32) -> (i32, i32) {
    %c0_i32 = arith.constant 0 : i32
    %c0_i32_0 = arith.constant 0 : i32
    return %arg0, %c0_i32 : i32, i32
  }
  func.func @transform_4(%arg0: i32) -> (i32, i32) {
    %c0_i32 = arith.constant 0 : i32
    %c0_i32_0 = arith.constant 0 : i32
    %c0_i32_1 = arith.constant 0 : i32
    return %c0_i32, %c0_i32_0 : i32, i32
  }
  func.func @transform_5(%arg0: i32) -> (i32, i32) {
    %c0_i32 = arith.constant 0 : i32
    %c0_i32_0 = arith.constant 0 : i32
    return %arg0, %c0_i32 : i32, i32
  }
  func.func @transform_6(%arg0: i32) -> (i32, i32) {
    %c0_i32 = arith.constant 0 : i32
    %c0_i32_0 = arith.constant 0 : i32
    %c0_i32_1 = arith.constant 0 : i32
    return %c0_i32, %c0_i32_0 : i32, i32
  }
}

module attributes {stable_mosaic.version = 14 : i64} {
  func.func @kern(%arg0: i32, %arg1: memref<1024x256xf32, #tpu.memory_space<vmem>>, %arg2: memref<256x256xf32, #tpu.memory_space<vmem>>, %arg3: memref<8x256xf32, #tpu.memory_space<vmem>>, %arg4: memref<1024x256xf32, #tpu.memory_space<vmem>>, %arg5: memref<8x256xf32, #tpu.memory_space<vmem>>) attributes {dimension_semantics = [#tpu.dimension_semantics<arbitrary>], iteration_bounds = array<i64: 2>, scalar_prefetch = 0 : i64, scratch_operands = 0 : i64, tpu.core_type = #tpu.core_type<tc>, window_params = [{transform_indices = @transform_0, window_bounds = array<i64: 1024, 256>}, {pipeline_mode = #tpu.pipeline_mode<synchronous>, transform_indices = @transform_1, window_bounds = array<i64: 256, 256>}, {pipeline_mode = #tpu.pipeline_mode<synchronous>, transform_indices = @transform_2, window_bounds = array<i64: 8, 256>}, {transform_indices = @transform_3, window_bounds = array<i64: 1024, 256>}, {pipeline_mode = #tpu.pipeline_mode<synchronous>, transform_indices = @transform_4, window_bounds = array<i64: 8, 256>}]} {
    %get3A = arith.constant 0 : index
    %get3A_0 = arith.constant 0 : index
    %get3A_1 = vector.load %arg1[%get3A, %get3A_0] : memref<1024x256xf32, #tpu.memory_space<vmem>>, vector<1024x256xf32>
    %get3A_2 = arith.constant 0 : index
    %get3A_3 = arith.constant 0 : index
    %get3A_4 = vector.load %arg3[%get3A_2, %get3A_3] : memref<8x256xf32, #tpu.memory_space<vmem>>, vector<8x256xf32>
    %slice3A = vector.extract_strided_slice %get3A_4 {offsets = [0, 0], sizes = [1, 256], strides = [1, 1]} : vector<8x256xf32> to vector<1x256xf32>
    %mul3A = arith.constant 4.8828125E-4 : f32
    %mul3A_5 = vector.broadcast %mul3A : f32 to vector<1x256xf32>
    %mul3A_6 = arith.mulf %slice3A, %mul3A_5 : vector<1x256xf32>
    %slice3A_7 = vector.extract_strided_slice %get3A_4 {offsets = [1, 0], sizes = [1, 256], strides = [1, 1]} : vector<8x256xf32> to vector<1x256xf32>
    %mul3A_8 = arith.constant 4.8828125E-4 : f32
    %mul3A_9 = vector.broadcast %mul3A_8 : f32 to vector<1x256xf32>
    %mul3A_10 = arith.mulf %slice3A_7, %mul3A_9 : vector<1x256xf32>
    %mul3A_11 = arith.mulf %mul3A_6, %mul3A_6 : vector<1x256xf32>
    %sub3A = arith.subf %mul3A_10, %mul3A_11 : vector<1x256xf32>
    %add3A = arith.constant 9.99999974E-6 : f32
    %add3A_12 = vector.broadcast %add3A : f32 to vector<1x256xf32>
    %add3A_13 = arith.addf %sub3A, %add3A_12 : vector<1x256xf32>
    %rsqrt3A = math.rsqrt %add3A_13 : vector<1x256xf32>
    %sub3A_14 = vector.broadcast %mul3A_6 : vector<1x256xf32> to vector<1024x256xf32>
    %sub3A_15 = arith.subf %get3A_1, %sub3A_14 : vector<1024x256xf32>
    %mul3A_16 = vector.broadcast %rsqrt3A : vector<1x256xf32> to vector<1024x256xf32>
    %mul3A_17 = arith.mulf %sub3A_15, %mul3A_16 : vector<1024x256xf32>
    %max3A = arith.constant 0.000000e+00 : f32
    %max3A_18 = vector.broadcast %max3A : f32 to vector<1024x256xf32>
    %max3A_19 = arith.maximumf %mul3A_17, %max3A_18 : vector<1024x256xf32>
    %get3A_20 = arith.constant 0 : index
    %get3A_21 = arith.constant 0 : index
    %get3A_22 = vector.load %arg2[%get3A_20, %get3A_21] : memref<256x256xf32, #tpu.memory_space<vmem>>, vector<256x256xf32>
    %dot_general3A = arith.constant dense<0.000000e+00> : vector<1024x256xf32>
    %dot_general3A_23 = tpu.matmul %max3A_19, %get3A_22, %dot_general3A {dimension_numbers = #tpu.dot_dimension_numbers<[1], [0], [0], [1], [0, 0, 1, 1], [], []>, transpose_lhs_hint = false} : vector<1024x256xf32>, vector<256x256xf32>, vector<1024x256xf32> -> vector<1024x256xf32>
    %swap3A = arith.constant 0 : index
    %swap3A_24 = arith.constant 0 : index
    %swap3A_25 = vector.load %arg4[%swap3A, %swap3A_24] : memref<1024x256xf32, #tpu.memory_space<vmem>>, vector<1024x256xf32>
    tpu.vector_store %arg4[%swap3A, %swap3A_24], %dot_general3A_23 {strides = array<i32>} : memref<1024x256xf32, #tpu.memory_space<vmem>>, vector<1024x256xf32>,
    %reduce_sum3A = arith.constant dense<0.000000e+00> : vector<256xf32>
    %reduce_sum3A_26 = vector.multi_reduction <add>, %dot_general3A_23, %reduce_sum3A [0] : vector<1024x256xf32> to vector<256xf32>
    %broadcast_in_dim3A = vector.shape_cast %reduce_sum3A_26 : vector<256xf32> to vector<1x256xf32>
    %mul3A_27 = arith.mulf %dot_general3A_23, %dot_general3A_23 : vector<1024x256xf32>
    %reduce_sum3A_28 = arith.constant dense<0.000000e+00> : vector<256xf32>
    %reduce_sum3A_29 = vector.multi_reduction <add>, %mul3A_27, %reduce_sum3A_28 [0] : vector<1024x256xf32> to vector<256xf32>
    %broadcast_in_dim3A_30 = vector.shape_cast %reduce_sum3A_29 : vector<256xf32> to vector<1x256xf32>
    %eq3A = arith.constant 0 : i32
    %eq3A_31 = arith.cmpi eq, %arg0, %eq3A : i32
    %convert_element_type3A = arith.extui %eq3A_31 : i1 to i32
    %cond3A = arith.constant 0 : i32
    %cond3A_32 = arith.cmpi ne, %convert_element_type3A, %cond3A : i32
    scf.if %cond3A_32 {
      %broadcast_in_dim3A_47 = arith.constant 0.000000e+00 : f32
      %broadcast_in_dim3A_48 = vector.broadcast %broadcast_in_dim3A_47 : f32 to vector<8x256xf32>
      %swap3A_49 = arith.constant 0 : index
      %swap3A_50 = arith.constant 0 : index
      %swap3A_51 = vector.load %arg5[%swap3A_49, %swap3A_50] : memref<8x256xf32, #tpu.memory_space<vmem>>, vector<8x256xf32>
      tpu.vector_store %arg5[%swap3A_49, %swap3A_50], %broadcast_in_dim3A_48 {strides = array<i32>} : memref<8x256xf32, #tpu.memory_space<vmem>>, vector<8x256xf32>,
    } else {
    }
    %get3A_33 = arith.constant 0 : index
    %get3A_34 = arith.constant 0 : index
    %get3A_35 = vector.load %arg5[%get3A_33, %get3A_34] : memref<8x256xf32, #tpu.memory_space<vmem>>, vector<1x256xf32>
    %add3A_36 = arith.addf %get3A_35, %broadcast_in_dim3A : vector<1x256xf32>
    %swap3A_37 = arith.constant 0 : index
    %swap3A_38 = arith.constant 0 : index
    %swap3A_39 = vector.load %arg5[%swap3A_37, %swap3A_38] : memref<8x256xf32, #tpu.memory_space<vmem>>, vector<1x256xf32>
    tpu.vector_store %arg5[%swap3A_37, %swap3A_38], %add3A_36 {strides = array<i32>} : memref<8x256xf32, #tpu.memory_space<vmem>>, vector<1x256xf32>,
    %get3A_40 = arith.constant 1 : index
    %get3A_41 = arith.constant 0 : index
    %get3A_42 = vector.load %arg5[%get3A_40, %get3A_41] : memref<8x256xf32, #tpu.memory_space<vmem>>, vector<1x256xf32>
    %add3A_43 = arith.addf %get3A_42, %broadcast_in_dim3A_30 : vector<1x256xf32>
    %swap3A_44 = arith.constant 1 : index
    %swap3A_45 = arith.constant 0 : index
    %swap3A_46 = vector.load %arg5[%swap3A_44, %swap3A_45] : memref<8x256xf32, #tpu.memory_space<vmem>>, vector<1x256xf32>
    tpu.vector_store %arg5[%swap3A_44, %swap3A_45], %add3A_43 {strides = array<i32>} : memref<8x256xf32, #tpu.memory_space<vmem>>, vector<1x256xf32>,
    return
  }
  func.func @transform_0(%arg0: i32) -> (i32, i32) {
    %c0_i32 = arith.constant 0 : i32
    %c0_i32_0 = arith.constant 0 : i32
    return %arg0, %c0_i32 : i32, i32
  }
  func.func @transform_1(%arg0: i32) -> (i32, i32) {
    %c0_i32 = arith.constant 0 : i32
    %c0_i32_0 = arith.constant 0 : i32
    %c0_i32_1 = arith.constant 0 : i32
    return %c0_i32, %c0_i32_0 : i32, i32
  }
  func.func @transform_2(%arg0: i32) -> (i32, i32) {
    %c0_i32 = arith.constant 0 : i32
    %c0_i32_0 = arith.constant 0 : i32
    %c0_i32_1 = arith.constant 0 : i32
    return %c0_i32, %c0_i32_0 : i32, i32
  }
  func.func @transform_3(%arg0: i32) -> (i32, i32) {
    %c0_i32 = arith.constant 0 : i32
    %c0_i32_0 = arith.constant 0 : i32
    return %arg0, %c0_i32 : i32, i32
  }
  func.func @transform_4(%arg0: i32) -> (i32, i32) {
    %c0_i32 = arith.constant 0 : i32
    %c0_i32_0 = arith.constant 0 : i32
    %c0_i32_1 = arith.constant 0 : i32
    return %c0_i32, %c0_i32_0 : i32, i32
  }
}

module attributes {stable_mosaic.version = 14 : i64} {
  func.func @kern(%arg0: i32, %arg1: memref<2048x256xf32, #tpu.memory_space<vmem>>, %arg2: memref<8x256xf32, #tpu.memory_space<vmem>>, %arg3: memref<2048x256xf32, #tpu.memory_space<vmem>>) attributes {dimension_semantics = [#tpu.dimension_semantics<arbitrary>], iteration_bounds = array<i64: 1>, scalar_prefetch = 0 : i64, scratch_operands = 0 : i64, tpu.core_type = #tpu.core_type<tc>, window_params = [{transform_indices = @transform_0, window_bounds = array<i64: 2048, 256>}, {pipeline_mode = #tpu.pipeline_mode<synchronous>, transform_indices = @transform_1, window_bounds = array<i64: 8, 256>}, {transform_indices = @transform_2, window_bounds = array<i64: 2048, 256>}]} {
    %get3A = arith.constant 0 : index
    %get3A_0 = arith.constant 0 : index
    %get3A_1 = vector.load %arg1[%get3A, %get3A_0] : memref<2048x256xf32, #tpu.memory_space<vmem>>, vector<2048x256xf32>
    %get3A_2 = arith.constant 0 : index
    %get3A_3 = arith.constant 0 : index
    %get3A_4 = vector.load %arg2[%get3A_2, %get3A_3] : memref<8x256xf32, #tpu.memory_space<vmem>>, vector<8x256xf32>
    %slice3A = vector.extract_strided_slice %get3A_4 {offsets = [0, 0], sizes = [1, 256], strides = [1, 1]} : vector<8x256xf32> to vector<1x256xf32>
    %mul3A = arith.constant 4.8828125E-4 : f32
    %mul3A_5 = vector.broadcast %mul3A : f32 to vector<1x256xf32>
    %mul3A_6 = arith.mulf %slice3A, %mul3A_5 : vector<1x256xf32>
    %slice3A_7 = vector.extract_strided_slice %get3A_4 {offsets = [1, 0], sizes = [1, 256], strides = [1, 1]} : vector<8x256xf32> to vector<1x256xf32>
    %mul3A_8 = arith.constant 4.8828125E-4 : f32
    %mul3A_9 = vector.broadcast %mul3A_8 : f32 to vector<1x256xf32>
    %mul3A_10 = arith.mulf %slice3A_7, %mul3A_9 : vector<1x256xf32>
    %mul3A_11 = arith.mulf %mul3A_6, %mul3A_6 : vector<1x256xf32>
    %sub3A = arith.subf %mul3A_10, %mul3A_11 : vector<1x256xf32>
    %add3A = arith.constant 9.99999974E-6 : f32
    %add3A_12 = vector.broadcast %add3A : f32 to vector<1x256xf32>
    %add3A_13 = arith.addf %sub3A, %add3A_12 : vector<1x256xf32>
    %rsqrt3A = math.rsqrt %add3A_13 : vector<1x256xf32>
    %sub3A_14 = vector.broadcast %mul3A_6 : vector<1x256xf32> to vector<2048x256xf32>
    %sub3A_15 = arith.subf %get3A_1, %sub3A_14 : vector<2048x256xf32>
    %mul3A_16 = vector.broadcast %rsqrt3A : vector<1x256xf32> to vector<2048x256xf32>
    %mul3A_17 = arith.mulf %sub3A_15, %mul3A_16 : vector<2048x256xf32>
    %max3A = arith.constant 0.000000e+00 : f32
    %max3A_18 = vector.broadcast %max3A : f32 to vector<2048x256xf32>
    %max3A_19 = arith.maximumf %mul3A_17, %max3A_18 : vector<2048x256xf32>
    %swap3A = arith.constant 0 : index
    %swap3A_20 = arith.constant 0 : index
    %swap3A_21 = vector.load %arg3[%swap3A, %swap3A_20] : memref<2048x256xf32, #tpu.memory_space<vmem>>, vector<2048x256xf32>
    tpu.vector_store %arg3[%swap3A, %swap3A_20], %max3A_19 {strides = array<i32>} : memref<2048x256xf32, #tpu.memory_space<vmem>>, vector<2048x256xf32>,
    return
  }
  func.func @transform_0(%arg0: i32) -> (i32, i32) {
    %c0_i32 = arith.constant 0 : i32
    %c0_i32_0 = arith.constant 0 : i32
    return %arg0, %c0_i32 : i32, i32
  }
  func.func @transform_1(%arg0: i32) -> (i32, i32) {
    %c0_i32 = arith.constant 0 : i32
    %c0_i32_0 = arith.constant 0 : i32
    %c0_i32_1 = arith.constant 0 : i32
    return %c0_i32, %c0_i32_0 : i32, i32
  }
  func.func @transform_2(%arg0: i32) -> (i32, i32) {
    %c0_i32 = arith.constant 0 : i32
    %c0_i32_0 = arith.constant 0 : i32
    return %arg0, %c0_i32 : i32, i32
  }
}

module attributes {stable_mosaic.version = 14 : i64} {
  func.func @kern(%arg0: i32, %arg1: i32, %arg2: memref<1x256x3xf32, #tpu.memory_space<vmem>>, %arg3: memref<1x3x1024xf32, #tpu.memory_space<vmem>>, %arg4: memref<1x256x8xi32, #tpu.memory_space<vmem>>, %arg5: memref<1x256x8xf32, #tpu.memory_space<vmem>>, %arg6: memref<256x1024xf32, #tpu.memory_space<vmem>>) attributes {dimension_semantics = [#tpu.dimension_semantics<arbitrary>, #tpu.dimension_semantics<arbitrary>], iteration_bounds = array<i64: 8, 16>, scalar_prefetch = 0 : i64, scratch_operands = 1 : i64, tpu.core_type = #tpu.core_type<tc>, window_params = [{transform_indices = @transform_0, window_bounds = array<i64: 1, 256, 3>}, {transform_indices = @transform_1, window_bounds = array<i64: 1, 3, 1024>}, {transform_indices = @transform_2, window_bounds = array<i64: 1, 256, 8>}, {transform_indices = @transform_3, window_bounds = array<i64: 1, 256, 8>}]} {
    %get3A = arith.constant 0 : index
    %get3A_0 = arith.constant 0 : index
    %get3A_1 = arith.constant 0 : index
    %get3A_2 = vector.load %arg2[%get3A, %get3A_0, %get3A_1] : memref<1x256x3xf32, #tpu.memory_space<vmem>>, vector<1x256x3xf32>
    %get3A_3 = vector.shape_cast %get3A_2 : vector<1x256x3xf32> to vector<256x3xf32>
    %get3A_4 = arith.constant 0 : index
    %get3A_5 = arith.constant 0 : index
    %get3A_6 = arith.constant 0 : index
    %get3A_7 = vector.load %arg3[%get3A_4, %get3A_5, %get3A_6] : memref<1x3x1024xf32, #tpu.memory_space<vmem>>, vector<1x3x1024xf32>
    %get3A_8 = vector.shape_cast %get3A_7 : vector<1x3x1024xf32> to vector<3x1024xf32>
    %mul3A = arith.mulf %get3A_3, %get3A_3 : vector<256x3xf32>
    %reduce_sum3A = arith.constant dense<0.000000e+00> : vector<256xf32>
    %reduce_sum3A_9 = vector.multi_reduction <add>, %mul3A, %reduce_sum3A [1] : vector<256x3xf32> to vector<256xf32>
    %broadcast_in_dim3A = vector.shape_cast %reduce_sum3A_9 : vector<256xf32> to vector<256x1xf32>
    %mul3A_10 = arith.mulf %get3A_8, %get3A_8 : vector<3x1024xf32>
    %reduce_sum3A_11 = arith.constant dense<0.000000e+00> : vector<1024xf32>
    %reduce_sum3A_12 = vector.multi_reduction <add>, %mul3A_10, %reduce_sum3A_11 [0] : vector<3x1024xf32> to vector<1024xf32>
    %broadcast_in_dim3A_13 = vector.shape_cast %reduce_sum3A_12 : vector<1024xf32> to vector<1x1024xf32>
    %dot_general3A = arith.constant dense<0.000000e+00> : vector<256x1024xf32>
    %dot_general3A_14 = tpu.matmul %get3A_3, %get3A_8, %dot_general3A {dimension_numbers = #tpu.dot_dimension_numbers<[1], [0], [0], [1], [0, 0, 1, 1], [], []>, transpose_lhs_hint = false} : vector<256x3xf32>, vector<3x1024xf32>, vector<256x1024xf32> -> vector<256x1024xf32>
    %add3A = vector.broadcast %broadcast_in_dim3A : vector<256x1xf32> to vector<256x1024xf32>
    %add3A_15 = vector.broadcast %broadcast_in_dim3A_13 : vector<1x1024xf32> to vector<256x1024xf32>
    %add3A_16 = arith.addf %add3A, %add3A_15 : vector<256x1024xf32>
    %mul3A_17 = arith.constant 2.000000e+00 : f32
    %mul3A_18 = vector.broadcast %mul3A_17 : f32 to vector<256x1024xf32>
    %mul3A_19 = arith.mulf %mul3A_18, %dot_general3A_14 : vector<256x1024xf32>
    %sub3A = arith.subf %add3A_16, %mul3A_19 : vector<256x1024xf32>
    %max3A = arith.constant 9.99999996E-13 : f32
    %max3A_20 = vector.broadcast %max3A : f32 to vector<256x1024xf32>
    %max3A_21 = arith.maximumf %sub3A, %max3A_20 : vector<256x1024xf32>
    %sqrt3A = math.sqrt %max3A_21 : vector<256x1024xf32>
    %swap3A = arith.constant 0 : index
    %swap3A_22 = arith.constant 0 : index
    %swap3A_23 = vector.load %arg6[%swap3A, %swap3A_22] : memref<256x1024xf32, #tpu.memory_space<vmem>>, vector<256x1024xf32>
    tpu.vector_store %arg6[%swap3A, %swap3A_22], %sqrt3A {strides = array<i32>} : memref<256x1024xf32, #tpu.memory_space<vmem>>, vector<256x1024xf32>,
    %iota3A = tpu.iota {dimensions = array<i32: 1>} : vector<1x1024xi32>
    %iota3A_24 = tpu.iota {dimensions = array<i32: 1>} : vector<1x8xi32>
    %broadcast_in_dim3A_25 = arith.constant 0 : i32
    %broadcast_in_dim3A_26 = vector.broadcast %broadcast_in_dim3A_25 : i32 to vector<256x8xi32>
    %broadcast_in_dim3A_27 = arith.constant 0x7F800000 : f32
    %broadcast_in_dim3A_28 = vector.broadcast %broadcast_in_dim3A_27 : f32 to vector<256x8xf32>
    %scan3A = arith.constant 0 : i32
    %scan3A_29 = arith.constant 3 : i32
    %scan3A_30 = arith.addi %scan3A, %scan3A_29 : i32
    %scan3A_31 = arith.constant 1 : i32
    %scan3A_32:2 = scf.for %scan3A_60 = %scan3A to %scan3A_30 step %scan3A_31 iter_args(%scan3A_61 = %broadcast_in_dim3A_26, %scan3A_62 = %broadcast_in_dim3A_28) -> (vector<256x8xi32>, vector<256x8xf32>)  : i32 {
      %get3A_63 = arith.constant 0 : index
      %get3A_64 = arith.constant 0 : index
      %get3A_65 = vector.load %arg6[%get3A_63, %get3A_64] : memref<256x1024xf32, #tpu.memory_space<vmem>>, vector<256x1024xf32>
      %reduce_min3A = arith.constant dense<0x7F800000> : vector<256xf32>
      %reduce_min3A_66 = vector.multi_reduction <minimumf>, %get3A_65, %reduce_min3A [1] : vector<256x1024xf32> to vector<256xf32>
      %broadcast_in_dim3A_67 = vector.shape_cast %reduce_min3A_66 : vector<256xf32> to vector<256x1xf32>
      %eq3A = vector.broadcast %broadcast_in_dim3A_67 : vector<256x1xf32> to vector<256x1024xf32>
      %eq3A_68 = arith.cmpf oeq, %get3A_65, %eq3A : vector<256x1024xf32>
      %jit3A = arith.constant 1024 : i32
      %broadcast_in_dim3A_69 = vector.shape_cast %iota3A : vector<1x1024xi32> to vector<1x1024xi32>
      %broadcast_in_dim3A_70 = vector.broadcast %broadcast_in_dim3A_69 : vector<1x1024xi32> to vector<256x1024xi32>
      %broadcast_in_dim3A_71 = vector.broadcast %jit3A : i32 to vector<256x1024xi32>
      %select_n3A = arith.select %eq3A_68, %broadcast_in_dim3A_70, %broadcast_in_dim3A_71 : vector<256x1024xi1>, vector<256x1024xi32>
      %reduce_min3A_72 = arith.constant dense<2147483647> : vector<256xi32>
      %reduce_min3A_73 = vector.multi_reduction <minsi>, %select_n3A, %reduce_min3A_72 [1] : vector<256x1024xi32> to vector<256xi32>
      %broadcast_in_dim3A_74 = vector.shape_cast %reduce_min3A_73 : vector<256xi32> to vector<256x1xi32>
      %eq3A_75 = vector.broadcast %scan3A_60 : i32 to vector<1x8xi32>
      %eq3A_76 = arith.cmpi eq, %iota3A_24, %eq3A_75 : vector<1x8xi32>
      %broadcast_in_dim3A_77 = vector.shape_cast %eq3A_76 : vector<1x8xi1> to vector<1x8xi1>
      %broadcast_in_dim3A_78 = vector.broadcast %broadcast_in_dim3A_77 : vector<1x8xi1> to vector<256x8xi1>
      %broadcast_in_dim3A_79 = vector.shape_cast %broadcast_in_dim3A_74 : vector<256x1xi32> to vector<256x1xi32>
      %broadcast_in_dim3A_80 = vector.broadcast %broadcast_in_dim3A_79 : vector<256x1xi32> to vector<256x8xi32>
      %select_n3A_81 = arith.select %broadcast_in_dim3A_78, %broadcast_in_dim3A_80, %scan3A_61 : vector<256x8xi1>, vector<256x8xi32>
      %eq3A_82 = vector.broadcast %scan3A_60 : i32 to vector<1x8xi32>
      %eq3A_83 = arith.cmpi eq, %iota3A_24, %eq3A_82 : vector<1x8xi32>
      %broadcast_in_dim3A_84 = vector.shape_cast %eq3A_83 : vector<1x8xi1> to vector<1x8xi1>
      %broadcast_in_dim3A_85 = vector.broadcast %broadcast_in_dim3A_84 : vector<1x8xi1> to vector<256x8xi1>
      %broadcast_in_dim3A_86 = vector.shape_cast %broadcast_in_dim3A_67 : vector<256x1xf32> to vector<256x1xf32>
      %broadcast_in_dim3A_87 = vector.broadcast %broadcast_in_dim3A_86 : vector<256x1xf32> to vector<256x8xf32>
      %select_n3A_88 = arith.select %broadcast_in_dim3A_85, %broadcast_in_dim3A_87, %scan3A_62 : vector<256x8xi1>, vector<256x8xf32>
      %eq3A_89 = vector.broadcast %iota3A : vector<1x1024xi32> to vector<256x1024xi32>
      %eq3A_90 = vector.broadcast %broadcast_in_dim3A_74 : vector<256x1xi32> to vector<256x1024xi32>
      %eq3A_91 = arith.cmpi eq, %eq3A_89, %eq3A_90 : vector<256x1024xi32>
      %jit3A_92 = arith.constant 0x7F800000 : f32
      %broadcast_in_dim3A_93 = vector.broadcast %jit3A_92 : f32 to vector<256x1024xf32>
      %select_n3A_94 = arith.select %eq3A_91, %broadcast_in_dim3A_93, %get3A_65 : vector<256x1024xi1>, vector<256x1024xf32>
      %swap3A_95 = arith.constant 0 : index
      %swap3A_96 = arith.constant 0 : index
      %swap3A_97 = vector.load %arg6[%swap3A_95, %swap3A_96] : memref<256x1024xf32, #tpu.memory_space<vmem>>, vector<256x1024xf32>
      tpu.vector_store %arg6[%swap3A_95, %swap3A_96], %select_n3A_94 {strides = array<i32>} : memref<256x1024xf32, #tpu.memory_space<vmem>>, vector<256x1024xf32>,
      scf.yield %select_n3A_81, %select_n3A_88 : vector<256x8xi32>, vector<256x8xf32>
    }
    %scan3A_33 = arith.constant 3 : i32
    %mul3A_34 = arith.constant 1024 : i32
    %mul3A_35 = arith.muli %arg0, %mul3A_34 : i32
    %add3A_36 = vector.broadcast %mul3A_35 : i32 to vector<256x8xi32>
    %add3A_37 = arith.addi %scan3A_32#0, %add3A_36 : vector<256x8xi32>
    %swap3A_38 = arith.constant 0 : index
    %swap3A_39 = arith.constant 0 : index
    %swap3A_40 = arith.constant 0 : index
    %swap3A_41 = vector.load %arg4[%swap3A_38, %swap3A_39, %swap3A_40] : memref<1x256x8xi32, #tpu.memory_space<vmem>>, vector<1x256x8xi32>
    %swap3A_42 = vector.shape_cast %swap3A_41 : vector<1x256x8xi32> to vector<256x8xi32>
    %swap3A_43 = vector.shape_cast %add3A_37 : vector<256x8xi32> to vector<1x256x8xi32>
    tpu.vector_store %arg4[%swap3A_38, %swap3A_39, %swap3A_40], %swap3A_43 {strides = array<i32>} : memref<1x256x8xi32, #tpu.memory_space<vmem>>, vector<1x256x8xi32>,
    %max3A_44 = arith.constant 9.99999993E-9 : f32
    %max3A_45 = vector.broadcast %max3A_44 : f32 to vector<256x8xf32>
    %max3A_46 = arith.maximumf %scan3A_32#1, %max3A_45 : vector<256x8xf32>
    %div3A = arith.constant 1.000000e+00 : f32
    %div3A_47 = vector.broadcast %div3A : f32 to vector<256x8xf32>
    %div3A_48 = arith.divf %div3A_47, %max3A_46 : vector<256x8xf32>
    %reduce_sum3A_49 = arith.constant dense<0.000000e+00> : vector<256xf32>
    %reduce_sum3A_50 = vector.multi_reduction <add>, %div3A_48, %reduce_sum3A_49 [1] : vector<256x8xf32> to vector<256xf32>
    %broadcast_in_dim3A_51 = vector.shape_cast %reduce_sum3A_50 : vector<256xf32> to vector<256x1xf32>
    %div3A_52 = vector.broadcast %broadcast_in_dim3A_51 : vector<256x1xf32> to vector<256x8xf32>
    %div3A_53 = arith.divf %div3A_48, %div3A_52 : vector<256x8xf32>
    %swap3A_54 = arith.constant 0 : index
    %swap3A_55 = arith.constant 0 : index
    %swap3A_56 = arith.constant 0 : index
    %swap3A_57 = vector.load %arg5[%swap3A_54, %swap3A_55, %swap3A_56] : memref<1x256x8xf32, #tpu.memory_space<vmem>>, vector<1x256x8xf32>
    %swap3A_58 = vector.shape_cast %swap3A_57 : vector<1x256x8xf32> to vector<256x8xf32>
    %swap3A_59 = vector.shape_cast %div3A_53 : vector<256x8xf32> to vector<1x256x8xf32>
    tpu.vector_store %arg5[%swap3A_54, %swap3A_55, %swap3A_56], %swap3A_59 {strides = array<i32>} : memref<1x256x8xf32, #tpu.memory_space<vmem>>, vector<1x256x8xf32>,
    return
  }
  func.func @transform_0(%arg0: i32, %arg1: i32) -> (i32, i32, i32) {
    %c0_i32 = arith.constant 0 : i32
    %c0_i32_0 = arith.constant 0 : i32
    return %arg0, %arg1, %c0_i32 : i32, i32, i32
  }
  func.func @transform_1(%arg0: i32, %arg1: i32) -> (i32, i32, i32) {
    %c0_i32 = arith.constant 0 : i32
    %c0_i32_0 = arith.constant 0 : i32
    %c0_i32_1 = arith.constant 0 : i32
    return %arg0, %c0_i32, %c0_i32_0 : i32, i32, i32
  }
  func.func @transform_2(%arg0: i32, %arg1: i32) -> (i32, i32, i32) {
    %c0_i32 = arith.constant 0 : i32
    %c0_i32_0 = arith.constant 0 : i32
    return %arg0, %arg1, %c0_i32 : i32, i32, i32
  }
  func.func @transform_3(%arg0: i32, %arg1: i32) -> (i32, i32, i32) {
    %c0_i32 = arith.constant 0 : i32
    %c0_i32_0 = arith.constant 0 : i32
    return %arg0, %arg1, %c0_i32 : i32, i32, i32
  }
}

module attributes {stable_mosaic.version = 14 : i64} {
  func.func @kern(%arg0: i32, %arg1: memref<256x8x256xf32, #tpu.memory_space<vmem>>, %arg2: memref<256x8xf32, #tpu.memory_space<vmem>>, %arg3: memref<256x256xf32, #tpu.memory_space<vmem>>, %arg4: memref<256x128xf32, #tpu.memory_space<vmem>>, %arg5: memref<128x256xf32, #tpu.memory_space<vmem>>, %arg6: memref<256x256xf32, #tpu.memory_space<vmem>>, %arg7: memref<8x256xf32, #tpu.memory_space<vmem>>) attributes {dimension_semantics = [#tpu.dimension_semantics<arbitrary>], iteration_bounds = array<i64: 32>, scalar_prefetch = 0 : i64, scratch_operands = 0 : i64, tpu.core_type = #tpu.core_type<tc>, window_params = [{transform_indices = @transform_0, window_bounds = array<i64: 256, 8, 256>}, {transform_indices = @transform_1, window_bounds = array<i64: 256, 8>}, {pipeline_mode = #tpu.pipeline_mode<synchronous>, transform_indices = @transform_2, window_bounds = array<i64: 256, 256>}, {transform_indices = @transform_3, window_bounds = array<i64: 256, 128>}, {pipeline_mode = #tpu.pipeline_mode<synchronous>, transform_indices = @transform_4, window_bounds = array<i64: 128, 256>}, {transform_indices = @transform_5, window_bounds = array<i64: 256, 256>}, {pipeline_mode = #tpu.pipeline_mode<synchronous>, transform_indices = @transform_6, window_bounds = array<i64: 8, 256>}]} {
    %get3A = arith.constant 0 : index
    %get3A_0 = arith.constant 0 : index
    %get3A_1 = arith.constant 0 : index
    %get3A_2 = vector.load %arg1[%get3A, %get3A_0, %get3A_1] : memref<256x8x256xf32, #tpu.memory_space<vmem>>, vector<256x8x256xf32>
    %get3A_3 = arith.constant 0 : index
    %get3A_4 = arith.constant 0 : index
    %get3A_5 = vector.load %arg2[%get3A_3, %get3A_4] : memref<256x8xf32, #tpu.memory_space<vmem>>, vector<256x8xf32>
    %broadcast_in_dim3A = vector.shape_cast %get3A_5 : vector<256x8xf32> to vector<256x8x1xf32>
    %mul3A = vector.broadcast %broadcast_in_dim3A : vector<256x8x1xf32> to vector<256x8x256xf32>
    %mul3A_6 = arith.mulf %get3A_2, %mul3A : vector<256x8x256xf32>
    %reduce_sum3A = arith.constant dense<0.000000e+00> : vector<256x256xf32>
    %reduce_sum3A_7 = vector.multi_reduction <add>, %mul3A_6, %reduce_sum3A [1] : vector<256x8x256xf32> to vector<256x256xf32>
    %get3A_8 = arith.constant 0 : index
    %get3A_9 = arith.constant 0 : index
    %get3A_10 = vector.load %arg3[%get3A_8, %get3A_9] : memref<256x256xf32, #tpu.memory_space<vmem>>, vector<256x256xf32>
    %dot_general3A = arith.constant dense<0.000000e+00> : vector<256x256xf32>
    %dot_general3A_11 = tpu.matmul %reduce_sum3A_7, %get3A_10, %dot_general3A {dimension_numbers = #tpu.dot_dimension_numbers<[1], [0], [0], [1], [0, 0, 1, 1], [], []>, transpose_lhs_hint = false} : vector<256x256xf32>, vector<256x256xf32>, vector<256x256xf32> -> vector<256x256xf32>
    %get3A_12 = arith.constant 0 : index
    %get3A_13 = arith.constant 0 : index
    %get3A_14 = vector.load %arg4[%get3A_12, %get3A_13] : memref<256x128xf32, #tpu.memory_space<vmem>>, vector<256x128xf32>
    %get3A_15 = arith.constant 0 : index
    %get3A_16 = arith.constant 0 : index
    %get3A_17 = vector.load %arg5[%get3A_15, %get3A_16] : memref<128x256xf32, #tpu.memory_space<vmem>>, vector<128x256xf32>
    %dot_general3A_18 = arith.constant dense<0.000000e+00> : vector<256x256xf32>
    %dot_general3A_19 = tpu.matmul %get3A_14, %get3A_17, %dot_general3A_18 {dimension_numbers = #tpu.dot_dimension_numbers<[1], [0], [0], [1], [0, 0, 1, 1], [], []>, transpose_lhs_hint = false} : vector<256x128xf32>, vector<128x256xf32>, vector<256x256xf32> -> vector<256x256xf32>
    %add3A = arith.addf %dot_general3A_11, %dot_general3A_19 : vector<256x256xf32>
    %swap3A = arith.constant 0 : index
    %swap3A_20 = arith.constant 0 : index
    %swap3A_21 = vector.load %arg6[%swap3A, %swap3A_20] : memref<256x256xf32, #tpu.memory_space<vmem>>, vector<256x256xf32>
    tpu.vector_store %arg6[%swap3A, %swap3A_20], %add3A {strides = array<i32>} : memref<256x256xf32, #tpu.memory_space<vmem>>, vector<256x256xf32>,
    %reduce_sum3A_22 = arith.constant dense<0.000000e+00> : vector<256xf32>
    %reduce_sum3A_23 = vector.multi_reduction <add>, %add3A, %reduce_sum3A_22 [0] : vector<256x256xf32> to vector<256xf32>
    %broadcast_in_dim3A_24 = vector.shape_cast %reduce_sum3A_23 : vector<256xf32> to vector<1x256xf32>
    %mul3A_25 = arith.mulf %add3A, %add3A : vector<256x256xf32>
    %reduce_sum3A_26 = arith.constant dense<0.000000e+00> : vector<256xf32>
    %reduce_sum3A_27 = vector.multi_reduction <add>, %mul3A_25, %reduce_sum3A_26 [0] : vector<256x256xf32> to vector<256xf32>
    %broadcast_in_dim3A_28 = vector.shape_cast %reduce_sum3A_27 : vector<256xf32> to vector<1x256xf32>
    %eq3A = arith.constant 0 : i32
    %eq3A_29 = arith.cmpi eq, %arg0, %eq3A : i32
    %convert_element_type3A = arith.extui %eq3A_29 : i1 to i32
    %cond3A = arith.constant 0 : i32
    %cond3A_30 = arith.cmpi ne, %convert_element_type3A, %cond3A : i32
    scf.if %cond3A_30 {
      %broadcast_in_dim3A_45 = arith.constant 0.000000e+00 : f32
      %broadcast_in_dim3A_46 = vector.broadcast %broadcast_in_dim3A_45 : f32 to vector<8x256xf32>
      %swap3A_47 = arith.constant 0 : index
      %swap3A_48 = arith.constant 0 : index
      %swap3A_49 = vector.load %arg7[%swap3A_47, %swap3A_48] : memref<8x256xf32, #tpu.memory_space<vmem>>, vector<8x256xf32>
      tpu.vector_store %arg7[%swap3A_47, %swap3A_48], %broadcast_in_dim3A_46 {strides = array<i32>} : memref<8x256xf32, #tpu.memory_space<vmem>>, vector<8x256xf32>,
    } else {
    }
    %get3A_31 = arith.constant 0 : index
    %get3A_32 = arith.constant 0 : index
    %get3A_33 = vector.load %arg7[%get3A_31, %get3A_32] : memref<8x256xf32, #tpu.memory_space<vmem>>, vector<1x256xf32>
    %add3A_34 = arith.addf %get3A_33, %broadcast_in_dim3A_24 : vector<1x256xf32>
    %swap3A_35 = arith.constant 0 : index
    %swap3A_36 = arith.constant 0 : index
    %swap3A_37 = vector.load %arg7[%swap3A_35, %swap3A_36] : memref<8x256xf32, #tpu.memory_space<vmem>>, vector<1x256xf32>
    tpu.vector_store %arg7[%swap3A_35, %swap3A_36], %add3A_34 {strides = array<i32>} : memref<8x256xf32, #tpu.memory_space<vmem>>, vector<1x256xf32>,
    %get3A_38 = arith.constant 1 : index
    %get3A_39 = arith.constant 0 : index
    %get3A_40 = vector.load %arg7[%get3A_38, %get3A_39] : memref<8x256xf32, #tpu.memory_space<vmem>>, vector<1x256xf32>
    %add3A_41 = arith.addf %get3A_40, %broadcast_in_dim3A_28 : vector<1x256xf32>
    %swap3A_42 = arith.constant 1 : index
    %swap3A_43 = arith.constant 0 : index
    %swap3A_44 = vector.load %arg7[%swap3A_42, %swap3A_43] : memref<8x256xf32, #tpu.memory_space<vmem>>, vector<1x256xf32>
    tpu.vector_store %arg7[%swap3A_42, %swap3A_43], %add3A_41 {strides = array<i32>} : memref<8x256xf32, #tpu.memory_space<vmem>>, vector<1x256xf32>,
    return
  }
  func.func @transform_0(%arg0: i32) -> (i32, i32, i32) {
    %c0_i32 = arith.constant 0 : i32
    %c0_i32_0 = arith.constant 0 : i32
    %c0_i32_1 = arith.constant 0 : i32
    return %arg0, %c0_i32, %c0_i32_0 : i32, i32, i32
  }
  func.func @transform_1(%arg0: i32) -> (i32, i32) {
    %c0_i32 = arith.constant 0 : i32
    %c0_i32_0 = arith.constant 0 : i32
    return %arg0, %c0_i32 : i32, i32
  }
  func.func @transform_2(%arg0: i32) -> (i32, i32) {
    %c0_i32 = arith.constant 0 : i32
    %c0_i32_0 = arith.constant 0 : i32
    %c0_i32_1 = arith.constant 0 : i32
    return %c0_i32, %c0_i32_0 : i32, i32
  }
  func.func @transform_3(%arg0: i32) -> (i32, i32) {
    %c0_i32 = arith.constant 0 : i32
    %c0_i32_0 = arith.constant 0 : i32
    return %arg0, %c0_i32 : i32, i32
  }
  func.func @transform_4(%arg0: i32) -> (i32, i32) {
    %c0_i32 = arith.constant 0 : i32
    %c0_i32_0 = arith.constant 0 : i32
    %c0_i32_1 = arith.constant 0 : i32
    return %c0_i32, %c0_i32_0 : i32, i32
  }
  func.func @transform_5(%arg0: i32) -> (i32, i32) {
    %c0_i32 = arith.constant 0 : i32
    %c0_i32_0 = arith.constant 0 : i32
    return %arg0, %c0_i32 : i32, i32
  }
  func.func @transform_6(%arg0: i32) -> (i32, i32) {
    %c0_i32 = arith.constant 0 : i32
    %c0_i32_0 = arith.constant 0 : i32
    %c0_i32_1 = arith.constant 0 : i32
    return %c0_i32, %c0_i32_0 : i32, i32
  }
}

module attributes {stable_mosaic.version = 14 : i64} {
  func.func @kern(%arg0: i32, %arg1: memref<1024x256xf32, #tpu.memory_space<vmem>>, %arg2: memref<256x128xf32, #tpu.memory_space<vmem>>, %arg3: memref<8x256xf32, #tpu.memory_space<vmem>>, %arg4: memref<1024x128xf32, #tpu.memory_space<vmem>>, %arg5: memref<8x128xf32, #tpu.memory_space<vmem>>) attributes {dimension_semantics = [#tpu.dimension_semantics<arbitrary>], iteration_bounds = array<i64: 8>, scalar_prefetch = 0 : i64, scratch_operands = 0 : i64, tpu.core_type = #tpu.core_type<tc>, window_params = [{transform_indices = @transform_0, window_bounds = array<i64: 1024, 256>}, {pipeline_mode = #tpu.pipeline_mode<synchronous>, transform_indices = @transform_1, window_bounds = array<i64: 256, 128>}, {pipeline_mode = #tpu.pipeline_mode<synchronous>, transform_indices = @transform_2, window_bounds = array<i64: 8, 256>}, {transform_indices = @transform_3, window_bounds = array<i64: 1024, 128>}, {pipeline_mode = #tpu.pipeline_mode<synchronous>, transform_indices = @transform_4, window_bounds = array<i64: 8, 128>}]} {
    %get3A = arith.constant 0 : index
    %get3A_0 = arith.constant 0 : index
    %get3A_1 = vector.load %arg1[%get3A, %get3A_0] : memref<1024x256xf32, #tpu.memory_space<vmem>>, vector<1024x256xf32>
    %get3A_2 = arith.constant 0 : index
    %get3A_3 = arith.constant 0 : index
    %get3A_4 = vector.load %arg3[%get3A_2, %get3A_3] : memref<8x256xf32, #tpu.memory_space<vmem>>, vector<8x256xf32>
    %slice3A = vector.extract_strided_slice %get3A_4 {offsets = [0, 0], sizes = [1, 256], strides = [1, 1]} : vector<8x256xf32> to vector<1x256xf32>
    %mul3A = arith.constant 1.22070313E-4 : f32
    %mul3A_5 = vector.broadcast %mul3A : f32 to vector<1x256xf32>
    %mul3A_6 = arith.mulf %slice3A, %mul3A_5 : vector<1x256xf32>
    %slice3A_7 = vector.extract_strided_slice %get3A_4 {offsets = [1, 0], sizes = [1, 256], strides = [1, 1]} : vector<8x256xf32> to vector<1x256xf32>
    %mul3A_8 = arith.constant 1.22070313E-4 : f32
    %mul3A_9 = vector.broadcast %mul3A_8 : f32 to vector<1x256xf32>
    %mul3A_10 = arith.mulf %slice3A_7, %mul3A_9 : vector<1x256xf32>
    %mul3A_11 = arith.mulf %mul3A_6, %mul3A_6 : vector<1x256xf32>
    %sub3A = arith.subf %mul3A_10, %mul3A_11 : vector<1x256xf32>
    %add3A = arith.constant 9.99999974E-6 : f32
    %add3A_12 = vector.broadcast %add3A : f32 to vector<1x256xf32>
    %add3A_13 = arith.addf %sub3A, %add3A_12 : vector<1x256xf32>
    %rsqrt3A = math.rsqrt %add3A_13 : vector<1x256xf32>
    %sub3A_14 = vector.broadcast %mul3A_6 : vector<1x256xf32> to vector<1024x256xf32>
    %sub3A_15 = arith.subf %get3A_1, %sub3A_14 : vector<1024x256xf32>
    %mul3A_16 = vector.broadcast %rsqrt3A : vector<1x256xf32> to vector<1024x256xf32>
    %mul3A_17 = arith.mulf %sub3A_15, %mul3A_16 : vector<1024x256xf32>
    %max3A = arith.constant 0.000000e+00 : f32
    %max3A_18 = vector.broadcast %max3A : f32 to vector<1024x256xf32>
    %max3A_19 = arith.maximumf %mul3A_17, %max3A_18 : vector<1024x256xf32>
    %get3A_20 = arith.constant 0 : index
    %get3A_21 = arith.constant 0 : index
    %get3A_22 = vector.load %arg2[%get3A_20, %get3A_21] : memref<256x128xf32, #tpu.memory_space<vmem>>, vector<256x128xf32>
    %dot_general3A = arith.constant dense<0.000000e+00> : vector<1024x128xf32>
    %dot_general3A_23 = tpu.matmul %max3A_19, %get3A_22, %dot_general3A {dimension_numbers = #tpu.dot_dimension_numbers<[1], [0], [0], [1], [0, 0, 1, 1], [], []>, transpose_lhs_hint = false} : vector<1024x256xf32>, vector<256x128xf32>, vector<1024x128xf32> -> vector<1024x128xf32>
    %swap3A = arith.constant 0 : index
    %swap3A_24 = arith.constant 0 : index
    %swap3A_25 = vector.load %arg4[%swap3A, %swap3A_24] : memref<1024x128xf32, #tpu.memory_space<vmem>>, vector<1024x128xf32>
    tpu.vector_store %arg4[%swap3A, %swap3A_24], %dot_general3A_23 {strides = array<i32>} : memref<1024x128xf32, #tpu.memory_space<vmem>>, vector<1024x128xf32>,
    %reduce_sum3A = arith.constant dense<0.000000e+00> : vector<128xf32>
    %reduce_sum3A_26 = vector.multi_reduction <add>, %dot_general3A_23, %reduce_sum3A [0] : vector<1024x128xf32> to vector<128xf32>
    %broadcast_in_dim3A = vector.shape_cast %reduce_sum3A_26 : vector<128xf32> to vector<1x128xf32>
    %mul3A_27 = arith.mulf %dot_general3A_23, %dot_general3A_23 : vector<1024x128xf32>
    %reduce_sum3A_28 = arith.constant dense<0.000000e+00> : vector<128xf32>
    %reduce_sum3A_29 = vector.multi_reduction <add>, %mul3A_27, %reduce_sum3A_28 [0] : vector<1024x128xf32> to vector<128xf32>
    %broadcast_in_dim3A_30 = vector.shape_cast %reduce_sum3A_29 : vector<128xf32> to vector<1x128xf32>
    %eq3A = arith.constant 0 : i32
    %eq3A_31 = arith.cmpi eq, %arg0, %eq3A : i32
    %convert_element_type3A = arith.extui %eq3A_31 : i1 to i32
    %cond3A = arith.constant 0 : i32
    %cond3A_32 = arith.cmpi ne, %convert_element_type3A, %cond3A : i32
    scf.if %cond3A_32 {
      %broadcast_in_dim3A_47 = arith.constant 0.000000e+00 : f32
      %broadcast_in_dim3A_48 = vector.broadcast %broadcast_in_dim3A_47 : f32 to vector<8x128xf32>
      %swap3A_49 = arith.constant 0 : index
      %swap3A_50 = arith.constant 0 : index
      %swap3A_51 = vector.load %arg5[%swap3A_49, %swap3A_50] : memref<8x128xf32, #tpu.memory_space<vmem>>, vector<8x128xf32>
      tpu.vector_store %arg5[%swap3A_49, %swap3A_50], %broadcast_in_dim3A_48 {strides = array<i32>} : memref<8x128xf32, #tpu.memory_space<vmem>>, vector<8x128xf32>,
    } else {
    }
    %get3A_33 = arith.constant 0 : index
    %get3A_34 = arith.constant 0 : index
    %get3A_35 = vector.load %arg5[%get3A_33, %get3A_34] : memref<8x128xf32, #tpu.memory_space<vmem>>, vector<1x128xf32>
    %add3A_36 = arith.addf %get3A_35, %broadcast_in_dim3A : vector<1x128xf32>
    %swap3A_37 = arith.constant 0 : index
    %swap3A_38 = arith.constant 0 : index
    %swap3A_39 = vector.load %arg5[%swap3A_37, %swap3A_38] : memref<8x128xf32, #tpu.memory_space<vmem>>, vector<1x128xf32>
    tpu.vector_store %arg5[%swap3A_37, %swap3A_38], %add3A_36 {strides = array<i32>} : memref<8x128xf32, #tpu.memory_space<vmem>>, vector<1x128xf32>,
    %get3A_40 = arith.constant 1 : index
    %get3A_41 = arith.constant 0 : index
    %get3A_42 = vector.load %arg5[%get3A_40, %get3A_41] : memref<8x128xf32, #tpu.memory_space<vmem>>, vector<1x128xf32>
    %add3A_43 = arith.addf %get3A_42, %broadcast_in_dim3A_30 : vector<1x128xf32>
    %swap3A_44 = arith.constant 1 : index
    %swap3A_45 = arith.constant 0 : index
    %swap3A_46 = vector.load %arg5[%swap3A_44, %swap3A_45] : memref<8x128xf32, #tpu.memory_space<vmem>>, vector<1x128xf32>
    tpu.vector_store %arg5[%swap3A_44, %swap3A_45], %add3A_43 {strides = array<i32>} : memref<8x128xf32, #tpu.memory_space<vmem>>, vector<1x128xf32>,
    return
  }
  func.func @transform_0(%arg0: i32) -> (i32, i32) {
    %c0_i32 = arith.constant 0 : i32
    %c0_i32_0 = arith.constant 0 : i32
    return %arg0, %c0_i32 : i32, i32
  }
  func.func @transform_1(%arg0: i32) -> (i32, i32) {
    %c0_i32 = arith.constant 0 : i32
    %c0_i32_0 = arith.constant 0 : i32
    %c0_i32_1 = arith.constant 0 : i32
    return %c0_i32, %c0_i32_0 : i32, i32
  }
  func.func @transform_2(%arg0: i32) -> (i32, i32) {
    %c0_i32 = arith.constant 0 : i32
    %c0_i32_0 = arith.constant 0 : i32
    %c0_i32_1 = arith.constant 0 : i32
    return %c0_i32, %c0_i32_0 : i32, i32
  }
  func.func @transform_3(%arg0: i32) -> (i32, i32) {
    %c0_i32 = arith.constant 0 : i32
    %c0_i32_0 = arith.constant 0 : i32
    return %arg0, %c0_i32 : i32, i32
  }
  func.func @transform_4(%arg0: i32) -> (i32, i32) {
    %c0_i32 = arith.constant 0 : i32
    %c0_i32_0 = arith.constant 0 : i32
    %c0_i32_1 = arith.constant 0 : i32
    return %c0_i32, %c0_i32_0 : i32, i32
  }
}

module attributes {stable_mosaic.version = 14 : i64} {
  func.func @kern(%arg0: i32, %arg1: memref<2048x128xf32, #tpu.memory_space<vmem>>, %arg2: memref<8x128xf32, #tpu.memory_space<vmem>>, %arg3: memref<2048x128xf32, #tpu.memory_space<vmem>>) attributes {dimension_semantics = [#tpu.dimension_semantics<arbitrary>], iteration_bounds = array<i64: 4>, scalar_prefetch = 0 : i64, scratch_operands = 0 : i64, tpu.core_type = #tpu.core_type<tc>, window_params = [{transform_indices = @transform_0, window_bounds = array<i64: 2048, 128>}, {pipeline_mode = #tpu.pipeline_mode<synchronous>, transform_indices = @transform_1, window_bounds = array<i64: 8, 128>}, {transform_indices = @transform_2, window_bounds = array<i64: 2048, 128>}]} {
    %get3A = arith.constant 0 : index
    %get3A_0 = arith.constant 0 : index
    %get3A_1 = vector.load %arg1[%get3A, %get3A_0] : memref<2048x128xf32, #tpu.memory_space<vmem>>, vector<2048x128xf32>
    %get3A_2 = arith.constant 0 : index
    %get3A_3 = arith.constant 0 : index
    %get3A_4 = vector.load %arg2[%get3A_2, %get3A_3] : memref<8x128xf32, #tpu.memory_space<vmem>>, vector<8x128xf32>
    %slice3A = vector.extract_strided_slice %get3A_4 {offsets = [0, 0], sizes = [1, 128], strides = [1, 1]} : vector<8x128xf32> to vector<1x128xf32>
    %mul3A = arith.constant 1.22070313E-4 : f32
    %mul3A_5 = vector.broadcast %mul3A : f32 to vector<1x128xf32>
    %mul3A_6 = arith.mulf %slice3A, %mul3A_5 : vector<1x128xf32>
    %slice3A_7 = vector.extract_strided_slice %get3A_4 {offsets = [1, 0], sizes = [1, 128], strides = [1, 1]} : vector<8x128xf32> to vector<1x128xf32>
    %mul3A_8 = arith.constant 1.22070313E-4 : f32
    %mul3A_9 = vector.broadcast %mul3A_8 : f32 to vector<1x128xf32>
    %mul3A_10 = arith.mulf %slice3A_7, %mul3A_9 : vector<1x128xf32>
    %mul3A_11 = arith.mulf %mul3A_6, %mul3A_6 : vector<1x128xf32>
    %sub3A = arith.subf %mul3A_10, %mul3A_11 : vector<1x128xf32>
    %add3A = arith.constant 9.99999974E-6 : f32
    %add3A_12 = vector.broadcast %add3A : f32 to vector<1x128xf32>
    %add3A_13 = arith.addf %sub3A, %add3A_12 : vector<1x128xf32>
    %rsqrt3A = math.rsqrt %add3A_13 : vector<1x128xf32>
    %sub3A_14 = vector.broadcast %mul3A_6 : vector<1x128xf32> to vector<2048x128xf32>
    %sub3A_15 = arith.subf %get3A_1, %sub3A_14 : vector<2048x128xf32>
    %mul3A_16 = vector.broadcast %rsqrt3A : vector<1x128xf32> to vector<2048x128xf32>
    %mul3A_17 = arith.mulf %sub3A_15, %mul3A_16 : vector<2048x128xf32>
    %max3A = arith.constant 0.000000e+00 : f32
    %max3A_18 = vector.broadcast %max3A : f32 to vector<2048x128xf32>
    %max3A_19 = arith.maximumf %mul3A_17, %max3A_18 : vector<2048x128xf32>
    %swap3A = arith.constant 0 : index
    %swap3A_20 = arith.constant 0 : index
    %swap3A_21 = vector.load %arg3[%swap3A, %swap3A_20] : memref<2048x128xf32, #tpu.memory_space<vmem>>, vector<2048x128xf32>
    tpu.vector_store %arg3[%swap3A, %swap3A_20], %max3A_19 {strides = array<i32>} : memref<2048x128xf32, #tpu.memory_space<vmem>>, vector<2048x128xf32>,
    return
  }
  func.func @transform_0(%arg0: i32) -> (i32, i32) {
    %c0_i32 = arith.constant 0 : i32
    %c0_i32_0 = arith.constant 0 : i32
    return %arg0, %c0_i32 : i32, i32
  }
  func.func @transform_1(%arg0: i32) -> (i32, i32) {
    %c0_i32 = arith.constant 0 : i32
    %c0_i32_0 = arith.constant 0 : i32
    %c0_i32_1 = arith.constant 0 : i32
    return %c0_i32, %c0_i32_0 : i32, i32
  }
  func.func @transform_2(%arg0: i32) -> (i32, i32) {
    %c0_i32 = arith.constant 0 : i32
    %c0_i32_0 = arith.constant 0 : i32
    return %arg0, %c0_i32 : i32, i32
  }
}

module attributes {stable_mosaic.version = 14 : i64} {
  func.func @kern(%arg0: i32, %arg1: memref<256x8x128xf32, #tpu.memory_space<vmem>>, %arg2: memref<256x8xf32, #tpu.memory_space<vmem>>, %arg3: memref<128x128xf32, #tpu.memory_space<vmem>>, %arg4: memref<256x128xf32, #tpu.memory_space<vmem>>, %arg5: memref<8x128xf32, #tpu.memory_space<vmem>>) attributes {dimension_semantics = [#tpu.dimension_semantics<arbitrary>], iteration_bounds = array<i64: 128>, scalar_prefetch = 0 : i64, scratch_operands = 0 : i64, tpu.core_type = #tpu.core_type<tc>, window_params = [{transform_indices = @transform_0, window_bounds = array<i64: 256, 8, 128>}, {transform_indices = @transform_1, window_bounds = array<i64: 256, 8>}, {pipeline_mode = #tpu.pipeline_mode<synchronous>, transform_indices = @transform_2, window_bounds = array<i64: 128, 128>}, {transform_indices = @transform_3, window_bounds = array<i64: 256, 128>}, {pipeline_mode = #tpu.pipeline_mode<synchronous>, transform_indices = @transform_4, window_bounds = array<i64: 8, 128>}]} {
    %get3A = arith.constant 0 : index
    %get3A_0 = arith.constant 0 : index
    %get3A_1 = arith.constant 0 : index
    %get3A_2 = vector.load %arg1[%get3A, %get3A_0, %get3A_1] : memref<256x8x128xf32, #tpu.memory_space<vmem>>, vector<256x8x128xf32>
    %get3A_3 = arith.constant 0 : index
    %get3A_4 = arith.constant 0 : index
    %get3A_5 = vector.load %arg2[%get3A_3, %get3A_4] : memref<256x8xf32, #tpu.memory_space<vmem>>, vector<256x8xf32>
    %broadcast_in_dim3A = vector.shape_cast %get3A_5 : vector<256x8xf32> to vector<256x8x1xf32>
    %mul3A = vector.broadcast %broadcast_in_dim3A : vector<256x8x1xf32> to vector<256x8x128xf32>
    %mul3A_6 = arith.mulf %get3A_2, %mul3A : vector<256x8x128xf32>
    %reduce_sum3A = arith.constant dense<0.000000e+00> : vector<256x128xf32>
    %reduce_sum3A_7 = vector.multi_reduction <add>, %mul3A_6, %reduce_sum3A [1] : vector<256x8x128xf32> to vector<256x128xf32>
    %get3A_8 = arith.constant 0 : index
    %get3A_9 = arith.constant 0 : index
    %get3A_10 = vector.load %arg3[%get3A_8, %get3A_9] : memref<128x128xf32, #tpu.memory_space<vmem>>, vector<128x128xf32>
    %dot_general3A = arith.constant dense<0.000000e+00> : vector<256x128xf32>
    %dot_general3A_11 = tpu.matmul %reduce_sum3A_7, %get3A_10, %dot_general3A {dimension_numbers = #tpu.dot_dimension_numbers<[1], [0], [0], [1], [0, 0, 1, 1], [], []>, transpose_lhs_hint = false} : vector<256x128xf32>, vector<128x128xf32>, vector<256x128xf32> -> vector<256x128xf32>
    %swap3A = arith.constant 0 : index
    %swap3A_12 = arith.constant 0 : index
    %swap3A_13 = vector.load %arg4[%swap3A, %swap3A_12] : memref<256x128xf32, #tpu.memory_space<vmem>>, vector<256x128xf32>
    tpu.vector_store %arg4[%swap3A, %swap3A_12], %dot_general3A_11 {strides = array<i32>} : memref<256x128xf32, #tpu.memory_space<vmem>>, vector<256x128xf32>,
    %reduce_sum3A_14 = arith.constant dense<0.000000e+00> : vector<128xf32>
    %reduce_sum3A_15 = vector.multi_reduction <add>, %dot_general3A_11, %reduce_sum3A_14 [0] : vector<256x128xf32> to vector<128xf32>
    %broadcast_in_dim3A_16 = vector.shape_cast %reduce_sum3A_15 : vector<128xf32> to vector<1x128xf32>
    %mul3A_17 = arith.mulf %dot_general3A_11, %dot_general3A_11 : vector<256x128xf32>
    %reduce_sum3A_18 = arith.constant dense<0.000000e+00> : vector<128xf32>
    %reduce_sum3A_19 = vector.multi_reduction <add>, %mul3A_17, %reduce_sum3A_18 [0] : vector<256x128xf32> to vector<128xf32>
    %broadcast_in_dim3A_20 = vector.shape_cast %reduce_sum3A_19 : vector<128xf32> to vector<1x128xf32>
    %eq3A = arith.constant 0 : i32
    %eq3A_21 = arith.cmpi eq, %arg0, %eq3A : i32
    %convert_element_type3A = arith.extui %eq3A_21 : i1 to i32
    %cond3A = arith.constant 0 : i32
    %cond3A_22 = arith.cmpi ne, %convert_element_type3A, %cond3A : i32
    scf.if %cond3A_22 {
      %broadcast_in_dim3A_36 = arith.constant 0.000000e+00 : f32
      %broadcast_in_dim3A_37 = vector.broadcast %broadcast_in_dim3A_36 : f32 to vector<8x128xf32>
      %swap3A_38 = arith.constant 0 : index
      %swap3A_39 = arith.constant 0 : index
      %swap3A_40 = vector.load %arg5[%swap3A_38, %swap3A_39] : memref<8x128xf32, #tpu.memory_space<vmem>>, vector<8x128xf32>
      tpu.vector_store %arg5[%swap3A_38, %swap3A_39], %broadcast_in_dim3A_37 {strides = array<i32>} : memref<8x128xf32, #tpu.memory_space<vmem>>, vector<8x128xf32>,
    } else {
    }
    %get3A_23 = arith.constant 0 : index
    %get3A_24 = arith.constant 0 : index
    %get3A_25 = vector.load %arg5[%get3A_23, %get3A_24] : memref<8x128xf32, #tpu.memory_space<vmem>>, vector<1x128xf32>
    %add3A = arith.addf %get3A_25, %broadcast_in_dim3A_16 : vector<1x128xf32>
    %swap3A_26 = arith.constant 0 : index
    %swap3A_27 = arith.constant 0 : index
    %swap3A_28 = vector.load %arg5[%swap3A_26, %swap3A_27] : memref<8x128xf32, #tpu.memory_space<vmem>>, vector<1x128xf32>
    tpu.vector_store %arg5[%swap3A_26, %swap3A_27], %add3A {strides = array<i32>} : memref<8x128xf32, #tpu.memory_space<vmem>>, vector<1x128xf32>,
    %get3A_29 = arith.constant 1 : index
    %get3A_30 = arith.constant 0 : index
    %get3A_31 = vector.load %arg5[%get3A_29, %get3A_30] : memref<8x128xf32, #tpu.memory_space<vmem>>, vector<1x128xf32>
    %add3A_32 = arith.addf %get3A_31, %broadcast_in_dim3A_20 : vector<1x128xf32>
    %swap3A_33 = arith.constant 1 : index
    %swap3A_34 = arith.constant 0 : index
    %swap3A_35 = vector.load %arg5[%swap3A_33, %swap3A_34] : memref<8x128xf32, #tpu.memory_space<vmem>>, vector<1x128xf32>
    tpu.vector_store %arg5[%swap3A_33, %swap3A_34], %add3A_32 {strides = array<i32>} : memref<8x128xf32, #tpu.memory_space<vmem>>, vector<1x128xf32>,
    return
  }
  func.func @transform_0(%arg0: i32) -> (i32, i32, i32) {
    %c0_i32 = arith.constant 0 : i32
    %c0_i32_0 = arith.constant 0 : i32
    %c0_i32_1 = arith.constant 0 : i32
    return %arg0, %c0_i32, %c0_i32_0 : i32, i32, i32
  }
  func.func @transform_1(%arg0: i32) -> (i32, i32) {
    %c0_i32 = arith.constant 0 : i32
    %c0_i32_0 = arith.constant 0 : i32
    return %arg0, %c0_i32 : i32, i32
  }
  func.func @transform_2(%arg0: i32) -> (i32, i32) {
    %c0_i32 = arith.constant 0 : i32
    %c0_i32_0 = arith.constant 0 : i32
    %c0_i32_1 = arith.constant 0 : i32
    return %c0_i32, %c0_i32_0 : i32, i32
  }
  func.func @transform_3(%arg0: i32) -> (i32, i32) {
    %c0_i32 = arith.constant 0 : i32
    %c0_i32_0 = arith.constant 0 : i32
    return %arg0, %c0_i32 : i32, i32
  }
  func.func @transform_4(%arg0: i32) -> (i32, i32) {
    %c0_i32 = arith.constant 0 : i32
    %c0_i32_0 = arith.constant 0 : i32
    %c0_i32_1 = arith.constant 0 : i32
    return %c0_i32, %c0_i32_0 : i32, i32
  }
}

module attributes {stable_mosaic.version = 14 : i64} {
  func.func @kern(%arg0: i32, %arg1: memref<1024x128xf32, #tpu.memory_space<vmem>>, %arg2: memref<128x128xf32, #tpu.memory_space<vmem>>, %arg3: memref<8x128xf32, #tpu.memory_space<vmem>>, %arg4: memref<1024x128xf32, #tpu.memory_space<vmem>>, %arg5: memref<8x128xf32, #tpu.memory_space<vmem>>) attributes {dimension_semantics = [#tpu.dimension_semantics<arbitrary>], iteration_bounds = array<i64: 32>, scalar_prefetch = 0 : i64, scratch_operands = 0 : i64, tpu.core_type = #tpu.core_type<tc>, window_params = [{transform_indices = @transform_0, window_bounds = array<i64: 1024, 128>}, {pipeline_mode = #tpu.pipeline_mode<synchronous>, transform_indices = @transform_1, window_bounds = array<i64: 128, 128>}, {pipeline_mode = #tpu.pipeline_mode<synchronous>, transform_indices = @transform_2, window_bounds = array<i64: 8, 128>}, {transform_indices = @transform_3, window_bounds = array<i64: 1024, 128>}, {pipeline_mode = #tpu.pipeline_mode<synchronous>, transform_indices = @transform_4, window_bounds = array<i64: 8, 128>}]} {
    %get3A = arith.constant 0 : index
    %get3A_0 = arith.constant 0 : index
    %get3A_1 = vector.load %arg1[%get3A, %get3A_0] : memref<1024x128xf32, #tpu.memory_space<vmem>>, vector<1024x128xf32>
    %get3A_2 = arith.constant 0 : index
    %get3A_3 = arith.constant 0 : index
    %get3A_4 = vector.load %arg3[%get3A_2, %get3A_3] : memref<8x128xf32, #tpu.memory_space<vmem>>, vector<8x128xf32>
    %slice3A = vector.extract_strided_slice %get3A_4 {offsets = [0, 0], sizes = [1, 128], strides = [1, 1]} : vector<8x128xf32> to vector<1x128xf32>
    %mul3A = arith.constant 3.05175781E-5 : f32
    %mul3A_5 = vector.broadcast %mul3A : f32 to vector<1x128xf32>
    %mul3A_6 = arith.mulf %slice3A, %mul3A_5 : vector<1x128xf32>
    %slice3A_7 = vector.extract_strided_slice %get3A_4 {offsets = [1, 0], sizes = [1, 128], strides = [1, 1]} : vector<8x128xf32> to vector<1x128xf32>
    %mul3A_8 = arith.constant 3.05175781E-5 : f32
    %mul3A_9 = vector.broadcast %mul3A_8 : f32 to vector<1x128xf32>
    %mul3A_10 = arith.mulf %slice3A_7, %mul3A_9 : vector<1x128xf32>
    %mul3A_11 = arith.mulf %mul3A_6, %mul3A_6 : vector<1x128xf32>
    %sub3A = arith.subf %mul3A_10, %mul3A_11 : vector<1x128xf32>
    %add3A = arith.constant 9.99999974E-6 : f32
    %add3A_12 = vector.broadcast %add3A : f32 to vector<1x128xf32>
    %add3A_13 = arith.addf %sub3A, %add3A_12 : vector<1x128xf32>
    %rsqrt3A = math.rsqrt %add3A_13 : vector<1x128xf32>
    %sub3A_14 = vector.broadcast %mul3A_6 : vector<1x128xf32> to vector<1024x128xf32>
    %sub3A_15 = arith.subf %get3A_1, %sub3A_14 : vector<1024x128xf32>
    %mul3A_16 = vector.broadcast %rsqrt3A : vector<1x128xf32> to vector<1024x128xf32>
    %mul3A_17 = arith.mulf %sub3A_15, %mul3A_16 : vector<1024x128xf32>
    %max3A = arith.constant 0.000000e+00 : f32
    %max3A_18 = vector.broadcast %max3A : f32 to vector<1024x128xf32>
    %max3A_19 = arith.maximumf %mul3A_17, %max3A_18 : vector<1024x128xf32>
    %get3A_20 = arith.constant 0 : index
    %get3A_21 = arith.constant 0 : index
    %get3A_22 = vector.load %arg2[%get3A_20, %get3A_21] : memref<128x128xf32, #tpu.memory_space<vmem>>, vector<128x128xf32>
    %dot_general3A = arith.constant dense<0.000000e+00> : vector<1024x128xf32>
    %dot_general3A_23 = tpu.matmul %max3A_19, %get3A_22, %dot_general3A {dimension_numbers = #tpu.dot_dimension_numbers<[1], [0], [0], [1], [0, 0, 1, 1], [], []>, transpose_lhs_hint = false} : vector<1024x128xf32>, vector<128x128xf32>, vector<1024x128xf32> -> vector<1024x128xf32>
    %swap3A = arith.constant 0 : index
    %swap3A_24 = arith.constant 0 : index
    %swap3A_25 = vector.load %arg4[%swap3A, %swap3A_24] : memref<1024x128xf32, #tpu.memory_space<vmem>>, vector<1024x128xf32>
    tpu.vector_store %arg4[%swap3A, %swap3A_24], %dot_general3A_23 {strides = array<i32>} : memref<1024x128xf32, #tpu.memory_space<vmem>>, vector<1024x128xf32>,
    %reduce_sum3A = arith.constant dense<0.000000e+00> : vector<128xf32>
    %reduce_sum3A_26 = vector.multi_reduction <add>, %dot_general3A_23, %reduce_sum3A [0] : vector<1024x128xf32> to vector<128xf32>
    %broadcast_in_dim3A = vector.shape_cast %reduce_sum3A_26 : vector<128xf32> to vector<1x128xf32>
    %mul3A_27 = arith.mulf %dot_general3A_23, %dot_general3A_23 : vector<1024x128xf32>
    %reduce_sum3A_28 = arith.constant dense<0.000000e+00> : vector<128xf32>
    %reduce_sum3A_29 = vector.multi_reduction <add>, %mul3A_27, %reduce_sum3A_28 [0] : vector<1024x128xf32> to vector<128xf32>
    %broadcast_in_dim3A_30 = vector.shape_cast %reduce_sum3A_29 : vector<128xf32> to vector<1x128xf32>
    %eq3A = arith.constant 0 : i32
    %eq3A_31 = arith.cmpi eq, %arg0, %eq3A : i32
    %convert_element_type3A = arith.extui %eq3A_31 : i1 to i32
    %cond3A = arith.constant 0 : i32
    %cond3A_32 = arith.cmpi ne, %convert_element_type3A, %cond3A : i32
    scf.if %cond3A_32 {
      %broadcast_in_dim3A_47 = arith.constant 0.000000e+00 : f32
      %broadcast_in_dim3A_48 = vector.broadcast %broadcast_in_dim3A_47 : f32 to vector<8x128xf32>
      %swap3A_49 = arith.constant 0 : index
      %swap3A_50 = arith.constant 0 : index
      %swap3A_51 = vector.load %arg5[%swap3A_49, %swap3A_50] : memref<8x128xf32, #tpu.memory_space<vmem>>, vector<8x128xf32>
      tpu.vector_store %arg5[%swap3A_49, %swap3A_50], %broadcast_in_dim3A_48 {strides = array<i32>} : memref<8x128xf32, #tpu.memory_space<vmem>>, vector<8x128xf32>,
    } else {
    }
    %get3A_33 = arith.constant 0 : index
    %get3A_34 = arith.constant 0 : index
    %get3A_35 = vector.load %arg5[%get3A_33, %get3A_34] : memref<8x128xf32, #tpu.memory_space<vmem>>, vector<1x128xf32>
    %add3A_36 = arith.addf %get3A_35, %broadcast_in_dim3A : vector<1x128xf32>
    %swap3A_37 = arith.constant 0 : index
    %swap3A_38 = arith.constant 0 : index
    %swap3A_39 = vector.load %arg5[%swap3A_37, %swap3A_38] : memref<8x128xf32, #tpu.memory_space<vmem>>, vector<1x128xf32>
    tpu.vector_store %arg5[%swap3A_37, %swap3A_38], %add3A_36 {strides = array<i32>} : memref<8x128xf32, #tpu.memory_space<vmem>>, vector<1x128xf32>,
    %get3A_40 = arith.constant 1 : index
    %get3A_41 = arith.constant 0 : index
    %get3A_42 = vector.load %arg5[%get3A_40, %get3A_41] : memref<8x128xf32, #tpu.memory_space<vmem>>, vector<1x128xf32>
    %add3A_43 = arith.addf %get3A_42, %broadcast_in_dim3A_30 : vector<1x128xf32>
    %swap3A_44 = arith.constant 1 : index
    %swap3A_45 = arith.constant 0 : index
    %swap3A_46 = vector.load %arg5[%swap3A_44, %swap3A_45] : memref<8x128xf32, #tpu.memory_space<vmem>>, vector<1x128xf32>
    tpu.vector_store %arg5[%swap3A_44, %swap3A_45], %add3A_43 {strides = array<i32>} : memref<8x128xf32, #tpu.memory_space<vmem>>, vector<1x128xf32>,
    return
  }
  func.func @transform_0(%arg0: i32) -> (i32, i32) {
    %c0_i32 = arith.constant 0 : i32
    %c0_i32_0 = arith.constant 0 : i32
    return %arg0, %c0_i32 : i32, i32
  }
  func.func @transform_1(%arg0: i32) -> (i32, i32) {
    %c0_i32 = arith.constant 0 : i32
    %c0_i32_0 = arith.constant 0 : i32
    %c0_i32_1 = arith.constant 0 : i32
    return %c0_i32, %c0_i32_0 : i32, i32
  }
  func.func @transform_2(%arg0: i32) -> (i32, i32) {
    %c0_i32 = arith.constant 0 : i32
    %c0_i32_0 = arith.constant 0 : i32
    %c0_i32_1 = arith.constant 0 : i32
    return %c0_i32, %c0_i32_0 : i32, i32
  }
  func.func @transform_3(%arg0: i32) -> (i32, i32) {
    %c0_i32 = arith.constant 0 : i32
    %c0_i32_0 = arith.constant 0 : i32
    return %arg0, %c0_i32 : i32, i32
  }
  func.func @transform_4(%arg0: i32) -> (i32, i32) {
    %c0_i32 = arith.constant 0 : i32
    %c0_i32_0 = arith.constant 0 : i32
    %c0_i32_1 = arith.constant 0 : i32
    return %c0_i32, %c0_i32_0 : i32, i32
  }
}

module attributes {stable_mosaic.version = 14 : i64} {
  func.func @kern(%arg0: i32, %arg1: memref<1024x128xf32, #tpu.memory_space<vmem>>, %arg2: memref<128x16xf32, #tpu.memory_space<vmem>>, %arg3: memref<8x128xf32, #tpu.memory_space<vmem>>, %arg4: memref<1024x16xf32, #tpu.memory_space<vmem>>) attributes {dimension_semantics = [#tpu.dimension_semantics<arbitrary>], iteration_bounds = array<i64: 32>, scalar_prefetch = 0 : i64, scratch_operands = 0 : i64, tpu.core_type = #tpu.core_type<tc>, window_params = [{transform_indices = @transform_0, window_bounds = array<i64: 1024, 128>}, {pipeline_mode = #tpu.pipeline_mode<synchronous>, transform_indices = @transform_1, window_bounds = array<i64: 128, 16>}, {pipeline_mode = #tpu.pipeline_mode<synchronous>, transform_indices = @transform_2, window_bounds = array<i64: 8, 128>}, {transform_indices = @transform_3, window_bounds = array<i64: 1024, 16>}]} {
    %get3A = arith.constant 0 : index
    %get3A_0 = arith.constant 0 : index
    %get3A_1 = vector.load %arg1[%get3A, %get3A_0] : memref<1024x128xf32, #tpu.memory_space<vmem>>, vector<1024x128xf32>
    %get3A_2 = arith.constant 0 : index
    %get3A_3 = arith.constant 0 : index
    %get3A_4 = vector.load %arg3[%get3A_2, %get3A_3] : memref<8x128xf32, #tpu.memory_space<vmem>>, vector<8x128xf32>
    %slice3A = vector.extract_strided_slice %get3A_4 {offsets = [0, 0], sizes = [1, 128], strides = [1, 1]} : vector<8x128xf32> to vector<1x128xf32>
    %mul3A = arith.constant 3.05175781E-5 : f32
    %mul3A_5 = vector.broadcast %mul3A : f32 to vector<1x128xf32>
    %mul3A_6 = arith.mulf %slice3A, %mul3A_5 : vector<1x128xf32>
    %slice3A_7 = vector.extract_strided_slice %get3A_4 {offsets = [1, 0], sizes = [1, 128], strides = [1, 1]} : vector<8x128xf32> to vector<1x128xf32>
    %mul3A_8 = arith.constant 3.05175781E-5 : f32
    %mul3A_9 = vector.broadcast %mul3A_8 : f32 to vector<1x128xf32>
    %mul3A_10 = arith.mulf %slice3A_7, %mul3A_9 : vector<1x128xf32>
    %mul3A_11 = arith.mulf %mul3A_6, %mul3A_6 : vector<1x128xf32>
    %sub3A = arith.subf %mul3A_10, %mul3A_11 : vector<1x128xf32>
    %add3A = arith.constant 9.99999974E-6 : f32
    %add3A_12 = vector.broadcast %add3A : f32 to vector<1x128xf32>
    %add3A_13 = arith.addf %sub3A, %add3A_12 : vector<1x128xf32>
    %rsqrt3A = math.rsqrt %add3A_13 : vector<1x128xf32>
    %sub3A_14 = vector.broadcast %mul3A_6 : vector<1x128xf32> to vector<1024x128xf32>
    %sub3A_15 = arith.subf %get3A_1, %sub3A_14 : vector<1024x128xf32>
    %mul3A_16 = vector.broadcast %rsqrt3A : vector<1x128xf32> to vector<1024x128xf32>
    %mul3A_17 = arith.mulf %sub3A_15, %mul3A_16 : vector<1024x128xf32>
    %max3A = arith.constant 0.000000e+00 : f32
    %max3A_18 = vector.broadcast %max3A : f32 to vector<1024x128xf32>
    %max3A_19 = arith.maximumf %mul3A_17, %max3A_18 : vector<1024x128xf32>
    %get3A_20 = arith.constant 0 : index
    %get3A_21 = arith.constant 0 : index
    %get3A_22 = vector.load %arg2[%get3A_20, %get3A_21] : memref<128x16xf32, #tpu.memory_space<vmem>>, vector<128x16xf32>
    %dot_general3A = arith.constant dense<0.000000e+00> : vector<1024x16xf32>
    %dot_general3A_23 = tpu.matmul %max3A_19, %get3A_22, %dot_general3A {dimension_numbers = #tpu.dot_dimension_numbers<[1], [0], [0], [1], [0, 0, 1, 1], [], []>, transpose_lhs_hint = false} : vector<1024x128xf32>, vector<128x16xf32>, vector<1024x16xf32> -> vector<1024x16xf32>
    %swap3A = arith.constant 0 : index
    %swap3A_24 = arith.constant 0 : index
    %swap3A_25 = vector.load %arg4[%swap3A, %swap3A_24] : memref<1024x16xf32, #tpu.memory_space<vmem>>, vector<1024x16xf32>
    tpu.vector_store %arg4[%swap3A, %swap3A_24], %dot_general3A_23 {strides = array<i32>} : memref<1024x16xf32, #tpu.memory_space<vmem>>, vector<1024x16xf32>,
    return
  }
  func.func @transform_0(%arg0: i32) -> (i32, i32) {
    %c0_i32 = arith.constant 0 : i32
    %c0_i32_0 = arith.constant 0 : i32
    return %arg0, %c0_i32 : i32, i32
  }
  func.func @transform_1(%arg0: i32) -> (i32, i32) {
    %c0_i32 = arith.constant 0 : i32
    %c0_i32_0 = arith.constant 0 : i32
    %c0_i32_1 = arith.constant 0 : i32
    return %c0_i32, %c0_i32_0 : i32, i32
  }
  func.func @transform_2(%arg0: i32) -> (i32, i32) {
    %c0_i32 = arith.constant 0 : i32
    %c0_i32_0 = arith.constant 0 : i32
    %c0_i32_1 = arith.constant 0 : i32
    return %c0_i32, %c0_i32_0 : i32, i32
  }
  func.func @transform_3(%arg0: i32) -> (i32, i32) {
    %c0_i32 = arith.constant 0 : i32
    %c0_i32_0 = arith.constant 0 : i32
    return %arg0, %c0_i32 : i32, i32
  }
}

</mosaic_0001>

<sc_bundles>
// kernel: kernel.37.cloned.1.call-start
scs
__scs_entry_jumppad:
0x0: {  	(pc) =	sbr.rel $0x88, $3  }
0x1: {  	(tag) =	ssettag $0x0;
	lr =	simm.s32 $0x1  }
0x2: {  	[smem:$0x3F8E] =	sst lr;
	_ =	strace $0xD0000000  }
0x3: {  	_ = 	snop  }
0x4: {  	_ = 	snop  }
0x5: {  	_ = 	snop  }
0x6: {  	_ = 	snop  }
0x7: {  	_ = 	snop  }
__scs_overlays_trampoline_lowered:
0x8: {  	[smem:$0x3F9D] =	sst s0  }
0x9: {  	[smem:$0x3F9E] =	sst s1  }
0xa: {  	[smem:$0x3F9F] =	sst s2  }
0xb: {  	[smem:$0x3FA0] =	sst s3  }
0xc: {  	[smem:$0x3FA1] =	sst s4  }
0xd: {  	[smem:$0x3FA2] =	sst s5  }
0xe: {  	[smem:$0x3FA3] =	sst s6  }
0xf: {  	[smem:$0x3FA4] =	sst s7  }
0x10: {  	[smem:$0x3FA5] =	sst s8  }
0x11: {  	[smem:$0x3FA6] =	sst s9;
	s0 =	simm.s32 @!p0 $0x0  }
0x12: {  	s1 =	sld [smem:$0x3F8C];
	s0 =	simm.s32 @p0 $0x1  }
0x13: {  	[smem:$0x3FA7] =	sst s0;
	s0 =	simm.s32 @!p1 $0x0  }
0x14: {  	s2 =	sld [smem:$0x3F8B];
	s0 =	simm.s32 @p1 $0x1  }
0x15: {  	[smem:$0x3FA8] =	sst s0;
	s0 =	simm.s32 @!p2 $0x0  }
0x16: {  	s3 =	sld [smem:$0x3FDB];
	s0 =	simm.s32 @p2 $0x1  }
0x17: {  	s4 =	simm.s32 $0x1BF5;
	[smem:$0x3FAA] =	sst s0  }
0x18: {  	s0 =	sld [smem:$0x3F8D];
	_ =	swait.ge [sflag:s4], $0x0  }
0x19: {  	s7 =	sld [smem:$0x3F8E]  }
0x1a: {  	s8 =	sadd.s32 $0xFFFFE003, lr  }
0x1b: {  	s9 =	sadd.s32 $0xFFFFFEF7, lr;
	s5 =	simm.s32 $0xFFFFFFFF;
	p2 =	slt.u32 s8, $0xFFFFF086  }
0x1c: {  	p1 =	slt.u32 s9, $0xF7A;
	s5 =	simm.s32 @!p2 $0x0  }
0x1d: {  	s5 =	simm.s32 @p1 $0x1;
	p0 =	seq.s32 s7, s2  }
0x1e: {  	s7 =	smul.u32 @!p0 $0xF7A, s2;
	p2 =	seq.s32 @!p0 s5, $0x0  }
0x1f: {  	s9 =	smul.u32 $0xF7A, s1;
	s8 =	simm.s32 @!p0 $0x1BF5;
	p2 =	por !p2, p0  }
0x20: {  	[sflag:s8] =	ssyncset.s32 @!p0 $0xFFFFF086;
	s6 =	sadd.s32 @!p0 s3, s7;
	s7 =	simm.s32 @!p0 $0x108  }
0x21: {  	s3 =	sadd.s32 s3, s9;
	s6 =	sadd.s32 @!p0 $0x88, s6;
	s7 =	simm.s32 @p2 $0x1082  }
0x22: {  	[simem:s7], [sflag:s8] =	dma.local @!p0 [hbm:s6], $0xF7A  }
0x23: {  	s9 =	sor.u32 $0xD0000000, s2;
	s6 =	simm.s32 $0x108;
	_ =	swait.ge @!p0 [sflag:s8], $0x0  }
0x24: {  	s3 =	sadd.s32 $0x88, s3;
	s6 =	simm.s32 @!p1 $0x1082;
	[sflag:s4] =	ssyncset.s32 $0xFFFFF086  }
0x25: {  	[simem:s6], [sflag:s4] =	dma.local [hbm:s3], $0xF7A  }
0x26: {  	[smem:$0x3F8E] =	sst s1;
	(tag) =	ssettag s2;
	_ =	strace s9  }
0x27: {  	s1 =	sld [smem:$0x3F9E]  }
0x28: {  	s2 =	sld [smem:$0x3F9F]  }
0x29: {  	s4 =	sld [smem:$0x3FA1]  }
0x2a: {  	p0 =	seq.s32 s5, $0x0;
	s5 =	sld [smem:$0x3FA2]  }
0x2b: {  	s6 =	sld [smem:$0x3FA3]  }
0x2c: {  	s7 =	sld [smem:$0x3FA4]  }
0x2d: {  	s3 =	simm.s32 $0x108;
	s8 =	sld [smem:$0x3FA5]  }
0x2e: {  	s3 =	simm.s32 @!p0 $0x1082;
	s9 =	sld [smem:$0x3FA6]  }
0x2f: {  	lr =	sadd.s32 s0, s3;
	s0 =	sld [smem:$0x3F9D]  }
0x30: {  	s3 =	sld [smem:$0x3FA0]  }
0x31: {  	[smem:$0x3FA9] =	sst s10  }
0x32: {  	s10 =	sld [smem:$0x3FA7];
	_ =	sdelay $0x3  }
0x33: {  	p0 =	seq.s32 s10, $0x1;
	s10 =	sld [smem:$0x3FA9];
	_ =	sdelay $0x3  }
0x34: {  	[smem:$0x3FA9] =	sst s10  }
0x35: {  	s10 =	sld [smem:$0x3FA8];
	_ =	sdelay $0x3  }
0x36: {  	p1 =	seq.s32 s10, $0x1;
	s10 =	sld [smem:$0x3FA9];
	_ =	sdelay $0x3  }
0x37: {  	[smem:$0x3FA9] =	sst s10  }
0x38: {  	s10 =	sld [smem:$0x3FAA]  }
0x39: {  	_ = 	snop;
	(pc) =	sbr.ind lr, $3  }
0x3a: {  	_ = 	snop  }
0x3b: {  	_ = 	snop  }
0x3c: {  	p2 =	seq.s32 s10, $0x1;
	s10 =	sld [smem:$0x3FA9]  }
0x3d: {  	_ =	shalt  }
0x3e: {  	_ =	shalt  }
0x3f: {  	_ =	shalt  }
0x40: {  	_ =	shalt  }
0x41: {  	_ =	shalt  }
0x42: {  	_ =	shalt  }
0x43: {  	_ =	shalt  }
0x44: {  	_ =	shalt  }
0x45: {  	_ =	shalt  }
0x46: {  	_ =	shalt  }
0x47: {  	_ =	shalt  }
0x48: {  	_ =	shalt  }
0x49: {  	_ =	shalt  }
0x4a: {  	_ =	shalt  }
0x4b: {  	_ =	shalt  }
0x4c: {  	_ =	shalt  }
0x4d: {  	_ =	shalt  }
0x4e: {  	_ =	shalt  }
0x4f: {  	_ =	shalt  }
0x50: {  	_ =	shalt  }
0x51: {  	_ =	shalt  }
0x52: {  	_ =	shalt  }
0x53: {  	_ =	shalt  }
0x54: {  	_ =	shalt  }
0x55: {  	_ =	shalt  }
0x56: {  	_ =	shalt  }
0x57: {  	_ =	shalt  }
0x58: {  	_ =	shalt  }
0x59: {  	_ =	shalt  }
0x5a: {  	_ =	shalt  }
0x5b: {  	_ =	shalt  }
0x5c: {  	_ =	shalt  }
0x5d: {  	_ =	shalt  }
0x5e: {  	_ =	shalt  }
0x5f: {  	_ =	shalt  }
0x60: {  	_ =	shalt  }
0x61: {  	_ =	shalt  }
0x62: {  	_ =	shalt  }
0x63: {  	_ =	shalt  }
0x64: {  	_ =	shalt  }
0x65: {  	_ =	shalt  }
0x66: {  	_ =	shalt  }
0x67: {  	_ =	shalt  }
0x68: {  	_ =	shalt  }
0x69: {  	_ =	shalt  }
0x6a: {  	_ =	shalt  }
0x6b: {  	_ =	shalt  }
0x6c: {  	_ =	shalt  }
0x6d: {  	_ =	shalt  }
0x6e: {  	_ =	shalt  }
0x6f: {  	_ =	shalt  }
0x70: {  	_ =	shalt  }
0x71: {  	_ =	shalt  }
0x72: {  	_ =	shalt  }
0x73: {  	_ =	shalt  }
0x74: {  	_ =	shalt  }
0x75: {  	_ =	shalt  }
0x76: {  	_ =	shalt  }
0x77: {  	_ =	shalt  }
0x78: {  	_ =	shalt  }
0x79: {  	_ =	shalt  }
0x7a: {  	_ =	shalt  }
0x7b: {  	_ =	shalt  }
0x7c: {  	_ =	shalt  }
0x7d: {  	_ =	shalt  }
0x7e: {  	_ =	shalt  }
0x7f: {  	_ =	shalt  }
0x80: {  	_ =	shalt  }
0x81: {  	_ =	shalt  }
0x82: {  	_ =	shalt  }
0x83: {  	_ =	shalt  }
0x84: {  	_ =	shalt  }
0x85: {  	_ =	shalt  }
0x86: {  	_ =	shalt  }
0x87: {  	_ =	shalt  }
.Lfunc_end0:
.L_simem_size_0:
called_computation_lowered:
.L_overlay_start_0:
0x88: {  	s2 =	sld [smem:$0x3FD9]  }
0x89: {  	s3 =	sld [smem:$0x3FFE];
	_ =	sdelay $0x1  }
0x8a: {  	s1 =	srdreg.scid  }
0x8b: {  	s0 =	sand.u32 $0x1, s1  }
0x8c: {  	s17 =	sshll.u32 s0, $0xA;
	s2 =	sadd.s32 s3, s2  }
0x8d: {  	s2 =	sadd.s32 s2, s17  }
0x8e: {  	[smem:$0x3FB5] =	sst s2  }
0x8f: {  	_ = 	snop  }
0x90: {  	s2 =	sld [smem:$0x3FD0];
	(tm) =	ssettm $0x1  }
0x91: {  	s18 =	sld [smem:$0x3FFB];
	_ =	sdelay $0x3  }
0x92: {  	_ =	strace s18  }
0x93: {  	s3 =	sld [smem:$0x3FFC];
	_ =	sdelay $0x3  }
0x94: {  	_ =	strace s3  }
0x95: {  	s3 =	sld [smem:$0x3FFD];
	_ =	sdelay $0x3  }
0x96: {  	_ =	strace s3  }
0x97: {  	_ =	strace $0x8FFFFFFF  }
0x98: {  	s19 =	sld [smem:$0x3FDB];
	_ =	sdelay $0x1  }
0x99: {  	s4 =	simm.s32 $_scs_section_size  }
0x9a: {  	s5 =	simm.s32 $_size__tile_overlayer_lowered;
	s6 =	simm.s32 $_tile_overlayer_lowered  }
0x9b: {  	s22 =	simm.s32 $0x1BFF;
	s21 =	sshll.u32 s6, $0x1;
	s3 =	sadd.s32 s4, s19  }
0x9c: {  	s7 =	simm.s32 $0x0;
	s20 =	sshll.u32 s5, $0x1;
	s5 =	sadd.s32 s21, s3  }
0x9d: {  	[timem:s7], [sflag:s22] =	dma.local [hbm:s5], s20  }
0x9e: {  	_ =	swait.ge [sflag:s22], s20  }
0x9f: {  	s4 =	ssub.s32 $0x0, s20;
	[sflag:s22] =	ssyncset.done $0x0  }
0xa0: {  	[sflag:s22] =	ssyncadd.s32 s4;
	_ =	sdelay $0x1  }
0xa1: {  	s23 =	simm.s32 $0x1B8B  }
0xa2: {  	_ =	swait.ge [sflag:s23], $0x1  }
0xa3: {  	[sflag:s23] =	ssyncset.done $0x0  }
0xa4: {  	s25 =	simm.s32 $0x1B8E;
	s24 =	sld [smem:$0x3FFE];
	[sflag:s23] =	ssyncadd.s32 $0xFFFFFFFF  }
0xa5: {  	s26 =	simm.s32 $execute0_lowered;
	[smem:$0x3FD2] =	sst s25  }
0xa6: {  	s5 =	sshll.u32 s26, $0x1;
	_ =	strace $0x80000046;
	[dreg:$0x1] =	wrdreg $0xFFFFFFFF  }
0xa7: {  	s28 =	simm.s32 $_size_execute0_lowered;
	s3 =	sadd.s32 s3, s5;
	[dreg:$0x0] =	wrdreg $0x0  }
0xa8: {  	s5 =	sshll.u32 s28, $0x1;
	[dreg:$0x2] =	wrdreg s3  }
0xa9: {  	[dreg:$0x3] =	wrdreg s5  }
0xaa: {  	[dreg:$0x4] =	wrdreg $0xC0  }
0xab: {  	_ =	task [dreg:s7], $0x5FFFF  }
0xac: {  	[dreg:$0x1] =	wrdreg $0xFFFFFFFF  }
0xad: {  	[dreg:$0x0] =	wrdreg $0x60  }
0xae: {  	[dreg:$0x2] =	wrdreg s24  }
0xaf: {  	[dreg:$0x3] =	wrdreg s2  }
0xb0: {  	[dreg:$0x4] =	wrdreg $0x9  }
0xb1: {  	_ =	task.clear_ibuf [dreg:s7], $0x5FFFF;
	_ =	strace $0x90000046  }
0xb2: {  	s29 =	simm.s32 $0x9;
	_ =	strace $0x80000048  }
0xb3: {  	_ =	swait.ge [sflag:s29], $0x1  }
0xb4: {  	[sflag:s29] =	ssyncadd.s32 $0xFFFFFFFF  }
0xb5: {  	_ =	strace $0x90000048  }
0xb6: {  	_ =	sfence  }
0xb7: {  	s30 =	sld [smem:$0x0];
	_ =	sdelay $0x2  }
0xb8: {  	s31 =	sshll.u32 s1, $0xD;
	s1 =	sshrl.u32 s1, $0x2  }
0xb9: {  	s3 =	sand.u32 $0x4000, s31;
	s1 =	sadd.s32 s1, s30  }
0xba: {  	s0 =	sor.u32 s3, s0;
	s1 =	sshll.u32 s1, $0x11  }
0xbb: {  	s0 =	sor.u32 s1, s0  }
0xbc: {  	s0 =	sadd.s32 $0x8F2B, s0  }
0xbd: {  	[sflag:s0] =	ssyncadd.remote.s32 $0x1  }
0xbe: {  	_ =	sfence.sel $0xFFFF  }
0xbf: {  	[dreg:$0x0] =	wrdreg $0xFFFFFFFF;
	(pc) =	sbr.abs _section_cstart, $3  }
0xc0: {  	[dreg:$0x1] =	wrdreg $0xFFFFFFFF  }
0xc1: {  	_ =	task.clear_ibuf [dreg:s7], $0x2FFFF;
	_ =	strace $0x9FFFFFFF  }
0xc2: {  	(tm) =	ssettm $0x7FFFFFFF  }
0xc3: {  	_ =	shalt  }
tec
execute0_lowered:
.L_overlay_start_1:
0x0: {  	(tag) =	ssettag $0x1  }
0x1: {  	s4 =	rddreg [dreg:$0x0]  }
0x2: {  	s8 =	rddreg [dreg:$0x1]  }
0x3: {  	s0 =	rddreg [dreg:$0x2];
	s2 =	simm.s32 $0x0;
	s3 =	srdreg.scid  }
0x4: {  	s1 =	stileid.u32;
	s13 =	simm.s32 $0x0;
	[smem:$0x7FF] =	sst s2  }
0x5: {  	s6 =	sand.u32 $0x1, s3;
	s5 =	sshll.u32 s1, $0xE;
	s3 =	sadd.s32 $0xCBA00, s4  }
0x6: {  	s10 =	sadd.s32 $0x14BA00, s4;
	s29 =	sshll.u32 s1, $0x12;
	s7 =	sshll.u32 s6, $0xD  }
0x7: {  	_ =	strace $0x80000047;
	s9 =	ssub.s32 $0x2, s6;
	s7 =	sor.u32 s7, s5  }
0x8: {  	s30 =	sshll.u32 s6, $0x11;
	s26 =	sshrl.u32 s9, $0x1;
	s5 =	sshrl.u32 s7, $0x3  }
0x9: {  	s9 =	ssub.s32 s9, s26;
	s11 =	sshll.u32 s7, $0x4;
	s12 =	sor.u32 $0x80, s7  }
0xa: {  	s4 =	sadd.s32 s8, s5;
	s5 =	smax.u32 s9, $0x1;
	s28 =	sadd.s32 s11, s10  }
0xb: {  	s10 =	sadd.s32 s29, s10;
	s31 =	sshrl.u32 s12, $0x3;
	s9 =	simm.s32 $0x3  }
0xc: {  	s11 =	simm.s32 $0x2;
	s12 =	simm.s32 $0x4100;
	s6 =	sadd.s32 $0x1F800, s28  }
0xd: {  	s7 =	sadd.s32 s30, s10;
	s8 =	sadd.s32 s31, s8;
	s10 =	simm.s32 $0x80  }
.LBB2_1:
0xe: {  	[tilespmem:s2], [sflag:$0x3] =	stream.linear.gather [hbm4b:s4+s2], $0x80, $0x38;
	[tilespmem:$0x8100] =	vst v63  }
0xf: {  	_ =	swait.ge [sflag:s9], $0x80  }
0x10: {  	s14 =	sand.u32 $0x1, s2;
	[sflag:s9] =	ssyncset.done $0x0  }
0x11: {  	p0 =	seq.s32 s14, $0x1;
	[sflag:s9] =	ssyncadd.s32 $0xFFFFFF80  }
0x12: {  	[tilespmem:s10], [sflag:$0x1] =	stream.indirect.gather [hbm4b:s3+s10], $0x80, s2, s10, $0xb8;
	[tilespmem:$0x8100] =	vst v63  }
0x13: {  	s14 =	simm.s32 @p0 $0x0;
	s15 =	simm.s32 @p0 $0x4  }
0x14: {  	[tilespmem:s14], [sflag:$0x4] =	stream.linear.gather @p0 [hbm4b:s8+s14], $0x80, $0x38;
	[tilespmem:$0x8100] =	vst v63  }
0x15: {  	_ =	swait.ge @p0 [sflag:s15], $0x80  }
0x16: {  	[sflag:s15] =	ssyncset.done @p0 $0x0  }
0x17: {  	[sflag:s15] =	ssyncadd.s32 @p0 $0xFFFFFF80;
	s15 =	simm.s32 @p0 $0x80  }
0x18: {  	[tilespmem:s15], [sflag:$0x1] =	stream.indirect.gather @p0 [hbm4b:s3+s15], $0x80, s14, s15, $0xb8;
	[tilespmem:$0x8100] =	vst v63  }
0x19: {  	s17 =	simm.s32 @!p0 $0x4080;
	s16 =	simm.s32 @!p0 $0x4;
	s15 =	simm.s32 @!p0 $0x0  }
0x1a: {  	[tilespmem:s17], [sflag:$0x4] =	stream.linear.gather @!p0 [hbm4b:s8+s15], $0x80, $0x38;
	[tilespmem:$0x8100] =	vst v63  }
0x1b: {  	_ =	swait.ge @!p0 [sflag:s16], $0x80  }
0x1c: {  	s18 =	simm.s32 @p0 $0x2;
	[sflag:s16] =	ssyncset.done @!p0 $0x0  }
0x1d: {  	s19 =	simm.s32 @!p0 $0x80;
	s20 =	simm.s32 @!p0 $0x4100;
	[sflag:s16] =	ssyncadd.s32 @!p0 $0xFFFFFF80  }
0x1e: {  	[tilespmem:s20], [sflag:$0x2] =	stream.indirect.gather @!p0 [hbm4b:s3+s19], $0x80, s17, s19, $0xb8;
	[tilespmem:$0x8100] =	vst v63  }
0x1f: {  	_ =	swait.ge @p0 [sflag:s18], $0x4000  }
0x20: {  	[sflag:s18] =	ssyncset.done @p0 $0x0  }
0x21: {  	s17 =	simm.s32 @p0 $0x4100;
	[sflag:s18] =	ssyncadd.s32 @p0 $0xFFFFC000;
	s18 =	simm.s32 @!p0 $0x1  }
0x22: {  	[hbm4b:s7+s14] =	stream.linear.scatter @p0 [tilespmem:s17], [sflag:$0x3], $0x4000, $0x38;
	[tilespmem:$0x8100] =	vst v63  }
0x23: {  	_ =	swait.ge @!p0 [sflag:s18], $0x4000  }
0x24: {  	s31 =	simm.s32 $0x1;
	[sflag:s18] =	ssyncset.done @!p0 $0x0  }
0x25: {  	s16 =	simm.s32 @p0 $0x3;
	s17 =	simm.s32 $0x2;
	[sflag:s18] =	ssyncadd.s32 @!p0 $0xFFFFC000  }
0x26: {  	[hbm4b:s7+s15] =	stream.linear.scatter @!p0 [tilespmem:s19], [sflag:$0x4], $0x4000, $0x38;
	[tilespmem:$0x8100] =	vst v63  }
0x27: {  	s14 =	sand.u32 $0x1, s31;
	s15 =	sadd.s32 $0x10, s8;
	_ =	swait.ge [sflag:s16], $0x4000  }
0x28: {  	p0 =	seq.s32 s14, $0x1;
	s14 =	sadd.s32 $0x800, s7;
	[sflag:s16] =	ssyncset.done $0x0  }
.LBB2_2:
0x29: {  	s18 =	simm.s32 @p0 $0x0;
	s19 =	simm.s32 @p0 $0x4;
	[sflag:s16] =	ssyncadd.s32 $0xFFFFC000  }
0x2a: {  	[tilespmem:s18], [sflag:$0x4] =	stream.linear.gather @p0 [hbm4b:s15+s18], $0x80, $0x38;
	[tilespmem:$0x8100] =	vst v63  }
0x2b: {  	s20 =	smov.u32 s17;
	s17 =	sadd.s32 $0x1, s17;
	_ =	swait.ge @p0 [sflag:s19], $0x80  }
0x2c: {  	p1 =	sne.s32 s17, $0x3F;
	[sflag:s19] =	ssyncset.done @p0 $0x0  }
0x2d: {  	s16 =	simm.s32 @p0 $0x80;
	[sflag:s19] =	ssyncadd.s32 @p0 $0xFFFFFF80  }
0x2e: {  	[tilespmem:s16], [sflag:$0x1] =	stream.indirect.gather @p0 [hbm4b:s3+s16], $0x80, s18, s16, $0xb8;
	[tilespmem:$0x8100] =	vst v63  }
0x2f: {  	s21 =	simm.s32 @!p0 $0x4080;
	s19 =	simm.s32 @!p0 $0x0;
	s16 =	simm.s32 @!p0 $0x4  }
0x30: {  	[tilespmem:s21], [sflag:$0x4] =	stream.linear.gather @!p0 [hbm4b:s15+s19], $0x80, $0x38;
	[tilespmem:$0x8100] =	vst v63  }
0x31: {  	_ =	swait.ge @!p0 [sflag:s16], $0x80  }
0x32: {  	s22 =	simm.s32 @p0 $0x2;
	[sflag:s16] =	ssyncset.done @!p0 $0x0  }
0x33: {  	s23 =	simm.s32 @!p0 $0x80;
	s24 =	simm.s32 @!p0 $0x4100;
	[sflag:s16] =	ssyncadd.s32 @!p0 $0xFFFFFF80  }
0x34: {  	[tilespmem:s24], [sflag:$0x2] =	stream.indirect.gather @!p0 [hbm4b:s3+s23], $0x80, s21, s23, $0xb8;
	[tilespmem:$0x8100] =	vst v63  }
0x35: {  	_ =	swait.ge @p0 [sflag:s22], $0x4000  }
0x36: {  	[sflag:s22] =	ssyncset.done @p0 $0x0  }
0x37: {  	s21 =	simm.s32 @p0 $0x4100;
	[sflag:s22] =	ssyncadd.s32 @p0 $0xFFFFC000;
	s22 =	simm.s32 @!p0 $0x1  }
0x38: {  	[hbm4b:s14+s18] =	stream.linear.scatter @p0 [tilespmem:s21], [sflag:$0x3], $0x4000, $0x38;
	[tilespmem:$0x8100] =	vst v63  }
0x39: {  	_ =	swait.ge @!p0 [sflag:s22], $0x4000  }
.Ltmp0:
0x3a: {  	[sflag:s22] =	ssyncset.done @!p0 $0x0;
	(pc) =	sbr.rel @p1 .LBB2_2-.Ltmp0, $4  }
0x3b: {  	s16 =	simm.s32 @p0 $0x3;
	[sflag:s22] =	ssyncadd.s32 @!p0 $0xFFFFC000  }
0x3c: {  	[hbm4b:s14+s19] =	stream.linear.scatter @!p0 [tilespmem:s23], [sflag:$0x4], $0x4000, $0x38;
	[tilespmem:$0x8100] =	vst v63  }
0x3d: {  	s15 =	sadd.s32 $0x10, s15;
	s18 =	sand.u32 $0x1, s20;
	_ =	swait.ge [sflag:s16], $0x4000  }
0x3e: {  	p0 =	seq.s32 s18, $0x1;
	s14 =	sadd.s32 $0x800, s14;
	[sflag:s16] =	ssyncset.done $0x0  }
0x3f: {  	s17 =	simm.s32 @p0 $0x0;
	s18 =	simm.s32 @p0 $0x4;
	[sflag:s16] =	ssyncadd.s32 $0xFFFFC000  }
0x40: {  	[tilespmem:s17], [sflag:$0x4] =	stream.linear.gather @p0 [hbm4b:s15+s17], $0x80, $0x38;
	[tilespmem:$0x8100] =	vst v63  }
0x41: {  	_ =	swait.ge @p0 [sflag:s18], $0x80  }
0x42: {  	[sflag:s18] =	ssyncset.done @p0 $0x0  }
0x43: {  	s16 =	simm.s32 @p0 $0x80;
	[sflag:s18] =	ssyncadd.s32 @p0 $0xFFFFFF80  }
0x44: {  	[tilespmem:s16], [sflag:$0x1] =	stream.indirect.gather @p0 [hbm4b:s3+s16], $0x80, s17, s16, $0xb8;
	[tilespmem:$0x8100] =	vst v63  }
0x45: {  	s19 =	simm.s32 @!p0 $0x4;
	s18 =	simm.s32 @!p0 $0x4080;
	s16 =	simm.s32 @!p0 $0x0  }
0x46: {  	[tilespmem:s18], [sflag:$0x4] =	stream.linear.gather @!p0 [hbm4b:s15+s16], $0x80, $0x38;
	[tilespmem:$0x8100] =	vst v63  }
0x47: {  	_ =	swait.ge @!p0 [sflag:s19], $0x80  }
0x48: {  	s20 =	simm.s32 @!p0 $0x80;
	[sflag:s19] =	ssyncset.done @!p0 $0x0  }
0x49: {  	s21 =	simm.s32 @!p0 $0x4100;
	s15 =	simm.s32 @p0 $0x2;
	[sflag:s19] =	ssyncadd.s32 @!p0 $0xFFFFFF80  }
0x4a: {  	[tilespmem:s21], [sflag:$0x2] =	stream.indirect.gather @!p0 [hbm4b:s3+s20], $0x80, s18, s20, $0xb8;
	[tilespmem:$0x8100] =	vst v63  }
0x4b: {  	_ =	swait.ge @p0 [sflag:s15], $0x4000  }
0x4c: {  	[sflag:s15] =	ssyncset.done @p0 $0x0  }
0x4d: {  	s18 =	simm.s32 @!p0 $0x1;
	[sflag:s15] =	ssyncadd.s32 @p0 $0xFFFFC000;
	s15 =	simm.s32 @p0 $0x4100  }
0x4e: {  	[hbm4b:s14+s17] =	stream.linear.scatter @p0 [tilespmem:s15], [sflag:$0x3], $0x4000, $0x38;
	[tilespmem:$0x8100] =	vst v63  }
0x4f: {  	_ =	swait.ge @!p0 [sflag:s18], $0x4000  }
0x50: {  	[sflag:s18] =	ssyncset.done @!p0 $0x0  }
0x51: {  	s19 =	simm.s32 @p0 $0x3;
	[sflag:s18] =	ssyncadd.s32 @!p0 $0xFFFFC000  }
0x52: {  	[hbm4b:s14+s16] =	stream.linear.scatter @!p0 [tilespmem:s20], [sflag:$0x4], $0x4000, $0x38;
	[tilespmem:$0x8100] =	vst v63  }
0x53: {  	_ =	swait.ge [sflag:s19], $0x4000  }
0x54: {  	[sflag:s19] =	ssyncset.done $0x0  }
0x55: {  	[sflag:s19] =	ssyncadd.s32 $0xFFFFC000  }
0x56: {  	s13 =	sadd.s32 $0x1, s13;
	_ =	swait.ge [sflag:s11], $0x4000  }
0x57: {  	p0 =	sne.s32 s13, s5;
	[sflag:s11] =	ssyncset.done $0x0  }
.Ltmp1:
0x58: {  	[sflag:s11] =	ssyncadd.s32 $0xFFFFC000;
	(pc) =	sbr.rel @p0 .LBB2_1-.Ltmp1, $4  }
0x59: {  	[hbm4b:s6+s2] =	stream.linear.scatter [tilespmem:s12], [sflag:$0x3], $0x4000, $0x38;
	[tilespmem:$0x8100] =	vst v63  }
0x5a: {  	_ =	swait.ge [sflag:s9], $0x4000  }
0x5b: {  	[sflag:s9] =	ssyncset.done $0x0  }
0x5c: {  	[sflag:s9] =	ssyncadd.s32 $0xFFFFC000  }
0x5d: {  	_ =	sfence.sel $0x180000  }
0x5e: {  	[bflag:$0x0] =	sbarrier.arrive $0xFFFF  }
0x5f: {  	p0 =	sne.s32 s1, $0x0;
	_ =	strace $0x90000047  }
0x60: {  	s0 =	sadd.s32 @!p0 $0x100000, s0;
	[bflag:$0x2] =	sbarrier.arrive $0xFFFF  }
0x61: {  	[sflag:s0] =	ssyncadd.tile.s32 @!p0 $0x1;
	_ =	shalt  }
.Lfunc_end2:
_tile_overlayer_lowered:
.L_overlay_start_2:
0x62: {  	(tag) =	ssettag $0x2  }
0x63: {  	s0 =	rddreg [dreg:$0x0];
	s2 =	stileid.u32  }
0x64: {  	s1 =	rddreg [dreg:$0x1];
	p0 =	sne.s32 s2, $0x0  }
0x65: {  	s3 =	rddreg [dreg:$0x2];
	[bflag:$0x3] =	sbarrier.arrive $0xFFFF;
	s2 =	simm.s32 @!p0 $0x1C03  }
0x66: {  	[timem:s3], [sflag:s2] =	dma.local @!p0 [hbm:s0], s1  }
0x67: {  	s0 =	simm.s32 @!p0 $0x3  }
0x68: {  	_ =	swait.ge @!p0 [sflag:s0], s1  }
0x69: {  	s1 =	ssub.s32 @!p0 $0x0, s1;
	[sflag:s0] =	ssyncset.done @!p0 $0x0  }
0x6a: {  	[sflag:s0] =	ssyncadd.s32 @!p0 s1  }
0x6b: {  	[bflag:$0x3] =	sbarrier.arrive $0xFFFF  }
0x6c: {  	_ =	shalt  }

// kernel: kernel.40.cloned.1.call-start
scs
__scs_entry_jumppad:
0x0: {  	(pc) =	sbr.rel $0x88, $3  }
0x1: {  	(tag) =	ssettag $0x0;
	lr =	simm.s32 $0x1  }
0x2: {  	[smem:$0x3F8E] =	sst lr;
	_ =	strace $0xD0000000  }
0x3: {  	_ = 	snop  }
0x4: {  	_ = 	snop  }
0x5: {  	_ = 	snop  }
0x6: {  	_ = 	snop  }
0x7: {  	_ = 	snop  }
__scs_overlays_trampoline_lowered:
0x8: {  	[smem:$0x3F9D] =	sst s0  }
0x9: {  	[smem:$0x3F9E] =	sst s1  }
0xa: {  	[smem:$0x3F9F] =	sst s2  }
0xb: {  	[smem:$0x3FA0] =	sst s3  }
0xc: {  	[smem:$0x3FA1] =	sst s4  }
0xd: {  	[smem:$0x3FA2] =	sst s5  }
0xe: {  	[smem:$0x3FA3] =	sst s6  }
0xf: {  	[smem:$0x3FA4] =	sst s7  }
0x10: {  	[smem:$0x3FA5] =	sst s8  }
0x11: {  	[smem:$0x3FA6] =	sst s9;
	s0 =	simm.s32 @!p0 $0x0  }
0x12: {  	s1 =	sld [smem:$0x3F8C];
	s0 =	simm.s32 @p0 $0x1  }
0x13: {  	[smem:$0x3FA7] =	sst s0;
	s0 =	simm.s32 @!p1 $0x0  }
0x14: {  	s2 =	sld [smem:$0x3F8B];
	s0 =	simm.s32 @p1 $0x1  }
0x15: {  	[smem:$0x3FA8] =	sst s0;
	s0 =	simm.s32 @!p2 $0x0  }
0x16: {  	s3 =	sld [smem:$0x3FDB];
	s0 =	simm.s32 @p2 $0x1  }
0x17: {  	s4 =	simm.s32 $0x1BF5;
	[smem:$0x3FAA] =	sst s0  }
0x18: {  	s0 =	sld [smem:$0x3F8D];
	_ =	swait.ge [sflag:s4], $0x0  }
0x19: {  	s7 =	sld [smem:$0x3F8E]  }
0x1a: {  	s8 =	sadd.s32 $0xFFFFE003, lr  }
0x1b: {  	s9 =	sadd.s32 $0xFFFFFEF7, lr;
	s5 =	simm.s32 $0xFFFFFFFF;
	p2 =	slt.u32 s8, $0xFFFFF086  }
0x1c: {  	p1 =	slt.u32 s9, $0xF7A;
	s5 =	simm.s32 @!p2 $0x0  }
0x1d: {  	s5 =	simm.s32 @p1 $0x1;
	p0 =	seq.s32 s7, s2  }
0x1e: {  	s7 =	smul.u32 @!p0 $0xF7A, s2;
	p2 =	seq.s32 @!p0 s5, $0x0  }
0x1f: {  	s9 =	smul.u32 $0xF7A, s1;
	s8 =	simm.s32 @!p0 $0x1BF5;
	p2 =	por !p2, p0  }
0x20: {  	[sflag:s8] =	ssyncset.s32 @!p0 $0xFFFFF086;
	s6 =	sadd.s32 @!p0 s3, s7;
	s7 =	simm.s32 @!p0 $0x108  }
0x21: {  	s3 =	sadd.s32 s3, s9;
	s6 =	sadd.s32 @!p0 $0x88, s6;
	s7 =	simm.s32 @p2 $0x1082  }
0x22: {  	[simem:s7], [sflag:s8] =	dma.local @!p0 [hbm:s6], $0xF7A  }
0x23: {  	s9 =	sor.u32 $0xD0000000, s2;
	s6 =	simm.s32 $0x108;
	_ =	swait.ge @!p0 [sflag:s8], $0x0  }
0x24: {  	s3 =	sadd.s32 $0x88, s3;
	s6 =	simm.s32 @!p1 $0x1082;
	[sflag:s4] =	ssyncset.s32 $0xFFFFF086  }
0x25: {  	[simem:s6], [sflag:s4] =	dma.local [hbm:s3], $0xF7A  }
0x26: {  	[smem:$0x3F8E] =	sst s1;
	(tag) =	ssettag s2;
	_ =	strace s9  }
0x27: {  	s1 =	sld [smem:$0x3F9E]  }
0x28: {  	s2 =	sld [smem:$0x3F9F]  }
0x29: {  	s4 =	sld [smem:$0x3FA1]  }
0x2a: {  	p0 =	seq.s32 s5, $0x0;
	s5 =	sld [smem:$0x3FA2]  }
0x2b: {  	s6 =	sld [smem:$0x3FA3]  }
0x2c: {  	s7 =	sld [smem:$0x3FA4]  }
0x2d: {  	s3 =	simm.s32 $0x108;
	s8 =	sld [smem:$0x3FA5]  }
0x2e: {  	s3 =	simm.s32 @!p0 $0x1082;
	s9 =	sld [smem:$0x3FA6]  }
0x2f: {  	lr =	sadd.s32 s0, s3;
	s0 =	sld [smem:$0x3F9D]  }
0x30: {  	s3 =	sld [smem:$0x3FA0]  }
0x31: {  	[smem:$0x3FA9] =	sst s10  }
0x32: {  	s10 =	sld [smem:$0x3FA7];
	_ =	sdelay $0x3  }
0x33: {  	p0 =	seq.s32 s10, $0x1;
	s10 =	sld [smem:$0x3FA9];
	_ =	sdelay $0x3  }
0x34: {  	[smem:$0x3FA9] =	sst s10  }
0x35: {  	s10 =	sld [smem:$0x3FA8];
	_ =	sdelay $0x3  }
0x36: {  	p1 =	seq.s32 s10, $0x1;
	s10 =	sld [smem:$0x3FA9];
	_ =	sdelay $0x3  }
0x37: {  	[smem:$0x3FA9] =	sst s10  }
0x38: {  	s10 =	sld [smem:$0x3FAA]  }
0x39: {  	_ = 	snop;
	(pc) =	sbr.ind lr, $3  }
0x3a: {  	_ = 	snop  }
0x3b: {  	_ = 	snop  }
0x3c: {  	p2 =	seq.s32 s10, $0x1;
	s10 =	sld [smem:$0x3FA9]  }
0x3d: {  	_ =	shalt  }
0x3e: {  	_ =	shalt  }
0x3f: {  	_ =	shalt  }
0x40: {  	_ =	shalt  }
0x41: {  	_ =	shalt  }
0x42: {  	_ =	shalt  }
0x43: {  	_ =	shalt  }
0x44: {  	_ =	shalt  }
0x45: {  	_ =	shalt  }
0x46: {  	_ =	shalt  }
0x47: {  	_ =	shalt  }
0x48: {  	_ =	shalt  }
0x49: {  	_ =	shalt  }
0x4a: {  	_ =	shalt  }
0x4b: {  	_ =	shalt  }
0x4c: {  	_ =	shalt  }
0x4d: {  	_ =	shalt  }
0x4e: {  	_ =	shalt  }
0x4f: {  	_ =	shalt  }
0x50: {  	_ =	shalt  }
0x51: {  	_ =	shalt  }
0x52: {  	_ =	shalt  }
0x53: {  	_ =	shalt  }
0x54: {  	_ =	shalt  }
0x55: {  	_ =	shalt  }
0x56: {  	_ =	shalt  }
0x57: {  	_ =	shalt  }
0x58: {  	_ =	shalt  }
0x59: {  	_ =	shalt  }
0x5a: {  	_ =	shalt  }
0x5b: {  	_ =	shalt  }
0x5c: {  	_ =	shalt  }
0x5d: {  	_ =	shalt  }
0x5e: {  	_ =	shalt  }
0x5f: {  	_ =	shalt  }
0x60: {  	_ =	shalt  }
0x61: {  	_ =	shalt  }
0x62: {  	_ =	shalt  }
0x63: {  	_ =	shalt  }
0x64: {  	_ =	shalt  }
0x65: {  	_ =	shalt  }
0x66: {  	_ =	shalt  }
0x67: {  	_ =	shalt  }
0x68: {  	_ =	shalt  }
0x69: {  	_ =	shalt  }
0x6a: {  	_ =	shalt  }
0x6b: {  	_ =	shalt  }
0x6c: {  	_ =	shalt  }
0x6d: {  	_ =	shalt  }
0x6e: {  	_ =	shalt  }
0x6f: {  	_ =	shalt  }
0x70: {  	_ =	shalt  }
0x71: {  	_ =	shalt  }
0x72: {  	_ =	shalt  }
0x73: {  	_ =	shalt  }
0x74: {  	_ =	shalt  }
0x75: {  	_ =	shalt  }
0x76: {  	_ =	shalt  }
0x77: {  	_ =	shalt  }
0x78: {  	_ =	shalt  }
0x79: {  	_ =	shalt  }
0x7a: {  	_ =	shalt  }
0x7b: {  	_ =	shalt  }
0x7c: {  	_ =	shalt  }
0x7d: {  	_ =	shalt  }
0x7e: {  	_ =	shalt  }
0x7f: {  	_ =	shalt  }
0x80: {  	_ =	shalt  }
0x81: {  	_ =	shalt  }
0x82: {  	_ =	shalt  }
0x83: {  	_ =	shalt  }
0x84: {  	_ =	shalt  }
0x85: {  	_ =	shalt  }
0x86: {  	_ =	shalt  }
0x87: {  	_ =	shalt  }
.Lfunc_end0:
.L_simem_size_0:
called_computation.1_lowered:
.L_overlay_start_0:
0x88: {  	s2 =	sld [smem:$0x3FD9]  }
0x89: {  	s3 =	sld [smem:$0x3FFE];
	_ =	sdelay $0x1  }
0x8a: {  	s1 =	srdreg.scid  }
0x8b: {  	s0 =	sand.u32 $0x1, s1  }
0x8c: {  	s16 =	sshll.u32 s0, $0xA;
	s2 =	sadd.s32 s3, s2  }
0x8d: {  	s2 =	sadd.s32 s2, s16  }
0x8e: {  	[smem:$0x3FB5] =	sst s2  }
0x8f: {  	_ = 	snop  }
0x90: {  	(tm) =	ssettm $0x1  }
0x91: {  	s17 =	sld [smem:$0x3FFB];
	_ =	sdelay $0x3  }
0x92: {  	_ =	strace s17  }
0x93: {  	s2 =	sld [smem:$0x3FFC];
	_ =	sdelay $0x3  }
0x94: {  	_ =	strace s2  }
0x95: {  	s2 =	sld [smem:$0x3FFD];
	_ =	sdelay $0x3  }
0x96: {  	_ =	strace s2  }
0x97: {  	_ =	strace $0x8FFFFFFF  }
0x98: {  	s18 =	sld [smem:$0x3FDB];
	_ =	sdelay $0x1  }
0x99: {  	s19 =	simm.s32 $_scs_section_size  }
0x9a: {  	s4 =	simm.s32 $_size__tile_overlayer_lowered;
	s5 =	simm.s32 $_tile_overlayer_lowered  }
0x9b: {  	s22 =	simm.s32 $0x1BFF;
	s21 =	sshll.u32 s5, $0x1;
	s2 =	sadd.s32 s19, s18  }
0x9c: {  	s6 =	simm.s32 $0x0;
	s20 =	sshll.u32 s4, $0x1;
	s4 =	sadd.s32 s21, s2  }
0x9d: {  	[timem:s6], [sflag:s22] =	dma.local [hbm:s4], s20  }
0x9e: {  	_ =	swait.ge [sflag:s22], s20  }
0x9f: {  	s3 =	ssub.s32 $0x0, s20;
	[sflag:s22] =	ssyncset.done $0x0  }
0xa0: {  	[sflag:s22] =	ssyncadd.s32 s3;
	_ =	sdelay $0x1  }
0xa1: {  	s23 =	simm.s32 $0x1B8B  }
0xa2: {  	_ =	swait.ge [sflag:s23], $0x1  }
0xa3: {  	[sflag:s23] =	ssyncset.done $0x0  }
0xa4: {  	s25 =	simm.s32 $0x1B8E;
	s24 =	sld [smem:$0x3FFE];
	[sflag:s23] =	ssyncadd.s32 $0xFFFFFFFF  }
0xa5: {  	s26 =	simm.s32 $execute0_lowered;
	[smem:$0x3FD2] =	sst s25  }
0xa6: {  	s4 =	sshll.u32 s26, $0x1;
	_ =	strace $0x80000049;
	[dreg:$0x1] =	wrdreg $0xFFFFFFFF  }
0xa7: {  	s28 =	simm.s32 $_size_execute0_lowered;
	s2 =	sadd.s32 s2, s4;
	[dreg:$0x0] =	wrdreg $0x0  }
0xa8: {  	s4 =	sshll.u32 s28, $0x1;
	[dreg:$0x2] =	wrdreg s2  }
0xa9: {  	[dreg:$0x3] =	wrdreg s4  }
0xaa: {  	[dreg:$0x4] =	wrdreg $0xC0  }
0xab: {  	_ =	task [dreg:s6], $0x5FFFF  }
0xac: {  	[dreg:$0x1] =	wrdreg $0xFFFFFFFF  }
0xad: {  	[dreg:$0x0] =	wrdreg $0x60  }
0xae: {  	[dreg:$0x2] =	wrdreg s24  }
0xaf: {  	[dreg:$0x3] =	wrdreg $0x9  }
0xb0: {  	_ =	task.clear_ibuf [dreg:s6], $0x4FFFF;
	_ =	strace $0x90000049  }
0xb1: {  	s29 =	simm.s32 $0x9;
	_ =	strace $0x8000004B  }
0xb2: {  	_ =	swait.ge [sflag:s29], $0x1  }
0xb3: {  	[sflag:s29] =	ssyncadd.s32 $0xFFFFFFFF  }
0xb4: {  	_ =	strace $0x9000004B  }
0xb5: {  	_ =	sfence  }
0xb6: {  	s30 =	sld [smem:$0x0];
	_ =	sdelay $0x2  }
0xb7: {  	s31 =	sshll.u32 s1, $0xD;
	s1 =	sshrl.u32 s1, $0x2  }
0xb8: {  	s3 =	sand.u32 $0x4000, s31;
	s1 =	sadd.s32 s1, s30  }
0xb9: {  	s0 =	sor.u32 s3, s0;
	s1 =	sshll.u32 s1, $0x11  }
0xba: {  	s0 =	sor.u32 s1, s0  }
0xbb: {  	s0 =	sadd.s32 $0x8F2B, s0  }
0xbc: {  	[sflag:s0] =	ssyncadd.remote.s32 $0x1  }
0xbd: {  	_ =	sfence.sel $0xFFFF  }
0xbe: {  	[dreg:$0x0] =	wrdreg $0xFFFFFFFF;
	(pc) =	sbr.abs _section_cstart, $3  }
0xbf: {  	[dreg:$0x1] =	wrdreg $0xFFFFFFFF  }
0xc0: {  	_ =	task.clear_ibuf [dreg:s6], $0x2FFFF;
	_ =	strace $0x9FFFFFFF  }
0xc1: {  	(tm) =	ssettm $0x7FFFFFFF  }
tec
execute0_lowered:
.L_overlay_start_1:
0x0: {  	(tag) =	ssettag $0x1  }
0x1: {  	s0 =	rddreg [dreg:$0x0];
	s2 =	simm.s32 $0x0  }
0x2: {  	s7 =	stileid.u32;
	s1 =	srdreg.scid;
	s9 =	simm.s32 $0x80  }
0x3: {  	s10 =	simm.s32 $0x880;
	s11 =	simm.s32 $0x1080;
	s12 =	simm.s32 $0x1880  }
0x4: {  	s13 =	simm.s32 $0x2080;
	s14 =	simm.s32 $0x2880;
	s15 =	simm.s32 $0x3080  }
0x5: {  	s16 =	simm.s32 $0x3880;
	s17 =	simm.s32 $0x4080;
	s18 =	simm.s32 $0x4880  }
0x6: {  	s19 =	simm.s32 $0x5080;
	s20 =	simm.s32 $0x5880;
	s21 =	simm.s32 $0x6080  }
0x7: {  	s22 =	simm.s32 $0x6880;
	s23 =	simm.s32 $0x7080;
	s24 =	simm.s32 $0x7880  }
0x8: {  	s28 =	simm.s32 $0x4;
	s29 =	simm.s32 $0x1;
	[smem:$0x7FF] =	sst s2  }
0x9: {  	s3 =	sadd.s32 $0xEBA00, s0;
	s4 =	sadd.s32 $0x3BA00, s0;
	s5 =	sshll.u32 s7, $0x12  }
0xa: {  	s1 =	sand.u32 $0x1, s1;
	s7 =	sshll.u32 s7, $0xD;
	_ =	strace $0x8000004A  }
0xb: {  	s6 =	ssub.s32 $0x2, s1;
	s8 =	sshll.u32 s1, $0xC;
	s0 =	sadd.s32 s5, s0  }
0xc: {  	s1 =	sshll.u32 s1, $0x11;
	s25 =	sshrl.u32 s6, $0x1;
	s7 =	sor.u32 s8, s7  }
0xd: {  	s0 =	sadd.s32 s1, s0;
	s1 =	simm.s32 $0xE100;
	s5 =	ssub.s32 s6, s25  }
0xe: {  	s26 =	sshrl.u32 s7, $0x3;
	s30 =	sor.u32 $0x80, s7;
	s0 =	sadd.s32 $0x12BA00, s0  }
.Ltmp0:
0xf: {  	s25 =	simm.s32 $0x2;
	s7 =	simm.s32 $0x0;
	(pc) =	sbr.rel .LBB2_1-.Ltmp0, $4  }
0x10: {  	s6 =	sadd.s32 s4, s26;
	s5 =	smax.u32 s5, $0x1;
	[dreg:$0x4] =	wrdreg s0  }
0x11: {  	v2 =	vlaneseq.u32;
	s31 =	sshrl.u32 s30, $0x3;
	s26 =	simm.s32 $0x8100;
	[dreg:$0x2] =	wrdreg s6  }
0x12: {  	vm0 =	vmmov $0xffff;
	v1 =	vshrl.u32 v2, $0x3;
	[dreg:$0x3] =	wrdreg s5;
	s0 =	sadd.s32 s31, s4;
	s4 =	simm.s32 $0xE900  }
0x13: {  	v0 =	vand.u32 $0x7, v2;
	v2 =	vor.u32 $0x8, v2;
	v1 =	vmul.u32 $0x8, v1;
	s5 =	simm.s32 $0xF100;
	s6 =	simm.s32 $0xF900;
	[dreg:$0x5] =	wrdreg s0  }
.LBB2_10:
0x14: {  	s7 =	sadd.s32 $0x1, s7;
	s0 =	rddreg [dreg:$0x3]  }
0x15: {  	p0 =	sne.s32 s7, s0  }
.Ltmp1:
0x16: {  	_ = 	snop;
	(pc) =	sbr.rel @!p0 .LBB2_11-.Ltmp1, $1  }
0x17: {  	_ =	sdelay $0x3  }
.LBB2_1:
0x18: {  	s0 =	rddreg [dreg:$0x2];
	s8 =	simm.s32 $0x3  }
0x19: {  	[tilespmem:s2], [sflag:$0x3] =	stream.linear.gather [hbm4b:s0+s2], $0x80, $0x38;
	[tilespmem:$0x10100] =	vst v63  }
0x1a: {  	_ =	swait.ge [sflag:s8], $0x80  }
0x1b: {  	[sflag:s8] =	ssyncset.done $0x0  }
0x1c: {  	[sflag:s8] =	ssyncadd.s32 $0xFFFFFF80  }
0x1d: {  	v3 =	vld [tilespmem:$0x0];
	_ =	sdelay $0x4  }
0x1e: {  	v4 =	vshll.u32 v3, $0x1  }
0x1f: {  	v3 =	vand.u32 $0x7, v3;
	v4 =	vand.u32 $0xFFFFFFF0, v4  }
0x20: {  	v3 =	vor.u32 v3, v4  }
0x21: {  	v4 =	vperm.xlane v3, v0;
	_ =	sdelay $0x1  }
0x22: {  	v3 =	vperm.xlane v3, v2;
	v4 =	vadd.s32 v1, v4;
	_ =	sdelay $0x1  }
0x23: {  	v3 =	vadd.s32 v1, v3;
	_ =	sdelay $0x2  }
0x24: {  	[tilespmem:s9], [sflag:$0x1] =	stream.indirect_vreg.gather [hbm4b:s3+s2], $0x80, v4, vm0, $0xb8;
	[tilespmem:$0x10100] =	vst v63  }
0x25: {  	_ = 	snop  }
0x26: {  	[tilespmem:s10], [sflag:$0x1] =	stream.indirect_vreg.gather [hbm4b:s3+s2], $0x80, v3, vm0, $0xb8;
	[tilespmem:$0x10100] =	vst v63  }
0x27: {  	v3 =	vld [tilespmem:$0x10];
	_ =	sdelay $0x4  }
0x28: {  	v57 =	vshll.u32 v3, $0x1  }
0x29: {  	v3 =	vand.u32 $0x7, v3;
	v4 =	vand.u32 $0xFFFFFFF0, v57  }
0x2a: {  	v3 =	vor.u32 v3, v4  }
0x2b: {  	v4 =	vperm.xlane v3, v0;
	_ =	sdelay $0x1  }
0x2c: {  	v3 =	vperm.xlane v3, v2;
	v4 =	vadd.s32 v1, v4;
	_ =	sdelay $0x1  }
0x2d: {  	v3 =	vadd.s32 v1, v3;
	_ =	sdelay $0x2  }
0x2e: {  	[tilespmem:s11], [sflag:$0x1] =	stream.indirect_vreg.gather [hbm4b:s3+s2], $0x80, v4, vm0, $0xb8;
	[tilespmem:$0x10100] =	vst v63  }
0x2f: {  	_ = 	snop  }
0x30: {  	[tilespmem:s12], [sflag:$0x1] =	stream.indirect_vreg.gather [hbm4b:s3+s2], $0x80, v3, vm0, $0xb8;
	[tilespmem:$0x10100] =	vst v63  }
0x31: {  	v3 =	vld [tilespmem:$0x20];
	_ =	sdelay $0x4  }
0x32: {  	v58 =	vshll.u32 v3, $0x1  }
0x33: {  	v3 =	vand.u32 $0x7, v3;
	v4 =	vand.u32 $0xFFFFFFF0, v58  }
0x34: {  	v3 =	vor.u32 v3, v4  }
0x35: {  	v4 =	vperm.xlane v3, v0;
	_ =	sdelay $0x1  }
0x36: {  	v3 =	vperm.xlane v3, v2;
	v4 =	vadd.s32 v1, v4;
	_ =	sdelay $0x1  }
0x37: {  	v3 =	vadd.s32 v1, v3;
	_ =	sdelay $0x2  }
0x38: {  	[tilespmem:s13], [sflag:$0x1] =	stream.indirect_vreg.gather [hbm4b:s3+s2], $0x80, v4, vm0, $0xb8;
	[tilespmem:$0x10100] =	vst v63  }
0x39: {  	_ = 	snop  }
0x3a: {  	[tilespmem:s14], [sflag:$0x1] =	stream.indirect_vreg.gather [hbm4b:s3+s2], $0x80, v3, vm0, $0xb8;
	[tilespmem:$0x10100] =	vst v63  }
0x3b: {  	v3 =	vld [tilespmem:$0x30];
	_ =	sdelay $0x4  }
0x3c: {  	v59 =	vshll.u32 v3, $0x1  }
0x3d: {  	v3 =	vand.u32 $0x7, v3;
	v4 =	vand.u32 $0xFFFFFFF0, v59  }
0x3e: {  	v3 =	vor.u32 v3, v4  }
0x3f: {  	v4 =	vperm.xlane v3, v0;
	_ =	sdelay $0x1  }
0x40: {  	v3 =	vperm.xlane v3, v2;
	v4 =	vadd.s32 v1, v4;
	_ =	sdelay $0x1  }
0x41: {  	v3 =	vadd.s32 v1, v3;
	_ =	sdelay $0x2  }
0x42: {  	[tilespmem:s15], [sflag:$0x1] =	stream.indirect_vreg.gather [hbm4b:s3+s2], $0x80, v4, vm0, $0xb8;
	[tilespmem:$0x10100] =	vst v63  }
0x43: {  	_ = 	snop  }
0x44: {  	[tilespmem:s16], [sflag:$0x1] =	stream.indirect_vreg.gather [hbm4b:s3+s2], $0x80, v3, vm0, $0xb8;
	[tilespmem:$0x10100] =	vst v63  }
0x45: {  	v3 =	vld [tilespmem:$0x40];
	_ =	sdelay $0x4  }
0x46: {  	v60 =	vshll.u32 v3, $0x1  }
0x47: {  	v3 =	vand.u32 $0x7, v3;
	v4 =	vand.u32 $0xFFFFFFF0, v60  }
0x48: {  	v3 =	vor.u32 v3, v4  }
0x49: {  	v4 =	vperm.xlane v3, v0;
	_ =	sdelay $0x1  }
0x4a: {  	v3 =	vperm.xlane v3, v2;
	v4 =	vadd.s32 v1, v4;
	_ =	sdelay $0x1  }
0x4b: {  	v3 =	vadd.s32 v1, v3;
	_ =	sdelay $0x2  }
0x4c: {  	[tilespmem:s17], [sflag:$0x1] =	stream.indirect_vreg.gather [hbm4b:s3+s2], $0x80, v4, vm0, $0xb8;
	[tilespmem:$0x10100] =	vst v63  }
0x4d: {  	_ = 	snop  }
0x4e: {  	[tilespmem:s18], [sflag:$0x1] =	stream.indirect_vreg.gather [hbm4b:s3+s2], $0x80, v3, vm0, $0xb8;
	[tilespmem:$0x10100] =	vst v63  }
0x4f: {  	v3 =	vld [tilespmem:$0x50];
	_ =	sdelay $0x4  }
0x50: {  	v61 =	vshll.u32 v3, $0x1  }
0x51: {  	v3 =	vand.u32 $0x7, v3;
	v4 =	vand.u32 $0xFFFFFFF0, v61  }
0x52: {  	v3 =	vor.u32 v3, v4  }
0x53: {  	v4 =	vperm.xlane v3, v0;
	_ =	sdelay $0x1  }
0x54: {  	v3 =	vperm.xlane v3, v2;
	v4 =	vadd.s32 v1, v4;
	_ =	sdelay $0x1  }
0x55: {  	v3 =	vadd.s32 v1, v3;
	_ =	sdelay $0x2  }
0x56: {  	[tilespmem:s19], [sflag:$0x1] =	stream.indirect_vreg.gather [hbm4b:s3+s2], $0x80, v4, vm0, $0xb8;
	[tilespmem:$0x10100] =	vst v63  }
0x57: {  	_ = 	snop  }
0x58: {  	[tilespmem:s20], [sflag:$0x1] =	stream.indirect_vreg.gather [hbm4b:s3+s2], $0x80, v3, vm0, $0xb8;
	[tilespmem:$0x10100] =	vst v63  }
0x59: {  	v3 =	vld [tilespmem:$0x60];
	_ =	sdelay $0x4  }
0x5a: {  	v62 =	vshll.u32 v3, $0x1  }
0x5b: {  	v3 =	vand.u32 $0x7, v3;
	v4 =	vand.u32 $0xFFFFFFF0, v62  }
0x5c: {  	v3 =	vor.u32 v3, v4  }
0x5d: {  	v4 =	vperm.xlane v3, v0;
	_ =	sdelay $0x1  }
0x5e: {  	v3 =	vperm.xlane v3, v2;
	v4 =	vadd.s32 v1, v4;
	_ =	sdelay $0x1  }
0x5f: {  	v3 =	vadd.s32 v1, v3;
	_ =	sdelay $0x2  }
0x60: {  	[tilespmem:s21], [sflag:$0x1] =	stream.indirect_vreg.gather [hbm4b:s3+s2], $0x80, v4, vm0, $0xb8;
	[tilespmem:$0x10100] =	vst v63  }
0x61: {  	_ = 	snop  }
0x62: {  	[tilespmem:s22], [sflag:$0x1] =	stream.indirect_vreg.gather [hbm4b:s3+s2], $0x80, v3, vm0, $0xb8;
	[tilespmem:$0x10100] =	vst v63  }
0x63: {  	v3 =	vld [tilespmem:$0x70];
	_ =	sdelay $0x4  }
0x64: {  	v63 =	vshll.u32 v3, $0x1  }
0x65: {  	v3 =	vand.u32 $0x7, v3;
	v4 =	vand.u32 $0xFFFFFFF0, v63  }
0x66: {  	v3 =	vor.u32 v3, v4  }
0x67: {  	v4 =	vperm.xlane v3, v0;
	_ =	sdelay $0x1  }
0x68: {  	v3 =	vperm.xlane v3, v2;
	v4 =	vadd.s32 v1, v4;
	_ =	sdelay $0x1  }
0x69: {  	v3 =	vadd.s32 v1, v3  }
.Ltmp2:
0x6a: {  	_ = 	snop;
	(pc) =	sbr.rel .LBB2_2-.Ltmp2, $4  }
0x6b: {  	s30 =	rddreg [dreg:$0x4]  }
0x6c: {  	[tilespmem:s23], [sflag:$0x1] =	stream.indirect_vreg.gather [hbm4b:s3+s2], $0x80, v4, vm0, $0xb8;
	[tilespmem:$0x10100] =	vst v63  }
0x6d: {  	s31 =	simm.s32 $0x0;
	s8 =	rddreg [dreg:$0x5]  }
0x6e: {  	[tilespmem:s24], [sflag:$0x1] =	stream.indirect_vreg.gather [hbm4b:s3+s2], $0x80, v3, vm0, $0xb8;
	[tilespmem:$0x10100] =	vst v63  }
.LBB2_8:
0x6f: {  	_ =	swait.ge [sflag:s25], $0x8000  }
0x70: {  	[sflag:s25] =	ssyncset.done $0x0  }
0x71: {  	s0 =	simm.s32 $0x3;
	[sflag:s25] =	ssyncadd.s32 $0xFFFF8000  }
0x72: {  	[hbm4b:s30+s2] =	stream.linear.scatter [tilespmem:s26], [sflag:$0x3], $0x8000, $0x38;
	[tilespmem:$0x10100] =	vst v63  }
.LBB2_9:
0x73: {  	s31 =	sadd.s32 $0x1, s31  }
0x74: {  	p0 =	sne.s32 s31, $0x20  }
.Ltmp3:
0x75: {  	_ = 	snop;
	(pc) =	sbr.rel @!p0 .LBB2_10-.Ltmp3, $4  }
0x76: {  	_ = 	snop  }
0x77: {  	_ =	swait.ge [sflag:s0], $0x8000  }
0x78: {  	[sflag:s0] =	ssyncset.done $0x0  }
0x79: {  	s30 =	sadd.s32 $0x1000, s30;
	s8 =	sadd.s32 $0x10, s8;
	[sflag:s0] =	ssyncadd.s32 $0xFFFF8000  }
.LBB2_2:
0x7a: {  	p0 =	seq.s32 s31, $0x1F  }
.Ltmp4:
0x7b: {  	_ = 	snop;
	(pc) =	sbr.rel @p0 .LBB2_8-.Ltmp4, $1  }
0x7c: {  	_ =	sdelay $0x3  }
0x7d: {  	s0 =	sand.u32 $0x1, s31  }
0x7e: {  	p0 =	seq.s32 s0, $0x1  }
.Ltmp5:
0x7f: {  	_ = 	snop;
	(pc) =	sbr.rel @!p0 .LBB2_4-.Ltmp5, $1  }
0x80: {  	_ =	sdelay $0x3  }
0x81: {  	[tilespmem:s2], [sflag:$0x4] =	stream.linear.gather [hbm4b:s8+s2], $0x80, $0x38;
	[tilespmem:$0x10100] =	vst v63  }
0x82: {  	_ =	swait.ge [sflag:s28], $0x80  }
0x83: {  	[sflag:s28] =	ssyncset.done $0x0  }
0x84: {  	[sflag:s28] =	ssyncadd.s32 $0xFFFFFF80  }
0x85: {  	v3 =	vld [tilespmem:$0x0];
	_ =	sdelay $0x4  }
0x86: {  	v4 =	vshll.u32 v3, $0x1  }
0x87: {  	v3 =	vand.u32 $0x7, v3;
	v4 =	vand.u32 $0xFFFFFFF0, v4  }
0x88: {  	v3 =	vor.u32 v3, v4  }
0x89: {  	v4 =	vperm.xlane v3, v0;
	_ =	sdelay $0x1  }
0x8a: {  	v3 =	vperm.xlane v3, v2;
	v4 =	vadd.s32 v1, v4;
	_ =	sdelay $0x1  }
0x8b: {  	v3 =	vadd.s32 v1, v3;
	_ =	sdelay $0x2  }
0x8c: {  	[tilespmem:s9], [sflag:$0x1] =	stream.indirect_vreg.gather [hbm4b:s3+s2], $0x80, v4, vm0, $0xb8;
	[tilespmem:$0x10100] =	vst v63  }
0x8d: {  	_ = 	snop  }
0x8e: {  	[tilespmem:s10], [sflag:$0x1] =	stream.indirect_vreg.gather [hbm4b:s3+s2], $0x80, v3, vm0, $0xb8;
	[tilespmem:$0x10100] =	vst v63  }
0x8f: {  	v3 =	vld [tilespmem:$0x10];
	_ =	sdelay $0x4  }
0x90: {  	v57 =	vshll.u32 v3, $0x1  }
0x91: {  	v3 =	vand.u32 $0x7, v3;
	v4 =	vand.u32 $0xFFFFFFF0, v57  }
0x92: {  	v3 =	vor.u32 v3, v4  }
0x93: {  	v4 =	vperm.xlane v3, v0;
	_ =	sdelay $0x1  }
0x94: {  	v3 =	vperm.xlane v3, v2;
	v4 =	vadd.s32 v1, v4;
	_ =	sdelay $0x1  }
0x95: {  	v3 =	vadd.s32 v1, v3;
	_ =	sdelay $0x2  }
0x96: {  	[tilespmem:s11], [sflag:$0x1] =	stream.indirect_vreg.gather [hbm4b:s3+s2], $0x80, v4, vm0, $0xb8;
	[tilespmem:$0x10100] =	vst v63  }
0x97: {  	_ = 	snop  }
0x98: {  	[tilespmem:s12], [sflag:$0x1] =	stream.indirect_vreg.gather [hbm4b:s3+s2], $0x80, v3, vm0, $0xb8;
	[tilespmem:$0x10100] =	vst v63  }
0x99: {  	v3 =	vld [tilespmem:$0x20];
	_ =	sdelay $0x4  }
0x9a: {  	v58 =	vshll.u32 v3, $0x1  }
0x9b: {  	v3 =	vand.u32 $0x7, v3;
	v4 =	vand.u32 $0xFFFFFFF0, v58  }
0x9c: {  	v3 =	vor.u32 v3, v4  }
0x9d: {  	v4 =	vperm.xlane v3, v0;
	_ =	sdelay $0x1  }
0x9e: {  	v3 =	vperm.xlane v3, v2;
	v4 =	vadd.s32 v1, v4;
	_ =	sdelay $0x1  }
0x9f: {  	v3 =	vadd.s32 v1, v3;
	_ =	sdelay $0x2  }
0xa0: {  	[tilespmem:s13], [sflag:$0x1] =	stream.indirect_vreg.gather [hbm4b:s3+s2], $0x80, v4, vm0, $0xb8;
	[tilespmem:$0x10100] =	vst v63  }
0xa1: {  	_ = 	snop  }
0xa2: {  	[tilespmem:s14], [sflag:$0x1] =	stream.indirect_vreg.gather [hbm4b:s3+s2], $0x80, v3, vm0, $0xb8;
	[tilespmem:$0x10100] =	vst v63  }
0xa3: {  	v3 =	vld [tilespmem:$0x30];
	_ =	sdelay $0x4  }
0xa4: {  	v59 =	vshll.u32 v3, $0x1  }
0xa5: {  	v3 =	vand.u32 $0x7, v3;
	v4 =	vand.u32 $0xFFFFFFF0, v59  }
0xa6: {  	v3 =	vor.u32 v3, v4  }
0xa7: {  	v4 =	vperm.xlane v3, v0;
	_ =	sdelay $0x1  }
0xa8: {  	v3 =	vperm.xlane v3, v2;
	v4 =	vadd.s32 v1, v4;
	_ =	sdelay $0x1  }
0xa9: {  	v3 =	vadd.s32 v1, v3;
	_ =	sdelay $0x2  }
0xaa: {  	[tilespmem:s15], [sflag:$0x1] =	stream.indirect_vreg.gather [hbm4b:s3+s2], $0x80, v4, vm0, $0xb8;
	[tilespmem:$0x10100] =	vst v63  }
0xab: {  	_ = 	snop  }
0xac: {  	[tilespmem:s16], [sflag:$0x1] =	stream.indirect_vreg.gather [hbm4b:s3+s2], $0x80, v3, vm0, $0xb8;
	[tilespmem:$0x10100] =	vst v63  }
0xad: {  	v3 =	vld [tilespmem:$0x40];
	_ =	sdelay $0x4  }
0xae: {  	v60 =	vshll.u32 v3, $0x1  }
0xaf: {  	v3 =	vand.u32 $0x7, v3;
	v4 =	vand.u32 $0xFFFFFFF0, v60  }
0xb0: {  	v3 =	vor.u32 v3, v4  }
0xb1: {  	v4 =	vperm.xlane v3, v0;
	_ =	sdelay $0x1  }
0xb2: {  	v3 =	vperm.xlane v3, v2;
	v4 =	vadd.s32 v1, v4;
	_ =	sdelay $0x1  }
0xb3: {  	v3 =	vadd.s32 v1, v3;
	_ =	sdelay $0x2  }
0xb4: {  	[tilespmem:s17], [sflag:$0x1] =	stream.indirect_vreg.gather [hbm4b:s3+s2], $0x80, v4, vm0, $0xb8;
	[tilespmem:$0x10100] =	vst v63  }
0xb5: {  	_ = 	snop  }
0xb6: {  	[tilespmem:s18], [sflag:$0x1] =	stream.indirect_vreg.gather [hbm4b:s3+s2], $0x80, v3, vm0, $0xb8;
	[tilespmem:$0x10100] =	vst v63  }
0xb7: {  	v3 =	vld [tilespmem:$0x50];
	_ =	sdelay $0x4  }
0xb8: {  	v61 =	vshll.u32 v3, $0x1  }
0xb9: {  	v3 =	vand.u32 $0x7, v3;
	v4 =	vand.u32 $0xFFFFFFF0, v61  }
0xba: {  	v3 =	vor.u32 v3, v4  }
0xbb: {  	v4 =	vperm.xlane v3, v0;
	_ =	sdelay $0x1  }
0xbc: {  	v3 =	vperm.xlane v3, v2;
	v4 =	vadd.s32 v1, v4;
	_ =	sdelay $0x1  }
0xbd: {  	v3 =	vadd.s32 v1, v3;
	_ =	sdelay $0x2  }
0xbe: {  	[tilespmem:s19], [sflag:$0x1] =	stream.indirect_vreg.gather [hbm4b:s3+s2], $0x80, v4, vm0, $0xb8;
	[tilespmem:$0x10100] =	vst v63  }
0xbf: {  	_ = 	snop  }
0xc0: {  	[tilespmem:s20], [sflag:$0x1] =	stream.indirect_vreg.gather [hbm4b:s3+s2], $0x80, v3, vm0, $0xb8;
	[tilespmem:$0x10100] =	vst v63  }
0xc1: {  	v3 =	vld [tilespmem:$0x60];
	_ =	sdelay $0x4  }
0xc2: {  	v62 =	vshll.u32 v3, $0x1  }
0xc3: {  	v3 =	vand.u32 $0x7, v3;
	v4 =	vand.u32 $0xFFFFFFF0, v62  }
0xc4: {  	v3 =	vor.u32 v3, v4  }
0xc5: {  	v4 =	vperm.xlane v3, v0;
	_ =	sdelay $0x1  }
0xc6: {  	v3 =	vperm.xlane v3, v2;
	v4 =	vadd.s32 v1, v4;
	_ =	sdelay $0x1  }
0xc7: {  	v3 =	vadd.s32 v1, v3;
	_ =	sdelay $0x2  }
0xc8: {  	[tilespmem:s21], [sflag:$0x1] =	stream.indirect_vreg.gather [hbm4b:s3+s2], $0x80, v4, vm0, $0xb8;
	[tilespmem:$0x10100] =	vst v63  }
0xc9: {  	_ = 	snop  }
0xca: {  	[tilespmem:s22], [sflag:$0x1] =	stream.indirect_vreg.gather [hbm4b:s3+s2], $0x80, v3, vm0, $0xb8;
	[tilespmem:$0x10100] =	vst v63  }
0xcb: {  	v3 =	vld [tilespmem:$0x70];
	_ =	sdelay $0x4  }
0xcc: {  	v63 =	vshll.u32 v3, $0x1  }
0xcd: {  	v3 =	vand.u32 $0x7, v3;
	v4 =	vand.u32 $0xFFFFFFF0, v63  }
0xce: {  	v3 =	vor.u32 v3, v4  }
0xcf: {  	v4 =	vperm.xlane v3, v0;
	_ =	sdelay $0x1  }
0xd0: {  	v3 =	vperm.xlane v3, v2;
	v4 =	vadd.s32 v1, v4;
	_ =	sdelay $0x1  }
0xd1: {  	v3 =	vadd.s32 v1, v3  }
.Ltmp6:
0xd2: {  	_ = 	snop;
	(pc) =	sbr.rel .LBB2_6-.Ltmp6, $4  }
0xd3: {  	_ = 	snop  }
0xd4: {  	[tilespmem:s23], [sflag:$0x1] =	stream.indirect_vreg.gather [hbm4b:s3+s2], $0x80, v4, vm0, $0xb8;
	[tilespmem:$0x10100] =	vst v63  }
0xd5: {  	_ = 	snop  }
0xd6: {  	[tilespmem:s24], [sflag:$0x1] =	stream.indirect_vreg.gather [hbm4b:s3+s2], $0x80, v3, vm0, $0xb8;
	[tilespmem:$0x10100] =	vst v63  }
.LBB2_4:
0xd7: {  	s0 =	simm.s32 $0x8080  }
0xd8: {  	[tilespmem:s0], [sflag:$0x4] =	stream.linear.gather [hbm4b:s8+s2], $0x80, $0x38;
	[tilespmem:$0x10100] =	vst v63  }
0xd9: {  	_ =	swait.ge [sflag:s28], $0x80  }
0xda: {  	[sflag:s28] =	ssyncset.done $0x0  }
0xdb: {  	[sflag:s28] =	ssyncadd.s32 $0xFFFFFF80  }
0xdc: {  	v3 =	vld [tilespmem:$0x8080];
	_ =	sdelay $0x4  }
0xdd: {  	v4 =	vshll.u32 v3, $0x1  }
0xde: {  	v3 =	vand.u32 $0x7, v3;
	v4 =	vand.u32 $0xFFFFFFF0, v4  }
0xdf: {  	v3 =	vor.u32 v3, v4  }
0xe0: {  	v4 =	vperm.xlane v3, v0;
	_ =	sdelay $0x1  }
0xe1: {  	v3 =	vperm.xlane v3, v2;
	v4 =	vadd.s32 v1, v4;
	_ =	sdelay $0x1  }
0xe2: {  	v3 =	vadd.s32 v1, v3;
	_ =	sdelay $0x2  }
0xe3: {  	[tilespmem:s26], [sflag:$0x2] =	stream.indirect_vreg.gather [hbm4b:s3+s2], $0x80, v4, vm0, $0xb8;
	[tilespmem:$0x10100] =	vst v63  }
0xe4: {  	s0 =	simm.s32 $0x8900  }
0xe5: {  	[tilespmem:s0], [sflag:$0x2] =	stream.indirect_vreg.gather [hbm4b:s3+s2], $0x80, v3, vm0, $0xb8;
	[tilespmem:$0x10100] =	vst v63  }
0xe6: {  	v3 =	vld [tilespmem:$0x8090];
	_ =	sdelay $0x4  }
0xe7: {  	v57 =	vshll.u32 v3, $0x1  }
0xe8: {  	v3 =	vand.u32 $0x7, v3;
	v4 =	vand.u32 $0xFFFFFFF0, v57  }
0xe9: {  	v3 =	vor.u32 v3, v4  }
0xea: {  	v4 =	vperm.xlane v3, v0;
	_ =	sdelay $0x1  }
0xeb: {  	v3 =	vperm.xlane v3, v2;
	v4 =	vadd.s32 v1, v4;
	_ =	sdelay $0x1  }
0xec: {  	v3 =	vadd.s32 v1, v3;
	_ =	sdelay $0x1  }
0xed: {  	s0 =	simm.s32 $0x9100  }
0xee: {  	[tilespmem:s0], [sflag:$0x2] =	stream.indirect_vreg.gather [hbm4b:s3+s2], $0x80, v4, vm0, $0xb8;
	[tilespmem:$0x10100] =	vst v63  }
0xef: {  	s0 =	simm.s32 $0x9900  }
0xf0: {  	[tilespmem:s0], [sflag:$0x2] =	stream.indirect_vreg.gather [hbm4b:s3+s2], $0x80, v3, vm0, $0xb8;
	[tilespmem:$0x10100] =	vst v63  }
0xf1: {  	v3 =	vld [tilespmem:$0x80A0];
	_ =	sdelay $0x4  }
0xf2: {  	v58 =	vshll.u32 v3, $0x1  }
0xf3: {  	v3 =	vand.u32 $0x7, v3;
	v4 =	vand.u32 $0xFFFFFFF0, v58  }
0xf4: {  	v3 =	vor.u32 v3, v4  }
0xf5: {  	v4 =	vperm.xlane v3, v0;
	_ =	sdelay $0x1  }
0xf6: {  	v3 =	vperm.xlane v3, v2;
	v4 =	vadd.s32 v1, v4;
	_ =	sdelay $0x1  }
0xf7: {  	v3 =	vadd.s32 v1, v3;
	_ =	sdelay $0x1  }
0xf8: {  	s0 =	simm.s32 $0xA100  }
0xf9: {  	[tilespmem:s0], [sflag:$0x2] =	stream.indirect_vreg.gather [hbm4b:s3+s2], $0x80, v4, vm0, $0xb8;
	[tilespmem:$0x10100] =	vst v63  }
0xfa: {  	s0 =	simm.s32 $0xA900  }
0xfb: {  	[tilespmem:s0], [sflag:$0x2] =	stream.indirect_vreg.gather [hbm4b:s3+s2], $0x80, v3, vm0, $0xb8;
	[tilespmem:$0x10100] =	vst v63  }
0xfc: {  	v3 =	vld [tilespmem:$0x80B0];
	_ =	sdelay $0x4  }
0xfd: {  	v59 =	vshll.u32 v3, $0x1  }
0xfe: {  	v3 =	vand.u32 $0x7, v3;
	v4 =	vand.u32 $0xFFFFFFF0, v59  }
0xff: {  	v3 =	vor.u32 v3, v4  }
0x100: {  	v4 =	vperm.xlane v3, v0;
	_ =	sdelay $0x1  }
0x101: {  	v3 =	vperm.xlane v3, v2;
	v4 =	vadd.s32 v1, v4;
	_ =	sdelay $0x1  }
0x102: {  	v3 =	vadd.s32 v1, v3;
	_ =	sdelay $0x1  }
0x103: {  	s0 =	simm.s32 $0xB100  }
0x104: {  	[tilespmem:s0], [sflag:$0x2] =	stream.indirect_vreg.gather [hbm4b:s3+s2], $0x80, v4, vm0, $0xb8;
	[tilespmem:$0x10100] =	vst v63  }
0x105: {  	s0 =	simm.s32 $0xB900  }
0x106: {  	[tilespmem:s0], [sflag:$0x2] =	stream.indirect_vreg.gather [hbm4b:s3+s2], $0x80, v3, vm0, $0xb8;
	[tilespmem:$0x10100] =	vst v63  }
0x107: {  	v3 =	vld [tilespmem:$0x80C0];
	_ =	sdelay $0x4  }
0x108: {  	v60 =	vshll.u32 v3, $0x1  }
0x109: {  	v3 =	vand.u32 $0x7, v3;
	v4 =	vand.u32 $0xFFFFFFF0, v60  }
0x10a: {  	v3 =	vor.u32 v3, v4  }
0x10b: {  	v4 =	vperm.xlane v3, v0;
	_ =	sdelay $0x1  }
0x10c: {  	v3 =	vperm.xlane v3, v2;
	v4 =	vadd.s32 v1, v4;
	_ =	sdelay $0x1  }
0x10d: {  	v3 =	vadd.s32 v1, v3;
	_ =	sdelay $0x1  }
0x10e: {  	s0 =	simm.s32 $0xC100  }
0x10f: {  	[tilespmem:s0], [sflag:$0x2] =	stream.indirect_vreg.gather [hbm4b:s3+s2], $0x80, v4, vm0, $0xb8;
	[tilespmem:$0x10100] =	vst v63  }
0x110: {  	s0 =	simm.s32 $0xC900  }
0x111: {  	[tilespmem:s0], [sflag:$0x2] =	stream.indirect_vreg.gather [hbm4b:s3+s2], $0x80, v3, vm0, $0xb8;
	[tilespmem:$0x10100] =	vst v63  }
0x112: {  	v3 =	vld [tilespmem:$0x80D0];
	_ =	sdelay $0x4  }
0x113: {  	v61 =	vshll.u32 v3, $0x1  }
0x114: {  	v3 =	vand.u32 $0x7, v3;
	v4 =	vand.u32 $0xFFFFFFF0, v61  }
0x115: {  	v3 =	vor.u32 v3, v4  }
0x116: {  	v4 =	vperm.xlane v3, v0;
	_ =	sdelay $0x1  }
0x117: {  	v3 =	vperm.xlane v3, v2;
	v4 =	vadd.s32 v1, v4;
	_ =	sdelay $0x1  }
0x118: {  	v3 =	vadd.s32 v1, v3;
	_ =	sdelay $0x1  }
0x119: {  	s0 =	simm.s32 $0xD100  }
0x11a: {  	[tilespmem:s0], [sflag:$0x2] =	stream.indirect_vreg.gather [hbm4b:s3+s2], $0x80, v4, vm0, $0xb8;
	[tilespmem:$0x10100] =	vst v63  }
0x11b: {  	s0 =	simm.s32 $0xD900  }
0x11c: {  	[tilespmem:s0], [sflag:$0x2] =	stream.indirect_vreg.gather [hbm4b:s3+s2], $0x80, v3, vm0, $0xb8;
	[tilespmem:$0x10100] =	vst v63  }
0x11d: {  	v3 =	vld [tilespmem:$0x80E0];
	_ =	sdelay $0x4  }
0x11e: {  	v62 =	vshll.u32 v3, $0x1  }
0x11f: {  	v3 =	vand.u32 $0x7, v3;
	v4 =	vand.u32 $0xFFFFFFF0, v62  }
0x120: {  	v3 =	vor.u32 v3, v4  }
0x121: {  	v4 =	vperm.xlane v3, v0;
	_ =	sdelay $0x1  }
0x122: {  	v3 =	vperm.xlane v3, v2;
	v4 =	vadd.s32 v1, v4;
	_ =	sdelay $0x1  }
0x123: {  	v3 =	vadd.s32 v1, v3;
	_ =	sdelay $0x2  }
0x124: {  	[tilespmem:s1], [sflag:$0x2] =	stream.indirect_vreg.gather [hbm4b:s3+s2], $0x80, v4, vm0, $0xb8;
	[tilespmem:$0x10100] =	vst v63  }
0x125: {  	_ = 	snop  }
0x126: {  	[tilespmem:s4], [sflag:$0x2] =	stream.indirect_vreg.gather [hbm4b:s3+s2], $0x80, v3, vm0, $0xb8;
	[tilespmem:$0x10100] =	vst v63  }
0x127: {  	v3 =	vld [tilespmem:$0x80F0];
	_ =	sdelay $0x4  }
0x128: {  	v63 =	vshll.u32 v3, $0x1  }
0x129: {  	v3 =	vand.u32 $0x7, v3;
	v4 =	vand.u32 $0xFFFFFFF0, v63  }
0x12a: {  	v3 =	vor.u32 v3, v4  }
0x12b: {  	v4 =	vperm.xlane v3, v0;
	_ =	sdelay $0x1  }
0x12c: {  	v3 =	vperm.xlane v3, v2;
	v4 =	vadd.s32 v1, v4;
	_ =	sdelay $0x1  }
0x12d: {  	v3 =	vadd.s32 v1, v3;
	_ =	sdelay $0x2  }
0x12e: {  	[tilespmem:s5], [sflag:$0x2] =	stream.indirect_vreg.gather [hbm4b:s3+s2], $0x80, v4, vm0, $0xb8;
	[tilespmem:$0x10100] =	vst v63  }
0x12f: {  	_ = 	snop  }
0x130: {  	[tilespmem:s6], [sflag:$0x2] =	stream.indirect_vreg.gather [hbm4b:s3+s2], $0x80, v3, vm0, $0xb8;
	[tilespmem:$0x10100] =	vst v63  }
.LBB2_6:
.Ltmp7:
0x131: {  	(pc) =	sbr.rel @p0 .LBB2_8-.Ltmp7, $1  }
0x132: {  	_ =	sdelay $0x3  }
.Ltmp8:
0x133: {  	(pc) =	sbr.rel .LBB2_9-.Ltmp8, $4  }
0x134: {  	_ =	swait.ge [sflag:s29], $0x8000  }
0x135: {  	[sflag:s29] =	ssyncset.done $0x0  }
0x136: {  	s0 =	simm.s32 $0x4;
	[sflag:s29] =	ssyncadd.s32 $0xFFFF8000  }
0x137: {  	[hbm4b:s30+s2] =	stream.linear.scatter [tilespmem:s9], [sflag:$0x4], $0x8000, $0x38;
	[tilespmem:$0x10100] =	vst v63  }
.LBB2_11:
0x138: {  	_ =	sfence.sel $0x180000  }
0x139: {  	[bflag:$0x0] =	sbarrier.arrive $0xFFFF  }
0x13a: {  	_ =	strace $0x9000004A  }
0x13b: {  	s0 =	stileid.u32;
	[bflag:$0x2] =	sbarrier.arrive $0xFFFF  }
0x13c: {  	p0 =	sne.s32 s0, $0x0;
	s0 =	rddreg [dreg:$0x1]  }
0x13d: {  	s0 =	sadd.s32 @!p0 $0x100000, s0  }
0x13e: {  	[sflag:s0] =	ssyncadd.tile.s32 @!p0 $0x1;
	_ =	shalt  }
.Lfunc_end2:
_tile_overlayer_lowered:
.L_overlay_start_2:
0x13f: {  	(tag) =	ssettag $0x2  }
0x140: {  	s0 =	rddreg [dreg:$0x0];
	s2 =	stileid.u32  }
0x141: {  	s1 =	rddreg [dreg:$0x1];
	p0 =	sne.s32 s2, $0x0  }
0x142: {  	s3 =	rddreg [dreg:$0x2];
	[bflag:$0x3] =	sbarrier.arrive $0xFFFF;
	s2 =	simm.s32 @!p0 $0x1C03  }
0x143: {  	[timem:s3], [sflag:s2] =	dma.local @!p0 [hbm:s0], s1  }
0x144: {  	s0 =	simm.s32 @!p0 $0x3  }
0x145: {  	_ =	swait.ge @!p0 [sflag:s0], s1  }
0x146: {  	s1 =	ssub.s32 @!p0 $0x0, s1;
	[sflag:s0] =	ssyncset.done @!p0 $0x0  }
0x147: {  	[sflag:s0] =	ssyncadd.s32 @!p0 s1  }
0x148: {  	[bflag:$0x3] =	sbarrier.arrive $0xFFFF  }
0x149: {  	_ =	shalt  }

// kernel: kernel.43.cloned.1.call-start
scs
__scs_entry_jumppad:
0x0: {  	(pc) =	sbr.rel $0x88, $3  }
0x1: {  	(tag) =	ssettag $0x0;
	lr =	simm.s32 $0x1  }
0x2: {  	[smem:$0x3F8E] =	sst lr;
	_ =	strace $0xD0000000  }
0x3: {  	_ = 	snop  }
0x4: {  	_ = 	snop  }
0x5: {  	_ = 	snop  }
0x6: {  	_ = 	snop  }
0x7: {  	_ = 	snop  }
__scs_overlays_trampoline_lowered:
0x8: {  	[smem:$0x3F9D] =	sst s0  }
0x9: {  	[smem:$0x3F9E] =	sst s1  }
0xa: {  	[smem:$0x3F9F] =	sst s2  }
0xb: {  	[smem:$0x3FA0] =	sst s3  }
0xc: {  	[smem:$0x3FA1] =	sst s4  }
0xd: {  	[smem:$0x3FA2] =	sst s5  }
0xe: {  	[smem:$0x3FA3] =	sst s6  }
0xf: {  	[smem:$0x3FA4] =	sst s7  }
0x10: {  	[smem:$0x3FA5] =	sst s8  }
0x11: {  	[smem:$0x3FA6] =	sst s9;
	s0 =	simm.s32 @!p0 $0x0  }
0x12: {  	s1 =	sld [smem:$0x3F8C];
	s0 =	simm.s32 @p0 $0x1  }
0x13: {  	[smem:$0x3FA7] =	sst s0;
	s0 =	simm.s32 @!p1 $0x0  }
0x14: {  	s2 =	sld [smem:$0x3F8B];
	s0 =	simm.s32 @p1 $0x1  }
0x15: {  	[smem:$0x3FA8] =	sst s0;
	s0 =	simm.s32 @!p2 $0x0  }
0x16: {  	s3 =	sld [smem:$0x3FDB];
	s0 =	simm.s32 @p2 $0x1  }
0x17: {  	s4 =	simm.s32 $0x1BF5;
	[smem:$0x3FAA] =	sst s0  }
0x18: {  	s0 =	sld [smem:$0x3F8D];
	_ =	swait.ge [sflag:s4], $0x0  }
0x19: {  	s7 =	sld [smem:$0x3F8E]  }
0x1a: {  	s8 =	sadd.s32 $0xFFFFE003, lr  }
0x1b: {  	s9 =	sadd.s32 $0xFFFFFEF7, lr;
	s5 =	simm.s32 $0xFFFFFFFF;
	p2 =	slt.u32 s8, $0xFFFFF086  }
0x1c: {  	p1 =	slt.u32 s9, $0xF7A;
	s5 =	simm.s32 @!p2 $0x0  }
0x1d: {  	s5 =	simm.s32 @p1 $0x1;
	p0 =	seq.s32 s7, s2  }
0x1e: {  	s7 =	smul.u32 @!p0 $0xF7A, s2;
	p2 =	seq.s32 @!p0 s5, $0x0  }
0x1f: {  	s9 =	smul.u32 $0xF7A, s1;
	s8 =	simm.s32 @!p0 $0x1BF5;
	p2 =	por !p2, p0  }
0x20: {  	[sflag:s8] =	ssyncset.s32 @!p0 $0xFFFFF086;
	s6 =	sadd.s32 @!p0 s3, s7;
	s7 =	simm.s32 @!p0 $0x108  }
0x21: {  	s3 =	sadd.s32 s3, s9;
	s6 =	sadd.s32 @!p0 $0x88, s6;
	s7 =	simm.s32 @p2 $0x1082  }
0x22: {  	[simem:s7], [sflag:s8] =	dma.local @!p0 [hbm:s6], $0xF7A  }
0x23: {  	s9 =	sor.u32 $0xD0000000, s2;
	s6 =	simm.s32 $0x108;
	_ =	swait.ge @!p0 [sflag:s8], $0x0  }
0x24: {  	s3 =	sadd.s32 $0x88, s3;
	s6 =	simm.s32 @!p1 $0x1082;
	[sflag:s4] =	ssyncset.s32 $0xFFFFF086  }
0x25: {  	[simem:s6], [sflag:s4] =	dma.local [hbm:s3], $0xF7A  }
0x26: {  	[smem:$0x3F8E] =	sst s1;
	(tag) =	ssettag s2;
	_ =	strace s9  }
0x27: {  	s1 =	sld [smem:$0x3F9E]  }
0x28: {  	s2 =	sld [smem:$0x3F9F]  }
0x29: {  	s4 =	sld [smem:$0x3FA1]  }
0x2a: {  	p0 =	seq.s32 s5, $0x0;
	s5 =	sld [smem:$0x3FA2]  }
0x2b: {  	s6 =	sld [smem:$0x3FA3]  }
0x2c: {  	s7 =	sld [smem:$0x3FA4]  }
0x2d: {  	s3 =	simm.s32 $0x108;
	s8 =	sld [smem:$0x3FA5]  }
0x2e: {  	s3 =	simm.s32 @!p0 $0x1082;
	s9 =	sld [smem:$0x3FA6]  }
0x2f: {  	lr =	sadd.s32 s0, s3;
	s0 =	sld [smem:$0x3F9D]  }
0x30: {  	s3 =	sld [smem:$0x3FA0]  }
0x31: {  	[smem:$0x3FA9] =	sst s10  }
0x32: {  	s10 =	sld [smem:$0x3FA7];
	_ =	sdelay $0x3  }
0x33: {  	p0 =	seq.s32 s10, $0x1;
	s10 =	sld [smem:$0x3FA9];
	_ =	sdelay $0x3  }
0x34: {  	[smem:$0x3FA9] =	sst s10  }
0x35: {  	s10 =	sld [smem:$0x3FA8];
	_ =	sdelay $0x3  }
0x36: {  	p1 =	seq.s32 s10, $0x1;
	s10 =	sld [smem:$0x3FA9];
	_ =	sdelay $0x3  }
0x37: {  	[smem:$0x3FA9] =	sst s10  }
0x38: {  	s10 =	sld [smem:$0x3FAA]  }
0x39: {  	_ = 	snop;
	(pc) =	sbr.ind lr, $3  }
0x3a: {  	_ = 	snop  }
0x3b: {  	_ = 	snop  }
0x3c: {  	p2 =	seq.s32 s10, $0x1;
	s10 =	sld [smem:$0x3FA9]  }
0x3d: {  	_ =	shalt  }
0x3e: {  	_ =	shalt  }
0x3f: {  	_ =	shalt  }
0x40: {  	_ =	shalt  }
0x41: {  	_ =	shalt  }
0x42: {  	_ =	shalt  }
0x43: {  	_ =	shalt  }
0x44: {  	_ =	shalt  }
0x45: {  	_ =	shalt  }
0x46: {  	_ =	shalt  }
0x47: {  	_ =	shalt  }
0x48: {  	_ =	shalt  }
0x49: {  	_ =	shalt  }
0x4a: {  	_ =	shalt  }
0x4b: {  	_ =	shalt  }
0x4c: {  	_ =	shalt  }
0x4d: {  	_ =	shalt  }
0x4e: {  	_ =	shalt  }
0x4f: {  	_ =	shalt  }
0x50: {  	_ =	shalt  }
0x51: {  	_ =	shalt  }
0x52: {  	_ =	shalt  }
0x53: {  	_ =	shalt  }
0x54: {  	_ =	shalt  }
0x55: {  	_ =	shalt  }
0x56: {  	_ =	shalt  }
0x57: {  	_ =	shalt  }
0x58: {  	_ =	shalt  }
0x59: {  	_ =	shalt  }
0x5a: {  	_ =	shalt  }
0x5b: {  	_ =	shalt  }
0x5c: {  	_ =	shalt  }
0x5d: {  	_ =	shalt  }
0x5e: {  	_ =	shalt  }
0x5f: {  	_ =	shalt  }
0x60: {  	_ =	shalt  }
0x61: {  	_ =	shalt  }
0x62: {  	_ =	shalt  }
0x63: {  	_ =	shalt  }
0x64: {  	_ =	shalt  }
0x65: {  	_ =	shalt  }
0x66: {  	_ =	shalt  }
0x67: {  	_ =	shalt  }
0x68: {  	_ =	shalt  }
0x69: {  	_ =	shalt  }
0x6a: {  	_ =	shalt  }
0x6b: {  	_ =	shalt  }
0x6c: {  	_ =	shalt  }
0x6d: {  	_ =	shalt  }
0x6e: {  	_ =	shalt  }
0x6f: {  	_ =	shalt  }
0x70: {  	_ =	shalt  }
0x71: {  	_ =	shalt  }
0x72: {  	_ =	shalt  }
0x73: {  	_ =	shalt  }
0x74: {  	_ =	shalt  }
0x75: {  	_ =	shalt  }
0x76: {  	_ =	shalt  }
0x77: {  	_ =	shalt  }
0x78: {  	_ =	shalt  }
0x79: {  	_ =	shalt  }
0x7a: {  	_ =	shalt  }
0x7b: {  	_ =	shalt  }
0x7c: {  	_ =	shalt  }
0x7d: {  	_ =	shalt  }
0x7e: {  	_ =	shalt  }
0x7f: {  	_ =	shalt  }
0x80: {  	_ =	shalt  }
0x81: {  	_ =	shalt  }
0x82: {  	_ =	shalt  }
0x83: {  	_ =	shalt  }
0x84: {  	_ =	shalt  }
0x85: {  	_ =	shalt  }
0x86: {  	_ =	shalt  }
0x87: {  	_ =	shalt  }
.Lfunc_end0:
.L_simem_size_0:
called_computation.2_lowered:
.L_overlay_start_0:
0x88: {  	s2 =	sld [smem:$0x3FD9]  }
0x89: {  	s3 =	sld [smem:$0x3FFE];
	_ =	sdelay $0x1  }
0x8a: {  	s1 =	srdreg.scid  }
0x8b: {  	s0 =	sand.u32 $0x1, s1  }
0x8c: {  	s16 =	sshll.u32 s0, $0xA;
	s2 =	sadd.s32 s3, s2  }
0x8d: {  	s2 =	sadd.s32 s2, s16  }
0x8e: {  	[smem:$0x3FB5] =	sst s2  }
0x8f: {  	_ = 	snop  }
0x90: {  	(tm) =	ssettm $0x1  }
0x91: {  	s17 =	sld [smem:$0x3FFB];
	_ =	sdelay $0x3  }
0x92: {  	_ =	strace s17  }
0x93: {  	s2 =	sld [smem:$0x3FFC];
	_ =	sdelay $0x3  }
0x94: {  	_ =	strace s2  }
0x95: {  	s2 =	sld [smem:$0x3FFD];
	_ =	sdelay $0x3  }
0x96: {  	_ =	strace s2  }
0x97: {  	_ =	strace $0x8FFFFFFF  }
0x98: {  	s18 =	sld [smem:$0x3FDB];
	_ =	sdelay $0x1  }
0x99: {  	s19 =	simm.s32 $_scs_section_size  }
0x9a: {  	s4 =	simm.s32 $_size__tile_overlayer_lowered;
	s5 =	simm.s32 $_tile_overlayer_lowered  }
0x9b: {  	s22 =	simm.s32 $0x1BFF;
	s21 =	sshll.u32 s5, $0x1;
	s2 =	sadd.s32 s19, s18  }
0x9c: {  	s6 =	simm.s32 $0x0;
	s20 =	sshll.u32 s4, $0x1;
	s4 =	sadd.s32 s21, s2  }
0x9d: {  	[timem:s6], [sflag:s22] =	dma.local [hbm:s4], s20  }
0x9e: {  	_ =	swait.ge [sflag:s22], s20  }
0x9f: {  	s3 =	ssub.s32 $0x0, s20;
	[sflag:s22] =	ssyncset.done $0x0  }
0xa0: {  	[sflag:s22] =	ssyncadd.s32 s3;
	_ =	sdelay $0x1  }
0xa1: {  	s23 =	simm.s32 $0x1B8B  }
0xa2: {  	_ =	swait.ge [sflag:s23], $0x1  }
0xa3: {  	[sflag:s23] =	ssyncset.done $0x0  }
0xa4: {  	s25 =	simm.s32 $0x1B8E;
	s24 =	sld [smem:$0x3FFE];
	[sflag:s23] =	ssyncadd.s32 $0xFFFFFFFF  }
0xa5: {  	s26 =	simm.s32 $execute0_lowered;
	[smem:$0x3FD2] =	sst s25  }
0xa6: {  	s4 =	sshll.u32 s26, $0x1;
	_ =	strace $0x8000004C;
	[dreg:$0x1] =	wrdreg $0xFFFFFFFF  }
0xa7: {  	s28 =	simm.s32 $_size_execute0_lowered;
	s2 =	sadd.s32 s2, s4;
	[dreg:$0x0] =	wrdreg $0x0  }
0xa8: {  	s4 =	sshll.u32 s28, $0x1;
	[dreg:$0x2] =	wrdreg s2  }
0xa9: {  	[dreg:$0x3] =	wrdreg s4  }
0xaa: {  	[dreg:$0x4] =	wrdreg $0xC0  }
0xab: {  	_ =	task [dreg:s6], $0x5FFFF  }
0xac: {  	[dreg:$0x1] =	wrdreg $0xFFFFFFFF  }
0xad: {  	[dreg:$0x0] =	wrdreg $0x60  }
0xae: {  	[dreg:$0x2] =	wrdreg s24  }
0xaf: {  	[dreg:$0x3] =	wrdreg $0x9  }
0xb0: {  	_ =	task.clear_ibuf [dreg:s6], $0x4FFFF;
	_ =	strace $0x9000004C  }
0xb1: {  	s29 =	simm.s32 $0x9;
	_ =	strace $0x8000004E  }
0xb2: {  	_ =	swait.ge [sflag:s29], $0x1  }
0xb3: {  	[sflag:s29] =	ssyncadd.s32 $0xFFFFFFFF  }
0xb4: {  	_ =	strace $0x9000004E  }
0xb5: {  	_ =	sfence  }
0xb6: {  	s30 =	sld [smem:$0x0];
	_ =	sdelay $0x2  }
0xb7: {  	s31 =	sshll.u32 s1, $0xD;
	s1 =	sshrl.u32 s1, $0x2  }
0xb8: {  	s3 =	sand.u32 $0x4000, s31;
	s1 =	sadd.s32 s1, s30  }
0xb9: {  	s0 =	sor.u32 s3, s0;
	s1 =	sshll.u32 s1, $0x11  }
0xba: {  	s0 =	sor.u32 s1, s0  }
0xbb: {  	s0 =	sadd.s32 $0x8F2B, s0  }
0xbc: {  	[sflag:s0] =	ssyncadd.remote.s32 $0x1  }
0xbd: {  	_ =	sfence.sel $0xFFFF  }
0xbe: {  	[dreg:$0x0] =	wrdreg $0xFFFFFFFF;
	(pc) =	sbr.abs _section_cstart, $3  }
0xbf: {  	[dreg:$0x1] =	wrdreg $0xFFFFFFFF  }
0xc0: {  	_ =	task.clear_ibuf [dreg:s6], $0x2FFFF;
	_ =	strace $0x9FFFFFFF  }
0xc1: {  	(tm) =	ssettm $0x7FFFFFFF  }
tec
execute0_lowered:
.L_overlay_start_1:
0x0: {  	(tag) =	ssettag $0x1  }
0x1: {  	s0 =	srdreg.scid  }
0x2: {  	s1 =	stileid.u32;
	s4 =	rddreg [dreg:$0x0]  }
0x3: {  	s10 =	simm.s32 $0x80;
	s29 =	simm.s32 $0x6C80;
	s30 =	simm.s32 $0x7480  }
0x4: {  	s31 =	simm.s32 $0x7880;
	s9 =	simm.s32 $0xA480;
	s11 =	simm.s32 $0xA880  }
0x5: {  	s12 =	simm.s32 $0xB080;
	s13 =	simm.s32 $0xB480;
	s14 =	simm.s32 $0xBC80  }
0x6: {  	s15 =	simm.s32 $0x2;
	s16 =	simm.s32 $0xC100;
	s17 =	simm.s32 $0x4  }
0x7: {  	s18 =	simm.s32 $0x1;
	s22 =	simm.s32 $0x16900;
	s20 =	simm.s32 $0x17100  }
0x8: {  	s23 =	simm.s32 $0x17500;
	s19 =	simm.s32 $0x17D00;
	s24 =	simm.s32 $0x0  }
0x9: {  	s0 =	sand.u32 $0x1, s0;
	s1 =	sshll.u32 s1, $0xC;
	s3 =	sadd.s32 $0xFBA00, s4  }
0xa: {  	s7 =	sadd.s32 $0x42E00, s4;
	s2 =	sshll.u32 s0, $0xB;
	s0 =	ssub.s32 $0x2, s0  }
0xb: {  	s1 =	sor.u32 s2, s1;
	s2 =	simm.s32 $0x0;
	s8 =	sshrl.u32 s0, $0x1  }
0xc: {  	s5 =	sshrl.u32 s1, $0x3;
	[smem:$0x7FF] =	sst s2;
	s0 =	ssub.s32 s0, s8  }
0xd: {  	s1 =	sor.u32 $0x80, s1;
	s8 =	simm.s32 $0x9C80;
	s6 =	smul.u32 $0x180, s5  }
0xe: {  	_ =	strace $0x8000004D;
	s5 =	sadd.s32 s7, s5;
	s0 =	smax.u32 s0, $0x1  }
.Ltmp0:
0xf: {  	s26 =	sshrl.u32 s1, $0x3;
	[dreg:$0x2] =	wrdreg s5;
	(pc) =	sbr.rel .LBB2_1-.Ltmp0, $4  }
0x10: {  	s1 =	simm.s32 $0x8080;
	s5 =	sadd.s32 $0xFBB00, s4;
	[dreg:$0x3] =	wrdreg s0  }
0x11: {  	v2 =	vlaneseq.u32;
	s0 =	sadd.s32 s26, s7;
	s7 =	simm.s32 $0x9880;
	s6 =	sadd.s32 s6, s4  }
0x12: {  	vm0 =	vmmov $0xffff;
	vm1 =	vmmov $0xff;
	v1 =	vshrl.u32 v2, $0x3;
	[dreg:$0x5] =	wrdreg s0;
	s0 =	simm.s32 $0x8480;
	s28 =	sadd.s32 $0x113A00, s6  }
0x13: {  	v0 =	vand.u32 $0x7, v2;
	v2 =	vor.u32 $0x8, v2;
	v1 =	vmul.u32 $0x8, v1;
	s4 =	simm.s32 $0x8C80;
	s6 =	simm.s32 $0x9080;
	[dreg:$0x4] =	wrdreg s28  }
.LBB2_10:
0x14: {  	s24 =	sadd.s32 $0x1, s24;
	s21 =	rddreg [dreg:$0x3]  }
0x15: {  	p0 =	sne.s32 s24, s21  }
.Ltmp1:
0x16: {  	_ = 	snop;
	(pc) =	sbr.rel @!p0 .LBB2_11-.Ltmp1, $1  }
0x17: {  	_ =	sdelay $0x3  }
.LBB2_1:
0x18: {  	s21 =	rddreg [dreg:$0x2];
	s25 =	simm.s32 $0x3  }
0x19: {  	[tilespmem:s2], [sflag:$0x3] =	stream.linear.gather [hbm4b:s21+s2], $0x80, $0x38;
	[tilespmem:$0x18100] =	vst v63  }
0x1a: {  	_ =	swait.ge [sflag:s25], $0x80  }
0x1b: {  	[sflag:s25] =	ssyncset.done $0x0  }
0x1c: {  	[sflag:s25] =	ssyncadd.s32 $0xFFFFFF80  }
0x1d: {  	v3 =	vld [tilespmem:$0x0];
	_ =	sdelay $0x4  }
0x1e: {  	v4 =	vshrl.u32 v3, $0x3  }
0x1f: {  	v4 =	vmul.u32 $0x18, v4  }
0x20: {  	v3 =	vand.u32 $0x7, v3  }
0x21: {  	v3 =	vor.u32 v3, v4  }
0x22: {  	v4 =	vperm.xlane v3, v0;
	_ =	sdelay $0x1  }
0x23: {  	v4 =	vadd.s32 v1, v4;
	_ =	sdelay $0x1  }
0x24: {  	v3 =	vperm.xlane v3, v2;
	_ =	sdelay $0x1  }
0x25: {  	v3 =	vadd.s32 v1, v3  }
0x26: {  	[tilespmem:s10], [sflag:$0x1] =	stream.indirect_vreg.gather [hbm4b:s3+s2], $0x80, v4, vm0, $0xb8;
	[tilespmem:$0x18100] =	vst v63  }
0x27: {  	s26 =	simm.s32 $0x880  }
0x28: {  	[tilespmem:s26], [sflag:$0x1] =	stream.indirect_vreg.gather [hbm4b:s5+s2], $0x80, v4, vm1, $0xb8;
	[tilespmem:$0x18100] =	vst v63  }
0x29: {  	s28 =	simm.s32 $0xC80  }
0x2a: {  	[tilespmem:s28], [sflag:$0x1] =	stream.indirect_vreg.gather [hbm4b:s3+s2], $0x80, v3, vm0, $0xb8;
	[tilespmem:$0x18100] =	vst v63  }
0x2b: {  	s25 =	simm.s32 $0x1480  }
0x2c: {  	[tilespmem:s25], [sflag:$0x1] =	stream.indirect_vreg.gather [hbm4b:s5+s2], $0x80, v3, vm1, $0xb8;
	[tilespmem:$0x18100] =	vst v63  }
0x2d: {  	v3 =	vld [tilespmem:$0x10];
	_ =	sdelay $0x4  }
0x2e: {  	v57 =	vshrl.u32 v3, $0x3  }
0x2f: {  	v4 =	vmul.u32 $0x18, v57  }
0x30: {  	v3 =	vand.u32 $0x7, v3  }
0x31: {  	v3 =	vor.u32 v3, v4  }
0x32: {  	v4 =	vperm.xlane v3, v0;
	_ =	sdelay $0x1  }
0x33: {  	v4 =	vadd.s32 v1, v4;
	_ =	sdelay $0x1  }
0x34: {  	v3 =	vperm.xlane v3, v2;
	_ =	sdelay $0x1  }
0x35: {  	s26 =	simm.s32 $0x1880;
	v3 =	vadd.s32 v1, v3  }
0x36: {  	[tilespmem:s26], [sflag:$0x1] =	stream.indirect_vreg.gather [hbm4b:s3+s2], $0x80, v4, vm0, $0xb8;
	[tilespmem:$0x18100] =	vst v63  }
0x37: {  	s28 =	simm.s32 $0x2080  }
0x38: {  	[tilespmem:s28], [sflag:$0x1] =	stream.indirect_vreg.gather [hbm4b:s5+s2], $0x80, v4, vm1, $0xb8;
	[tilespmem:$0x18100] =	vst v63  }
0x39: {  	s25 =	simm.s32 $0x2480  }
0x3a: {  	[tilespmem:s25], [sflag:$0x1] =	stream.indirect_vreg.gather [hbm4b:s3+s2], $0x80, v3, vm0, $0xb8;
	[tilespmem:$0x18100] =	vst v63  }
0x3b: {  	s26 =	simm.s32 $0x2C80  }
0x3c: {  	[tilespmem:s26], [sflag:$0x1] =	stream.indirect_vreg.gather [hbm4b:s5+s2], $0x80, v3, vm1, $0xb8;
	[tilespmem:$0x18100] =	vst v63  }
0x3d: {  	v3 =	vld [tilespmem:$0x20];
	_ =	sdelay $0x4  }
0x3e: {  	v58 =	vshrl.u32 v3, $0x3  }
0x3f: {  	v4 =	vmul.u32 $0x18, v58  }
0x40: {  	v3 =	vand.u32 $0x7, v3  }
0x41: {  	v3 =	vor.u32 v3, v4  }
0x42: {  	v4 =	vperm.xlane v3, v0;
	_ =	sdelay $0x1  }
0x43: {  	v4 =	vadd.s32 v1, v4;
	_ =	sdelay $0x1  }
0x44: {  	v3 =	vperm.xlane v3, v2;
	_ =	sdelay $0x1  }
0x45: {  	s28 =	simm.s32 $0x3080;
	v3 =	vadd.s32 v1, v3  }
0x46: {  	[tilespmem:s28], [sflag:$0x1] =	stream.indirect_vreg.gather [hbm4b:s3+s2], $0x80, v4, vm0, $0xb8;
	[tilespmem:$0x18100] =	vst v63  }
0x47: {  	s25 =	simm.s32 $0x3880  }
0x48: {  	[tilespmem:s25], [sflag:$0x1] =	stream.indirect_vreg.gather [hbm4b:s5+s2], $0x80, v4, vm1, $0xb8;
	[tilespmem:$0x18100] =	vst v63  }
0x49: {  	s26 =	simm.s32 $0x3C80  }
0x4a: {  	[tilespmem:s26], [sflag:$0x1] =	stream.indirect_vreg.gather [hbm4b:s3+s2], $0x80, v3, vm0, $0xb8;
	[tilespmem:$0x18100] =	vst v63  }
0x4b: {  	s28 =	simm.s32 $0x4480  }
0x4c: {  	[tilespmem:s28], [sflag:$0x1] =	stream.indirect_vreg.gather [hbm4b:s5+s2], $0x80, v3, vm1, $0xb8;
	[tilespmem:$0x18100] =	vst v63  }
0x4d: {  	v3 =	vld [tilespmem:$0x30];
	_ =	sdelay $0x4  }
0x4e: {  	v59 =	vshrl.u32 v3, $0x3  }
0x4f: {  	v4 =	vmul.u32 $0x18, v59  }
0x50: {  	v3 =	vand.u32 $0x7, v3  }
0x51: {  	v3 =	vor.u32 v3, v4  }
0x52: {  	v4 =	vperm.xlane v3, v0;
	_ =	sdelay $0x1  }
0x53: {  	v4 =	vadd.s32 v1, v4;
	_ =	sdelay $0x1  }
0x54: {  	v3 =	vperm.xlane v3, v2;
	_ =	sdelay $0x1  }
0x55: {  	s25 =	simm.s32 $0x4880;
	v3 =	vadd.s32 v1, v3  }
0x56: {  	[tilespmem:s25], [sflag:$0x1] =	stream.indirect_vreg.gather [hbm4b:s3+s2], $0x80, v4, vm0, $0xb8;
	[tilespmem:$0x18100] =	vst v63  }
0x57: {  	s26 =	simm.s32 $0x5080  }
0x58: {  	[tilespmem:s26], [sflag:$0x1] =	stream.indirect_vreg.gather [hbm4b:s5+s2], $0x80, v4, vm1, $0xb8;
	[tilespmem:$0x18100] =	vst v63  }
0x59: {  	s28 =	simm.s32 $0x5480  }
0x5a: {  	[tilespmem:s28], [sflag:$0x1] =	stream.indirect_vreg.gather [hbm4b:s3+s2], $0x80, v3, vm0, $0xb8;
	[tilespmem:$0x18100] =	vst v63  }
0x5b: {  	s25 =	simm.s32 $0x5C80  }
0x5c: {  	[tilespmem:s25], [sflag:$0x1] =	stream.indirect_vreg.gather [hbm4b:s5+s2], $0x80, v3, vm1, $0xb8;
	[tilespmem:$0x18100] =	vst v63  }
0x5d: {  	v3 =	vld [tilespmem:$0x40];
	_ =	sdelay $0x4  }
0x5e: {  	v60 =	vshrl.u32 v3, $0x3  }
0x5f: {  	v4 =	vmul.u32 $0x18, v60  }
0x60: {  	v3 =	vand.u32 $0x7, v3  }
0x61: {  	v3 =	vor.u32 v3, v4  }
0x62: {  	v4 =	vperm.xlane v3, v0;
	_ =	sdelay $0x1  }
0x63: {  	v4 =	vadd.s32 v1, v4;
	_ =	sdelay $0x1  }
0x64: {  	v3 =	vperm.xlane v3, v2;
	_ =	sdelay $0x1  }
0x65: {  	s26 =	simm.s32 $0x6080;
	v3 =	vadd.s32 v1, v3  }
0x66: {  	[tilespmem:s26], [sflag:$0x1] =	stream.indirect_vreg.gather [hbm4b:s3+s2], $0x80, v4, vm0, $0xb8;
	[tilespmem:$0x18100] =	vst v63  }
0x67: {  	s28 =	simm.s32 $0x6880  }
0x68: {  	[tilespmem:s28], [sflag:$0x1] =	stream.indirect_vreg.gather [hbm4b:s5+s2], $0x80, v4, vm1, $0xb8;
	[tilespmem:$0x18100] =	vst v63  }
0x69: {  	_ = 	snop  }
0x6a: {  	[tilespmem:s29], [sflag:$0x1] =	stream.indirect_vreg.gather [hbm4b:s3+s2], $0x80, v3, vm0, $0xb8;
	[tilespmem:$0x18100] =	vst v63  }
0x6b: {  	_ = 	snop  }
0x6c: {  	[tilespmem:s30], [sflag:$0x1] =	stream.indirect_vreg.gather [hbm4b:s5+s2], $0x80, v3, vm1, $0xb8;
	[tilespmem:$0x18100] =	vst v63  }
0x6d: {  	v3 =	vld [tilespmem:$0x50];
	_ =	sdelay $0x4  }
0x6e: {  	v61 =	vshrl.u32 v3, $0x3  }
0x6f: {  	v4 =	vmul.u32 $0x18, v61  }
0x70: {  	v3 =	vand.u32 $0x7, v3  }
0x71: {  	v3 =	vor.u32 v3, v4  }
0x72: {  	v4 =	vperm.xlane v3, v0;
	_ =	sdelay $0x1  }
0x73: {  	v4 =	vadd.s32 v1, v4;
	_ =	sdelay $0x1  }
0x74: {  	v3 =	vperm.xlane v3, v2;
	_ =	sdelay $0x1  }
0x75: {  	v3 =	vadd.s32 v1, v3  }
0x76: {  	[tilespmem:s31], [sflag:$0x1] =	stream.indirect_vreg.gather [hbm4b:s3+s2], $0x80, v4, vm0, $0xb8;
	[tilespmem:$0x18100] =	vst v63  }
0x77: {  	_ = 	snop  }
0x78: {  	[tilespmem:s1], [sflag:$0x1] =	stream.indirect_vreg.gather [hbm4b:s5+s2], $0x80, v4, vm1, $0xb8;
	[tilespmem:$0x18100] =	vst v63  }
0x79: {  	_ = 	snop  }
0x7a: {  	[tilespmem:s0], [sflag:$0x1] =	stream.indirect_vreg.gather [hbm4b:s3+s2], $0x80, v3, vm0, $0xb8;
	[tilespmem:$0x18100] =	vst v63  }
0x7b: {  	_ = 	snop  }
0x7c: {  	[tilespmem:s4], [sflag:$0x1] =	stream.indirect_vreg.gather [hbm4b:s5+s2], $0x80, v3, vm1, $0xb8;
	[tilespmem:$0x18100] =	vst v63  }
0x7d: {  	v3 =	vld [tilespmem:$0x60];
	_ =	sdelay $0x4  }
0x7e: {  	v62 =	vshrl.u32 v3, $0x3  }
0x7f: {  	v4 =	vmul.u32 $0x18, v62  }
0x80: {  	v3 =	vand.u32 $0x7, v3  }
0x81: {  	v3 =	vor.u32 v3, v4  }
0x82: {  	v4 =	vperm.xlane v3, v0;
	_ =	sdelay $0x1  }
0x83: {  	v4 =	vadd.s32 v1, v4;
	_ =	sdelay $0x1  }
0x84: {  	v3 =	vperm.xlane v3, v2;
	_ =	sdelay $0x1  }
0x85: {  	v3 =	vadd.s32 v1, v3  }
0x86: {  	[tilespmem:s6], [sflag:$0x1] =	stream.indirect_vreg.gather [hbm4b:s3+s2], $0x80, v4, vm0, $0xb8;
	[tilespmem:$0x18100] =	vst v63  }
0x87: {  	_ = 	snop  }
0x88: {  	[tilespmem:s7], [sflag:$0x1] =	stream.indirect_vreg.gather [hbm4b:s5+s2], $0x80, v4, vm1, $0xb8;
	[tilespmem:$0x18100] =	vst v63  }
0x89: {  	_ = 	snop  }
0x8a: {  	[tilespmem:s8], [sflag:$0x1] =	stream.indirect_vreg.gather [hbm4b:s3+s2], $0x80, v3, vm0, $0xb8;
	[tilespmem:$0x18100] =	vst v63  }
0x8b: {  	_ = 	snop  }
0x8c: {  	[tilespmem:s9], [sflag:$0x1] =	stream.indirect_vreg.gather [hbm4b:s5+s2], $0x80, v3, vm1, $0xb8;
	[tilespmem:$0x18100] =	vst v63  }
0x8d: {  	v3 =	vld [tilespmem:$0x70];
	_ =	sdelay $0x4  }
0x8e: {  	v63 =	vshrl.u32 v3, $0x3  }
0x8f: {  	v4 =	vmul.u32 $0x18, v63  }
0x90: {  	v3 =	vand.u32 $0x7, v3  }
0x91: {  	v3 =	vor.u32 v3, v4  }
0x92: {  	v4 =	vperm.xlane v3, v0;
	_ =	sdelay $0x1  }
0x93: {  	v4 =	vadd.s32 v1, v4;
	_ =	sdelay $0x2  }
0x94: {  	v3 =	vperm.xlane v3, v2;
	_ =	sdelay $0x1  }
0x95: {  	v3 =	vadd.s32 v1, v3;
	[tilespmem:s11], [sflag:$0x1] =	stream.indirect_vreg.gather [hbm4b:s3+s2], $0x80, v4, vm0, $0xb8;
	[tilespmem:$0x18100] =	vst v63  }
0x96: {  	_ = 	snop  }
0x97: {  	[tilespmem:s12], [sflag:$0x1] =	stream.indirect_vreg.gather [hbm4b:s5+s2], $0x80, v4, vm1, $0xb8;
	[tilespmem:$0x18100] =	vst v63  }
.Ltmp2:
0x98: {  	_ = 	snop;
	(pc) =	sbr.rel .LBB2_2-.Ltmp2, $4  }
0x99: {  	s25 =	rddreg [dreg:$0x5]  }
0x9a: {  	[tilespmem:s13], [sflag:$0x1] =	stream.indirect_vreg.gather [hbm4b:s3+s2], $0x80, v3, vm0, $0xb8;
	[tilespmem:$0x18100] =	vst v63  }
0x9b: {  	s21 =	simm.s32 $0x0;
	s26 =	rddreg [dreg:$0x4]  }
0x9c: {  	[tilespmem:s14], [sflag:$0x1] =	stream.indirect_vreg.gather [hbm4b:s5+s2], $0x80, v3, vm1, $0xb8;
	[tilespmem:$0x18100] =	vst v63  }
.LBB2_8:
0x9d: {  	_ =	swait.ge [sflag:s15], $0xC000  }
0x9e: {  	[sflag:s15] =	ssyncset.done $0x0  }
0x9f: {  	s28 =	simm.s32 $0x3;
	[sflag:s15] =	ssyncadd.s32 $0xFFFF4000  }
0xa0: {  	[hbm4b:s26+s2] =	stream.linear.scatter [tilespmem:s16], [sflag:$0x3], $0xC000, $0x38;
	[tilespmem:$0x18100] =	vst v63  }
.LBB2_9:
0xa1: {  	s21 =	sadd.s32 $0x1, s21  }
0xa2: {  	p0 =	sne.s32 s21, $0x10  }
.Ltmp3:
0xa3: {  	_ = 	snop;
	(pc) =	sbr.rel @!p0 .LBB2_10-.Ltmp3, $4  }
0xa4: {  	_ = 	snop  }
0xa5: {  	_ =	swait.ge [sflag:s28], $0xC000  }
0xa6: {  	[sflag:s28] =	ssyncset.done $0x0  }
0xa7: {  	s26 =	sadd.s32 $0x1800, s26;
	s25 =	sadd.s32 $0x10, s25;
	[sflag:s28] =	ssyncadd.s32 $0xFFFF4000  }
.LBB2_2:
0xa8: {  	p0 =	seq.s32 s21, $0xF  }
.Ltmp4:
0xa9: {  	_ = 	snop;
	(pc) =	sbr.rel @p0 .LBB2_8-.Ltmp4, $1  }
0xaa: {  	_ =	sdelay $0x3  }
0xab: {  	s28 =	sand.u32 $0x1, s21  }
0xac: {  	p0 =	seq.s32 s28, $0x1  }
.Ltmp5:
0xad: {  	_ = 	snop;
	(pc) =	sbr.rel @!p0 .LBB2_4-.Ltmp5, $1  }
0xae: {  	_ =	sdelay $0x3  }
0xaf: {  	[tilespmem:s2], [sflag:$0x4] =	stream.linear.gather [hbm4b:s25+s2], $0x80, $0x38;
	[tilespmem:$0x18100] =	vst v63  }
0xb0: {  	_ =	swait.ge [sflag:s17], $0x80  }
0xb1: {  	[sflag:s17] =	ssyncset.done $0x0  }
0xb2: {  	[sflag:s17] =	ssyncadd.s32 $0xFFFFFF80  }
0xb3: {  	v3 =	vld [tilespmem:$0x0];
	_ =	sdelay $0x4  }
0xb4: {  	v4 =	vshrl.u32 v3, $0x3  }
0xb5: {  	v4 =	vmul.u32 $0x18, v4  }
0xb6: {  	v3 =	vand.u32 $0x7, v3  }
0xb7: {  	v3 =	vor.u32 v3, v4  }
0xb8: {  	v4 =	vperm.xlane v3, v0;
	_ =	sdelay $0x1  }
0xb9: {  	v4 =	vadd.s32 v1, v4;
	_ =	sdelay $0x1  }
0xba: {  	v3 =	vperm.xlane v3, v2;
	_ =	sdelay $0x1  }
0xbb: {  	v3 =	vadd.s32 v1, v3  }
0xbc: {  	[tilespmem:s10], [sflag:$0x1] =	stream.indirect_vreg.gather [hbm4b:s3+s2], $0x80, v4, vm0, $0xb8;
	[tilespmem:$0x18100] =	vst v63  }
0xbd: {  	s28 =	simm.s32 $0x880  }
0xbe: {  	[tilespmem:s28], [sflag:$0x1] =	stream.indirect_vreg.gather [hbm4b:s5+s2], $0x80, v4, vm1, $0xb8;
	[tilespmem:$0x18100] =	vst v63  }
0xbf: {  	s28 =	simm.s32 $0xC80  }
0xc0: {  	[tilespmem:s28], [sflag:$0x1] =	stream.indirect_vreg.gather [hbm4b:s3+s2], $0x80, v3, vm0, $0xb8;
	[tilespmem:$0x18100] =	vst v63  }
0xc1: {  	s28 =	simm.s32 $0x1480  }
0xc2: {  	[tilespmem:s28], [sflag:$0x1] =	stream.indirect_vreg.gather [hbm4b:s5+s2], $0x80, v3, vm1, $0xb8;
	[tilespmem:$0x18100] =	vst v63  }
0xc3: {  	v3 =	vld [tilespmem:$0x10];
	_ =	sdelay $0x4  }
0xc4: {  	v57 =	vshrl.u32 v3, $0x3  }
0xc5: {  	v4 =	vmul.u32 $0x18, v57  }
0xc6: {  	v3 =	vand.u32 $0x7, v3  }
0xc7: {  	v3 =	vor.u32 v3, v4  }
0xc8: {  	v4 =	vperm.xlane v3, v0;
	_ =	sdelay $0x1  }
0xc9: {  	v4 =	vadd.s32 v1, v4;
	_ =	sdelay $0x1  }
0xca: {  	v3 =	vperm.xlane v3, v2;
	_ =	sdelay $0x1  }
0xcb: {  	s28 =	simm.s32 $0x1880;
	v3 =	vadd.s32 v1, v3  }
0xcc: {  	[tilespmem:s28], [sflag:$0x1] =	stream.indirect_vreg.gather [hbm4b:s3+s2], $0x80, v4, vm0, $0xb8;
	[tilespmem:$0x18100] =	vst v63  }
0xcd: {  	s28 =	simm.s32 $0x2080  }
0xce: {  	[tilespmem:s28], [sflag:$0x1] =	stream.indirect_vreg.gather [hbm4b:s5+s2], $0x80, v4, vm1, $0xb8;
	[tilespmem:$0x18100] =	vst v63  }
0xcf: {  	s28 =	simm.s32 $0x2480  }
0xd0: {  	[tilespmem:s28], [sflag:$0x1] =	stream.indirect_vreg.gather [hbm4b:s3+s2], $0x80, v3, vm0, $0xb8;
	[tilespmem:$0x18100] =	vst v63  }
0xd1: {  	s28 =	simm.s32 $0x2C80  }
0xd2: {  	[tilespmem:s28], [sflag:$0x1] =	stream.indirect_vreg.gather [hbm4b:s5+s2], $0x80, v3, vm1, $0xb8;
	[tilespmem:$0x18100] =	vst v63  }
0xd3: {  	v3 =	vld [tilespmem:$0x20];
	_ =	sdelay $0x4  }
0xd4: {  	v58 =	vshrl.u32 v3, $0x3  }
0xd5: {  	v4 =	vmul.u32 $0x18, v58  }
0xd6: {  	v3 =	vand.u32 $0x7, v3  }
0xd7: {  	v3 =	vor.u32 v3, v4  }
0xd8: {  	v4 =	vperm.xlane v3, v0;
	_ =	sdelay $0x1  }
0xd9: {  	v4 =	vadd.s32 v1, v4;
	_ =	sdelay $0x1  }
0xda: {  	v3 =	vperm.xlane v3, v2;
	_ =	sdelay $0x1  }
0xdb: {  	s28 =	simm.s32 $0x3080;
	v3 =	vadd.s32 v1, v3  }
0xdc: {  	[tilespmem:s28], [sflag:$0x1] =	stream.indirect_vreg.gather [hbm4b:s3+s2], $0x80, v4, vm0, $0xb8;
	[tilespmem:$0x18100] =	vst v63  }
0xdd: {  	s28 =	simm.s32 $0x3880  }
0xde: {  	[tilespmem:s28], [sflag:$0x1] =	stream.indirect_vreg.gather [hbm4b:s5+s2], $0x80, v4, vm1, $0xb8;
	[tilespmem:$0x18100] =	vst v63  }
0xdf: {  	s28 =	simm.s32 $0x3C80  }
0xe0: {  	[tilespmem:s28], [sflag:$0x1] =	stream.indirect_vreg.gather [hbm4b:s3+s2], $0x80, v3, vm0, $0xb8;
	[tilespmem:$0x18100] =	vst v63  }
0xe1: {  	s28 =	simm.s32 $0x4480  }
0xe2: {  	[tilespmem:s28], [sflag:$0x1] =	stream.indirect_vreg.gather [hbm4b:s5+s2], $0x80, v3, vm1, $0xb8;
	[tilespmem:$0x18100] =	vst v63  }
0xe3: {  	v3 =	vld [tilespmem:$0x30];
	_ =	sdelay $0x4  }
0xe4: {  	v59 =	vshrl.u32 v3, $0x3  }
0xe5: {  	v4 =	vmul.u32 $0x18, v59  }
0xe6: {  	v3 =	vand.u32 $0x7, v3  }
0xe7: {  	v3 =	vor.u32 v3, v4  }
0xe8: {  	v4 =	vperm.xlane v3, v0;
	_ =	sdelay $0x1  }
0xe9: {  	v4 =	vadd.s32 v1, v4;
	_ =	sdelay $0x1  }
0xea: {  	v3 =	vperm.xlane v3, v2;
	_ =	sdelay $0x1  }
0xeb: {  	s28 =	simm.s32 $0x4880;
	v3 =	vadd.s32 v1, v3  }
0xec: {  	[tilespmem:s28], [sflag:$0x1] =	stream.indirect_vreg.gather [hbm4b:s3+s2], $0x80, v4, vm0, $0xb8;
	[tilespmem:$0x18100] =	vst v63  }
0xed: {  	s28 =	simm.s32 $0x5080  }
0xee: {  	[tilespmem:s28], [sflag:$0x1] =	stream.indirect_vreg.gather [hbm4b:s5+s2], $0x80, v4, vm1, $0xb8;
	[tilespmem:$0x18100] =	vst v63  }
0xef: {  	s28 =	simm.s32 $0x5480  }
0xf0: {  	[tilespmem:s28], [sflag:$0x1] =	stream.indirect_vreg.gather [hbm4b:s3+s2], $0x80, v3, vm0, $0xb8;
	[tilespmem:$0x18100] =	vst v63  }
0xf1: {  	s28 =	simm.s32 $0x5C80  }
0xf2: {  	[tilespmem:s28], [sflag:$0x1] =	stream.indirect_vreg.gather [hbm4b:s5+s2], $0x80, v3, vm1, $0xb8;
	[tilespmem:$0x18100] =	vst v63  }
0xf3: {  	v3 =	vld [tilespmem:$0x40];
	_ =	sdelay $0x4  }
0xf4: {  	v60 =	vshrl.u32 v3, $0x3  }
0xf5: {  	v4 =	vmul.u32 $0x18, v60  }
0xf6: {  	v3 =	vand.u32 $0x7, v3  }
0xf7: {  	v3 =	vor.u32 v3, v4  }
0xf8: {  	v4 =	vperm.xlane v3, v0;
	_ =	sdelay $0x1  }
0xf9: {  	v4 =	vadd.s32 v1, v4;
	_ =	sdelay $0x1  }
0xfa: {  	v3 =	vperm.xlane v3, v2;
	_ =	sdelay $0x1  }
0xfb: {  	s28 =	simm.s32 $0x6080;
	v3 =	vadd.s32 v1, v3  }
0xfc: {  	[tilespmem:s28], [sflag:$0x1] =	stream.indirect_vreg.gather [hbm4b:s3+s2], $0x80, v4, vm0, $0xb8;
	[tilespmem:$0x18100] =	vst v63  }
0xfd: {  	s28 =	simm.s32 $0x6880  }
0xfe: {  	[tilespmem:s28], [sflag:$0x1] =	stream.indirect_vreg.gather [hbm4b:s5+s2], $0x80, v4, vm1, $0xb8;
	[tilespmem:$0x18100] =	vst v63  }
0xff: {  	_ = 	snop  }
0x100: {  	[tilespmem:s29], [sflag:$0x1] =	stream.indirect_vreg.gather [hbm4b:s3+s2], $0x80, v3, vm0, $0xb8;
	[tilespmem:$0x18100] =	vst v63  }
0x101: {  	_ = 	snop  }
0x102: {  	[tilespmem:s30], [sflag:$0x1] =	stream.indirect_vreg.gather [hbm4b:s5+s2], $0x80, v3, vm1, $0xb8;
	[tilespmem:$0x18100] =	vst v63  }
0x103: {  	v3 =	vld [tilespmem:$0x50];
	_ =	sdelay $0x4  }
0x104: {  	v61 =	vshrl.u32 v3, $0x3  }
0x105: {  	v4 =	vmul.u32 $0x18, v61  }
0x106: {  	v3 =	vand.u32 $0x7, v3  }
0x107: {  	v3 =	vor.u32 v3, v4  }
0x108: {  	v4 =	vperm.xlane v3, v0;
	_ =	sdelay $0x1  }
0x109: {  	v4 =	vadd.s32 v1, v4;
	_ =	sdelay $0x1  }
0x10a: {  	v3 =	vperm.xlane v3, v2;
	_ =	sdelay $0x1  }
0x10b: {  	v3 =	vadd.s32 v1, v3  }
0x10c: {  	[tilespmem:s31], [sflag:$0x1] =	stream.indirect_vreg.gather [hbm4b:s3+s2], $0x80, v4, vm0, $0xb8;
	[tilespmem:$0x18100] =	vst v63  }
0x10d: {  	_ = 	snop  }
0x10e: {  	[tilespmem:s1], [sflag:$0x1] =	stream.indirect_vreg.gather [hbm4b:s5+s2], $0x80, v4, vm1, $0xb8;
	[tilespmem:$0x18100] =	vst v63  }
0x10f: {  	_ = 	snop  }
0x110: {  	[tilespmem:s0], [sflag:$0x1] =	stream.indirect_vreg.gather [hbm4b:s3+s2], $0x80, v3, vm0, $0xb8;
	[tilespmem:$0x18100] =	vst v63  }
0x111: {  	_ = 	snop  }
0x112: {  	[tilespmem:s4], [sflag:$0x1] =	stream.indirect_vreg.gather [hbm4b:s5+s2], $0x80, v3, vm1, $0xb8;
	[tilespmem:$0x18100] =	vst v63  }
0x113: {  	v3 =	vld [tilespmem:$0x60];
	_ =	sdelay $0x4  }
0x114: {  	v62 =	vshrl.u32 v3, $0x3  }
0x115: {  	v4 =	vmul.u32 $0x18, v62  }
0x116: {  	v3 =	vand.u32 $0x7, v3  }
0x117: {  	v3 =	vor.u32 v3, v4  }
0x118: {  	v4 =	vperm.xlane v3, v0;
	_ =	sdelay $0x1  }
0x119: {  	v4 =	vadd.s32 v1, v4;
	_ =	sdelay $0x1  }
0x11a: {  	v3 =	vperm.xlane v3, v2;
	_ =	sdelay $0x1  }
0x11b: {  	v3 =	vadd.s32 v1, v3  }
0x11c: {  	[tilespmem:s6], [sflag:$0x1] =	stream.indirect_vreg.gather [hbm4b:s3+s2], $0x80, v4, vm0, $0xb8;
	[tilespmem:$0x18100] =	vst v63  }
0x11d: {  	_ = 	snop  }
0x11e: {  	[tilespmem:s7], [sflag:$0x1] =	stream.indirect_vreg.gather [hbm4b:s5+s2], $0x80, v4, vm1, $0xb8;
	[tilespmem:$0x18100] =	vst v63  }
0x11f: {  	_ = 	snop  }
0x120: {  	[tilespmem:s8], [sflag:$0x1] =	stream.indirect_vreg.gather [hbm4b:s3+s2], $0x80, v3, vm0, $0xb8;
	[tilespmem:$0x18100] =	vst v63  }
0x121: {  	_ = 	snop  }
0x122: {  	[tilespmem:s9], [sflag:$0x1] =	stream.indirect_vreg.gather [hbm4b:s5+s2], $0x80, v3, vm1, $0xb8;
	[tilespmem:$0x18100] =	vst v63  }
0x123: {  	v3 =	vld [tilespmem:$0x70];
	_ =	sdelay $0x4  }
0x124: {  	v63 =	vshrl.u32 v3, $0x3  }
0x125: {  	v4 =	vmul.u32 $0x18, v63  }
0x126: {  	v3 =	vand.u32 $0x7, v3  }
0x127: {  	v3 =	vor.u32 v3, v4  }
0x128: {  	v4 =	vperm.xlane v3, v0;
	_ =	sdelay $0x1  }
0x129: {  	v4 =	vadd.s32 v1, v4;
	_ =	sdelay $0x2  }
0x12a: {  	v3 =	vperm.xlane v3, v2;
	_ =	sdelay $0x1  }
0x12b: {  	v3 =	vadd.s32 v1, v3;
	[tilespmem:s11], [sflag:$0x1] =	stream.indirect_vreg.gather [hbm4b:s3+s2], $0x80, v4, vm0, $0xb8;
	[tilespmem:$0x18100] =	vst v63  }
0x12c: {  	_ = 	snop  }
0x12d: {  	[tilespmem:s12], [sflag:$0x1] =	stream.indirect_vreg.gather [hbm4b:s5+s2], $0x80, v4, vm1, $0xb8;
	[tilespmem:$0x18100] =	vst v63  }
.Ltmp6:
0x12e: {  	_ = 	snop;
	(pc) =	sbr.rel .LBB2_6-.Ltmp6, $4  }
0x12f: {  	_ = 	snop  }
0x130: {  	[tilespmem:s13], [sflag:$0x1] =	stream.indirect_vreg.gather [hbm4b:s3+s2], $0x80, v3, vm0, $0xb8;
	[tilespmem:$0x18100] =	vst v63  }
0x131: {  	_ = 	snop  }
0x132: {  	[tilespmem:s14], [sflag:$0x1] =	stream.indirect_vreg.gather [hbm4b:s5+s2], $0x80, v3, vm1, $0xb8;
	[tilespmem:$0x18100] =	vst v63  }
.LBB2_4:
0x133: {  	s28 =	simm.s32 $0xC080  }
0x134: {  	[tilespmem:s28], [sflag:$0x4] =	stream.linear.gather [hbm4b:s25+s2], $0x80, $0x38;
	[tilespmem:$0x18100] =	vst v63  }
0x135: {  	_ =	swait.ge [sflag:s17], $0x80  }
0x136: {  	[sflag:s17] =	ssyncset.done $0x0  }
0x137: {  	[sflag:s17] =	ssyncadd.s32 $0xFFFFFF80  }
0x138: {  	v3 =	vld [tilespmem:$0xC080];
	_ =	sdelay $0x4  }
0x139: {  	v4 =	vshrl.u32 v3, $0x3  }
0x13a: {  	v4 =	vmul.u32 $0x18, v4  }
0x13b: {  	v3 =	vand.u32 $0x7, v3  }
0x13c: {  	v3 =	vor.u32 v3, v4  }
0x13d: {  	v4 =	vperm.xlane v3, v0;
	_ =	sdelay $0x1  }
0x13e: {  	v4 =	vadd.s32 v1, v4;
	_ =	sdelay $0x1  }
0x13f: {  	v3 =	vperm.xlane v3, v2;
	_ =	sdelay $0x1  }
0x140: {  	v3 =	vadd.s32 v1, v3  }
0x141: {  	[tilespmem:s16], [sflag:$0x2] =	stream.indirect_vreg.gather [hbm4b:s3+s2], $0x80, v4, vm0, $0xb8;
	[tilespmem:$0x18100] =	vst v63  }
0x142: {  	s28 =	simm.s32 $0xC900  }
0x143: {  	[tilespmem:s28], [sflag:$0x2] =	stream.indirect_vreg.gather [hbm4b:s5+s2], $0x80, v4, vm1, $0xb8;
	[tilespmem:$0x18100] =	vst v63  }
0x144: {  	s28 =	simm.s32 $0xCD00  }
0x145: {  	[tilespmem:s28], [sflag:$0x2] =	stream.indirect_vreg.gather [hbm4b:s3+s2], $0x80, v3, vm0, $0xb8;
	[tilespmem:$0x18100] =	vst v63  }
0x146: {  	s28 =	simm.s32 $0xD500  }
0x147: {  	[tilespmem:s28], [sflag:$0x2] =	stream.indirect_vreg.gather [hbm4b:s5+s2], $0x80, v3, vm1, $0xb8;
	[tilespmem:$0x18100] =	vst v63  }
0x148: {  	v3 =	vld [tilespmem:$0xC090];
	_ =	sdelay $0x4  }
0x149: {  	v57 =	vshrl.u32 v3, $0x3  }
0x14a: {  	v4 =	vmul.u32 $0x18, v57  }
0x14b: {  	v3 =	vand.u32 $0x7, v3  }
0x14c: {  	v3 =	vor.u32 v3, v4  }
0x14d: {  	v4 =	vperm.xlane v3, v0;
	_ =	sdelay $0x1  }
0x14e: {  	v4 =	vadd.s32 v1, v4;
	_ =	sdelay $0x1  }
0x14f: {  	v3 =	vperm.xlane v3, v2;
	_ =	sdelay $0x1  }
0x150: {  	s28 =	simm.s32 $0xD900;
	v3 =	vadd.s32 v1, v3  }
0x151: {  	[tilespmem:s28], [sflag:$0x2] =	stream.indirect_vreg.gather [hbm4b:s3+s2], $0x80, v4, vm0, $0xb8;
	[tilespmem:$0x18100] =	vst v63  }
0x152: {  	s28 =	simm.s32 $0xE100  }
0x153: {  	[tilespmem:s28], [sflag:$0x2] =	stream.indirect_vreg.gather [hbm4b:s5+s2], $0x80, v4, vm1, $0xb8;
	[tilespmem:$0x18100] =	vst v63  }
0x154: {  	s28 =	simm.s32 $0xE500  }
0x155: {  	[tilespmem:s28], [sflag:$0x2] =	stream.indirect_vreg.gather [hbm4b:s3+s2], $0x80, v3, vm0, $0xb8;
	[tilespmem:$0x18100] =	vst v63  }
0x156: {  	s28 =	simm.s32 $0xED00  }
0x157: {  	[tilespmem:s28], [sflag:$0x2] =	stream.indirect_vreg.gather [hbm4b:s5+s2], $0x80, v3, vm1, $0xb8;
	[tilespmem:$0x18100] =	vst v63  }
0x158: {  	v3 =	vld [tilespmem:$0xC0A0];
	_ =	sdelay $0x4  }
0x159: {  	v58 =	vshrl.u32 v3, $0x3  }
0x15a: {  	v4 =	vmul.u32 $0x18, v58  }
0x15b: {  	v3 =	vand.u32 $0x7, v3  }
0x15c: {  	v3 =	vor.u32 v3, v4  }
0x15d: {  	v4 =	vperm.xlane v3, v0;
	_ =	sdelay $0x1  }
0x15e: {  	v4 =	vadd.s32 v1, v4;
	_ =	sdelay $0x1  }
0x15f: {  	v3 =	vperm.xlane v3, v2;
	_ =	sdelay $0x1  }
0x160: {  	s28 =	simm.s32 $0xF100;
	v3 =	vadd.s32 v1, v3  }
0x161: {  	[tilespmem:s28], [sflag:$0x2] =	stream.indirect_vreg.gather [hbm4b:s3+s2], $0x80, v4, vm0, $0xb8;
	[tilespmem:$0x18100] =	vst v63  }
0x162: {  	s28 =	simm.s32 $0xF900  }
0x163: {  	[tilespmem:s28], [sflag:$0x2] =	stream.indirect_vreg.gather [hbm4b:s5+s2], $0x80, v4, vm1, $0xb8;
	[tilespmem:$0x18100] =	vst v63  }
0x164: {  	s28 =	simm.s32 $0xFD00  }
0x165: {  	[tilespmem:s28], [sflag:$0x2] =	stream.indirect_vreg.gather [hbm4b:s3+s2], $0x80, v3, vm0, $0xb8;
	[tilespmem:$0x18100] =	vst v63  }
0x166: {  	s28 =	simm.s32 $0x10500  }
0x167: {  	[tilespmem:s28], [sflag:$0x2] =	stream.indirect_vreg.gather [hbm4b:s5+s2], $0x80, v3, vm1, $0xb8;
	[tilespmem:$0x18100] =	vst v63  }
0x168: {  	v3 =	vld [tilespmem:$0xC0B0];
	_ =	sdelay $0x4  }
0x169: {  	v59 =	vshrl.u32 v3, $0x3  }
0x16a: {  	v4 =	vmul.u32 $0x18, v59  }
0x16b: {  	v3 =	vand.u32 $0x7, v3  }
0x16c: {  	v3 =	vor.u32 v3, v4  }
0x16d: {  	v4 =	vperm.xlane v3, v0;
	_ =	sdelay $0x1  }
0x16e: {  	v4 =	vadd.s32 v1, v4;
	_ =	sdelay $0x1  }
0x16f: {  	v3 =	vperm.xlane v3, v2;
	_ =	sdelay $0x1  }
0x170: {  	s28 =	simm.s32 $0x10900;
	v3 =	vadd.s32 v1, v3  }
0x171: {  	[tilespmem:s28], [sflag:$0x2] =	stream.indirect_vreg.gather [hbm4b:s3+s2], $0x80, v4, vm0, $0xb8;
	[tilespmem:$0x18100] =	vst v63  }
0x172: {  	s28 =	simm.s32 $0x11100  }
0x173: {  	[tilespmem:s28], [sflag:$0x2] =	stream.indirect_vreg.gather [hbm4b:s5+s2], $0x80, v4, vm1, $0xb8;
	[tilespmem:$0x18100] =	vst v63  }
0x174: {  	s28 =	simm.s32 $0x11500  }
0x175: {  	[tilespmem:s28], [sflag:$0x2] =	stream.indirect_vreg.gather [hbm4b:s3+s2], $0x80, v3, vm0, $0xb8;
	[tilespmem:$0x18100] =	vst v63  }
0x176: {  	s28 =	simm.s32 $0x11D00  }
0x177: {  	[tilespmem:s28], [sflag:$0x2] =	stream.indirect_vreg.gather [hbm4b:s5+s2], $0x80, v3, vm1, $0xb8;
	[tilespmem:$0x18100] =	vst v63  }
0x178: {  	v3 =	vld [tilespmem:$0xC0C0];
	_ =	sdelay $0x4  }
0x179: {  	v60 =	vshrl.u32 v3, $0x3  }
0x17a: {  	v4 =	vmul.u32 $0x18, v60  }
0x17b: {  	v3 =	vand.u32 $0x7, v3  }
0x17c: {  	v3 =	vor.u32 v3, v4  }
0x17d: {  	v4 =	vperm.xlane v3, v0;
	_ =	sdelay $0x1  }
0x17e: {  	v4 =	vadd.s32 v1, v4;
	_ =	sdelay $0x1  }
0x17f: {  	v3 =	vperm.xlane v3, v2;
	_ =	sdelay $0x1  }
0x180: {  	s28 =	simm.s32 $0x12100;
	v3 =	vadd.s32 v1, v3  }
0x181: {  	[tilespmem:s28], [sflag:$0x2] =	stream.indirect_vreg.gather [hbm4b:s3+s2], $0x80, v4, vm0, $0xb8;
	[tilespmem:$0x18100] =	vst v63  }
0x182: {  	s28 =	simm.s32 $0x12900  }
0x183: {  	[tilespmem:s28], [sflag:$0x2] =	stream.indirect_vreg.gather [hbm4b:s5+s2], $0x80, v4, vm1, $0xb8;
	[tilespmem:$0x18100] =	vst v63  }
0x184: {  	s28 =	simm.s32 $0x12D00  }
0x185: {  	[tilespmem:s28], [sflag:$0x2] =	stream.indirect_vreg.gather [hbm4b:s3+s2], $0x80, v3, vm0, $0xb8;
	[tilespmem:$0x18100] =	vst v63  }
0x186: {  	s28 =	simm.s32 $0x13500  }
0x187: {  	[tilespmem:s28], [sflag:$0x2] =	stream.indirect_vreg.gather [hbm4b:s5+s2], $0x80, v3, vm1, $0xb8;
	[tilespmem:$0x18100] =	vst v63  }
0x188: {  	v3 =	vld [tilespmem:$0xC0D0];
	_ =	sdelay $0x4  }
0x189: {  	v61 =	vshrl.u32 v3, $0x3  }
0x18a: {  	v4 =	vmul.u32 $0x18, v61  }
0x18b: {  	v3 =	vand.u32 $0x7, v3  }
0x18c: {  	v3 =	vor.u32 v3, v4  }
0x18d: {  	v4 =	vperm.xlane v3, v0;
	_ =	sdelay $0x1  }
0x18e: {  	v4 =	vadd.s32 v1, v4;
	_ =	sdelay $0x1  }
0x18f: {  	v3 =	vperm.xlane v3, v2;
	_ =	sdelay $0x1  }
0x190: {  	s28 =	simm.s32 $0x13900;
	v3 =	vadd.s32 v1, v3  }
0x191: {  	[tilespmem:s28], [sflag:$0x2] =	stream.indirect_vreg.gather [hbm4b:s3+s2], $0x80, v4, vm0, $0xb8;
	[tilespmem:$0x18100] =	vst v63  }
0x192: {  	s28 =	simm.s32 $0x14100  }
0x193: {  	[tilespmem:s28], [sflag:$0x2] =	stream.indirect_vreg.gather [hbm4b:s5+s2], $0x80, v4, vm1, $0xb8;
	[tilespmem:$0x18100] =	vst v63  }
0x194: {  	s28 =	simm.s32 $0x14500  }
0x195: {  	[tilespmem:s28], [sflag:$0x2] =	stream.indirect_vreg.gather [hbm4b:s3+s2], $0x80, v3, vm0, $0xb8;
	[tilespmem:$0x18100] =	vst v63  }
0x196: {  	s28 =	simm.s32 $0x14D00  }
0x197: {  	[tilespmem:s28], [sflag:$0x2] =	stream.indirect_vreg.gather [hbm4b:s5+s2], $0x80, v3, vm1, $0xb8;
	[tilespmem:$0x18100] =	vst v63  }
0x198: {  	v3 =	vld [tilespmem:$0xC0E0];
	_ =	sdelay $0x4  }
0x199: {  	v62 =	vshrl.u32 v3, $0x3  }
0x19a: {  	v4 =	vmul.u32 $0x18, v62  }
0x19b: {  	v3 =	vand.u32 $0x7, v3  }
0x19c: {  	v3 =	vor.u32 v3, v4  }
0x19d: {  	v4 =	vperm.xlane v3, v0;
	_ =	sdelay $0x1  }
0x19e: {  	v4 =	vadd.s32 v1, v4;
	_ =	sdelay $0x1  }
0x19f: {  	v3 =	vperm.xlane v3, v2;
	_ =	sdelay $0x1  }
0x1a0: {  	s28 =	simm.s32 $0x15100;
	v3 =	vadd.s32 v1, v3  }
0x1a1: {  	[tilespmem:s28], [sflag:$0x2] =	stream.indirect_vreg.gather [hbm4b:s3+s2], $0x80, v4, vm0, $0xb8;
	[tilespmem:$0x18100] =	vst v63  }
0x1a2: {  	s28 =	simm.s32 $0x15900  }
0x1a3: {  	[tilespmem:s28], [sflag:$0x2] =	stream.indirect_vreg.gather [hbm4b:s5+s2], $0x80, v4, vm1, $0xb8;
	[tilespmem:$0x18100] =	vst v63  }
0x1a4: {  	s28 =	simm.s32 $0x15D00  }
0x1a5: {  	[tilespmem:s28], [sflag:$0x2] =	stream.indirect_vreg.gather [hbm4b:s3+s2], $0x80, v3, vm0, $0xb8;
	[tilespmem:$0x18100] =	vst v63  }
0x1a6: {  	s28 =	simm.s32 $0x16500  }
0x1a7: {  	[tilespmem:s28], [sflag:$0x2] =	stream.indirect_vreg.gather [hbm4b:s5+s2], $0x80, v3, vm1, $0xb8;
	[tilespmem:$0x18100] =	vst v63  }
0x1a8: {  	v3 =	vld [tilespmem:$0xC0F0];
	_ =	sdelay $0x4  }
0x1a9: {  	v63 =	vshrl.u32 v3, $0x3  }
0x1aa: {  	v4 =	vmul.u32 $0x18, v63  }
0x1ab: {  	v3 =	vand.u32 $0x7, v3  }
0x1ac: {  	v3 =	vor.u32 v3, v4  }
0x1ad: {  	v4 =	vperm.xlane v3, v0;
	_ =	sdelay $0x1  }
0x1ae: {  	v4 =	vadd.s32 v1, v4;
	_ =	sdelay $0x1  }
0x1af: {  	v3 =	vperm.xlane v3, v2;
	_ =	sdelay $0x1  }
0x1b0: {  	v3 =	vadd.s32 v1, v3  }
0x1b1: {  	[tilespmem:s22], [sflag:$0x2] =	stream.indirect_vreg.gather [hbm4b:s3+s2], $0x80, v4, vm0, $0xb8;
	[tilespmem:$0x18100] =	vst v63  }
0x1b2: {  	_ = 	snop  }
0x1b3: {  	[tilespmem:s20], [sflag:$0x2] =	stream.indirect_vreg.gather [hbm4b:s5+s2], $0x80, v4, vm1, $0xb8;
	[tilespmem:$0x18100] =	vst v63  }
0x1b4: {  	_ = 	snop  }
0x1b5: {  	[tilespmem:s23], [sflag:$0x2] =	stream.indirect_vreg.gather [hbm4b:s3+s2], $0x80, v3, vm0, $0xb8;
	[tilespmem:$0x18100] =	vst v63  }
0x1b6: {  	_ = 	snop  }
0x1b7: {  	[tilespmem:s19], [sflag:$0x2] =	stream.indirect_vreg.gather [hbm4b:s5+s2], $0x80, v3, vm1, $0xb8;
	[tilespmem:$0x18100] =	vst v63  }
.LBB2_6:
.Ltmp7:
0x1b8: {  	(pc) =	sbr.rel @p0 .LBB2_8-.Ltmp7, $1  }
0x1b9: {  	_ =	sdelay $0x3  }
.Ltmp8:
0x1ba: {  	(pc) =	sbr.rel .LBB2_9-.Ltmp8, $4  }
0x1bb: {  	_ =	swait.ge [sflag:s18], $0xC000  }
0x1bc: {  	[sflag:s18] =	ssyncset.done $0x0  }
0x1bd: {  	s28 =	simm.s32 $0x4;
	[sflag:s18] =	ssyncadd.s32 $0xFFFF4000  }
0x1be: {  	[hbm4b:s26+s2] =	stream.linear.scatter [tilespmem:s10], [sflag:$0x4], $0xC000, $0x38;
	[tilespmem:$0x18100] =	vst v63  }
.LBB2_11:
0x1bf: {  	_ =	sfence.sel $0x180000  }
0x1c0: {  	[bflag:$0x0] =	sbarrier.arrive $0xFFFF  }
0x1c1: {  	_ =	strace $0x9000004D  }
0x1c2: {  	s0 =	stileid.u32;
	[bflag:$0x2] =	sbarrier.arrive $0xFFFF  }
0x1c3: {  	p0 =	sne.s32 s0, $0x0;
	s0 =	rddreg [dreg:$0x1]  }
0x1c4: {  	s0 =	sadd.s32 @!p0 $0x100000, s0  }
0x1c5: {  	[sflag:s0] =	ssyncadd.tile.s32 @!p0 $0x1;
	_ =	shalt  }
.Lfunc_end2:
_tile_overlayer_lowered:
.L_overlay_start_2:
0x1c6: {  	(tag) =	ssettag $0x2  }
0x1c7: {  	s0 =	rddreg [dreg:$0x0];
	s2 =	stileid.u32  }
0x1c8: {  	s1 =	rddreg [dreg:$0x1];
	p0 =	sne.s32 s2, $0x0  }
0x1c9: {  	s3 =	rddreg [dreg:$0x2];
	[bflag:$0x3] =	sbarrier.arrive $0xFFFF;
	s2 =	simm.s32 @!p0 $0x1C03  }
0x1ca: {  	[timem:s3], [sflag:s2] =	dma.local @!p0 [hbm:s0], s1  }
0x1cb: {  	s0 =	simm.s32 @!p0 $0x3  }
0x1cc: {  	_ =	swait.ge @!p0 [sflag:s0], s1  }
0x1cd: {  	s1 =	ssub.s32 @!p0 $0x0, s1;
	[sflag:s0] =	ssyncset.done @!p0 $0x0  }
0x1ce: {  	[sflag:s0] =	ssyncadd.s32 @!p0 s1  }
0x1cf: {  	[bflag:$0x3] =	sbarrier.arrive $0xFFFF  }
0x1d0: {  	_ =	shalt  }

// kernel: kernel.46.cloned.1.call-start
scs
__scs_entry_jumppad:
0x0: {  	(pc) =	sbr.rel $0x88, $3  }
0x1: {  	(tag) =	ssettag $0x0;
	lr =	simm.s32 $0x1  }
0x2: {  	[smem:$0x3F8E] =	sst lr;
	_ =	strace $0xD0000000  }
0x3: {  	_ = 	snop  }
0x4: {  	_ = 	snop  }
0x5: {  	_ = 	snop  }
0x6: {  	_ = 	snop  }
0x7: {  	_ = 	snop  }
__scs_overlays_trampoline_lowered:
0x8: {  	[smem:$0x3F9D] =	sst s0  }
0x9: {  	[smem:$0x3F9E] =	sst s1  }
0xa: {  	[smem:$0x3F9F] =	sst s2  }
0xb: {  	[smem:$0x3FA0] =	sst s3  }
0xc: {  	[smem:$0x3FA1] =	sst s4  }
0xd: {  	[smem:$0x3FA2] =	sst s5  }
0xe: {  	[smem:$0x3FA3] =	sst s6  }
0xf: {  	[smem:$0x3FA4] =	sst s7  }
0x10: {  	[smem:$0x3FA5] =	sst s8  }
0x11: {  	[smem:$0x3FA6] =	sst s9;
	s0 =	simm.s32 @!p0 $0x0  }
0x12: {  	s1 =	sld [smem:$0x3F8C];
	s0 =	simm.s32 @p0 $0x1  }
0x13: {  	[smem:$0x3FA7] =	sst s0;
	s0 =	simm.s32 @!p1 $0x0  }
0x14: {  	s2 =	sld [smem:$0x3F8B];
	s0 =	simm.s32 @p1 $0x1  }
0x15: {  	[smem:$0x3FA8] =	sst s0;
	s0 =	simm.s32 @!p2 $0x0  }
0x16: {  	s3 =	sld [smem:$0x3FDB];
	s0 =	simm.s32 @p2 $0x1  }
0x17: {  	s4 =	simm.s32 $0x1BF5;
	[smem:$0x3FAA] =	sst s0  }
0x18: {  	s0 =	sld [smem:$0x3F8D];
	_ =	swait.ge [sflag:s4], $0x0  }
0x19: {  	s7 =	sld [smem:$0x3F8E]  }
0x1a: {  	s8 =	sadd.s32 $0xFFFFE003, lr  }
0x1b: {  	s9 =	sadd.s32 $0xFFFFFEF7, lr;
	s5 =	simm.s32 $0xFFFFFFFF;
	p2 =	slt.u32 s8, $0xFFFFF086  }
0x1c: {  	p1 =	slt.u32 s9, $0xF7A;
	s5 =	simm.s32 @!p2 $0x0  }
0x1d: {  	s5 =	simm.s32 @p1 $0x1;
	p0 =	seq.s32 s7, s2  }
0x1e: {  	s7 =	smul.u32 @!p0 $0xF7A, s2;
	p2 =	seq.s32 @!p0 s5, $0x0  }
0x1f: {  	s9 =	smul.u32 $0xF7A, s1;
	s8 =	simm.s32 @!p0 $0x1BF5;
	p2 =	por !p2, p0  }
0x20: {  	[sflag:s8] =	ssyncset.s32 @!p0 $0xFFFFF086;
	s6 =	sadd.s32 @!p0 s3, s7;
	s7 =	simm.s32 @!p0 $0x108  }
0x21: {  	s3 =	sadd.s32 s3, s9;
	s6 =	sadd.s32 @!p0 $0x88, s6;
	s7 =	simm.s32 @p2 $0x1082  }
0x22: {  	[simem:s7], [sflag:s8] =	dma.local @!p0 [hbm:s6], $0xF7A  }
0x23: {  	s9 =	sor.u32 $0xD0000000, s2;
	s6 =	simm.s32 $0x108;
	_ =	swait.ge @!p0 [sflag:s8], $0x0  }
0x24: {  	s3 =	sadd.s32 $0x88, s3;
	s6 =	simm.s32 @!p1 $0x1082;
	[sflag:s4] =	ssyncset.s32 $0xFFFFF086  }
0x25: {  	[simem:s6], [sflag:s4] =	dma.local [hbm:s3], $0xF7A  }
0x26: {  	[smem:$0x3F8E] =	sst s1;
	(tag) =	ssettag s2;
	_ =	strace s9  }
0x27: {  	s1 =	sld [smem:$0x3F9E]  }
0x28: {  	s2 =	sld [smem:$0x3F9F]  }
0x29: {  	s4 =	sld [smem:$0x3FA1]  }
0x2a: {  	p0 =	seq.s32 s5, $0x0;
	s5 =	sld [smem:$0x3FA2]  }
0x2b: {  	s6 =	sld [smem:$0x3FA3]  }
0x2c: {  	s7 =	sld [smem:$0x3FA4]  }
0x2d: {  	s3 =	simm.s32 $0x108;
	s8 =	sld [smem:$0x3FA5]  }
0x2e: {  	s3 =	simm.s32 @!p0 $0x1082;
	s9 =	sld [smem:$0x3FA6]  }
0x2f: {  	lr =	sadd.s32 s0, s3;
	s0 =	sld [smem:$0x3F9D]  }
0x30: {  	s3 =	sld [smem:$0x3FA0]  }
0x31: {  	[smem:$0x3FA9] =	sst s10  }
0x32: {  	s10 =	sld [smem:$0x3FA7];
	_ =	sdelay $0x3  }
0x33: {  	p0 =	seq.s32 s10, $0x1;
	s10 =	sld [smem:$0x3FA9];
	_ =	sdelay $0x3  }
0x34: {  	[smem:$0x3FA9] =	sst s10  }
0x35: {  	s10 =	sld [smem:$0x3FA8];
	_ =	sdelay $0x3  }
0x36: {  	p1 =	seq.s32 s10, $0x1;
	s10 =	sld [smem:$0x3FA9];
	_ =	sdelay $0x3  }
0x37: {  	[smem:$0x3FA9] =	sst s10  }
0x38: {  	s10 =	sld [smem:$0x3FAA]  }
0x39: {  	_ = 	snop;
	(pc) =	sbr.ind lr, $3  }
0x3a: {  	_ = 	snop  }
0x3b: {  	_ = 	snop  }
0x3c: {  	p2 =	seq.s32 s10, $0x1;
	s10 =	sld [smem:$0x3FA9]  }
0x3d: {  	_ =	shalt  }
0x3e: {  	_ =	shalt  }
0x3f: {  	_ =	shalt  }
0x40: {  	_ =	shalt  }
0x41: {  	_ =	shalt  }
0x42: {  	_ =	shalt  }
0x43: {  	_ =	shalt  }
0x44: {  	_ =	shalt  }
0x45: {  	_ =	shalt  }
0x46: {  	_ =	shalt  }
0x47: {  	_ =	shalt  }
0x48: {  	_ =	shalt  }
0x49: {  	_ =	shalt  }
0x4a: {  	_ =	shalt  }
0x4b: {  	_ =	shalt  }
0x4c: {  	_ =	shalt  }
0x4d: {  	_ =	shalt  }
0x4e: {  	_ =	shalt  }
0x4f: {  	_ =	shalt  }
0x50: {  	_ =	shalt  }
0x51: {  	_ =	shalt  }
0x52: {  	_ =	shalt  }
0x53: {  	_ =	shalt  }
0x54: {  	_ =	shalt  }
0x55: {  	_ =	shalt  }
0x56: {  	_ =	shalt  }
0x57: {  	_ =	shalt  }
0x58: {  	_ =	shalt  }
0x59: {  	_ =	shalt  }
0x5a: {  	_ =	shalt  }
0x5b: {  	_ =	shalt  }
0x5c: {  	_ =	shalt  }
0x5d: {  	_ =	shalt  }
0x5e: {  	_ =	shalt  }
0x5f: {  	_ =	shalt  }
0x60: {  	_ =	shalt  }
0x61: {  	_ =	shalt  }
0x62: {  	_ =	shalt  }
0x63: {  	_ =	shalt  }
0x64: {  	_ =	shalt  }
0x65: {  	_ =	shalt  }
0x66: {  	_ =	shalt  }
0x67: {  	_ =	shalt  }
0x68: {  	_ =	shalt  }
0x69: {  	_ =	shalt  }
0x6a: {  	_ =	shalt  }
0x6b: {  	_ =	shalt  }
0x6c: {  	_ =	shalt  }
0x6d: {  	_ =	shalt  }
0x6e: {  	_ =	shalt  }
0x6f: {  	_ =	shalt  }
0x70: {  	_ =	shalt  }
0x71: {  	_ =	shalt  }
0x72: {  	_ =	shalt  }
0x73: {  	_ =	shalt  }
0x74: {  	_ =	shalt  }
0x75: {  	_ =	shalt  }
0x76: {  	_ =	shalt  }
0x77: {  	_ =	shalt  }
0x78: {  	_ =	shalt  }
0x79: {  	_ =	shalt  }
0x7a: {  	_ =	shalt  }
0x7b: {  	_ =	shalt  }
0x7c: {  	_ =	shalt  }
0x7d: {  	_ =	shalt  }
0x7e: {  	_ =	shalt  }
0x7f: {  	_ =	shalt  }
0x80: {  	_ =	shalt  }
0x81: {  	_ =	shalt  }
0x82: {  	_ =	shalt  }
0x83: {  	_ =	shalt  }
0x84: {  	_ =	shalt  }
0x85: {  	_ =	shalt  }
0x86: {  	_ =	shalt  }
0x87: {  	_ =	shalt  }
.Lfunc_end0:
.L_simem_size_0:
called_computation.3_lowered:
.L_overlay_start_0:
0x88: {  	s2 =	sld [smem:$0x3FD9]  }
0x89: {  	s3 =	sld [smem:$0x3FFE];
	_ =	sdelay $0x1  }
0x8a: {  	s1 =	srdreg.scid  }
0x8b: {  	s0 =	sand.u32 $0x1, s1  }
0x8c: {  	s16 =	sshll.u32 s0, $0xA;
	s2 =	sadd.s32 s3, s2  }
0x8d: {  	s2 =	sadd.s32 s2, s16  }
0x8e: {  	[smem:$0x3FB5] =	sst s2  }
0x8f: {  	_ = 	snop  }
0x90: {  	(tm) =	ssettm $0x1  }
0x91: {  	s17 =	sld [smem:$0x3FFB];
	_ =	sdelay $0x3  }
0x92: {  	_ =	strace s17  }
0x93: {  	s2 =	sld [smem:$0x3FFC];
	_ =	sdelay $0x3  }
0x94: {  	_ =	strace s2  }
0x95: {  	s2 =	sld [smem:$0x3FFD];
	_ =	sdelay $0x3  }
0x96: {  	_ =	strace s2  }
0x97: {  	_ =	strace $0x8FFFFFFF  }
0x98: {  	s18 =	sld [smem:$0x3FDB];
	_ =	sdelay $0x1  }
0x99: {  	s19 =	simm.s32 $_scs_section_size  }
0x9a: {  	s4 =	simm.s32 $_size__tile_overlayer_lowered;
	s5 =	simm.s32 $_tile_overlayer_lowered  }
0x9b: {  	s22 =	simm.s32 $0x1BFF;
	s21 =	sshll.u32 s5, $0x1;
	s2 =	sadd.s32 s19, s18  }
0x9c: {  	s6 =	simm.s32 $0x0;
	s20 =	sshll.u32 s4, $0x1;
	s4 =	sadd.s32 s21, s2  }
0x9d: {  	[timem:s6], [sflag:s22] =	dma.local [hbm:s4], s20  }
0x9e: {  	_ =	swait.ge [sflag:s22], s20  }
0x9f: {  	s3 =	ssub.s32 $0x0, s20;
	[sflag:s22] =	ssyncset.done $0x0  }
0xa0: {  	[sflag:s22] =	ssyncadd.s32 s3;
	_ =	sdelay $0x1  }
0xa1: {  	s23 =	simm.s32 $0x1B8B  }
0xa2: {  	_ =	swait.ge [sflag:s23], $0x1  }
0xa3: {  	[sflag:s23] =	ssyncset.done $0x0  }
0xa4: {  	s25 =	simm.s32 $0x1B8E;
	s24 =	sld [smem:$0x3FFE];
	[sflag:s23] =	ssyncadd.s32 $0xFFFFFFFF  }
0xa5: {  	s26 =	simm.s32 $execute0_lowered;
	[smem:$0x3FD2] =	sst s25  }
0xa6: {  	s4 =	sshll.u32 s26, $0x1;
	_ =	strace $0x8000004F;
	[dreg:$0x1] =	wrdreg $0xFFFFFFFF  }
0xa7: {  	s28 =	simm.s32 $_size_execute0_lowered;
	s2 =	sadd.s32 s2, s4;
	[dreg:$0x0] =	wrdreg $0x0  }
0xa8: {  	s4 =	sshll.u32 s28, $0x1;
	[dreg:$0x2] =	wrdreg s2  }
0xa9: {  	[dreg:$0x3] =	wrdreg s4  }
0xaa: {  	[dreg:$0x4] =	wrdreg $0xC0  }
0xab: {  	_ =	task [dreg:s6], $0x5FFFF  }
0xac: {  	[dreg:$0x1] =	wrdreg $0xFFFFFFFF  }
0xad: {  	[dreg:$0x0] =	wrdreg $0x60  }
0xae: {  	[dreg:$0x2] =	wrdreg s24  }
0xaf: {  	[dreg:$0x3] =	wrdreg $0x9  }
0xb0: {  	_ =	task.clear_ibuf [dreg:s6], $0x4FFFF;
	_ =	strace $0x9000004F  }
0xb1: {  	s29 =	simm.s32 $0x9;
	_ =	strace $0x80000051  }
0xb2: {  	_ =	swait.ge [sflag:s29], $0x1  }
0xb3: {  	[sflag:s29] =	ssyncadd.s32 $0xFFFFFFFF  }
0xb4: {  	_ =	strace $0x90000051  }
0xb5: {  	_ =	sfence  }
0xb6: {  	s30 =	sld [smem:$0x0];
	_ =	sdelay $0x2  }
0xb7: {  	s31 =	sshll.u32 s1, $0xD;
	s1 =	sshrl.u32 s1, $0x2  }
0xb8: {  	s3 =	sand.u32 $0x4000, s31;
	s1 =	sadd.s32 s1, s30  }
0xb9: {  	s0 =	sor.u32 s3, s0;
	s1 =	sshll.u32 s1, $0x11  }
0xba: {  	s0 =	sor.u32 s1, s0  }
0xbb: {  	s0 =	sadd.s32 $0x8F2B, s0  }
0xbc: {  	[sflag:s0] =	ssyncadd.remote.s32 $0x1  }
0xbd: {  	_ =	sfence.sel $0xFFFF  }
0xbe: {  	[dreg:$0x0] =	wrdreg $0xFFFFFFFF;
	(pc) =	sbr.abs _section_cstart, $3  }
0xbf: {  	[dreg:$0x1] =	wrdreg $0xFFFFFFFF  }
0xc0: {  	_ =	task.clear_ibuf [dreg:s6], $0x2FFFF;
	_ =	strace $0x9FFFFFFF  }
0xc1: {  	(tm) =	ssettm $0x7FFFFFFF  }
tec
execute0_lowered:
.L_overlay_start_1:
0x0: {  	(tag) =	ssettag $0x1  }
0x1: {  	s0 =	rddreg [dreg:$0x0];
	s2 =	simm.s32 $0x0  }
0x2: {  	s1 =	srdreg.scid;
	s7 =	stileid.u32;
	s12 =	simm.s32 $0x80  }
0x3: {  	s18 =	simm.s32 $0x3080;
	s19 =	simm.s32 $0x3880;
	s28 =	simm.s32 $0x7880  }
0x4: {  	s29 =	simm.s32 $0x2;
	s30 =	simm.s32 $0x8100;
	s31 =	simm.s32 $0x4  }
0x5: {  	s13 =	simm.s32 $0xE900;
	s14 =	simm.s32 $0xF900;
	s15 =	simm.s32 $0x0  }
0x6: {  	[smem:$0x7FF] =	sst s2;
	s1 =	sand.u32 $0x1, s1;
	s3 =	sadd.s32 $0xFBA00, s0  }
0x7: {  	s4 =	sshll.u32 s7, $0xA;
	s8 =	sadd.s32 $0x3FE00, s0;
	s20 =	sshll.u32 s7, $0x11  }
0x8: {  	s7 =	sadd.s32 $0xFBD00, s0;
	_ =	strace $0x80000050;
	s5 =	sshll.u32 s1, $0x9  }
0x9: {  	s6 =	ssub.s32 $0x2, s1;
	s10 =	sadd.s32 s20, s0;
	s1 =	sshll.u32 s1, $0x10  }
0xa: {  	s20 =	simm.s32 $0x4080;
	s4 =	sor.u32 s5, s4;
	s21 =	sshrl.u32 s6, $0x1  }
0xb: {  	s5 =	sadd.s32 $0xFBB00, s0;
	s23 =	sadd.s32 s1, s10;
	s10 =	simm.s32 $0xD100  }
0xc: {  	s1 =	simm.s32 $0xE100;
	s9 =	sshrl.u32 s4, $0x3;
	s11 =	ssub.s32 s6, s21  }
0xd: {  	s6 =	sadd.s32 $0xFBC00, s0;
	s24 =	sor.u32 $0x20, s4;
	s0 =	sadd.s32 $0x10BA00, s23  }
0xe: {  	s21 =	simm.s32 $0x4880;
	s23 =	simm.s32 $0x5880;
	s4 =	simm.s32 $0xF100  }
.Ltmp0:
0xf: {  	s22 =	sadd.s32 s8, s9;
	[dreg:$0x4] =	wrdreg s0;
	(pc) =	sbr.rel .LBB2_1-.Ltmp0, $4  }
0x10: {  	s25 =	smax.u32 s11, $0x1;
	s26 =	sshrl.u32 s24, $0x3;
	[dreg:$0x2] =	wrdreg s22  }
0x11: {  	v2 =	vlaneseq.u32;
	s24 =	simm.s32 $0x6080;
	s11 =	simm.s32 $0xD900;
	[dreg:$0x3] =	wrdreg s25  }
0x12: {  	vm0 =	vmmov $0xffff;
	v1 =	vshrl.u32 v2, $0x3;
	s0 =	sadd.s32 s26, s8;
	s22 =	simm.s32 $0x5080;
	s25 =	simm.s32 $0x6880  }
0x13: {  	v0 =	vand.u32 $0x7, v2;
	v2 =	vor.u32 $0x8, v2;
	v1 =	vmul.u32 $0x8, v1;
	s26 =	simm.s32 $0x7080;
	[dreg:$0x5] =	wrdreg s0;
	s0 =	simm.s32 $0x1  }
.LBB2_10:
0x14: {  	s15 =	sadd.s32 $0x1, s15;
	s8 =	rddreg [dreg:$0x3]  }
0x15: {  	p0 =	sne.s32 s15, s8  }
.Ltmp1:
0x16: {  	_ = 	snop;
	(pc) =	sbr.rel @!p0 .LBB2_11-.Ltmp1, $1  }
0x17: {  	_ =	sdelay $0x3  }
.LBB2_1:
0x18: {  	s8 =	rddreg [dreg:$0x2];
	s9 =	simm.s32 $0x3  }
0x19: {  	[tilespmem:s2], [sflag:$0x3] =	stream.linear.gather [hbm4b:s8+s2], $0x20, $0x38;
	[tilespmem:$0x10100] =	vst v63  }
0x1a: {  	_ =	swait.ge [sflag:s9], $0x20  }
0x1b: {  	[sflag:s9] =	ssyncset.done $0x0  }
0x1c: {  	[sflag:s9] =	ssyncadd.s32 $0xFFFFFFE0  }
0x1d: {  	v3 =	vld [tilespmem:$0x0];
	_ =	sdelay $0x4  }
0x1e: {  	v4 =	vshll.u32 v3, $0x3  }
0x1f: {  	v3 =	vand.u32 $0x7, v3;
	v4 =	vand.u32 $0xFFFFFFC0, v4  }
0x20: {  	v3 =	vor.u32 v3, v4  }
0x21: {  	v4 =	vperm.xlane v3, v0;
	_ =	sdelay $0x1  }
0x22: {  	v4 =	vadd.s32 v1, v4;
	_ =	sdelay $0x4  }
0x23: {  	[tilespmem:s12], [sflag:$0x1] =	stream.indirect_vreg.gather [hbm4b:s3+s2], $0x80, v4, vm0, $0xb8;
	[tilespmem:$0x10100] =	vst v63  }
0x24: {  	s16 =	simm.s32 $0x880;
	v3 =	vperm.xlane v3, v2  }
0x25: {  	[tilespmem:s16], [sflag:$0x1] =	stream.indirect_vreg.gather [hbm4b:s5+s2], $0x80, v4, vm0, $0xb8;
	[tilespmem:$0x10100] =	vst v63  }
0x26: {  	s17 =	simm.s32 $0x1080;
	v3 =	vadd.s32 v1, v3  }
0x27: {  	[tilespmem:s17], [sflag:$0x1] =	stream.indirect_vreg.gather [hbm4b:s6+s2], $0x80, v4, vm0, $0xb8;
	[tilespmem:$0x10100] =	vst v63  }
0x28: {  	s9 =	simm.s32 $0x1880  }
0x29: {  	[tilespmem:s9], [sflag:$0x1] =	stream.indirect_vreg.gather [hbm4b:s7+s2], $0x80, v4, vm0, $0xb8;
	[tilespmem:$0x10100] =	vst v63  }
0x2a: {  	s16 =	simm.s32 $0x2080  }
0x2b: {  	[tilespmem:s16], [sflag:$0x1] =	stream.indirect_vreg.gather [hbm4b:s3+s2], $0x80, v3, vm0, $0xb8;
	[tilespmem:$0x10100] =	vst v63  }
0x2c: {  	s17 =	simm.s32 $0x2880  }
0x2d: {  	[tilespmem:s17], [sflag:$0x1] =	stream.indirect_vreg.gather [hbm4b:s5+s2], $0x80, v3, vm0, $0xb8;
	[tilespmem:$0x10100] =	vst v63  }
0x2e: {  	_ = 	snop  }
0x2f: {  	[tilespmem:s18], [sflag:$0x1] =	stream.indirect_vreg.gather [hbm4b:s6+s2], $0x80, v3, vm0, $0xb8;
	[tilespmem:$0x10100] =	vst v63  }
0x30: {  	_ = 	snop  }
0x31: {  	[tilespmem:s19], [sflag:$0x1] =	stream.indirect_vreg.gather [hbm4b:s7+s2], $0x80, v3, vm0, $0xb8;
	[tilespmem:$0x10100] =	vst v63  }
0x32: {  	v3 =	vld [tilespmem:$0x10];
	_ =	sdelay $0x4  }
0x33: {  	v63 =	vshll.u32 v3, $0x3  }
0x34: {  	v3 =	vand.u32 $0x7, v3;
	v4 =	vand.u32 $0xFFFFFFC0, v63  }
0x35: {  	v3 =	vor.u32 v3, v4  }
0x36: {  	v4 =	vperm.xlane v3, v0;
	_ =	sdelay $0x1  }
0x37: {  	v4 =	vadd.s32 v1, v4;
	_ =	sdelay $0x4  }
0x38: {  	[tilespmem:s20], [sflag:$0x1] =	stream.indirect_vreg.gather [hbm4b:s3+s2], $0x80, v4, vm0, $0xb8;
	[tilespmem:$0x10100] =	vst v63  }
0x39: {  	v3 =	vperm.xlane v3, v2  }
0x3a: {  	[tilespmem:s21], [sflag:$0x1] =	stream.indirect_vreg.gather [hbm4b:s5+s2], $0x80, v4, vm0, $0xb8;
	[tilespmem:$0x10100] =	vst v63  }
0x3b: {  	v3 =	vadd.s32 v1, v3  }
0x3c: {  	[tilespmem:s22], [sflag:$0x1] =	stream.indirect_vreg.gather [hbm4b:s6+s2], $0x80, v4, vm0, $0xb8;
	[tilespmem:$0x10100] =	vst v63  }
0x3d: {  	_ = 	snop  }
0x3e: {  	[tilespmem:s23], [sflag:$0x1] =	stream.indirect_vreg.gather [hbm4b:s7+s2], $0x80, v4, vm0, $0xb8;
	[tilespmem:$0x10100] =	vst v63  }
0x3f: {  	_ = 	snop  }
0x40: {  	[tilespmem:s24], [sflag:$0x1] =	stream.indirect_vreg.gather [hbm4b:s3+s2], $0x80, v3, vm0, $0xb8;
	[tilespmem:$0x10100] =	vst v63  }
0x41: {  	_ = 	snop  }
0x42: {  	[tilespmem:s25], [sflag:$0x1] =	stream.indirect_vreg.gather [hbm4b:s5+s2], $0x80, v3, vm0, $0xb8;
	[tilespmem:$0x10100] =	vst v63  }
.Ltmp2:
0x43: {  	_ = 	snop;
	(pc) =	sbr.rel .LBB2_2-.Ltmp2, $4  }
0x44: {  	s8 =	rddreg [dreg:$0x4]  }
0x45: {  	[tilespmem:s26], [sflag:$0x1] =	stream.indirect_vreg.gather [hbm4b:s6+s2], $0x80, v3, vm0, $0xb8;
	[tilespmem:$0x10100] =	vst v63  }
0x46: {  	s16 =	rddreg [dreg:$0x5];
	s17 =	simm.s32 $0x0  }
0x47: {  	[tilespmem:s28], [sflag:$0x1] =	stream.indirect_vreg.gather [hbm4b:s7+s2], $0x80, v3, vm0, $0xb8;
	[tilespmem:$0x10100] =	vst v63  }
.LBB2_8:
0x48: {  	_ =	swait.ge [sflag:s29], $0x8000  }
0x49: {  	[sflag:s29] =	ssyncset.done $0x0  }
0x4a: {  	s9 =	simm.s32 $0x3;
	[sflag:s29] =	ssyncadd.s32 $0xFFFF8000  }
0x4b: {  	[hbm4b:s8+s2] =	stream.linear.scatter [tilespmem:s30], [sflag:$0x3], $0x8000, $0x38;
	[tilespmem:$0x10100] =	vst v63  }
.LBB2_9:
0x4c: {  	s17 =	sadd.s32 $0x1, s17  }
0x4d: {  	p0 =	sne.s32 s17, $0x10  }
.Ltmp3:
0x4e: {  	_ = 	snop;
	(pc) =	sbr.rel @!p0 .LBB2_10-.Ltmp3, $4  }
0x4f: {  	_ = 	snop  }
0x50: {  	_ =	swait.ge [sflag:s9], $0x8000  }
0x51: {  	[sflag:s9] =	ssyncset.done $0x0  }
0x52: {  	s8 =	sadd.s32 $0x1000, s8;
	s16 =	sadd.s32 $0x4, s16;
	[sflag:s9] =	ssyncadd.s32 $0xFFFF8000  }
.LBB2_2:
0x53: {  	p0 =	seq.s32 s17, $0xF  }
.Ltmp4:
0x54: {  	_ = 	snop;
	(pc) =	sbr.rel @p0 .LBB2_8-.Ltmp4, $1  }
0x55: {  	_ =	sdelay $0x3  }
0x56: {  	s9 =	sand.u32 $0x1, s17  }
0x57: {  	p0 =	seq.s32 s9, $0x1  }
.Ltmp5:
0x58: {  	_ = 	snop;
	(pc) =	sbr.rel @!p0 .LBB2_4-.Ltmp5, $1  }
0x59: {  	_ =	sdelay $0x3  }
0x5a: {  	[tilespmem:s2], [sflag:$0x4] =	stream.linear.gather [hbm4b:s16+s2], $0x20, $0x38;
	[tilespmem:$0x10100] =	vst v63  }
0x5b: {  	_ =	swait.ge [sflag:s31], $0x20  }
0x5c: {  	[sflag:s31] =	ssyncset.done $0x0  }
0x5d: {  	[sflag:s31] =	ssyncadd.s32 $0xFFFFFFE0  }
0x5e: {  	v3 =	vld [tilespmem:$0x0];
	_ =	sdelay $0x4  }
0x5f: {  	v4 =	vshll.u32 v3, $0x3  }
0x60: {  	v3 =	vand.u32 $0x7, v3;
	v4 =	vand.u32 $0xFFFFFFC0, v4  }
0x61: {  	v3 =	vor.u32 v3, v4  }
0x62: {  	v4 =	vperm.xlane v3, v0;
	_ =	sdelay $0x1  }
0x63: {  	v4 =	vadd.s32 v1, v4;
	_ =	sdelay $0x4  }
0x64: {  	[tilespmem:s12], [sflag:$0x1] =	stream.indirect_vreg.gather [hbm4b:s3+s2], $0x80, v4, vm0, $0xb8;
	[tilespmem:$0x10100] =	vst v63  }
0x65: {  	s9 =	simm.s32 $0x880;
	v3 =	vperm.xlane v3, v2  }
0x66: {  	[tilespmem:s9], [sflag:$0x1] =	stream.indirect_vreg.gather [hbm4b:s5+s2], $0x80, v4, vm0, $0xb8;
	[tilespmem:$0x10100] =	vst v63  }
0x67: {  	v3 =	vadd.s32 v1, v3;
	s9 =	simm.s32 $0x1080  }
0x68: {  	[tilespmem:s9], [sflag:$0x1] =	stream.indirect_vreg.gather [hbm4b:s6+s2], $0x80, v4, vm0, $0xb8;
	[tilespmem:$0x10100] =	vst v63  }
0x69: {  	s9 =	simm.s32 $0x1880  }
0x6a: {  	[tilespmem:s9], [sflag:$0x1] =	stream.indirect_vreg.gather [hbm4b:s7+s2], $0x80, v4, vm0, $0xb8;
	[tilespmem:$0x10100] =	vst v63  }
0x6b: {  	s9 =	simm.s32 $0x2080  }
0x6c: {  	[tilespmem:s9], [sflag:$0x1] =	stream.indirect_vreg.gather [hbm4b:s3+s2], $0x80, v3, vm0, $0xb8;
	[tilespmem:$0x10100] =	vst v63  }
0x6d: {  	s9 =	simm.s32 $0x2880  }
0x6e: {  	[tilespmem:s9], [sflag:$0x1] =	stream.indirect_vreg.gather [hbm4b:s5+s2], $0x80, v3, vm0, $0xb8;
	[tilespmem:$0x10100] =	vst v63  }
0x6f: {  	_ = 	snop  }
0x70: {  	[tilespmem:s18], [sflag:$0x1] =	stream.indirect_vreg.gather [hbm4b:s6+s2], $0x80, v3, vm0, $0xb8;
	[tilespmem:$0x10100] =	vst v63  }
0x71: {  	_ = 	snop  }
0x72: {  	[tilespmem:s19], [sflag:$0x1] =	stream.indirect_vreg.gather [hbm4b:s7+s2], $0x80, v3, vm0, $0xb8;
	[tilespmem:$0x10100] =	vst v63  }
0x73: {  	v3 =	vld [tilespmem:$0x10];
	_ =	sdelay $0x4  }
0x74: {  	v63 =	vshll.u32 v3, $0x3  }
0x75: {  	v3 =	vand.u32 $0x7, v3;
	v4 =	vand.u32 $0xFFFFFFC0, v63  }
0x76: {  	v3 =	vor.u32 v3, v4  }
0x77: {  	v4 =	vperm.xlane v3, v0;
	_ =	sdelay $0x1  }
0x78: {  	v4 =	vadd.s32 v1, v4;
	_ =	sdelay $0x4  }
0x79: {  	[tilespmem:s20], [sflag:$0x1] =	stream.indirect_vreg.gather [hbm4b:s3+s2], $0x80, v4, vm0, $0xb8;
	[tilespmem:$0x10100] =	vst v63  }
0x7a: {  	v3 =	vperm.xlane v3, v2  }
0x7b: {  	[tilespmem:s21], [sflag:$0x1] =	stream.indirect_vreg.gather [hbm4b:s5+s2], $0x80, v4, vm0, $0xb8;
	[tilespmem:$0x10100] =	vst v63  }
0x7c: {  	v3 =	vadd.s32 v1, v3  }
0x7d: {  	[tilespmem:s22], [sflag:$0x1] =	stream.indirect_vreg.gather [hbm4b:s6+s2], $0x80, v4, vm0, $0xb8;
	[tilespmem:$0x10100] =	vst v63  }
0x7e: {  	_ = 	snop  }
0x7f: {  	[tilespmem:s23], [sflag:$0x1] =	stream.indirect_vreg.gather [hbm4b:s7+s2], $0x80, v4, vm0, $0xb8;
	[tilespmem:$0x10100] =	vst v63  }
0x80: {  	_ = 	snop  }
0x81: {  	[tilespmem:s24], [sflag:$0x1] =	stream.indirect_vreg.gather [hbm4b:s3+s2], $0x80, v3, vm0, $0xb8;
	[tilespmem:$0x10100] =	vst v63  }
0x82: {  	_ = 	snop  }
0x83: {  	[tilespmem:s25], [sflag:$0x1] =	stream.indirect_vreg.gather [hbm4b:s5+s2], $0x80, v3, vm0, $0xb8;
	[tilespmem:$0x10100] =	vst v63  }
.Ltmp6:
0x84: {  	_ = 	snop;
	(pc) =	sbr.rel .LBB2_6-.Ltmp6, $4  }
0x85: {  	_ = 	snop  }
0x86: {  	[tilespmem:s26], [sflag:$0x1] =	stream.indirect_vreg.gather [hbm4b:s6+s2], $0x80, v3, vm0, $0xb8;
	[tilespmem:$0x10100] =	vst v63  }
0x87: {  	_ = 	snop  }
0x88: {  	[tilespmem:s28], [sflag:$0x1] =	stream.indirect_vreg.gather [hbm4b:s7+s2], $0x80, v3, vm0, $0xb8;
	[tilespmem:$0x10100] =	vst v63  }
.LBB2_4:
0x89: {  	s9 =	simm.s32 $0x8080  }
0x8a: {  	[tilespmem:s9], [sflag:$0x4] =	stream.linear.gather [hbm4b:s16+s2], $0x20, $0x38;
	[tilespmem:$0x10100] =	vst v63  }
0x8b: {  	_ =	swait.ge [sflag:s31], $0x20  }
0x8c: {  	[sflag:s31] =	ssyncset.done $0x0  }
0x8d: {  	[sflag:s31] =	ssyncadd.s32 $0xFFFFFFE0  }
0x8e: {  	v3 =	vld [tilespmem:$0x8080];
	_ =	sdelay $0x4  }
0x8f: {  	v4 =	vshll.u32 v3, $0x3  }
0x90: {  	v3 =	vand.u32 $0x7, v3;
	v4 =	vand.u32 $0xFFFFFFC0, v4  }
0x91: {  	v3 =	vor.u32 v3, v4  }
0x92: {  	v4 =	vperm.xlane v3, v0;
	_ =	sdelay $0x1  }
0x93: {  	v4 =	vadd.s32 v1, v4;
	_ =	sdelay $0x4  }
0x94: {  	[tilespmem:s30], [sflag:$0x2] =	stream.indirect_vreg.gather [hbm4b:s3+s2], $0x80, v4, vm0, $0xb8;
	[tilespmem:$0x10100] =	vst v63  }
0x95: {  	s9 =	simm.s32 $0x8900;
	v3 =	vperm.xlane v3, v2  }
0x96: {  	[tilespmem:s9], [sflag:$0x2] =	stream.indirect_vreg.gather [hbm4b:s5+s2], $0x80, v4, vm0, $0xb8;
	[tilespmem:$0x10100] =	vst v63  }
0x97: {  	v3 =	vadd.s32 v1, v3;
	s9 =	simm.s32 $0x9100  }
0x98: {  	[tilespmem:s9], [sflag:$0x2] =	stream.indirect_vreg.gather [hbm4b:s6+s2], $0x80, v4, vm0, $0xb8;
	[tilespmem:$0x10100] =	vst v63  }
0x99: {  	s9 =	simm.s32 $0x9900  }
0x9a: {  	[tilespmem:s9], [sflag:$0x2] =	stream.indirect_vreg.gather [hbm4b:s7+s2], $0x80, v4, vm0, $0xb8;
	[tilespmem:$0x10100] =	vst v63  }
0x9b: {  	s9 =	simm.s32 $0xA100  }
0x9c: {  	[tilespmem:s9], [sflag:$0x2] =	stream.indirect_vreg.gather [hbm4b:s3+s2], $0x80, v3, vm0, $0xb8;
	[tilespmem:$0x10100] =	vst v63  }
0x9d: {  	s9 =	simm.s32 $0xA900  }
0x9e: {  	[tilespmem:s9], [sflag:$0x2] =	stream.indirect_vreg.gather [hbm4b:s5+s2], $0x80, v3, vm0, $0xb8;
	[tilespmem:$0x10100] =	vst v63  }
0x9f: {  	s9 =	simm.s32 $0xB100  }
0xa0: {  	[tilespmem:s9], [sflag:$0x2] =	stream.indirect_vreg.gather [hbm4b:s6+s2], $0x80, v3, vm0, $0xb8;
	[tilespmem:$0x10100] =	vst v63  }
0xa1: {  	s9 =	simm.s32 $0xB900  }
0xa2: {  	[tilespmem:s9], [sflag:$0x2] =	stream.indirect_vreg.gather [hbm4b:s7+s2], $0x80, v3, vm0, $0xb8;
	[tilespmem:$0x10100] =	vst v63  }
0xa3: {  	v3 =	vld [tilespmem:$0x8090];
	_ =	sdelay $0x4  }
0xa4: {  	v63 =	vshll.u32 v3, $0x3  }
0xa5: {  	v3 =	vand.u32 $0x7, v3;
	v4 =	vand.u32 $0xFFFFFFC0, v63  }
0xa6: {  	v3 =	vor.u32 v3, v4  }
0xa7: {  	v4 =	vperm.xlane v3, v0;
	_ =	sdelay $0x1  }
0xa8: {  	v4 =	vadd.s32 v1, v4;
	_ =	sdelay $0x3  }
0xa9: {  	s9 =	simm.s32 $0xC100  }
0xaa: {  	[tilespmem:s9], [sflag:$0x2] =	stream.indirect_vreg.gather [hbm4b:s3+s2], $0x80, v4, vm0, $0xb8;
	[tilespmem:$0x10100] =	vst v63  }
0xab: {  	v3 =	vperm.xlane v3, v2;
	s9 =	simm.s32 $0xC900  }
0xac: {  	[tilespmem:s9], [sflag:$0x2] =	stream.indirect_vreg.gather [hbm4b:s5+s2], $0x80, v4, vm0, $0xb8;
	[tilespmem:$0x10100] =	vst v63  }
0xad: {  	v3 =	vadd.s32 v1, v3  }
0xae: {  	[tilespmem:s10], [sflag:$0x2] =	stream.indirect_vreg.gather [hbm4b:s6+s2], $0x80, v4, vm0, $0xb8;
	[tilespmem:$0x10100] =	vst v63  }
0xaf: {  	_ = 	snop  }
0xb0: {  	[tilespmem:s11], [sflag:$0x2] =	stream.indirect_vreg.gather [hbm4b:s7+s2], $0x80, v4, vm0, $0xb8;
	[tilespmem:$0x10100] =	vst v63  }
0xb1: {  	_ = 	snop  }
0xb2: {  	[tilespmem:s1], [sflag:$0x2] =	stream.indirect_vreg.gather [hbm4b:s3+s2], $0x80, v3, vm0, $0xb8;
	[tilespmem:$0x10100] =	vst v63  }
0xb3: {  	_ = 	snop  }
0xb4: {  	[tilespmem:s13], [sflag:$0x2] =	stream.indirect_vreg.gather [hbm4b:s5+s2], $0x80, v3, vm0, $0xb8;
	[tilespmem:$0x10100] =	vst v63  }
0xb5: {  	_ = 	snop  }
0xb6: {  	[tilespmem:s4], [sflag:$0x2] =	stream.indirect_vreg.gather [hbm4b:s6+s2], $0x80, v3, vm0, $0xb8;
	[tilespmem:$0x10100] =	vst v63  }
0xb7: {  	_ = 	snop  }
0xb8: {  	[tilespmem:s14], [sflag:$0x2] =	stream.indirect_vreg.gather [hbm4b:s7+s2], $0x80, v3, vm0, $0xb8;
	[tilespmem:$0x10100] =	vst v63  }
.LBB2_6:
.Ltmp7:
0xb9: {  	(pc) =	sbr.rel @p0 .LBB2_8-.Ltmp7, $1  }
0xba: {  	_ =	sdelay $0x3  }
.Ltmp8:
0xbb: {  	(pc) =	sbr.rel .LBB2_9-.Ltmp8, $4  }
0xbc: {  	_ =	swait.ge [sflag:s0], $0x8000  }
0xbd: {  	[sflag:s0] =	ssyncset.done $0x0  }
0xbe: {  	s9 =	simm.s32 $0x4;
	[sflag:s0] =	ssyncadd.s32 $0xFFFF8000  }
0xbf: {  	[hbm4b:s8+s2] =	stream.linear.scatter [tilespmem:s12], [sflag:$0x4], $0x8000, $0x38;
	[tilespmem:$0x10100] =	vst v63  }
.LBB2_11:
0xc0: {  	_ =	sfence.sel $0x180000  }
0xc1: {  	[bflag:$0x0] =	sbarrier.arrive $0xFFFF  }
0xc2: {  	_ =	strace $0x90000050  }
0xc3: {  	s0 =	stileid.u32;
	[bflag:$0x2] =	sbarrier.arrive $0xFFFF  }
0xc4: {  	p0 =	sne.s32 s0, $0x0;
	s0 =	rddreg [dreg:$0x1]  }
0xc5: {  	s0 =	sadd.s32 @!p0 $0x100000, s0  }
0xc6: {  	[sflag:s0] =	ssyncadd.tile.s32 @!p0 $0x1;
	_ =	shalt  }
.Lfunc_end2:
_tile_overlayer_lowered:
.L_overlay_start_2:
0xc7: {  	(tag) =	ssettag $0x2  }
0xc8: {  	s0 =	rddreg [dreg:$0x0];
	s2 =	stileid.u32  }
0xc9: {  	s1 =	rddreg [dreg:$0x1];
	p0 =	sne.s32 s2, $0x0  }
0xca: {  	s3 =	rddreg [dreg:$0x2];
	[bflag:$0x3] =	sbarrier.arrive $0xFFFF;
	s2 =	simm.s32 @!p0 $0x1C03  }
0xcb: {  	[timem:s3], [sflag:s2] =	dma.local @!p0 [hbm:s0], s1  }
0xcc: {  	s0 =	simm.s32 @!p0 $0x3  }
0xcd: {  	_ =	swait.ge @!p0 [sflag:s0], s1  }
0xce: {  	s1 =	ssub.s32 @!p0 $0x0, s1;
	[sflag:s0] =	ssyncset.done @!p0 $0x0  }
0xcf: {  	[sflag:s0] =	ssyncadd.s32 @!p0 s1  }
0xd0: {  	[bflag:$0x3] =	sbarrier.arrive $0xFFFF  }
0xd1: {  	_ =	shalt  }

// kernel: kernel.49.cloned.1.call-start
scs
__scs_entry_jumppad:
0x0: {  	(pc) =	sbr.rel $0x88, $3  }
0x1: {  	(tag) =	ssettag $0x0;
	lr =	simm.s32 $0x1  }
0x2: {  	[smem:$0x3F8E] =	sst lr;
	_ =	strace $0xD0000000  }
0x3: {  	_ = 	snop  }
0x4: {  	_ = 	snop  }
0x5: {  	_ = 	snop  }
0x6: {  	_ = 	snop  }
0x7: {  	_ = 	snop  }
__scs_overlays_trampoline_lowered:
0x8: {  	[smem:$0x3F9D] =	sst s0  }
0x9: {  	[smem:$0x3F9E] =	sst s1  }
0xa: {  	[smem:$0x3F9F] =	sst s2  }
0xb: {  	[smem:$0x3FA0] =	sst s3  }
0xc: {  	[smem:$0x3FA1] =	sst s4  }
0xd: {  	[smem:$0x3FA2] =	sst s5  }
0xe: {  	[smem:$0x3FA3] =	sst s6  }
0xf: {  	[smem:$0x3FA4] =	sst s7  }
0x10: {  	[smem:$0x3FA5] =	sst s8  }
0x11: {  	[smem:$0x3FA6] =	sst s9;
	s0 =	simm.s32 @!p0 $0x0  }
0x12: {  	s1 =	sld [smem:$0x3F8C];
	s0 =	simm.s32 @p0 $0x1  }
0x13: {  	[smem:$0x3FA7] =	sst s0;
	s0 =	simm.s32 @!p1 $0x0  }
0x14: {  	s2 =	sld [smem:$0x3F8B];
	s0 =	simm.s32 @p1 $0x1  }
0x15: {  	[smem:$0x3FA8] =	sst s0;
	s0 =	simm.s32 @!p2 $0x0  }
0x16: {  	s3 =	sld [smem:$0x3FDB];
	s0 =	simm.s32 @p2 $0x1  }
0x17: {  	s4 =	simm.s32 $0x1BF5;
	[smem:$0x3FAA] =	sst s0  }
0x18: {  	s0 =	sld [smem:$0x3F8D];
	_ =	swait.ge [sflag:s4], $0x0  }
0x19: {  	s7 =	sld [smem:$0x3F8E]  }
0x1a: {  	s8 =	sadd.s32 $0xFFFFE003, lr  }
0x1b: {  	s9 =	sadd.s32 $0xFFFFFEF7, lr;
	s5 =	simm.s32 $0xFFFFFFFF;
	p2 =	slt.u32 s8, $0xFFFFF086  }
0x1c: {  	p1 =	slt.u32 s9, $0xF7A;
	s5 =	simm.s32 @!p2 $0x0  }
0x1d: {  	s5 =	simm.s32 @p1 $0x1;
	p0 =	seq.s32 s7, s2  }
0x1e: {  	s7 =	smul.u32 @!p0 $0xF7A, s2;
	p2 =	seq.s32 @!p0 s5, $0x0  }
0x1f: {  	s9 =	smul.u32 $0xF7A, s1;
	s8 =	simm.s32 @!p0 $0x1BF5;
	p2 =	por !p2, p0  }
0x20: {  	[sflag:s8] =	ssyncset.s32 @!p0 $0xFFFFF086;
	s6 =	sadd.s32 @!p0 s3, s7;
	s7 =	simm.s32 @!p0 $0x108  }
0x21: {  	s3 =	sadd.s32 s3, s9;
	s6 =	sadd.s32 @!p0 $0x88, s6;
	s7 =	simm.s32 @p2 $0x1082  }
0x22: {  	[simem:s7], [sflag:s8] =	dma.local @!p0 [hbm:s6], $0xF7A  }
0x23: {  	s9 =	sor.u32 $0xD0000000, s2;
	s6 =	simm.s32 $0x108;
	_ =	swait.ge @!p0 [sflag:s8], $0x0  }
0x24: {  	s3 =	sadd.s32 $0x88, s3;
	s6 =	simm.s32 @!p1 $0x1082;
	[sflag:s4] =	ssyncset.s32 $0xFFFFF086  }
0x25: {  	[simem:s6], [sflag:s4] =	dma.local [hbm:s3], $0xF7A  }
0x26: {  	[smem:$0x3F8E] =	sst s1;
	(tag) =	ssettag s2;
	_ =	strace s9  }
0x27: {  	s1 =	sld [smem:$0x3F9E]  }
0x28: {  	s2 =	sld [smem:$0x3F9F]  }
0x29: {  	s4 =	sld [smem:$0x3FA1]  }
0x2a: {  	p0 =	seq.s32 s5, $0x0;
	s5 =	sld [smem:$0x3FA2]  }
0x2b: {  	s6 =	sld [smem:$0x3FA3]  }
0x2c: {  	s7 =	sld [smem:$0x3FA4]  }
0x2d: {  	s3 =	simm.s32 $0x108;
	s8 =	sld [smem:$0x3FA5]  }
0x2e: {  	s3 =	simm.s32 @!p0 $0x1082;
	s9 =	sld [smem:$0x3FA6]  }
0x2f: {  	lr =	sadd.s32 s0, s3;
	s0 =	sld [smem:$0x3F9D]  }
0x30: {  	s3 =	sld [smem:$0x3FA0]  }
0x31: {  	[smem:$0x3FA9] =	sst s10  }
0x32: {  	s10 =	sld [smem:$0x3FA7];
	_ =	sdelay $0x3  }
0x33: {  	p0 =	seq.s32 s10, $0x1;
	s10 =	sld [smem:$0x3FA9];
	_ =	sdelay $0x3  }
0x34: {  	[smem:$0x3FA9] =	sst s10  }
0x35: {  	s10 =	sld [smem:$0x3FA8];
	_ =	sdelay $0x3  }
0x36: {  	p1 =	seq.s32 s10, $0x1;
	s10 =	sld [smem:$0x3FA9];
	_ =	sdelay $0x3  }
0x37: {  	[smem:$0x3FA9] =	sst s10  }
0x38: {  	s10 =	sld [smem:$0x3FAA]  }
0x39: {  	_ = 	snop;
	(pc) =	sbr.ind lr, $3  }
0x3a: {  	_ = 	snop  }
0x3b: {  	_ = 	snop  }
0x3c: {  	p2 =	seq.s32 s10, $0x1;
	s10 =	sld [smem:$0x3FA9]  }
0x3d: {  	_ =	shalt  }
0x3e: {  	_ =	shalt  }
0x3f: {  	_ =	shalt  }
0x40: {  	_ =	shalt  }
0x41: {  	_ =	shalt  }
0x42: {  	_ =	shalt  }
0x43: {  	_ =	shalt  }
0x44: {  	_ =	shalt  }
0x45: {  	_ =	shalt  }
0x46: {  	_ =	shalt  }
0x47: {  	_ =	shalt  }
0x48: {  	_ =	shalt  }
0x49: {  	_ =	shalt  }
0x4a: {  	_ =	shalt  }
0x4b: {  	_ =	shalt  }
0x4c: {  	_ =	shalt  }
0x4d: {  	_ =	shalt  }
0x4e: {  	_ =	shalt  }
0x4f: {  	_ =	shalt  }
0x50: {  	_ =	shalt  }
0x51: {  	_ =	shalt  }
0x52: {  	_ =	shalt  }
0x53: {  	_ =	shalt  }
0x54: {  	_ =	shalt  }
0x55: {  	_ =	shalt  }
0x56: {  	_ =	shalt  }
0x57: {  	_ =	shalt  }
0x58: {  	_ =	shalt  }
0x59: {  	_ =	shalt  }
0x5a: {  	_ =	shalt  }
0x5b: {  	_ =	shalt  }
0x5c: {  	_ =	shalt  }
0x5d: {  	_ =	shalt  }
0x5e: {  	_ =	shalt  }
0x5f: {  	_ =	shalt  }
0x60: {  	_ =	shalt  }
0x61: {  	_ =	shalt  }
0x62: {  	_ =	shalt  }
0x63: {  	_ =	shalt  }
0x64: {  	_ =	shalt  }
0x65: {  	_ =	shalt  }
0x66: {  	_ =	shalt  }
0x67: {  	_ =	shalt  }
0x68: {  	_ =	shalt  }
0x69: {  	_ =	shalt  }
0x6a: {  	_ =	shalt  }
0x6b: {  	_ =	shalt  }
0x6c: {  	_ =	shalt  }
0x6d: {  	_ =	shalt  }
0x6e: {  	_ =	shalt  }
0x6f: {  	_ =	shalt  }
0x70: {  	_ =	shalt  }
0x71: {  	_ =	shalt  }
0x72: {  	_ =	shalt  }
0x73: {  	_ =	shalt  }
0x74: {  	_ =	shalt  }
0x75: {  	_ =	shalt  }
0x76: {  	_ =	shalt  }
0x77: {  	_ =	shalt  }
0x78: {  	_ =	shalt  }
0x79: {  	_ =	shalt  }
0x7a: {  	_ =	shalt  }
0x7b: {  	_ =	shalt  }
0x7c: {  	_ =	shalt  }
0x7d: {  	_ =	shalt  }
0x7e: {  	_ =	shalt  }
0x7f: {  	_ =	shalt  }
0x80: {  	_ =	shalt  }
0x81: {  	_ =	shalt  }
0x82: {  	_ =	shalt  }
0x83: {  	_ =	shalt  }
0x84: {  	_ =	shalt  }
0x85: {  	_ =	shalt  }
0x86: {  	_ =	shalt  }
0x87: {  	_ =	shalt  }
.Lfunc_end0:
.L_simem_size_0:
called_computation.4_lowered:
.L_overlay_start_0:
0x88: {  	s2 =	sld [smem:$0x3FD9]  }
0x89: {  	s3 =	sld [smem:$0x3FFE];
	_ =	sdelay $0x1  }
0x8a: {  	s1 =	srdreg.scid  }
0x8b: {  	s0 =	sand.u32 $0x1, s1  }
0x8c: {  	s16 =	sshll.u32 s0, $0xA;
	s2 =	sadd.s32 s3, s2  }
0x8d: {  	s2 =	sadd.s32 s2, s16  }
0x8e: {  	[smem:$0x3FB5] =	sst s2  }
0x8f: {  	_ = 	snop  }
0x90: {  	(tm) =	ssettm $0x1  }
0x91: {  	s17 =	sld [smem:$0x3FFB];
	_ =	sdelay $0x3  }
0x92: {  	_ =	strace s17  }
0x93: {  	s2 =	sld [smem:$0x3FFC];
	_ =	sdelay $0x3  }
0x94: {  	_ =	strace s2  }
0x95: {  	s2 =	sld [smem:$0x3FFD];
	_ =	sdelay $0x3  }
0x96: {  	_ =	strace s2  }
0x97: {  	_ =	strace $0x8FFFFFFF  }
0x98: {  	s18 =	sld [smem:$0x3FDB];
	_ =	sdelay $0x1  }
0x99: {  	s19 =	simm.s32 $_scs_section_size  }
0x9a: {  	s4 =	simm.s32 $_size__tile_overlayer_lowered;
	s5 =	simm.s32 $_tile_overlayer_lowered  }
0x9b: {  	s22 =	simm.s32 $0x1BFF;
	s21 =	sshll.u32 s5, $0x1;
	s2 =	sadd.s32 s19, s18  }
0x9c: {  	s6 =	simm.s32 $0x0;
	s20 =	sshll.u32 s4, $0x1;
	s4 =	sadd.s32 s21, s2  }
0x9d: {  	[timem:s6], [sflag:s22] =	dma.local [hbm:s4], s20  }
0x9e: {  	_ =	swait.ge [sflag:s22], s20  }
0x9f: {  	s3 =	ssub.s32 $0x0, s20;
	[sflag:s22] =	ssyncset.done $0x0  }
0xa0: {  	[sflag:s22] =	ssyncadd.s32 s3;
	_ =	sdelay $0x1  }
0xa1: {  	s23 =	simm.s32 $0x1B8B  }
0xa2: {  	_ =	swait.ge [sflag:s23], $0x1  }
0xa3: {  	[sflag:s23] =	ssyncset.done $0x0  }
0xa4: {  	s25 =	simm.s32 $0x1B8E;
	s24 =	sld [smem:$0x3FFE];
	[sflag:s23] =	ssyncadd.s32 $0xFFFFFFFF  }
0xa5: {  	s26 =	simm.s32 $execute0_lowered;
	[smem:$0x3FD2] =	sst s25  }
0xa6: {  	s4 =	sshll.u32 s26, $0x1;
	_ =	strace $0x80000052;
	[dreg:$0x1] =	wrdreg $0xFFFFFFFF  }
0xa7: {  	s28 =	simm.s32 $_size_execute0_lowered;
	s2 =	sadd.s32 s2, s4;
	[dreg:$0x0] =	wrdreg $0x0  }
0xa8: {  	s4 =	sshll.u32 s28, $0x1;
	[dreg:$0x2] =	wrdreg s2  }
0xa9: {  	[dreg:$0x3] =	wrdreg s4  }
0xaa: {  	[dreg:$0x4] =	wrdreg $0xC0  }
0xab: {  	_ =	task [dreg:s6], $0x5FFFF  }
0xac: {  	[dreg:$0x1] =	wrdreg $0xFFFFFFFF  }
0xad: {  	[dreg:$0x0] =	wrdreg $0x60  }
0xae: {  	[dreg:$0x2] =	wrdreg s24  }
0xaf: {  	[dreg:$0x3] =	wrdreg $0x9  }
0xb0: {  	_ =	task.clear_ibuf [dreg:s6], $0x4FFFF;
	_ =	strace $0x90000052  }
0xb1: {  	s29 =	simm.s32 $0x9;
	_ =	strace $0x80000054  }
0xb2: {  	_ =	swait.ge [sflag:s29], $0x1  }
0xb3: {  	[sflag:s29] =	ssyncadd.s32 $0xFFFFFFFF  }
0xb4: {  	_ =	strace $0x90000054  }
0xb5: {  	_ =	sfence  }
0xb6: {  	s30 =	sld [smem:$0x0];
	_ =	sdelay $0x2  }
0xb7: {  	s31 =	sshll.u32 s1, $0xD;
	s1 =	sshrl.u32 s1, $0x2  }
0xb8: {  	s3 =	sand.u32 $0x4000, s31;
	s1 =	sadd.s32 s1, s30  }
0xb9: {  	s0 =	sor.u32 s3, s0;
	s1 =	sshll.u32 s1, $0x11  }
0xba: {  	s0 =	sor.u32 s1, s0  }
0xbb: {  	s0 =	sadd.s32 $0x8F2B, s0  }
0xbc: {  	[sflag:s0] =	ssyncadd.remote.s32 $0x1  }
0xbd: {  	_ =	sfence.sel $0xFFFF  }
0xbe: {  	[dreg:$0x0] =	wrdreg $0xFFFFFFFF;
	(pc) =	sbr.abs _section_cstart, $3  }
0xbf: {  	[dreg:$0x1] =	wrdreg $0xFFFFFFFF  }
0xc0: {  	_ =	task.clear_ibuf [dreg:s6], $0x2FFFF;
	_ =	strace $0x9FFFFFFF  }
0xc1: {  	(tm) =	ssettm $0x7FFFFFFF  }
tec
execute0_lowered:
.L_overlay_start_1:
0x0: {  	(tag) =	ssettag $0x1  }
0x1: {  	s0 =	rddreg [dreg:$0x0];
	s2 =	simm.s32 $0x0  }
0x2: {  	s7 =	stileid.u32;
	s1 =	srdreg.scid;
	s9 =	simm.s32 $0x80  }
0x3: {  	s10 =	simm.s32 $0x880;
	s11 =	simm.s32 $0x1080;
	s12 =	simm.s32 $0x1880  }
0x4: {  	s13 =	simm.s32 $0x2080;
	s14 =	simm.s32 $0x2880;
	s15 =	simm.s32 $0x3080  }
0x5: {  	s16 =	simm.s32 $0x3880;
	s17 =	simm.s32 $0x4080;
	s18 =	simm.s32 $0x4880  }
0x6: {  	s19 =	simm.s32 $0x5080;
	s20 =	simm.s32 $0x5880;
	s21 =	simm.s32 $0x6080  }
0x7: {  	s22 =	simm.s32 $0x6880;
	s23 =	simm.s32 $0x7080;
	s24 =	simm.s32 $0x7880  }
0x8: {  	s28 =	simm.s32 $0x4;
	s29 =	simm.s32 $0x1;
	[smem:$0x7FF] =	sst s2  }
0x9: {  	s3 =	sadd.s32 $0xCA00, s0;
	s4 =	sadd.s32 $0x40600, s0;
	s5 =	sshll.u32 s7, $0x11  }
0xa: {  	s1 =	sand.u32 $0x1, s1;
	s7 =	sshll.u32 s7, $0xC;
	_ =	strace $0x80000053  }
0xb: {  	s6 =	ssub.s32 $0x2, s1;
	s8 =	sshll.u32 s1, $0xB;
	s0 =	sadd.s32 s5, s0  }
0xc: {  	s1 =	sshll.u32 s1, $0x10;
	s25 =	sshrl.u32 s6, $0x1;
	s7 =	sor.u32 s8, s7  }
0xd: {  	s0 =	sadd.s32 s1, s0;
	s1 =	simm.s32 $0xE100;
	s5 =	ssub.s32 s6, s25  }
0xe: {  	s26 =	sshrl.u32 s7, $0x3;
	s30 =	sor.u32 $0x80, s7;
	s0 =	sadd.s32 $0xEBA00, s0  }
.Ltmp0:
0xf: {  	s25 =	simm.s32 $0x2;
	s7 =	simm.s32 $0x0;
	(pc) =	sbr.rel .LBB2_1-.Ltmp0, $4  }
0x10: {  	s6 =	sadd.s32 s4, s26;
	s5 =	smax.u32 s5, $0x1;
	[dreg:$0x4] =	wrdreg s0  }
0x11: {  	v2 =	vlaneseq.u32;
	s31 =	sshrl.u32 s30, $0x3;
	s26 =	simm.s32 $0x8100;
	[dreg:$0x2] =	wrdreg s6  }
0x12: {  	vm0 =	vmmov $0xffff;
	v1 =	vshrl.u32 v2, $0x3;
	[dreg:$0x3] =	wrdreg s5;
	s0 =	sadd.s32 s31, s4;
	s4 =	simm.s32 $0xE900  }
0x13: {  	v0 =	vand.u32 $0x7, v2;
	v2 =	vor.u32 $0x8, v2;
	v1 =	vmul.u32 $0x8, v1;
	s5 =	simm.s32 $0xF100;
	s6 =	simm.s32 $0xF900;
	[dreg:$0x5] =	wrdreg s0  }
.LBB2_10:
0x14: {  	s7 =	sadd.s32 $0x1, s7;
	s0 =	rddreg [dreg:$0x3]  }
0x15: {  	p0 =	sne.s32 s7, s0  }
.Ltmp1:
0x16: {  	_ = 	snop;
	(pc) =	sbr.rel @!p0 .LBB2_11-.Ltmp1, $1  }
0x17: {  	_ =	sdelay $0x3  }
.LBB2_1:
0x18: {  	s0 =	rddreg [dreg:$0x2];
	s8 =	simm.s32 $0x3  }
0x19: {  	[tilespmem:s2], [sflag:$0x3] =	stream.linear.gather [hbm4b:s0+s2], $0x80, $0x38;
	[tilespmem:$0x10100] =	vst v63  }
0x1a: {  	_ =	swait.ge [sflag:s8], $0x80  }
0x1b: {  	[sflag:s8] =	ssyncset.done $0x0  }
0x1c: {  	[sflag:s8] =	ssyncadd.s32 $0xFFFFFF80  }
0x1d: {  	v3 =	vld [tilespmem:$0x0];
	_ =	sdelay $0x4  }
0x1e: {  	v4 =	vshll.u32 v3, $0x1  }
0x1f: {  	v3 =	vand.u32 $0x7, v3;
	v4 =	vand.u32 $0xFFFFFFF0, v4  }
0x20: {  	v3 =	vor.u32 v3, v4  }
0x21: {  	v4 =	vperm.xlane v3, v0;
	_ =	sdelay $0x1  }
0x22: {  	v3 =	vperm.xlane v3, v2;
	v4 =	vadd.s32 v1, v4;
	_ =	sdelay $0x1  }
0x23: {  	v3 =	vadd.s32 v1, v3;
	_ =	sdelay $0x2  }
0x24: {  	[tilespmem:s9], [sflag:$0x1] =	stream.indirect_vreg.gather [hbm4b:s3+s2], $0x80, v4, vm0, $0xb8;
	[tilespmem:$0x10100] =	vst v63  }
0x25: {  	_ = 	snop  }
0x26: {  	[tilespmem:s10], [sflag:$0x1] =	stream.indirect_vreg.gather [hbm4b:s3+s2], $0x80, v3, vm0, $0xb8;
	[tilespmem:$0x10100] =	vst v63  }
0x27: {  	v3 =	vld [tilespmem:$0x10];
	_ =	sdelay $0x4  }
0x28: {  	v57 =	vshll.u32 v3, $0x1  }
0x29: {  	v3 =	vand.u32 $0x7, v3;
	v4 =	vand.u32 $0xFFFFFFF0, v57  }
0x2a: {  	v3 =	vor.u32 v3, v4  }
0x2b: {  	v4 =	vperm.xlane v3, v0;
	_ =	sdelay $0x1  }
0x2c: {  	v3 =	vperm.xlane v3, v2;
	v4 =	vadd.s32 v1, v4;
	_ =	sdelay $0x1  }
0x2d: {  	v3 =	vadd.s32 v1, v3;
	_ =	sdelay $0x2  }
0x2e: {  	[tilespmem:s11], [sflag:$0x1] =	stream.indirect_vreg.gather [hbm4b:s3+s2], $0x80, v4, vm0, $0xb8;
	[tilespmem:$0x10100] =	vst v63  }
0x2f: {  	_ = 	snop  }
0x30: {  	[tilespmem:s12], [sflag:$0x1] =	stream.indirect_vreg.gather [hbm4b:s3+s2], $0x80, v3, vm0, $0xb8;
	[tilespmem:$0x10100] =	vst v63  }
0x31: {  	v3 =	vld [tilespmem:$0x20];
	_ =	sdelay $0x4  }
0x32: {  	v58 =	vshll.u32 v3, $0x1  }
0x33: {  	v3 =	vand.u32 $0x7, v3;
	v4 =	vand.u32 $0xFFFFFFF0, v58  }
0x34: {  	v3 =	vor.u32 v3, v4  }
0x35: {  	v4 =	vperm.xlane v3, v0;
	_ =	sdelay $0x1  }
0x36: {  	v3 =	vperm.xlane v3, v2;
	v4 =	vadd.s32 v1, v4;
	_ =	sdelay $0x1  }
0x37: {  	v3 =	vadd.s32 v1, v3;
	_ =	sdelay $0x2  }
0x38: {  	[tilespmem:s13], [sflag:$0x1] =	stream.indirect_vreg.gather [hbm4b:s3+s2], $0x80, v4, vm0, $0xb8;
	[tilespmem:$0x10100] =	vst v63  }
0x39: {  	_ = 	snop  }
0x3a: {  	[tilespmem:s14], [sflag:$0x1] =	stream.indirect_vreg.gather [hbm4b:s3+s2], $0x80, v3, vm0, $0xb8;
	[tilespmem:$0x10100] =	vst v63  }
0x3b: {  	v3 =	vld [tilespmem:$0x30];
	_ =	sdelay $0x4  }
0x3c: {  	v59 =	vshll.u32 v3, $0x1  }
0x3d: {  	v3 =	vand.u32 $0x7, v3;
	v4 =	vand.u32 $0xFFFFFFF0, v59  }
0x3e: {  	v3 =	vor.u32 v3, v4  }
0x3f: {  	v4 =	vperm.xlane v3, v0;
	_ =	sdelay $0x1  }
0x40: {  	v3 =	vperm.xlane v3, v2;
	v4 =	vadd.s32 v1, v4;
	_ =	sdelay $0x1  }
0x41: {  	v3 =	vadd.s32 v1, v3;
	_ =	sdelay $0x2  }
0x42: {  	[tilespmem:s15], [sflag:$0x1] =	stream.indirect_vreg.gather [hbm4b:s3+s2], $0x80, v4, vm0, $0xb8;
	[tilespmem:$0x10100] =	vst v63  }
0x43: {  	_ = 	snop  }
0x44: {  	[tilespmem:s16], [sflag:$0x1] =	stream.indirect_vreg.gather [hbm4b:s3+s2], $0x80, v3, vm0, $0xb8;
	[tilespmem:$0x10100] =	vst v63  }
0x45: {  	v3 =	vld [tilespmem:$0x40];
	_ =	sdelay $0x4  }
0x46: {  	v60 =	vshll.u32 v3, $0x1  }
0x47: {  	v3 =	vand.u32 $0x7, v3;
	v4 =	vand.u32 $0xFFFFFFF0, v60  }
0x48: {  	v3 =	vor.u32 v3, v4  }
0x49: {  	v4 =	vperm.xlane v3, v0;
	_ =	sdelay $0x1  }
0x4a: {  	v3 =	vperm.xlane v3, v2;
	v4 =	vadd.s32 v1, v4;
	_ =	sdelay $0x1  }
0x4b: {  	v3 =	vadd.s32 v1, v3;
	_ =	sdelay $0x2  }
0x4c: {  	[tilespmem:s17], [sflag:$0x1] =	stream.indirect_vreg.gather [hbm4b:s3+s2], $0x80, v4, vm0, $0xb8;
	[tilespmem:$0x10100] =	vst v63  }
0x4d: {  	_ = 	snop  }
0x4e: {  	[tilespmem:s18], [sflag:$0x1] =	stream.indirect_vreg.gather [hbm4b:s3+s2], $0x80, v3, vm0, $0xb8;
	[tilespmem:$0x10100] =	vst v63  }
0x4f: {  	v3 =	vld [tilespmem:$0x50];
	_ =	sdelay $0x4  }
0x50: {  	v61 =	vshll.u32 v3, $0x1  }
0x51: {  	v3 =	vand.u32 $0x7, v3;
	v4 =	vand.u32 $0xFFFFFFF0, v61  }
0x52: {  	v3 =	vor.u32 v3, v4  }
0x53: {  	v4 =	vperm.xlane v3, v0;
	_ =	sdelay $0x1  }
0x54: {  	v3 =	vperm.xlane v3, v2;
	v4 =	vadd.s32 v1, v4;
	_ =	sdelay $0x1  }
0x55: {  	v3 =	vadd.s32 v1, v3;
	_ =	sdelay $0x2  }
0x56: {  	[tilespmem:s19], [sflag:$0x1] =	stream.indirect_vreg.gather [hbm4b:s3+s2], $0x80, v4, vm0, $0xb8;
	[tilespmem:$0x10100] =	vst v63  }
0x57: {  	_ = 	snop  }
0x58: {  	[tilespmem:s20], [sflag:$0x1] =	stream.indirect_vreg.gather [hbm4b:s3+s2], $0x80, v3, vm0, $0xb8;
	[tilespmem:$0x10100] =	vst v63  }
0x59: {  	v3 =	vld [tilespmem:$0x60];
	_ =	sdelay $0x4  }
0x5a: {  	v62 =	vshll.u32 v3, $0x1  }
0x5b: {  	v3 =	vand.u32 $0x7, v3;
	v4 =	vand.u32 $0xFFFFFFF0, v62  }
0x5c: {  	v3 =	vor.u32 v3, v4  }
0x5d: {  	v4 =	vperm.xlane v3, v0;
	_ =	sdelay $0x1  }
0x5e: {  	v3 =	vperm.xlane v3, v2;
	v4 =	vadd.s32 v1, v4;
	_ =	sdelay $0x1  }
0x5f: {  	v3 =	vadd.s32 v1, v3;
	_ =	sdelay $0x2  }
0x60: {  	[tilespmem:s21], [sflag:$0x1] =	stream.indirect_vreg.gather [hbm4b:s3+s2], $0x80, v4, vm0, $0xb8;
	[tilespmem:$0x10100] =	vst v63  }
0x61: {  	_ = 	snop  }
0x62: {  	[tilespmem:s22], [sflag:$0x1] =	stream.indirect_vreg.gather [hbm4b:s3+s2], $0x80, v3, vm0, $0xb8;
	[tilespmem:$0x10100] =	vst v63  }
0x63: {  	v3 =	vld [tilespmem:$0x70];
	_ =	sdelay $0x4  }
0x64: {  	v63 =	vshll.u32 v3, $0x1  }
0x65: {  	v3 =	vand.u32 $0x7, v3;
	v4 =	vand.u32 $0xFFFFFFF0, v63  }
0x66: {  	v3 =	vor.u32 v3, v4  }
0x67: {  	v4 =	vperm.xlane v3, v0;
	_ =	sdelay $0x1  }
0x68: {  	v3 =	vperm.xlane v3, v2;
	v4 =	vadd.s32 v1, v4;
	_ =	sdelay $0x1  }
0x69: {  	v3 =	vadd.s32 v1, v3  }
.Ltmp2:
0x6a: {  	_ = 	snop;
	(pc) =	sbr.rel .LBB2_2-.Ltmp2, $4  }
0x6b: {  	s30 =	rddreg [dreg:$0x4]  }
0x6c: {  	[tilespmem:s23], [sflag:$0x1] =	stream.indirect_vreg.gather [hbm4b:s3+s2], $0x80, v4, vm0, $0xb8;
	[tilespmem:$0x10100] =	vst v63  }
0x6d: {  	s31 =	simm.s32 $0x0;
	s8 =	rddreg [dreg:$0x5]  }
0x6e: {  	[tilespmem:s24], [sflag:$0x1] =	stream.indirect_vreg.gather [hbm4b:s3+s2], $0x80, v3, vm0, $0xb8;
	[tilespmem:$0x10100] =	vst v63  }
.LBB2_8:
0x6f: {  	_ =	swait.ge [sflag:s25], $0x8000  }
0x70: {  	[sflag:s25] =	ssyncset.done $0x0  }
0x71: {  	s0 =	simm.s32 $0x3;
	[sflag:s25] =	ssyncadd.s32 $0xFFFF8000  }
0x72: {  	[hbm4b:s30+s2] =	stream.linear.scatter [tilespmem:s26], [sflag:$0x3], $0x8000, $0x38;
	[tilespmem:$0x10100] =	vst v63  }
.LBB2_9:
0x73: {  	s31 =	sadd.s32 $0x1, s31  }
0x74: {  	p0 =	sne.s32 s31, $0x10  }
.Ltmp3:
0x75: {  	_ = 	snop;
	(pc) =	sbr.rel @!p0 .LBB2_10-.Ltmp3, $4  }
0x76: {  	_ = 	snop  }
0x77: {  	_ =	swait.ge [sflag:s0], $0x8000  }
0x78: {  	[sflag:s0] =	ssyncset.done $0x0  }
0x79: {  	s30 =	sadd.s32 $0x1000, s30;
	s8 =	sadd.s32 $0x10, s8;
	[sflag:s0] =	ssyncadd.s32 $0xFFFF8000  }
.LBB2_2:
0x7a: {  	p0 =	seq.s32 s31, $0xF  }
.Ltmp4:
0x7b: {  	_ = 	snop;
	(pc) =	sbr.rel @p0 .LBB2_8-.Ltmp4, $1  }
0x7c: {  	_ =	sdelay $0x3  }
0x7d: {  	s0 =	sand.u32 $0x1, s31  }
0x7e: {  	p0 =	seq.s32 s0, $0x1  }
.Ltmp5:
0x7f: {  	_ = 	snop;
	(pc) =	sbr.rel @!p0 .LBB2_4-.Ltmp5, $1  }
0x80: {  	_ =	sdelay $0x3  }
0x81: {  	[tilespmem:s2], [sflag:$0x4] =	stream.linear.gather [hbm4b:s8+s2], $0x80, $0x38;
	[tilespmem:$0x10100] =	vst v63  }
0x82: {  	_ =	swait.ge [sflag:s28], $0x80  }
0x83: {  	[sflag:s28] =	ssyncset.done $0x0  }
0x84: {  	[sflag:s28] =	ssyncadd.s32 $0xFFFFFF80  }
0x85: {  	v3 =	vld [tilespmem:$0x0];
	_ =	sdelay $0x4  }
0x86: {  	v4 =	vshll.u32 v3, $0x1  }
0x87: {  	v3 =	vand.u32 $0x7, v3;
	v4 =	vand.u32 $0xFFFFFFF0, v4  }
0x88: {  	v3 =	vor.u32 v3, v4  }
0x89: {  	v4 =	vperm.xlane v3, v0;
	_ =	sdelay $0x1  }
0x8a: {  	v3 =	vperm.xlane v3, v2;
	v4 =	vadd.s32 v1, v4;
	_ =	sdelay $0x1  }
0x8b: {  	v3 =	vadd.s32 v1, v3;
	_ =	sdelay $0x2  }
0x8c: {  	[tilespmem:s9], [sflag:$0x1] =	stream.indirect_vreg.gather [hbm4b:s3+s2], $0x80, v4, vm0, $0xb8;
	[tilespmem:$0x10100] =	vst v63  }
0x8d: {  	_ = 	snop  }
0x8e: {  	[tilespmem:s10], [sflag:$0x1] =	stream.indirect_vreg.gather [hbm4b:s3+s2], $0x80, v3, vm0, $0xb8;
	[tilespmem:$0x10100] =	vst v63  }
0x8f: {  	v3 =	vld [tilespmem:$0x10];
	_ =	sdelay $0x4  }
0x90: {  	v57 =	vshll.u32 v3, $0x1  }
0x91: {  	v3 =	vand.u32 $0x7, v3;
	v4 =	vand.u32 $0xFFFFFFF0, v57  }
0x92: {  	v3 =	vor.u32 v3, v4  }
0x93: {  	v4 =	vperm.xlane v3, v0;
	_ =	sdelay $0x1  }
0x94: {  	v3 =	vperm.xlane v3, v2;
	v4 =	vadd.s32 v1, v4;
	_ =	sdelay $0x1  }
0x95: {  	v3 =	vadd.s32 v1, v3;
	_ =	sdelay $0x2  }
0x96: {  	[tilespmem:s11], [sflag:$0x1] =	stream.indirect_vreg.gather [hbm4b:s3+s2], $0x80, v4, vm0, $0xb8;
	[tilespmem:$0x10100] =	vst v63  }
0x97: {  	_ = 	snop  }
0x98: {  	[tilespmem:s12], [sflag:$0x1] =	stream.indirect_vreg.gather [hbm4b:s3+s2], $0x80, v3, vm0, $0xb8;
	[tilespmem:$0x10100] =	vst v63  }
0x99: {  	v3 =	vld [tilespmem:$0x20];
	_ =	sdelay $0x4  }
0x9a: {  	v58 =	vshll.u32 v3, $0x1  }
0x9b: {  	v3 =	vand.u32 $0x7, v3;
	v4 =	vand.u32 $0xFFFFFFF0, v58  }
0x9c: {  	v3 =	vor.u32 v3, v4  }
0x9d: {  	v4 =	vperm.xlane v3, v0;
	_ =	sdelay $0x1  }
0x9e: {  	v3 =	vperm.xlane v3, v2;
	v4 =	vadd.s32 v1, v4;
	_ =	sdelay $0x1  }
0x9f: {  	v3 =	vadd.s32 v1, v3;
	_ =	sdelay $0x2  }
0xa0: {  	[tilespmem:s13], [sflag:$0x1] =	stream.indirect_vreg.gather [hbm4b:s3+s2], $0x80, v4, vm0, $0xb8;
	[tilespmem:$0x10100] =	vst v63  }
0xa1: {  	_ = 	snop  }
0xa2: {  	[tilespmem:s14], [sflag:$0x1] =	stream.indirect_vreg.gather [hbm4b:s3+s2], $0x80, v3, vm0, $0xb8;
	[tilespmem:$0x10100] =	vst v63  }
0xa3: {  	v3 =	vld [tilespmem:$0x30];
	_ =	sdelay $0x4  }
0xa4: {  	v59 =	vshll.u32 v3, $0x1  }
0xa5: {  	v3 =	vand.u32 $0x7, v3;
	v4 =	vand.u32 $0xFFFFFFF0, v59  }
0xa6: {  	v3 =	vor.u32 v3, v4  }
0xa7: {  	v4 =	vperm.xlane v3, v0;
	_ =	sdelay $0x1  }
0xa8: {  	v3 =	vperm.xlane v3, v2;
	v4 =	vadd.s32 v1, v4;
	_ =	sdelay $0x1  }
0xa9: {  	v3 =	vadd.s32 v1, v3;
	_ =	sdelay $0x2  }
0xaa: {  	[tilespmem:s15], [sflag:$0x1] =	stream.indirect_vreg.gather [hbm4b:s3+s2], $0x80, v4, vm0, $0xb8;
	[tilespmem:$0x10100] =	vst v63  }
0xab: {  	_ = 	snop  }
0xac: {  	[tilespmem:s16], [sflag:$0x1] =	stream.indirect_vreg.gather [hbm4b:s3+s2], $0x80, v3, vm0, $0xb8;
	[tilespmem:$0x10100] =	vst v63  }
0xad: {  	v3 =	vld [tilespmem:$0x40];
	_ =	sdelay $0x4  }
0xae: {  	v60 =	vshll.u32 v3, $0x1  }
0xaf: {  	v3 =	vand.u32 $0x7, v3;
	v4 =	vand.u32 $0xFFFFFFF0, v60  }
0xb0: {  	v3 =	vor.u32 v3, v4  }
0xb1: {  	v4 =	vperm.xlane v3, v0;
	_ =	sdelay $0x1  }
0xb2: {  	v3 =	vperm.xlane v3, v2;
	v4 =	vadd.s32 v1, v4;
	_ =	sdelay $0x1  }
0xb3: {  	v3 =	vadd.s32 v1, v3;
	_ =	sdelay $0x2  }
0xb4: {  	[tilespmem:s17], [sflag:$0x1] =	stream.indirect_vreg.gather [hbm4b:s3+s2], $0x80, v4, vm0, $0xb8;
	[tilespmem:$0x10100] =	vst v63  }
0xb5: {  	_ = 	snop  }
0xb6: {  	[tilespmem:s18], [sflag:$0x1] =	stream.indirect_vreg.gather [hbm4b:s3+s2], $0x80, v3, vm0, $0xb8;
	[tilespmem:$0x10100] =	vst v63  }
0xb7: {  	v3 =	vld [tilespmem:$0x50];
	_ =	sdelay $0x4  }
0xb8: {  	v61 =	vshll.u32 v3, $0x1  }
0xb9: {  	v3 =	vand.u32 $0x7, v3;
	v4 =	vand.u32 $0xFFFFFFF0, v61  }
0xba: {  	v3 =	vor.u32 v3, v4  }
0xbb: {  	v4 =	vperm.xlane v3, v0;
	_ =	sdelay $0x1  }
0xbc: {  	v3 =	vperm.xlane v3, v2;
	v4 =	vadd.s32 v1, v4;
	_ =	sdelay $0x1  }
0xbd: {  	v3 =	vadd.s32 v1, v3;
	_ =	sdelay $0x2  }
0xbe: {  	[tilespmem:s19], [sflag:$0x1] =	stream.indirect_vreg.gather [hbm4b:s3+s2], $0x80, v4, vm0, $0xb8;
	[tilespmem:$0x10100] =	vst v63  }
0xbf: {  	_ = 	snop  }
0xc0: {  	[tilespmem:s20], [sflag:$0x1] =	stream.indirect_vreg.gather [hbm4b:s3+s2], $0x80, v3, vm0, $0xb8;
	[tilespmem:$0x10100] =	vst v63  }
0xc1: {  	v3 =	vld [tilespmem:$0x60];
	_ =	sdelay $0x4  }
0xc2: {  	v62 =	vshll.u32 v3, $0x1  }
0xc3: {  	v3 =	vand.u32 $0x7, v3;
	v4 =	vand.u32 $0xFFFFFFF0, v62  }
0xc4: {  	v3 =	vor.u32 v3, v4  }
0xc5: {  	v4 =	vperm.xlane v3, v0;
	_ =	sdelay $0x1  }
0xc6: {  	v3 =	vperm.xlane v3, v2;
	v4 =	vadd.s32 v1, v4;
	_ =	sdelay $0x1  }
0xc7: {  	v3 =	vadd.s32 v1, v3;
	_ =	sdelay $0x2  }
0xc8: {  	[tilespmem:s21], [sflag:$0x1] =	stream.indirect_vreg.gather [hbm4b:s3+s2], $0x80, v4, vm0, $0xb8;
	[tilespmem:$0x10100] =	vst v63  }
0xc9: {  	_ = 	snop  }
0xca: {  	[tilespmem:s22], [sflag:$0x1] =	stream.indirect_vreg.gather [hbm4b:s3+s2], $0x80, v3, vm0, $0xb8;
	[tilespmem:$0x10100] =	vst v63  }
0xcb: {  	v3 =	vld [tilespmem:$0x70];
	_ =	sdelay $0x4  }
0xcc: {  	v63 =	vshll.u32 v3, $0x1  }
0xcd: {  	v3 =	vand.u32 $0x7, v3;
	v4 =	vand.u32 $0xFFFFFFF0, v63  }
0xce: {  	v3 =	vor.u32 v3, v4  }
0xcf: {  	v4 =	vperm.xlane v3, v0;
	_ =	sdelay $0x1  }
0xd0: {  	v3 =	vperm.xlane v3, v2;
	v4 =	vadd.s32 v1, v4;
	_ =	sdelay $0x1  }
0xd1: {  	v3 =	vadd.s32 v1, v3  }
.Ltmp6:
0xd2: {  	_ = 	snop;
	(pc) =	sbr.rel .LBB2_6-.Ltmp6, $4  }
0xd3: {  	_ = 	snop  }
0xd4: {  	[tilespmem:s23], [sflag:$0x1] =	stream.indirect_vreg.gather [hbm4b:s3+s2], $0x80, v4, vm0, $0xb8;
	[tilespmem:$0x10100] =	vst v63  }
0xd5: {  	_ = 	snop  }
0xd6: {  	[tilespmem:s24], [sflag:$0x1] =	stream.indirect_vreg.gather [hbm4b:s3+s2], $0x80, v3, vm0, $0xb8;
	[tilespmem:$0x10100] =	vst v63  }
.LBB2_4:
0xd7: {  	s0 =	simm.s32 $0x8080  }
0xd8: {  	[tilespmem:s0], [sflag:$0x4] =	stream.linear.gather [hbm4b:s8+s2], $0x80, $0x38;
	[tilespmem:$0x10100] =	vst v63  }
0xd9: {  	_ =	swait.ge [sflag:s28], $0x80  }
0xda: {  	[sflag:s28] =	ssyncset.done $0x0  }
0xdb: {  	[sflag:s28] =	ssyncadd.s32 $0xFFFFFF80  }
0xdc: {  	v3 =	vld [tilespmem:$0x8080];
	_ =	sdelay $0x4  }
0xdd: {  	v4 =	vshll.u32 v3, $0x1  }
0xde: {  	v3 =	vand.u32 $0x7, v3;
	v4 =	vand.u32 $0xFFFFFFF0, v4  }
0xdf: {  	v3 =	vor.u32 v3, v4  }
0xe0: {  	v4 =	vperm.xlane v3, v0;
	_ =	sdelay $0x1  }
0xe1: {  	v3 =	vperm.xlane v3, v2;
	v4 =	vadd.s32 v1, v4;
	_ =	sdelay $0x1  }
0xe2: {  	v3 =	vadd.s32 v1, v3;
	_ =	sdelay $0x2  }
0xe3: {  	[tilespmem:s26], [sflag:$0x2] =	stream.indirect_vreg.gather [hbm4b:s3+s2], $0x80, v4, vm0, $0xb8;
	[tilespmem:$0x10100] =	vst v63  }
0xe4: {  	s0 =	simm.s32 $0x8900  }
0xe5: {  	[tilespmem:s0], [sflag:$0x2] =	stream.indirect_vreg.gather [hbm4b:s3+s2], $0x80, v3, vm0, $0xb8;
	[tilespmem:$0x10100] =	vst v63  }
0xe6: {  	v3 =	vld [tilespmem:$0x8090];
	_ =	sdelay $0x4  }
0xe7: {  	v57 =	vshll.u32 v3, $0x1  }
0xe8: {  	v3 =	vand.u32 $0x7, v3;
	v4 =	vand.u32 $0xFFFFFFF0, v57  }
0xe9: {  	v3 =	vor.u32 v3, v4  }
0xea: {  	v4 =	vperm.xlane v3, v0;
	_ =	sdelay $0x1  }
0xeb: {  	v3 =	vperm.xlane v3, v2;
	v4 =	vadd.s32 v1, v4;
	_ =	sdelay $0x1  }
0xec: {  	v3 =	vadd.s32 v1, v3;
	_ =	sdelay $0x1  }
0xed: {  	s0 =	simm.s32 $0x9100  }
0xee: {  	[tilespmem:s0], [sflag:$0x2] =	stream.indirect_vreg.gather [hbm4b:s3+s2], $0x80, v4, vm0, $0xb8;
	[tilespmem:$0x10100] =	vst v63  }
0xef: {  	s0 =	simm.s32 $0x9900  }
0xf0: {  	[tilespmem:s0], [sflag:$0x2] =	stream.indirect_vreg.gather [hbm4b:s3+s2], $0x80, v3, vm0, $0xb8;
	[tilespmem:$0x10100] =	vst v63  }
0xf1: {  	v3 =	vld [tilespmem:$0x80A0];
	_ =	sdelay $0x4  }
0xf2: {  	v58 =	vshll.u32 v3, $0x1  }
0xf3: {  	v3 =	vand.u32 $0x7, v3;
	v4 =	vand.u32 $0xFFFFFFF0, v58  }
0xf4: {  	v3 =	vor.u32 v3, v4  }
0xf5: {  	v4 =	vperm.xlane v3, v0;
	_ =	sdelay $0x1  }
0xf6: {  	v3 =	vperm.xlane v3, v2;
	v4 =	vadd.s32 v1, v4;
	_ =	sdelay $0x1  }
0xf7: {  	v3 =	vadd.s32 v1, v3;
	_ =	sdelay $0x1  }
0xf8: {  	s0 =	simm.s32 $0xA100  }
0xf9: {  	[tilespmem:s0], [sflag:$0x2] =	stream.indirect_vreg.gather [hbm4b:s3+s2], $0x80, v4, vm0, $0xb8;
	[tilespmem:$0x10100] =	vst v63  }
0xfa: {  	s0 =	simm.s32 $0xA900  }
0xfb: {  	[tilespmem:s0], [sflag:$0x2] =	stream.indirect_vreg.gather [hbm4b:s3+s2], $0x80, v3, vm0, $0xb8;
	[tilespmem:$0x10100] =	vst v63  }
0xfc: {  	v3 =	vld [tilespmem:$0x80B0];
	_ =	sdelay $0x4  }
0xfd: {  	v59 =	vshll.u32 v3, $0x1  }
0xfe: {  	v3 =	vand.u32 $0x7, v3;
	v4 =	vand.u32 $0xFFFFFFF0, v59  }
0xff: {  	v3 =	vor.u32 v3, v4  }
0x100: {  	v4 =	vperm.xlane v3, v0;
	_ =	sdelay $0x1  }
0x101: {  	v3 =	vperm.xlane v3, v2;
	v4 =	vadd.s32 v1, v4;
	_ =	sdelay $0x1  }
0x102: {  	v3 =	vadd.s32 v1, v3;
	_ =	sdelay $0x1  }
0x103: {  	s0 =	simm.s32 $0xB100  }
0x104: {  	[tilespmem:s0], [sflag:$0x2] =	stream.indirect_vreg.gather [hbm4b:s3+s2], $0x80, v4, vm0, $0xb8;
	[tilespmem:$0x10100] =	vst v63  }
0x105: {  	s0 =	simm.s32 $0xB900  }
0x106: {  	[tilespmem:s0], [sflag:$0x2] =	stream.indirect_vreg.gather [hbm4b:s3+s2], $0x80, v3, vm0, $0xb8;
	[tilespmem:$0x10100] =	vst v63  }
0x107: {  	v3 =	vld [tilespmem:$0x80C0];
	_ =	sdelay $0x4  }
0x108: {  	v60 =	vshll.u32 v3, $0x1  }
0x109: {  	v3 =	vand.u32 $0x7, v3;
	v4 =	vand.u32 $0xFFFFFFF0, v60  }
0x10a: {  	v3 =	vor.u32 v3, v4  }
0x10b: {  	v4 =	vperm.xlane v3, v0;
	_ =	sdelay $0x1  }
0x10c: {  	v3 =	vperm.xlane v3, v2;
	v4 =	vadd.s32 v1, v4;
	_ =	sdelay $0x1  }
0x10d: {  	v3 =	vadd.s32 v1, v3;
	_ =	sdelay $0x1  }
0x10e: {  	s0 =	simm.s32 $0xC100  }
0x10f: {  	[tilespmem:s0], [sflag:$0x2] =	stream.indirect_vreg.gather [hbm4b:s3+s2], $0x80, v4, vm0, $0xb8;
	[tilespmem:$0x10100] =	vst v63  }
0x110: {  	s0 =	simm.s32 $0xC900  }
0x111: {  	[tilespmem:s0], [sflag:$0x2] =	stream.indirect_vreg.gather [hbm4b:s3+s2], $0x80, v3, vm0, $0xb8;
	[tilespmem:$0x10100] =	vst v63  }
0x112: {  	v3 =	vld [tilespmem:$0x80D0];
	_ =	sdelay $0x4  }
0x113: {  	v61 =	vshll.u32 v3, $0x1  }
0x114: {  	v3 =	vand.u32 $0x7, v3;
	v4 =	vand.u32 $0xFFFFFFF0, v61  }
0x115: {  	v3 =	vor.u32 v3, v4  }
0x116: {  	v4 =	vperm.xlane v3, v0;
	_ =	sdelay $0x1  }
0x117: {  	v3 =	vperm.xlane v3, v2;
	v4 =	vadd.s32 v1, v4;
	_ =	sdelay $0x1  }
0x118: {  	v3 =	vadd.s32 v1, v3;
	_ =	sdelay $0x1  }
0x119: {  	s0 =	simm.s32 $0xD100  }
0x11a: {  	[tilespmem:s0], [sflag:$0x2] =	stream.indirect_vreg.gather [hbm4b:s3+s2], $0x80, v4, vm0, $0xb8;
	[tilespmem:$0x10100] =	vst v63  }
0x11b: {  	s0 =	simm.s32 $0xD900  }
0x11c: {  	[tilespmem:s0], [sflag:$0x2] =	stream.indirect_vreg.gather [hbm4b:s3+s2], $0x80, v3, vm0, $0xb8;
	[tilespmem:$0x10100] =	vst v63  }
0x11d: {  	v3 =	vld [tilespmem:$0x80E0];
	_ =	sdelay $0x4  }
0x11e: {  	v62 =	vshll.u32 v3, $0x1  }
0x11f: {  	v3 =	vand.u32 $0x7, v3;
	v4 =	vand.u32 $0xFFFFFFF0, v62  }
0x120: {  	v3 =	vor.u32 v3, v4  }
0x121: {  	v4 =	vperm.xlane v3, v0;
	_ =	sdelay $0x1  }
0x122: {  	v3 =	vperm.xlane v3, v2;
	v4 =	vadd.s32 v1, v4;
	_ =	sdelay $0x1  }
0x123: {  	v3 =	vadd.s32 v1, v3;
	_ =	sdelay $0x2  }
0x124: {  	[tilespmem:s1], [sflag:$0x2] =	stream.indirect_vreg.gather [hbm4b:s3+s2], $0x80, v4, vm0, $0xb8;
	[tilespmem:$0x10100] =	vst v63  }
0x125: {  	_ = 	snop  }
0x126: {  	[tilespmem:s4], [sflag:$0x2] =	stream.indirect_vreg.gather [hbm4b:s3+s2], $0x80, v3, vm0, $0xb8;
	[tilespmem:$0x10100] =	vst v63  }
0x127: {  	v3 =	vld [tilespmem:$0x80F0];
	_ =	sdelay $0x4  }
0x128: {  	v63 =	vshll.u32 v3, $0x1  }
0x129: {  	v3 =	vand.u32 $0x7, v3;
	v4 =	vand.u32 $0xFFFFFFF0, v63  }
0x12a: {  	v3 =	vor.u32 v3, v4  }
0x12b: {  	v4 =	vperm.xlane v3, v0;
	_ =	sdelay $0x1  }
0x12c: {  	v3 =	vperm.xlane v3, v2;
	v4 =	vadd.s32 v1, v4;
	_ =	sdelay $0x1  }
0x12d: {  	v3 =	vadd.s32 v1, v3;
	_ =	sdelay $0x2  }
0x12e: {  	[tilespmem:s5], [sflag:$0x2] =	stream.indirect_vreg.gather [hbm4b:s3+s2], $0x80, v4, vm0, $0xb8;
	[tilespmem:$0x10100] =	vst v63  }
0x12f: {  	_ = 	snop  }
0x130: {  	[tilespmem:s6], [sflag:$0x2] =	stream.indirect_vreg.gather [hbm4b:s3+s2], $0x80, v3, vm0, $0xb8;
	[tilespmem:$0x10100] =	vst v63  }
.LBB2_6:
.Ltmp7:
0x131: {  	(pc) =	sbr.rel @p0 .LBB2_8-.Ltmp7, $1  }
0x132: {  	_ =	sdelay $0x3  }
.Ltmp8:
0x133: {  	(pc) =	sbr.rel .LBB2_9-.Ltmp8, $4  }
0x134: {  	_ =	swait.ge [sflag:s29], $0x8000  }
0x135: {  	[sflag:s29] =	ssyncset.done $0x0  }
0x136: {  	s0 =	simm.s32 $0x4;
	[sflag:s29] =	ssyncadd.s32 $0xFFFF8000  }
0x137: {  	[hbm4b:s30+s2] =	stream.linear.scatter [tilespmem:s9], [sflag:$0x4], $0x8000, $0x38;
	[tilespmem:$0x10100] =	vst v63  }
.LBB2_11:
0x138: {  	_ =	sfence.sel $0x180000  }
0x139: {  	[bflag:$0x0] =	sbarrier.arrive $0xFFFF  }
0x13a: {  	_ =	strace $0x90000053  }
0x13b: {  	s0 =	stileid.u32;
	[bflag:$0x2] =	sbarrier.arrive $0xFFFF  }
0x13c: {  	p0 =	sne.s32 s0, $0x0;
	s0 =	rddreg [dreg:$0x1]  }
0x13d: {  	s0 =	sadd.s32 @!p0 $0x100000, s0  }
0x13e: {  	[sflag:s0] =	ssyncadd.tile.s32 @!p0 $0x1;
	_ =	shalt  }
.Lfunc_end2:
_tile_overlayer_lowered:
.L_overlay_start_2:
0x13f: {  	(tag) =	ssettag $0x2  }
0x140: {  	s0 =	rddreg [dreg:$0x0];
	s2 =	stileid.u32  }
0x141: {  	s1 =	rddreg [dreg:$0x1];
	p0 =	sne.s32 s2, $0x0  }
0x142: {  	s3 =	rddreg [dreg:$0x2];
	[bflag:$0x3] =	sbarrier.arrive $0xFFFF;
	s2 =	simm.s32 @!p0 $0x1C03  }
0x143: {  	[timem:s3], [sflag:s2] =	dma.local @!p0 [hbm:s0], s1  }
0x144: {  	s0 =	simm.s32 @!p0 $0x3  }
0x145: {  	_ =	swait.ge @!p0 [sflag:s0], s1  }
0x146: {  	s1 =	ssub.s32 @!p0 $0x0, s1;
	[sflag:s0] =	ssyncset.done @!p0 $0x0  }
0x147: {  	[sflag:s0] =	ssyncadd.s32 @!p0 s1  }
0x148: {  	[bflag:$0x3] =	sbarrier.arrive $0xFFFF  }
0x149: {  	_ =	shalt  }

// kernel: kernel.52.cloned.1.call-start
scs
__scs_entry_jumppad:
0x0: {  	(pc) =	sbr.rel $0x88, $3  }
0x1: {  	(tag) =	ssettag $0x0;
	lr =	simm.s32 $0x1  }
0x2: {  	[smem:$0x3F8E] =	sst lr;
	_ =	strace $0xD0000000  }
0x3: {  	_ = 	snop  }
0x4: {  	_ = 	snop  }
0x5: {  	_ = 	snop  }
0x6: {  	_ = 	snop  }
0x7: {  	_ = 	snop  }
__scs_overlays_trampoline_lowered:
0x8: {  	[smem:$0x3F9D] =	sst s0  }
0x9: {  	[smem:$0x3F9E] =	sst s1  }
0xa: {  	[smem:$0x3F9F] =	sst s2  }
0xb: {  	[smem:$0x3FA0] =	sst s3  }
0xc: {  	[smem:$0x3FA1] =	sst s4  }
0xd: {  	[smem:$0x3FA2] =	sst s5  }
0xe: {  	[smem:$0x3FA3] =	sst s6  }
0xf: {  	[smem:$0x3FA4] =	sst s7  }
0x10: {  	[smem:$0x3FA5] =	sst s8  }
0x11: {  	[smem:$0x3FA6] =	sst s9;
	s0 =	simm.s32 @!p0 $0x0  }
0x12: {  	s1 =	sld [smem:$0x3F8C];
	s0 =	simm.s32 @p0 $0x1  }
0x13: {  	[smem:$0x3FA7] =	sst s0;
	s0 =	simm.s32 @!p1 $0x0  }
0x14: {  	s2 =	sld [smem:$0x3F8B];
	s0 =	simm.s32 @p1 $0x1  }
0x15: {  	[smem:$0x3FA8] =	sst s0;
	s0 =	simm.s32 @!p2 $0x0  }
0x16: {  	s3 =	sld [smem:$0x3FDB];
	s0 =	simm.s32 @p2 $0x1  }
0x17: {  	s4 =	simm.s32 $0x1BF5;
	[smem:$0x3FAA] =	sst s0  }
0x18: {  	s0 =	sld [smem:$0x3F8D];
	_ =	swait.ge [sflag:s4], $0x0  }
0x19: {  	s7 =	sld [smem:$0x3F8E]  }
0x1a: {  	s8 =	sadd.s32 $0xFFFFE003, lr  }
0x1b: {  	s9 =	sadd.s32 $0xFFFFFEF7, lr;
	s5 =	simm.s32 $0xFFFFFFFF;
	p2 =	slt.u32 s8, $0xFFFFF086  }
0x1c: {  	p1 =	slt.u32 s9, $0xF7A;
	s5 =	simm.s32 @!p2 $0x0  }
0x1d: {  	s5 =	simm.s32 @p1 $0x1;
	p0 =	seq.s32 s7, s2  }
0x1e: {  	s7 =	smul.u32 @!p0 $0xF7A, s2;
	p2 =	seq.s32 @!p0 s5, $0x0  }
0x1f: {  	s9 =	smul.u32 $0xF7A, s1;
	s8 =	simm.s32 @!p0 $0x1BF5;
	p2 =	por !p2, p0  }
0x20: {  	[sflag:s8] =	ssyncset.s32 @!p0 $0xFFFFF086;
	s6 =	sadd.s32 @!p0 s3, s7;
	s7 =	simm.s32 @!p0 $0x108  }
0x21: {  	s3 =	sadd.s32 s3, s9;
	s6 =	sadd.s32 @!p0 $0x88, s6;
	s7 =	simm.s32 @p2 $0x1082  }
0x22: {  	[simem:s7], [sflag:s8] =	dma.local @!p0 [hbm:s6], $0xF7A  }
0x23: {  	s9 =	sor.u32 $0xD0000000, s2;
	s6 =	simm.s32 $0x108;
	_ =	swait.ge @!p0 [sflag:s8], $0x0  }
0x24: {  	s3 =	sadd.s32 $0x88, s3;
	s6 =	simm.s32 @!p1 $0x1082;
	[sflag:s4] =	ssyncset.s32 $0xFFFFF086  }
0x25: {  	[simem:s6], [sflag:s4] =	dma.local [hbm:s3], $0xF7A  }
0x26: {  	[smem:$0x3F8E] =	sst s1;
	(tag) =	ssettag s2;
	_ =	strace s9  }
0x27: {  	s1 =	sld [smem:$0x3F9E]  }
0x28: {  	s2 =	sld [smem:$0x3F9F]  }
0x29: {  	s4 =	sld [smem:$0x3FA1]  }
0x2a: {  	p0 =	seq.s32 s5, $0x0;
	s5 =	sld [smem:$0x3FA2]  }
0x2b: {  	s6 =	sld [smem:$0x3FA3]  }
0x2c: {  	s7 =	sld [smem:$0x3FA4]  }
0x2d: {  	s3 =	simm.s32 $0x108;
	s8 =	sld [smem:$0x3FA5]  }
0x2e: {  	s3 =	simm.s32 @!p0 $0x1082;
	s9 =	sld [smem:$0x3FA6]  }
0x2f: {  	lr =	sadd.s32 s0, s3;
	s0 =	sld [smem:$0x3F9D]  }
0x30: {  	s3 =	sld [smem:$0x3FA0]  }
0x31: {  	[smem:$0x3FA9] =	sst s10  }
0x32: {  	s10 =	sld [smem:$0x3FA7];
	_ =	sdelay $0x3  }
0x33: {  	p0 =	seq.s32 s10, $0x1;
	s10 =	sld [smem:$0x3FA9];
	_ =	sdelay $0x3  }
0x34: {  	[smem:$0x3FA9] =	sst s10  }
0x35: {  	s10 =	sld [smem:$0x3FA8];
	_ =	sdelay $0x3  }
0x36: {  	p1 =	seq.s32 s10, $0x1;
	s10 =	sld [smem:$0x3FA9];
	_ =	sdelay $0x3  }
0x37: {  	[smem:$0x3FA9] =	sst s10  }
0x38: {  	s10 =	sld [smem:$0x3FAA]  }
0x39: {  	_ = 	snop;
	(pc) =	sbr.ind lr, $3  }
0x3a: {  	_ = 	snop  }
0x3b: {  	_ = 	snop  }
0x3c: {  	p2 =	seq.s32 s10, $0x1;
	s10 =	sld [smem:$0x3FA9]  }
0x3d: {  	_ =	shalt  }
0x3e: {  	_ =	shalt  }
0x3f: {  	_ =	shalt  }
0x40: {  	_ =	shalt  }
0x41: {  	_ =	shalt  }
0x42: {  	_ =	shalt  }
0x43: {  	_ =	shalt  }
0x44: {  	_ =	shalt  }
0x45: {  	_ =	shalt  }
0x46: {  	_ =	shalt  }
0x47: {  	_ =	shalt  }
0x48: {  	_ =	shalt  }
0x49: {  	_ =	shalt  }
0x4a: {  	_ =	shalt  }
0x4b: {  	_ =	shalt  }
0x4c: {  	_ =	shalt  }
0x4d: {  	_ =	shalt  }
0x4e: {  	_ =	shalt  }
0x4f: {  	_ =	shalt  }
0x50: {  	_ =	shalt  }
0x51: {  	_ =	shalt  }
0x52: {  	_ =	shalt  }
0x53: {  	_ =	shalt  }
0x54: {  	_ =	shalt  }
0x55: {  	_ =	shalt  }
0x56: {  	_ =	shalt  }
0x57: {  	_ =	shalt  }
0x58: {  	_ =	shalt  }
0x59: {  	_ =	shalt  }
0x5a: {  	_ =	shalt  }
0x5b: {  	_ =	shalt  }
0x5c: {  	_ =	shalt  }
0x5d: {  	_ =	shalt  }
0x5e: {  	_ =	shalt  }
0x5f: {  	_ =	shalt  }
0x60: {  	_ =	shalt  }
0x61: {  	_ =	shalt  }
0x62: {  	_ =	shalt  }
0x63: {  	_ =	shalt  }
0x64: {  	_ =	shalt  }
0x65: {  	_ =	shalt  }
0x66: {  	_ =	shalt  }
0x67: {  	_ =	shalt  }
0x68: {  	_ =	shalt  }
0x69: {  	_ =	shalt  }
0x6a: {  	_ =	shalt  }
0x6b: {  	_ =	shalt  }
0x6c: {  	_ =	shalt  }
0x6d: {  	_ =	shalt  }
0x6e: {  	_ =	shalt  }
0x6f: {  	_ =	shalt  }
0x70: {  	_ =	shalt  }
0x71: {  	_ =	shalt  }
0x72: {  	_ =	shalt  }
0x73: {  	_ =	shalt  }
0x74: {  	_ =	shalt  }
0x75: {  	_ =	shalt  }
0x76: {  	_ =	shalt  }
0x77: {  	_ =	shalt  }
0x78: {  	_ =	shalt  }
0x79: {  	_ =	shalt  }
0x7a: {  	_ =	shalt  }
0x7b: {  	_ =	shalt  }
0x7c: {  	_ =	shalt  }
0x7d: {  	_ =	shalt  }
0x7e: {  	_ =	shalt  }
0x7f: {  	_ =	shalt  }
0x80: {  	_ =	shalt  }
0x81: {  	_ =	shalt  }
0x82: {  	_ =	shalt  }
0x83: {  	_ =	shalt  }
0x84: {  	_ =	shalt  }
0x85: {  	_ =	shalt  }
0x86: {  	_ =	shalt  }
0x87: {  	_ =	shalt  }
.Lfunc_end0:
.L_simem_size_0:
called_computation.5_lowered:
.L_overlay_start_0:
0x88: {  	s2 =	sld [smem:$0x3FD9]  }
0x89: {  	s3 =	sld [smem:$0x3FFE];
	_ =	sdelay $0x1  }
0x8a: {  	s1 =	srdreg.scid  }
0x8b: {  	s0 =	sand.u32 $0x1, s1  }
0x8c: {  	s17 =	sshll.u32 s0, $0xA;
	s2 =	sadd.s32 s3, s2  }
0x8d: {  	s2 =	sadd.s32 s2, s17  }
0x8e: {  	[smem:$0x3FB5] =	sst s2  }
0x8f: {  	_ = 	snop  }
0x90: {  	s2 =	sld [smem:$0x3FD0];
	(tm) =	ssettm $0x1  }
0x91: {  	s18 =	sld [smem:$0x3FFB];
	_ =	sdelay $0x3  }
0x92: {  	_ =	strace s18  }
0x93: {  	s3 =	sld [smem:$0x3FFC];
	_ =	sdelay $0x3  }
0x94: {  	_ =	strace s3  }
0x95: {  	s3 =	sld [smem:$0x3FFD];
	_ =	sdelay $0x3  }
0x96: {  	_ =	strace s3  }
0x97: {  	_ =	strace $0x8FFFFFFF  }
0x98: {  	s19 =	sld [smem:$0x3FDB];
	_ =	sdelay $0x1  }
0x99: {  	s4 =	simm.s32 $_scs_section_size  }
0x9a: {  	s5 =	simm.s32 $_size__tile_overlayer_lowered;
	s6 =	simm.s32 $_tile_overlayer_lowered  }
0x9b: {  	s22 =	simm.s32 $0x1BFF;
	s21 =	sshll.u32 s6, $0x1;
	s3 =	sadd.s32 s4, s19  }
0x9c: {  	s7 =	simm.s32 $0x0;
	s20 =	sshll.u32 s5, $0x1;
	s5 =	sadd.s32 s21, s3  }
0x9d: {  	[timem:s7], [sflag:s22] =	dma.local [hbm:s5], s20  }
0x9e: {  	_ =	swait.ge [sflag:s22], s20  }
0x9f: {  	s4 =	ssub.s32 $0x0, s20;
	[sflag:s22] =	ssyncset.done $0x0  }
0xa0: {  	[sflag:s22] =	ssyncadd.s32 s4;
	_ =	sdelay $0x1  }
0xa1: {  	s23 =	simm.s32 $0x1B8B  }
0xa2: {  	_ =	swait.ge [sflag:s23], $0x1  }
0xa3: {  	[sflag:s23] =	ssyncset.done $0x0  }
0xa4: {  	s25 =	simm.s32 $0x1B8E;
	s24 =	sld [smem:$0x3FFE];
	[sflag:s23] =	ssyncadd.s32 $0xFFFFFFFF  }
0xa5: {  	s26 =	simm.s32 $execute0_lowered;
	[smem:$0x3FD2] =	sst s25  }
0xa6: {  	s5 =	sshll.u32 s26, $0x1;
	_ =	strace $0x80000055;
	[dreg:$0x1] =	wrdreg $0xFFFFFFFF  }
0xa7: {  	s28 =	simm.s32 $_size_execute0_lowered;
	s3 =	sadd.s32 s3, s5;
	[dreg:$0x0] =	wrdreg $0x0  }
0xa8: {  	s5 =	sshll.u32 s28, $0x1;
	[dreg:$0x2] =	wrdreg s3  }
0xa9: {  	[dreg:$0x3] =	wrdreg s5  }
0xaa: {  	[dreg:$0x4] =	wrdreg $0xC0  }
0xab: {  	_ =	task [dreg:s7], $0x5FFFF  }
0xac: {  	[dreg:$0x1] =	wrdreg $0xFFFFFFFF  }
0xad: {  	[dreg:$0x0] =	wrdreg $0x60  }
0xae: {  	[dreg:$0x2] =	wrdreg s24  }
0xaf: {  	[dreg:$0x3] =	wrdreg s2  }
0xb0: {  	[dreg:$0x4] =	wrdreg $0x9  }
0xb1: {  	_ =	task.clear_ibuf [dreg:s7], $0x5FFFF;
	_ =	strace $0x90000055  }
0xb2: {  	s29 =	simm.s32 $0x9;
	_ =	strace $0x80000057  }
0xb3: {  	_ =	swait.ge [sflag:s29], $0x1  }
0xb4: {  	[sflag:s29] =	ssyncadd.s32 $0xFFFFFFFF  }
0xb5: {  	_ =	strace $0x90000057  }
0xb6: {  	_ =	sfence  }
0xb7: {  	s30 =	sld [smem:$0x0];
	_ =	sdelay $0x2  }
0xb8: {  	s31 =	sshll.u32 s1, $0xD;
	s1 =	sshrl.u32 s1, $0x2  }
0xb9: {  	s3 =	sand.u32 $0x4000, s31;
	s1 =	sadd.s32 s1, s30  }
0xba: {  	s0 =	sor.u32 s3, s0;
	s1 =	sshll.u32 s1, $0x11  }
0xbb: {  	s0 =	sor.u32 s1, s0  }
0xbc: {  	s0 =	sadd.s32 $0x8F2B, s0  }
0xbd: {  	[sflag:s0] =	ssyncadd.remote.s32 $0x1  }
0xbe: {  	_ =	sfence.sel $0xFFFF  }
0xbf: {  	[dreg:$0x0] =	wrdreg $0xFFFFFFFF;
	(pc) =	sbr.abs _section_cstart, $3  }
0xc0: {  	[dreg:$0x1] =	wrdreg $0xFFFFFFFF  }
0xc1: {  	_ =	task.clear_ibuf [dreg:s7], $0x2FFFF;
	_ =	strace $0x9FFFFFFF  }
0xc2: {  	(tm) =	ssettm $0x7FFFFFFF  }
0xc3: {  	_ =	shalt  }
tec
execute0_lowered:
.L_overlay_start_1:
0x0: {  	(tag) =	ssettag $0x1  }
0x1: {  	s4 =	rddreg [dreg:$0x0]  }
0x2: {  	s8 =	rddreg [dreg:$0x1]  }
0x3: {  	s0 =	rddreg [dreg:$0x2];
	s2 =	simm.s32 $0x0;
	s3 =	srdreg.scid  }
0x4: {  	s1 =	stileid.u32;
	s13 =	simm.s32 $0x0;
	[smem:$0x7FF] =	sst s2  }
0x5: {  	s6 =	sand.u32 $0x1, s3;
	s5 =	sshll.u32 s1, $0xE;
	s3 =	sadd.s32 $0xBA00, s4  }
0x6: {  	s10 =	sadd.s32 $0x36BA00, s4;
	s29 =	sshll.u32 s1, $0x12;
	s7 =	sshll.u32 s6, $0xD  }
0x7: {  	_ =	strace $0x80000056;
	s9 =	ssub.s32 $0x2, s6;
	s7 =	sor.u32 s7, s5  }
0x8: {  	s30 =	sshll.u32 s6, $0x11;
	s26 =	sshrl.u32 s9, $0x1;
	s5 =	sshrl.u32 s7, $0x3  }
0x9: {  	s9 =	ssub.s32 s9, s26;
	s11 =	sshll.u32 s7, $0x4;
	s12 =	sor.u32 $0x80, s7  }
0xa: {  	s4 =	sadd.s32 s8, s5;
	s5 =	smax.u32 s9, $0x1;
	s28 =	sadd.s32 s11, s10  }
0xb: {  	s10 =	sadd.s32 s29, s10;
	s31 =	sshrl.u32 s12, $0x3;
	s9 =	simm.s32 $0x3  }
0xc: {  	s11 =	simm.s32 $0x2;
	s12 =	simm.s32 $0x4100;
	s6 =	sadd.s32 $0x1F800, s28  }
0xd: {  	s7 =	sadd.s32 s30, s10;
	s8 =	sadd.s32 s31, s8;
	s10 =	simm.s32 $0x80  }
.LBB2_1:
0xe: {  	[tilespmem:s2], [sflag:$0x3] =	stream.linear.gather [hbm4b:s4+s2], $0x80, $0x38;
	[tilespmem:$0x8100] =	vst v63  }
0xf: {  	_ =	swait.ge [sflag:s9], $0x80  }
0x10: {  	s14 =	sand.u32 $0x1, s2;
	[sflag:s9] =	ssyncset.done $0x0  }
0x11: {  	p0 =	seq.s32 s14, $0x1;
	[sflag:s9] =	ssyncadd.s32 $0xFFFFFF80  }
0x12: {  	[tilespmem:s10], [sflag:$0x1] =	stream.indirect.gather [hbm4b:s3+s10], $0x80, s2, s10, $0xb8;
	[tilespmem:$0x8100] =	vst v63  }
0x13: {  	s14 =	simm.s32 @p0 $0x0;
	s15 =	simm.s32 @p0 $0x4  }
0x14: {  	[tilespmem:s14], [sflag:$0x4] =	stream.linear.gather @p0 [hbm4b:s8+s14], $0x80, $0x38;
	[tilespmem:$0x8100] =	vst v63  }
0x15: {  	_ =	swait.ge @p0 [sflag:s15], $0x80  }
0x16: {  	[sflag:s15] =	ssyncset.done @p0 $0x0  }
0x17: {  	[sflag:s15] =	ssyncadd.s32 @p0 $0xFFFFFF80;
	s15 =	simm.s32 @p0 $0x80  }
0x18: {  	[tilespmem:s15], [sflag:$0x1] =	stream.indirect.gather @p0 [hbm4b:s3+s15], $0x80, s14, s15, $0xb8;
	[tilespmem:$0x8100] =	vst v63  }
0x19: {  	s17 =	simm.s32 @!p0 $0x4080;
	s16 =	simm.s32 @!p0 $0x4;
	s15 =	simm.s32 @!p0 $0x0  }
0x1a: {  	[tilespmem:s17], [sflag:$0x4] =	stream.linear.gather @!p0 [hbm4b:s8+s15], $0x80, $0x38;
	[tilespmem:$0x8100] =	vst v63  }
0x1b: {  	_ =	swait.ge @!p0 [sflag:s16], $0x80  }
0x1c: {  	s18 =	simm.s32 @p0 $0x2;
	[sflag:s16] =	ssyncset.done @!p0 $0x0  }
0x1d: {  	s19 =	simm.s32 @!p0 $0x80;
	s20 =	simm.s32 @!p0 $0x4100;
	[sflag:s16] =	ssyncadd.s32 @!p0 $0xFFFFFF80  }
0x1e: {  	[tilespmem:s20], [sflag:$0x2] =	stream.indirect.gather @!p0 [hbm4b:s3+s19], $0x80, s17, s19, $0xb8;
	[tilespmem:$0x8100] =	vst v63  }
0x1f: {  	_ =	swait.ge @p0 [sflag:s18], $0x4000  }
0x20: {  	[sflag:s18] =	ssyncset.done @p0 $0x0  }
0x21: {  	s17 =	simm.s32 @p0 $0x4100;
	[sflag:s18] =	ssyncadd.s32 @p0 $0xFFFFC000;
	s18 =	simm.s32 @!p0 $0x1  }
0x22: {  	[hbm4b:s7+s14] =	stream.linear.scatter @p0 [tilespmem:s17], [sflag:$0x3], $0x4000, $0x38;
	[tilespmem:$0x8100] =	vst v63  }
0x23: {  	_ =	swait.ge @!p0 [sflag:s18], $0x4000  }
0x24: {  	s31 =	simm.s32 $0x1;
	[sflag:s18] =	ssyncset.done @!p0 $0x0  }
0x25: {  	s16 =	simm.s32 @p0 $0x3;
	s17 =	simm.s32 $0x2;
	[sflag:s18] =	ssyncadd.s32 @!p0 $0xFFFFC000  }
0x26: {  	[hbm4b:s7+s15] =	stream.linear.scatter @!p0 [tilespmem:s19], [sflag:$0x4], $0x4000, $0x38;
	[tilespmem:$0x8100] =	vst v63  }
0x27: {  	s14 =	sand.u32 $0x1, s31;
	s15 =	sadd.s32 $0x10, s8;
	_ =	swait.ge [sflag:s16], $0x4000  }
0x28: {  	p0 =	seq.s32 s14, $0x1;
	s14 =	sadd.s32 $0x800, s7;
	[sflag:s16] =	ssyncset.done $0x0  }
.LBB2_2:
0x29: {  	s18 =	simm.s32 @p0 $0x0;
	s19 =	simm.s32 @p0 $0x4;
	[sflag:s16] =	ssyncadd.s32 $0xFFFFC000  }
0x2a: {  	[tilespmem:s18], [sflag:$0x4] =	stream.linear.gather @p0 [hbm4b:s15+s18], $0x80, $0x38;
	[tilespmem:$0x8100] =	vst v63  }
0x2b: {  	s20 =	smov.u32 s17;
	s17 =	sadd.s32 $0x1, s17;
	_ =	swait.ge @p0 [sflag:s19], $0x80  }
0x2c: {  	p1 =	sne.s32 s17, $0x3F;
	[sflag:s19] =	ssyncset.done @p0 $0x0  }
0x2d: {  	s16 =	simm.s32 @p0 $0x80;
	[sflag:s19] =	ssyncadd.s32 @p0 $0xFFFFFF80  }
0x2e: {  	[tilespmem:s16], [sflag:$0x1] =	stream.indirect.gather @p0 [hbm4b:s3+s16], $0x80, s18, s16, $0xb8;
	[tilespmem:$0x8100] =	vst v63  }
0x2f: {  	s21 =	simm.s32 @!p0 $0x4080;
	s19 =	simm.s32 @!p0 $0x0;
	s16 =	simm.s32 @!p0 $0x4  }
0x30: {  	[tilespmem:s21], [sflag:$0x4] =	stream.linear.gather @!p0 [hbm4b:s15+s19], $0x80, $0x38;
	[tilespmem:$0x8100] =	vst v63  }
0x31: {  	_ =	swait.ge @!p0 [sflag:s16], $0x80  }
0x32: {  	s22 =	simm.s32 @p0 $0x2;
	[sflag:s16] =	ssyncset.done @!p0 $0x0  }
0x33: {  	s23 =	simm.s32 @!p0 $0x80;
	s24 =	simm.s32 @!p0 $0x4100;
	[sflag:s16] =	ssyncadd.s32 @!p0 $0xFFFFFF80  }
0x34: {  	[tilespmem:s24], [sflag:$0x2] =	stream.indirect.gather @!p0 [hbm4b:s3+s23], $0x80, s21, s23, $0xb8;
	[tilespmem:$0x8100] =	vst v63  }
0x35: {  	_ =	swait.ge @p0 [sflag:s22], $0x4000  }
0x36: {  	[sflag:s22] =	ssyncset.done @p0 $0x0  }
0x37: {  	s21 =	simm.s32 @p0 $0x4100;
	[sflag:s22] =	ssyncadd.s32 @p0 $0xFFFFC000;
	s22 =	simm.s32 @!p0 $0x1  }
0x38: {  	[hbm4b:s14+s18] =	stream.linear.scatter @p0 [tilespmem:s21], [sflag:$0x3], $0x4000, $0x38;
	[tilespmem:$0x8100] =	vst v63  }
0x39: {  	_ =	swait.ge @!p0 [sflag:s22], $0x4000  }
.Ltmp0:
0x3a: {  	[sflag:s22] =	ssyncset.done @!p0 $0x0;
	(pc) =	sbr.rel @p1 .LBB2_2-.Ltmp0, $4  }
0x3b: {  	s16 =	simm.s32 @p0 $0x3;
	[sflag:s22] =	ssyncadd.s32 @!p0 $0xFFFFC000  }
0x3c: {  	[hbm4b:s14+s19] =	stream.linear.scatter @!p0 [tilespmem:s23], [sflag:$0x4], $0x4000, $0x38;
	[tilespmem:$0x8100] =	vst v63  }
0x3d: {  	s15 =	sadd.s32 $0x10, s15;
	s18 =	sand.u32 $0x1, s20;
	_ =	swait.ge [sflag:s16], $0x4000  }
0x3e: {  	p0 =	seq.s32 s18, $0x1;
	s14 =	sadd.s32 $0x800, s14;
	[sflag:s16] =	ssyncset.done $0x0  }
0x3f: {  	s17 =	simm.s32 @p0 $0x0;
	s18 =	simm.s32 @p0 $0x4;
	[sflag:s16] =	ssyncadd.s32 $0xFFFFC000  }
0x40: {  	[tilespmem:s17], [sflag:$0x4] =	stream.linear.gather @p0 [hbm4b:s15+s17], $0x80, $0x38;
	[tilespmem:$0x8100] =	vst v63  }
0x41: {  	_ =	swait.ge @p0 [sflag:s18], $0x80  }
0x42: {  	[sflag:s18] =	ssyncset.done @p0 $0x0  }
0x43: {  	s16 =	simm.s32 @p0 $0x80;
	[sflag:s18] =	ssyncadd.s32 @p0 $0xFFFFFF80  }
0x44: {  	[tilespmem:s16], [sflag:$0x1] =	stream.indirect.gather @p0 [hbm4b:s3+s16], $0x80, s17, s16, $0xb8;
	[tilespmem:$0x8100] =	vst v63  }
0x45: {  	s19 =	simm.s32 @!p0 $0x4;
	s18 =	simm.s32 @!p0 $0x4080;
	s16 =	simm.s32 @!p0 $0x0  }
0x46: {  	[tilespmem:s18], [sflag:$0x4] =	stream.linear.gather @!p0 [hbm4b:s15+s16], $0x80, $0x38;
	[tilespmem:$0x8100] =	vst v63  }
0x47: {  	_ =	swait.ge @!p0 [sflag:s19], $0x80  }
0x48: {  	s20 =	simm.s32 @!p0 $0x80;
	[sflag:s19] =	ssyncset.done @!p0 $0x0  }
0x49: {  	s21 =	simm.s32 @!p0 $0x4100;
	s15 =	simm.s32 @p0 $0x2;
	[sflag:s19] =	ssyncadd.s32 @!p0 $0xFFFFFF80  }
0x4a: {  	[tilespmem:s21], [sflag:$0x2] =	stream.indirect.gather @!p0 [hbm4b:s3+s20], $0x80, s18, s20, $0xb8;
	[tilespmem:$0x8100] =	vst v63  }
0x4b: {  	_ =	swait.ge @p0 [sflag:s15], $0x4000  }
0x4c: {  	[sflag:s15] =	ssyncset.done @p0 $0x0  }
0x4d: {  	s18 =	simm.s32 @!p0 $0x1;
	[sflag:s15] =	ssyncadd.s32 @p0 $0xFFFFC000;
	s15 =	simm.s32 @p0 $0x4100  }
0x4e: {  	[hbm4b:s14+s17] =	stream.linear.scatter @p0 [tilespmem:s15], [sflag:$0x3], $0x4000, $0x38;
	[tilespmem:$0x8100] =	vst v63  }
0x4f: {  	_ =	swait.ge @!p0 [sflag:s18], $0x4000  }
0x50: {  	[sflag:s18] =	ssyncset.done @!p0 $0x0  }
0x51: {  	s19 =	simm.s32 @p0 $0x3;
	[sflag:s18] =	ssyncadd.s32 @!p0 $0xFFFFC000  }
0x52: {  	[hbm4b:s14+s16] =	stream.linear.scatter @!p0 [tilespmem:s20], [sflag:$0x4], $0x4000, $0x38;
	[tilespmem:$0x8100] =	vst v63  }
0x53: {  	_ =	swait.ge [sflag:s19], $0x4000  }
0x54: {  	[sflag:s19] =	ssyncset.done $0x0  }
0x55: {  	[sflag:s19] =	ssyncadd.s32 $0xFFFFC000  }
0x56: {  	s13 =	sadd.s32 $0x1, s13;
	_ =	swait.ge [sflag:s11], $0x4000  }
0x57: {  	p0 =	sne.s32 s13, s5;
	[sflag:s11] =	ssyncset.done $0x0  }
.Ltmp1:
0x58: {  	[sflag:s11] =	ssyncadd.s32 $0xFFFFC000;
	(pc) =	sbr.rel @p0 .LBB2_1-.Ltmp1, $4  }
0x59: {  	[hbm4b:s6+s2] =	stream.linear.scatter [tilespmem:s12], [sflag:$0x3], $0x4000, $0x38;
	[tilespmem:$0x8100] =	vst v63  }
0x5a: {  	_ =	swait.ge [sflag:s9], $0x4000  }
0x5b: {  	[sflag:s9] =	ssyncset.done $0x0  }
0x5c: {  	[sflag:s9] =	ssyncadd.s32 $0xFFFFC000  }
0x5d: {  	_ =	sfence.sel $0x180000  }
0x5e: {  	[bflag:$0x0] =	sbarrier.arrive $0xFFFF  }
0x5f: {  	p0 =	sne.s32 s1, $0x0;
	_ =	strace $0x90000056  }
0x60: {  	s0 =	sadd.s32 @!p0 $0x100000, s0;
	[bflag:$0x2] =	sbarrier.arrive $0xFFFF  }
0x61: {  	[sflag:s0] =	ssyncadd.tile.s32 @!p0 $0x1;
	_ =	shalt  }
.Lfunc_end2:
_tile_overlayer_lowered:
.L_overlay_start_2:
0x62: {  	(tag) =	ssettag $0x2  }
0x63: {  	s0 =	rddreg [dreg:$0x0];
	s2 =	stileid.u32  }
0x64: {  	s1 =	rddreg [dreg:$0x1];
	p0 =	sne.s32 s2, $0x0  }
0x65: {  	s3 =	rddreg [dreg:$0x2];
	[bflag:$0x3] =	sbarrier.arrive $0xFFFF;
	s2 =	simm.s32 @!p0 $0x1C03  }
0x66: {  	[timem:s3], [sflag:s2] =	dma.local @!p0 [hbm:s0], s1  }
0x67: {  	s0 =	simm.s32 @!p0 $0x3  }
0x68: {  	_ =	swait.ge @!p0 [sflag:s0], s1  }
0x69: {  	s1 =	ssub.s32 @!p0 $0x0, s1;
	[sflag:s0] =	ssyncset.done @!p0 $0x0  }
0x6a: {  	[sflag:s0] =	ssyncadd.s32 @!p0 s1  }
0x6b: {  	[bflag:$0x3] =	sbarrier.arrive $0xFFFF  }
0x6c: {  	_ =	shalt  }

</sc_bundles>
